<compile_context>
chip_gen: v7x
topology: tpu7x:2x2x1
jax: 0.10.2.dev20260603
libtpu: 0.0.44.dev20260713+nightly
codegen_flags: <defaults>
</compile_context>

<pallas_src>
import jax
import jax.numpy as jnp
from jax import lax
from jax.experimental import pallas as pl
from jax.experimental.pallas import tpu as pltpu
from jax.experimental.pallas import tpu_sc as plsc

N_STRUCT = 512
N_SPEC = 4
N_BUCKETS = N_STRUCT * N_SPEC
N_ATOMS = 51200
C_COMP, C_RAD, C_SPEX = 1, 128, 1024

NC, NS, L = 2, 16, 16
CHUNK = 32
NBUF = 2
SEGS = CHUNK * 4
ATOMS_PER_TILE = N_ATOMS // NS
CHUNKS_PER_TILE = ATOMS_PER_TILE // CHUNK
N_SROWS = N_BUCKETS * 4
ROWS_PER_TILE = N_BUCKETS // NS


def _body(comp_hbm, rad_hbm, spex_hbm, idx_hbm,
          out_c, out_r, out_s,
          acc_r, acc_s, cstage,
          sbuf, rbuf, cbuf, idxv0, idxv1, ix0, ix1, acc_ct, cmerge, cvec,
          gsem0, gsem1, ssem0, ssem1):
    cid = lax.axis_index("c")
    sid = lax.axis_index("s")
    gsems = (gsem0, gsem1)
    ssems = (ssem0, ssem1)
    idxvs = (idxv0, idxv1)
    ixs = (ix0, ix1)
    zeros = jnp.zeros((L,), jnp.float32)
    iota = lax.iota(jnp.int32, L)

    def zrow_s(i, _):
        for j in range(128 // L):
            sbuf[0, i, pl.ds(j * L, L)] = zeros
        return 0

    lax.fori_loop(0, SEGS, zrow_s, 0)

    def zrow_r(i, _):
        for j in range(64 // L):
            rbuf[0, i, pl.ds(j * L, L)] = zeros
            rbuf[1, i, pl.ds(j * L, L)] = zeros
        return 0

    lax.fori_loop(0, CHUNK, zrow_r, 0)

    def zrow_c(i, _):
        acc_ct[pl.ds(i * L, L)] = zeros
        return 0

    lax.fori_loop(0, N_BUCKETS // L, zrow_c, 0)

    srows_per_tile = N_SROWS // NS
    for e in range(srows_per_tile // SEGS):
        pltpu.sync_copy(sbuf.at[0],
                        acc_s.at[pl.ds(sid * srows_per_tile + e * SEGS, SEGS)])
    for e in range(ROWS_PER_TILE // CHUNK):
        pltpu.sync_copy(rbuf.at[e % NBUF],
                        acc_r.at[pl.ds(sid * ROWS_PER_TILE + e * CHUNK, CHUNK)])
    plsc.subcore_barrier()

    base = sid * ATOMS_PER_TILE

    def gathers(k, b):
        atoms = pl.ds(base + k * CHUNK, CHUNK)
        g = gsems[b]
        pltpu.async_copy(idx_hbm.at[atoms], idxvs[b], g)
        pltpu.async_copy(comp_hbm.at[atoms], cbuf.at[b], g)
        rt0 = (base + k * CHUNK) // 8
        for tr in range(4):
            q0 = (rt0 + tr) * 64 + cid * 32
            pltpu.async_copy(spex_hbm.at[pl.ds(q0, 32), :],
                             sbuf.at[b, pl.ds(tr * 32, 32), :], g)

        pltpu.async_copy(rad_hbm.at[atoms, pl.ds(cid * 64, 64)], rbuf.at[b], g)

    for b in range(NBUF):
        gathers(b, b)

    def pipe_step(g, _):
        for b in range(NBUF):
            k = g * NBUF + b
            atoms = pl.ds(base + k * CHUNK, CHUNK)
            rt0 = (base + k * CHUNK) // 8
            pltpu.make_async_copy(idx_hbm.at[atoms], idxvs[b], gsems[b]).wait()
            pltpu.make_async_copy(comp_hbm.at[atoms], cbuf.at[b], gsems[b]).wait()
            for tr in range(4):
                q0 = (rt0 + tr) * 64 + cid * 32
                pltpu.make_async_copy(spex_hbm.at[pl.ds(q0, 32), :],
                                      sbuf.at[b, pl.ds(tr * 32, 32), :],
                                      gsems[b]).wait()

            pltpu.make_async_copy(rad_hbm.at[atoms, pl.ds(cid * 64, 64)],
                                  rbuf.at[b], gsems[b]).wait()

            for blk in range(SEGS // L):
                p = iota + blk * L
                a_rel = 8 * (p >> 5) + (p & 7)
                gl = (p >> 3) & 3
                iv = plsc.load_gather(idxvs[b], [a_rel])
                ixs[b][pl.ds(blk * L, L)] = iv + gl * N_BUCKETS

            for v in range(CHUNK // L):
                ia = idxvs[b][pl.ds(v * L, L)]
                cv = cbuf[b, pl.ds(v * L, L)]
                plsc.addupdate_scatter(acc_ct, [ia], cv)

            pltpu.async_copy(sbuf.at[b], acc_s.at[ixs[b]], ssems[b], add=True)

            pltpu.async_copy(rbuf.at[b], acc_r.at[idxvs[b]], ssems[b],
                             add=True)

            pltpu.make_async_copy(sbuf.at[b], acc_s.at[ixs[b]], ssems[b]).wait()

            pltpu.make_async_copy(rbuf.at[b], acc_r.at[idxvs[b]],
                                  ssems[b]).wait()

            @pl.when(k + NBUF < CHUNKS_PER_TILE)
            def _():
                gathers(k + NBUF, b)

        return 0

    lax.fori_loop(0, CHUNKS_PER_TILE // NBUF, pipe_step, 0)

    pltpu.sync_copy(acc_ct, cstage.at[sid])
    plsc.subcore_barrier()

    for gblk in range(4):
        rows = pl.ds(gblk * N_BUCKETS + sid * ROWS_PER_TILE, ROWS_PER_TILE)
        pltpu.sync_copy(acc_s.at[rows], sbuf.at[0])
        pltpu.sync_copy(
            sbuf.at[0],
            out_s.at[pl.ds(sid * ROWS_PER_TILE, ROWS_PER_TILE),
                     pl.ds((4 * cid + gblk) * 128, 128)])
    for e in range(ROWS_PER_TILE // CHUNK):
        rows = pl.ds(sid * ROWS_PER_TILE + e * CHUNK, CHUNK)
        pltpu.sync_copy(acc_r.at[rows], rbuf.at[e % NBUF])
        pltpu.sync_copy(rbuf.at[e % NBUF], out_r.at[cid, rows])

    @pl.when(cid == 0)
    def _():
        pltpu.sync_copy(cstage.at[:, pl.ds(sid * ROWS_PER_TILE, ROWS_PER_TILE)],
                        cmerge)
        for j in range(ROWS_PER_TILE // L):
            acc = zeros
            for t in range(NS):
                acc = acc + cmerge[t, pl.ds(j * L, L)]
            cvec[pl.ds(j * L, L)] = acc
        pltpu.sync_copy(cvec, out_c.at[pl.ds(sid * ROWS_PER_TILE, ROWS_PER_TILE)])


@jax.jit
def _segsum(comp, rad, spex, idx):
    mesh = plsc.VectorSubcoreMesh(
        core_axis_name="c", subcore_axis_name="s", num_cores=NC, num_subcores=NS
    )
    spex_p = (
        spex.reshape(N_ATOMS // 8, 8, 8, 128)
        .transpose(0, 2, 1, 3)
        .reshape(N_ATOMS * 8, 128)
    )
    out_c, out_r, out_s = pl.kernel(
        _body,
        out_type=[
            jax.ShapeDtypeStruct((N_BUCKETS,), jnp.float32),
            jax.ShapeDtypeStruct((NC, N_BUCKETS, 64), jnp.float32),
            jax.ShapeDtypeStruct((N_BUCKETS, C_SPEX), jnp.float32),
        ],
        mesh=mesh,
        compiler_params=pltpu.CompilerParams(
            use_tc_tiling_on_sc=False, needs_layout_passes=False
        ),
        scratch_types=[
            pltpu.VMEM_SHARED((N_BUCKETS, 64), jnp.float32),
            pltpu.VMEM_SHARED((N_SROWS, 128), jnp.float32),
            pltpu.VMEM_SHARED((NS, N_BUCKETS), jnp.float32),
            pltpu.VMEM((NBUF, SEGS, 128), jnp.float32),
            pltpu.VMEM((NBUF, CHUNK, 64), jnp.float32),
            pltpu.VMEM((NBUF, CHUNK), jnp.float32),
            pltpu.VMEM((CHUNK,), jnp.int32),
            pltpu.VMEM((CHUNK,), jnp.int32),
            pltpu.VMEM((SEGS,), jnp.int32),
            pltpu.VMEM((SEGS,), jnp.int32),
            pltpu.VMEM((N_BUCKETS,), jnp.float32),
            pltpu.VMEM((NS, ROWS_PER_TILE), jnp.float32),
            pltpu.VMEM((ROWS_PER_TILE,), jnp.float32),
            pltpu.SemaphoreType.DMA,
            pltpu.SemaphoreType.DMA,
            pltpu.SemaphoreType.DMA,
            pltpu.SemaphoreType.DMA,
        ],
    )(comp.reshape(N_ATOMS), rad, spex_p, idx)

    rad_full = jnp.concatenate([out_r[0], out_r[1]], axis=1)
    return jnp.concatenate(
        [
            out_c.reshape(N_STRUCT, N_SPEC),
            rad_full.reshape(N_STRUCT, N_SPEC * C_RAD),
            out_s.reshape(N_STRUCT, N_SPEC * C_SPEX),
        ],
        axis=1,
    )


def kernel(composition_features, radial_spectrum, spex_features, sum_indices):
    idx = sum_indices.astype(jnp.int32)
    return _segsum(composition_features, radial_spectrum, spex_features, idx)

# --- scband reference (transcript-rebuilt; emitter-appended) ---
"""Pipeline reference for scband-le-ace-36739150250616 (READ-ONLY COPY).

The authoritative reference and input builder live on the scoring server;
editing this copy changes nothing except your own understanding.
"""

import jax, jax.numpy as jnp
import numpy as np

N_STRUCTURES = 512
N_SPECIES = 4
N_ATOMS = 51200  # ~100 atoms per structure
C0, C1, C2 = 1, 128, 1024  # composition, radial spectrum (nu=1), combined ACE B-basis (nu>=2) widths


def setup_inputs(seed: int = 0) -> dict:
    key = jax.random.key(seed)
    k1, k2, k3 = jax.random.split(key, 3)
    composition_features = jnp.ones((N_ATOMS, C0), dtype=jnp.float32)
    radial_spectrum = jax.random.normal(k1, (N_ATOMS, C1), dtype=jnp.float32)
    spex_features = jax.random.normal(k2, (N_ATOMS, C2), dtype=jnp.float32)
    # sum_indices = n_species * structure_index + species_index_of_center_atom
    sum_indices = jax.random.randint(k3, (N_ATOMS,), 0, N_STRUCTURES * N_SPECIES, dtype=jnp.int64)
    return {
        "composition_features": composition_features,
        "radial_spectrum": radial_spectrum,
        "spex_features": spex_features,
        "sum_indices": sum_indices,
    }


def reference(composition_features, radial_spectrum, spex_features, sum_indices):
    # Core of LE_ACE.compute_features after the descriptor calculators: per-atom
    # feature blocks for nu = 0, 1, >=2 are scatter-added (torch index_add_) into
    # per-(structure, species) accumulators, then reshaped per structure and
    # concatenated.
    n_buckets = N_STRUCTURES * N_SPECIES
    per_structure = []
    for feats in (composition_features, radial_spectrum, spex_features):
        acc = jax.ops.segment_sum(feats, sum_indices, num_segments=n_buckets)
        per_structure.append(acc.reshape(N_STRUCTURES, -1))
    return jnp.concatenate(per_structure, axis=1)

if __name__ == "__main__":
    import jax
    _d = setup_inputs()
    print(jax.jit(kernel)(*tuple(_d.values())))

</pallas_src>

<mosaic_0001>
#map = affine_map<(d0, d1) -> (0)>
#map1 = affine_map<(d0, d1) -> (0, 0)>
#map2 = affine_map<(d0, d1) -> (0, 0, 0)>
module attributes {stable_mosaic.version = 14 : i64} {
  func.func @_body(%arg0: i32, %arg1: i32, %arg2: memref<51200xf32, #tpu.memory_space<hbm>>, %arg3: memref<51200x128xf32, #tpu.memory_space<hbm>>, %arg4: memref<409600x128xf32, #tpu.memory_space<hbm>>, %arg5: memref<51200xi32, #tpu.memory_space<hbm>>, %arg6: memref<2048xf32, #tpu.memory_space<hbm>>, %arg7: memref<2x2048x64xf32, #tpu.memory_space<hbm>>, %arg8: memref<2048x1024xf32, #tpu.memory_space<hbm>>, %arg9: memref<2048x64xf32, #tpu.memory_space<vmem_shared>>, %arg10: memref<8192x128xf32, #tpu.memory_space<vmem_shared>>, %arg11: memref<16x2048xf32, #tpu.memory_space<vmem_shared>>, %arg12: memref<2x128x128xf32, #tpu.memory_space<vmem>>, %arg13: memref<2x32x64xf32, #tpu.memory_space<vmem>>, %arg14: memref<2x32xf32, #tpu.memory_space<vmem>>, %arg15: memref<32xi32, #tpu.memory_space<vmem>>, %arg16: memref<32xi32, #tpu.memory_space<vmem>>, %arg17: memref<128xi32, #tpu.memory_space<vmem>>, %arg18: memref<128xi32, #tpu.memory_space<vmem>>, %arg19: memref<2048xf32, #tpu.memory_space<vmem>>, %arg20: memref<16x128xf32, #tpu.memory_space<vmem>>, %arg21: memref<128xf32, #tpu.memory_space<vmem>>, %arg22: memref<!tpu.dma_semaphore, #tpu.memory_space<semaphore_mem>>, %arg23: memref<!tpu.dma_semaphore, #tpu.memory_space<semaphore_mem>>, %arg24: memref<!tpu.dma_semaphore, #tpu.memory_space<semaphore_mem>>, %arg25: memref<!tpu.dma_semaphore, #tpu.memory_space<semaphore_mem>>) attributes {dimension_semantics = [#tpu.dimension_semantics<core_parallel>, #tpu.dimension_semantics<subcore_parallel>], iteration_bounds = array<i64: 2, 16>, scalar_prefetch = 0 : i64, scratch_operands = 17 : i64, tpu.core_type = #tpu.core_type<sc_vector_subcore>, window_params = [{transform_indices = #map}, {transform_indices = #map1}, {transform_indices = #map1}, {transform_indices = #map}, {transform_indices = #map}, {transform_indices = #map2}, {transform_indices = #map1}]} {
    %broadcast_in_dim3A = arith.constant 0.000000e+00 : f32
    %broadcast_in_dim3A_0 = vector.broadcast %broadcast_in_dim3A : f32 to vector<16xf32>
    %iota3A = tpu.iota {dimensions = array<i32: 0>} : vector<16xi32>
    %scan3A = arith.constant 0 : i32
    %scan3A_1 = arith.constant 0 : i32
    %scan3A_2 = arith.constant 128 : i32
    %scan3A_3 = arith.addi %scan3A_1, %scan3A_2 : i32
    %scan3A_4 = arith.constant 1 : i32
    %scan3A_5 = scf.for %scan3A_405 = %scan3A_1 to %scan3A_3 step %scan3A_4 iter_args(%scan3A_406 = %scan3A) -> (i32)  : i32 {
      %swap3A = arith.constant 0 : i32
      %swap3A_407 = arith.index_cast %swap3A : i32 to index
      %swap3A_408 = arith.index_cast %scan3A_405 : i32 to index
      %swap3A_409 = arith.constant 0 : index
      %swap3A_410 = tpu.vector_load %arg12[%swap3A_407, %swap3A_408, %swap3A_409] {strides = array<i32>} : memref<2x128x128xf32, #tpu.memory_space<vmem>>, vector<16xf32>,
      tpu.vector_store %arg12[%swap3A_407, %swap3A_408, %swap3A_409], %broadcast_in_dim3A_0 {strides = array<i32>} : memref<2x128x128xf32, #tpu.memory_space<vmem>>, vector<16xf32>,
      %swap3A_411 = arith.constant 0 : i32
      %swap3A_412 = arith.index_cast %swap3A_411 : i32 to index
      %swap3A_413 = arith.index_cast %scan3A_405 : i32 to index
      %swap3A_414 = arith.constant 16 : index
      %swap3A_415 = tpu.vector_load %arg12[%swap3A_412, %swap3A_413, %swap3A_414] {strides = array<i32>} : memref<2x128x128xf32, #tpu.memory_space<vmem>>, vector<16xf32>,
      tpu.vector_store %arg12[%swap3A_412, %swap3A_413, %swap3A_414], %broadcast_in_dim3A_0 {strides = array<i32>} : memref<2x128x128xf32, #tpu.memory_space<vmem>>, vector<16xf32>,
      %swap3A_416 = arith.constant 0 : i32
      %swap3A_417 = arith.index_cast %swap3A_416 : i32 to index
      %swap3A_418 = arith.index_cast %scan3A_405 : i32 to index
      %swap3A_419 = arith.constant 32 : index
      %swap3A_420 = tpu.vector_load %arg12[%swap3A_417, %swap3A_418, %swap3A_419] {strides = array<i32>} : memref<2x128x128xf32, #tpu.memory_space<vmem>>, vector<16xf32>,
      tpu.vector_store %arg12[%swap3A_417, %swap3A_418, %swap3A_419], %broadcast_in_dim3A_0 {strides = array<i32>} : memref<2x128x128xf32, #tpu.memory_space<vmem>>, vector<16xf32>,
      %swap3A_421 = arith.constant 0 : i32
      %swap3A_422 = arith.index_cast %swap3A_421 : i32 to index
      %swap3A_423 = arith.index_cast %scan3A_405 : i32 to index
      %swap3A_424 = arith.constant 48 : index
      %swap3A_425 = tpu.vector_load %arg12[%swap3A_422, %swap3A_423, %swap3A_424] {strides = array<i32>} : memref<2x128x128xf32, #tpu.memory_space<vmem>>, vector<16xf32>,
      tpu.vector_store %arg12[%swap3A_422, %swap3A_423, %swap3A_424], %broadcast_in_dim3A_0 {strides = array<i32>} : memref<2x128x128xf32, #tpu.memory_space<vmem>>, vector<16xf32>,
      %swap3A_426 = arith.constant 0 : i32
      %swap3A_427 = arith.index_cast %swap3A_426 : i32 to index
      %swap3A_428 = arith.index_cast %scan3A_405 : i32 to index
      %swap3A_429 = arith.constant 64 : index
      %swap3A_430 = tpu.vector_load %arg12[%swap3A_427, %swap3A_428, %swap3A_429] {strides = array<i32>} : memref<2x128x128xf32, #tpu.memory_space<vmem>>, vector<16xf32>,
      tpu.vector_store %arg12[%swap3A_427, %swap3A_428, %swap3A_429], %broadcast_in_dim3A_0 {strides = array<i32>} : memref<2x128x128xf32, #tpu.memory_space<vmem>>, vector<16xf32>,
      %swap3A_431 = arith.constant 0 : i32
      %swap3A_432 = arith.index_cast %swap3A_431 : i32 to index
      %swap3A_433 = arith.index_cast %scan3A_405 : i32 to index
      %swap3A_434 = arith.constant 80 : index
      %swap3A_435 = tpu.vector_load %arg12[%swap3A_432, %swap3A_433, %swap3A_434] {strides = array<i32>} : memref<2x128x128xf32, #tpu.memory_space<vmem>>, vector<16xf32>,
      tpu.vector_store %arg12[%swap3A_432, %swap3A_433, %swap3A_434], %broadcast_in_dim3A_0 {strides = array<i32>} : memref<2x128x128xf32, #tpu.memory_space<vmem>>, vector<16xf32>,
      %swap3A_436 = arith.constant 0 : i32
      %swap3A_437 = arith.index_cast %swap3A_436 : i32 to index
      %swap3A_438 = arith.index_cast %scan3A_405 : i32 to index
      %swap3A_439 = arith.constant 96 : index
      %swap3A_440 = tpu.vector_load %arg12[%swap3A_437, %swap3A_438, %swap3A_439] {strides = array<i32>} : memref<2x128x128xf32, #tpu.memory_space<vmem>>, vector<16xf32>,
      tpu.vector_store %arg12[%swap3A_437, %swap3A_438, %swap3A_439], %broadcast_in_dim3A_0 {strides = array<i32>} : memref<2x128x128xf32, #tpu.memory_space<vmem>>, vector<16xf32>,
      %swap3A_441 = arith.constant 0 : i32
      %swap3A_442 = arith.index_cast %swap3A_441 : i32 to index
      %swap3A_443 = arith.index_cast %scan3A_405 : i32 to index
      %swap3A_444 = arith.constant 112 : index
      %swap3A_445 = tpu.vector_load %arg12[%swap3A_442, %swap3A_443, %swap3A_444] {strides = array<i32>} : memref<2x128x128xf32, #tpu.memory_space<vmem>>, vector<16xf32>,
      tpu.vector_store %arg12[%swap3A_442, %swap3A_443, %swap3A_444], %broadcast_in_dim3A_0 {strides = array<i32>} : memref<2x128x128xf32, #tpu.memory_space<vmem>>, vector<16xf32>,
      %scan3A_446 = arith.constant 0 : i32
      scf.yield %scan3A_446 : i32
    }
    %scan3A_6 = arith.constant 128 : i32
    %scan3A_7 = arith.constant 0 : i32
    %scan3A_8 = arith.constant 0 : i32
    %scan3A_9 = arith.constant 32 : i32
    %scan3A_10 = arith.addi %scan3A_8, %scan3A_9 : i32
    %scan3A_11 = arith.constant 1 : i32
    %scan3A_12 = scf.for %scan3A_405 = %scan3A_8 to %scan3A_10 step %scan3A_11 iter_args(%scan3A_406 = %scan3A_7) -> (i32)  : i32 {
      %swap3A = arith.constant 0 : i32
      %swap3A_407 = arith.index_cast %swap3A : i32 to index
      %swap3A_408 = arith.index_cast %scan3A_405 : i32 to index
      %swap3A_409 = arith.constant 0 : index
      %swap3A_410 = tpu.vector_load %arg13[%swap3A_407, %swap3A_408, %swap3A_409] {strides = array<i32>} : memref<2x32x64xf32, #tpu.memory_space<vmem>>, vector<16xf32>,
      tpu.vector_store %arg13[%swap3A_407, %swap3A_408, %swap3A_409], %broadcast_in_dim3A_0 {strides = array<i32>} : memref<2x32x64xf32, #tpu.memory_space<vmem>>, vector<16xf32>,
      %swap3A_411 = arith.constant 1 : i32
      %swap3A_412 = arith.index_cast %swap3A_411 : i32 to index
      %swap3A_413 = arith.index_cast %scan3A_405 : i32 to index
      %swap3A_414 = arith.constant 0 : index
      %swap3A_415 = tpu.vector_load %arg13[%swap3A_412, %swap3A_413, %swap3A_414] {strides = array<i32>} : memref<2x32x64xf32, #tpu.memory_space<vmem>>, vector<16xf32>,
      tpu.vector_store %arg13[%swap3A_412, %swap3A_413, %swap3A_414], %broadcast_in_dim3A_0 {strides = array<i32>} : memref<2x32x64xf32, #tpu.memory_space<vmem>>, vector<16xf32>,
      %swap3A_416 = arith.constant 0 : i32
      %swap3A_417 = arith.index_cast %swap3A_416 : i32 to index
      %swap3A_418 = arith.index_cast %scan3A_405 : i32 to index
      %swap3A_419 = arith.constant 16 : index
      %swap3A_420 = tpu.vector_load %arg13[%swap3A_417, %swap3A_418, %swap3A_419] {strides = array<i32>} : memref<2x32x64xf32, #tpu.memory_space<vmem>>, vector<16xf32>,
      tpu.vector_store %arg13[%swap3A_417, %swap3A_418, %swap3A_419], %broadcast_in_dim3A_0 {strides = array<i32>} : memref<2x32x64xf32, #tpu.memory_space<vmem>>, vector<16xf32>,
      %swap3A_421 = arith.constant 1 : i32
      %swap3A_422 = arith.index_cast %swap3A_421 : i32 to index
      %swap3A_423 = arith.index_cast %scan3A_405 : i32 to index
      %swap3A_424 = arith.constant 16 : index
      %swap3A_425 = tpu.vector_load %arg13[%swap3A_422, %swap3A_423, %swap3A_424] {strides = array<i32>} : memref<2x32x64xf32, #tpu.memory_space<vmem>>, vector<16xf32>,
      tpu.vector_store %arg13[%swap3A_422, %swap3A_423, %swap3A_424], %broadcast_in_dim3A_0 {strides = array<i32>} : memref<2x32x64xf32, #tpu.memory_space<vmem>>, vector<16xf32>,
      %swap3A_426 = arith.constant 0 : i32
      %swap3A_427 = arith.index_cast %swap3A_426 : i32 to index
      %swap3A_428 = arith.index_cast %scan3A_405 : i32 to index
      %swap3A_429 = arith.constant 32 : index
      %swap3A_430 = tpu.vector_load %arg13[%swap3A_427, %swap3A_428, %swap3A_429] {strides = array<i32>} : memref<2x32x64xf32, #tpu.memory_space<vmem>>, vector<16xf32>,
      tpu.vector_store %arg13[%swap3A_427, %swap3A_428, %swap3A_429], %broadcast_in_dim3A_0 {strides = array<i32>} : memref<2x32x64xf32, #tpu.memory_space<vmem>>, vector<16xf32>,
      %swap3A_431 = arith.constant 1 : i32
      %swap3A_432 = arith.index_cast %swap3A_431 : i32 to index
      %swap3A_433 = arith.index_cast %scan3A_405 : i32 to index
      %swap3A_434 = arith.constant 32 : index
      %swap3A_435 = tpu.vector_load %arg13[%swap3A_432, %swap3A_433, %swap3A_434] {strides = array<i32>} : memref<2x32x64xf32, #tpu.memory_space<vmem>>, vector<16xf32>,
      tpu.vector_store %arg13[%swap3A_432, %swap3A_433, %swap3A_434], %broadcast_in_dim3A_0 {strides = array<i32>} : memref<2x32x64xf32, #tpu.memory_space<vmem>>, vector<16xf32>,
      %swap3A_436 = arith.constant 0 : i32
      %swap3A_437 = arith.index_cast %swap3A_436 : i32 to index
      %swap3A_438 = arith.index_cast %scan3A_405 : i32 to index
      %swap3A_439 = arith.constant 48 : index
      %swap3A_440 = tpu.vector_load %arg13[%swap3A_437, %swap3A_438, %swap3A_439] {strides = array<i32>} : memref<2x32x64xf32, #tpu.memory_space<vmem>>, vector<16xf32>,
      tpu.vector_store %arg13[%swap3A_437, %swap3A_438, %swap3A_439], %broadcast_in_dim3A_0 {strides = array<i32>} : memref<2x32x64xf32, #tpu.memory_space<vmem>>, vector<16xf32>,
      %swap3A_441 = arith.constant 1 : i32
      %swap3A_442 = arith.index_cast %swap3A_441 : i32 to index
      %swap3A_443 = arith.index_cast %scan3A_405 : i32 to index
      %swap3A_444 = arith.constant 48 : index
      %swap3A_445 = tpu.vector_load %arg13[%swap3A_442, %swap3A_443, %swap3A_444] {strides = array<i32>} : memref<2x32x64xf32, #tpu.memory_space<vmem>>, vector<16xf32>,
      tpu.vector_store %arg13[%swap3A_442, %swap3A_443, %swap3A_444], %broadcast_in_dim3A_0 {strides = array<i32>} : memref<2x32x64xf32, #tpu.memory_space<vmem>>, vector<16xf32>,
      %scan3A_446 = arith.constant 0 : i32
      scf.yield %scan3A_446 : i32
    }
    %scan3A_13 = arith.constant 32 : i32
    %scan3A_14 = arith.constant 0 : i32
    %scan3A_15 = arith.constant 0 : i32
    %scan3A_16 = arith.constant 128 : i32
    %scan3A_17 = arith.addi %scan3A_15, %scan3A_16 : i32
    %scan3A_18 = arith.constant 1 : i32
    %scan3A_19 = scf.for %scan3A_405 = %scan3A_15 to %scan3A_17 step %scan3A_18 iter_args(%scan3A_406 = %scan3A_14) -> (i32)  : i32 {
      %mul3A_407 = arith.constant 16 : i32
      %mul3A_408 = arith.muli %scan3A_405, %mul3A_407 : i32
      %swap3A = arith.index_cast %mul3A_408 : i32 to index
      %swap3A_409 = tpu.vector_load %arg19[%swap3A] {strides = array<i32>} : memref<2048xf32, #tpu.memory_space<vmem>>, vector<16xf32>,
      tpu.vector_store %arg19[%swap3A], %broadcast_in_dim3A_0 {strides = array<i32>} : memref<2048xf32, #tpu.memory_space<vmem>>, vector<16xf32>,
      %scan3A_410 = arith.constant 0 : i32
      scf.yield %scan3A_410 : i32
    }
    %scan3A_20 = arith.constant 128 : i32
    %mul3A = arith.constant 512 : i32
    %mul3A_21 = arith.muli %arg1, %mul3A : i32
    %add3A = arith.constant 0 : i32
    %add3A_22 = arith.addi %mul3A_21, %add3A : i32
    %run_scoped3A = arith.constant 0 : i32
    "tpu.region"() ({
      %run_scoped3A_405 = tpu.sem_alloc : memref<!tpu.dma_semaphore, #tpu.memory_space<semaphore_mem>>
      %dma_start3A_406 = arith.constant 0 : i32
      %dma_start3A_407 = arith.constant 0 : i32
      %dma_start3A_408 = tpu.memref_slice %arg12[%run_scoped3A, %dma_start3A_406, %dma_start3A_407] : memref<2x128x128xf32, #tpu.memory_space<vmem>> -> memref<1x128x128xf32, #tpu.memory_space<vmem>>
      %dma_start3A_409 = tpu.memref_squeeze %dma_start3A_408 : memref<1x128x128xf32, #tpu.memory_space<vmem>> -> memref<128x128xf32, #tpu.memory_space<vmem>>
      %dma_start3A_410 = arith.constant 0 : i32
      %dma_start3A_411 = tpu.memref_slice %arg10[%add3A_22, %dma_start3A_410] : memref<8192x128xf32, #tpu.memory_space<vmem_shared>> -> memref<128x128xf32, #tpu.memory_space<vmem_shared>>
      %dma_start3A_412 = arith.constant 0 : i32
      %dma_start3A_413 = tpu.memref_slice %arg10[%add3A_22, %dma_start3A_412] : memref<8192x128xf32, #tpu.memory_space<vmem_shared>> -> memref<128x128xf32, #tpu.memory_space<vmem_shared>>
      %dma_start3A_414 = arith.constant 0 : i32
      %dma_start3A_415 = arith.constant 0 : i32
      %dma_start3A_416 = tpu.memref_slice %arg12[%run_scoped3A, %dma_start3A_414, %dma_start3A_415] : memref<2x128x128xf32, #tpu.memory_space<vmem>> -> memref<1x128x128xf32, #tpu.memory_space<vmem>>
      %dma_start3A_417 = tpu.memref_squeeze %dma_start3A_416 : memref<1x128x128xf32, #tpu.memory_space<vmem>> -> memref<128x128xf32, #tpu.memory_space<vmem>>
      tpu.enqueue_dma source(%dma_start3A_417 : memref<128x128xf32, #tpu.memory_space<vmem>>) target(%dma_start3A_413 : memref<128x128xf32, #tpu.memory_space<vmem_shared>>) target_semaphore(%run_scoped3A_405 : memref<!tpu.dma_semaphore, #tpu.memory_space<semaphore_mem>>)
      %dma_wait3A = arith.constant 0 : i32
      %dma_wait3A_418 = arith.constant 0 : i32
      %dma_wait3A_419 = tpu.memref_slice %arg12[%run_scoped3A, %dma_wait3A, %dma_wait3A_418] : memref<2x128x128xf32, #tpu.memory_space<vmem>> -> memref<1x128x128xf32, #tpu.memory_space<vmem>>
      %dma_wait3A_420 = tpu.memref_squeeze %dma_wait3A_419 : memref<1x128x128xf32, #tpu.memory_space<vmem>> -> memref<128x128xf32, #tpu.memory_space<vmem>>
      %dma_wait3A_421 = arith.constant 0 : i32
      %dma_wait3A_422 = tpu.memref_slice %arg10[%add3A_22, %dma_wait3A_421] : memref<8192x128xf32, #tpu.memory_space<vmem_shared>> -> memref<128x128xf32, #tpu.memory_space<vmem_shared>>
      %dma_wait3A_423 = arith.constant 0 : i32
      %dma_wait3A_424 = tpu.memref_slice %arg10[%add3A_22, %dma_wait3A_423] : memref<8192x128xf32, #tpu.memory_space<vmem_shared>> -> memref<128x128xf32, #tpu.memory_space<vmem_shared>>
      %dma_wait3A_425 = arith.constant 0 : i32
      %dma_wait3A_426 = arith.constant 0 : i32
      %dma_wait3A_427 = tpu.memref_slice %arg12[%run_scoped3A, %dma_wait3A_425, %dma_wait3A_426] : memref<2x128x128xf32, #tpu.memory_space<vmem>> -> memref<1x128x128xf32, #tpu.memory_space<vmem>>
      %dma_wait3A_428 = tpu.memref_squeeze %dma_wait3A_427 : memref<1x128x128xf32, #tpu.memory_space<vmem>> -> memref<128x128xf32, #tpu.memory_space<vmem>>
      tpu.wait_dma2 semaphore(%run_scoped3A_405 : memref<!tpu.dma_semaphore, #tpu.memory_space<semaphore_mem>>) src(%dma_wait3A_428 : memref<128x128xf32, #tpu.memory_space<vmem>>) dst(%dma_wait3A_424 : memref<128x128xf32, #tpu.memory_space<vmem_shared>>)
      tpu.yield
    }) : () -> ()
    %mul3A_23 = arith.constant 512 : i32
    %mul3A_24 = arith.muli %arg1, %mul3A_23 : i32
    %add3A_25 = arith.constant 128 : i32
    %add3A_26 = arith.addi %mul3A_24, %add3A_25 : i32
    %run_scoped3A_27 = arith.constant 0 : i32
    "tpu.region"() ({
      %run_scoped3A_405 = tpu.sem_alloc : memref<!tpu.dma_semaphore, #tpu.memory_space<semaphore_mem>>
      %dma_start3A_406 = arith.constant 0 : i32
      %dma_start3A_407 = arith.constant 0 : i32
      %dma_start3A_408 = tpu.memref_slice %arg12[%run_scoped3A_27, %dma_start3A_406, %dma_start3A_407] : memref<2x128x128xf32, #tpu.memory_space<vmem>> -> memref<1x128x128xf32, #tpu.memory_space<vmem>>
      %dma_start3A_409 = tpu.memref_squeeze %dma_start3A_408 : memref<1x128x128xf32, #tpu.memory_space<vmem>> -> memref<128x128xf32, #tpu.memory_space<vmem>>
      %dma_start3A_410 = arith.constant 0 : i32
      %dma_start3A_411 = tpu.memref_slice %arg10[%add3A_26, %dma_start3A_410] : memref<8192x128xf32, #tpu.memory_space<vmem_shared>> -> memref<128x128xf32, #tpu.memory_space<vmem_shared>>
      %dma_start3A_412 = arith.constant 0 : i32
      %dma_start3A_413 = tpu.memref_slice %arg10[%add3A_26, %dma_start3A_412] : memref<8192x128xf32, #tpu.memory_space<vmem_shared>> -> memref<128x128xf32, #tpu.memory_space<vmem_shared>>
      %dma_start3A_414 = arith.constant 0 : i32
      %dma_start3A_415 = arith.constant 0 : i32
      %dma_start3A_416 = tpu.memref_slice %arg12[%run_scoped3A_27, %dma_start3A_414, %dma_start3A_415] : memref<2x128x128xf32, #tpu.memory_space<vmem>> -> memref<1x128x128xf32, #tpu.memory_space<vmem>>
      %dma_start3A_417 = tpu.memref_squeeze %dma_start3A_416 : memref<1x128x128xf32, #tpu.memory_space<vmem>> -> memref<128x128xf32, #tpu.memory_space<vmem>>
      tpu.enqueue_dma source(%dma_start3A_417 : memref<128x128xf32, #tpu.memory_space<vmem>>) target(%dma_start3A_413 : memref<128x128xf32, #tpu.memory_space<vmem_shared>>) target_semaphore(%run_scoped3A_405 : memref<!tpu.dma_semaphore, #tpu.memory_space<semaphore_mem>>)
      %dma_wait3A = arith.constant 0 : i32
      %dma_wait3A_418 = arith.constant 0 : i32
      %dma_wait3A_419 = tpu.memref_slice %arg12[%run_scoped3A_27, %dma_wait3A, %dma_wait3A_418] : memref<2x128x128xf32, #tpu.memory_space<vmem>> -> memref<1x128x128xf32, #tpu.memory_space<vmem>>
      %dma_wait3A_420 = tpu.memref_squeeze %dma_wait3A_419 : memref<1x128x128xf32, #tpu.memory_space<vmem>> -> memref<128x128xf32, #tpu.memory_space<vmem>>
      %dma_wait3A_421 = arith.constant 0 : i32
      %dma_wait3A_422 = tpu.memref_slice %arg10[%add3A_26, %dma_wait3A_421] : memref<8192x128xf32, #tpu.memory_space<vmem_shared>> -> memref<128x128xf32, #tpu.memory_space<vmem_shared>>
      %dma_wait3A_423 = arith.constant 0 : i32
      %dma_wait3A_424 = tpu.memref_slice %arg10[%add3A_26, %dma_wait3A_423] : memref<8192x128xf32, #tpu.memory_space<vmem_shared>> -> memref<128x128xf32, #tpu.memory_space<vmem_shared>>
      %dma_wait3A_425 = arith.constant 0 : i32
      %dma_wait3A_426 = arith.constant 0 : i32
      %dma_wait3A_427 = tpu.memref_slice %arg12[%run_scoped3A_27, %dma_wait3A_425, %dma_wait3A_426] : memref<2x128x128xf32, #tpu.memory_space<vmem>> -> memref<1x128x128xf32, #tpu.memory_space<vmem>>
      %dma_wait3A_428 = tpu.memref_squeeze %dma_wait3A_427 : memref<1x128x128xf32, #tpu.memory_space<vmem>> -> memref<128x128xf32, #tpu.memory_space<vmem>>
      tpu.wait_dma2 semaphore(%run_scoped3A_405 : memref<!tpu.dma_semaphore, #tpu.memory_space<semaphore_mem>>) src(%dma_wait3A_428 : memref<128x128xf32, #tpu.memory_space<vmem>>) dst(%dma_wait3A_424 : memref<128x128xf32, #tpu.memory_space<vmem_shared>>)
      tpu.yield
    }) : () -> ()
    %mul3A_28 = arith.constant 512 : i32
    %mul3A_29 = arith.muli %arg1, %mul3A_28 : i32
    %add3A_30 = arith.constant 256 : i32
    %add3A_31 = arith.addi %mul3A_29, %add3A_30 : i32
    %run_scoped3A_32 = arith.constant 0 : i32
    "tpu.region"() ({
      %run_scoped3A_405 = tpu.sem_alloc : memref<!tpu.dma_semaphore, #tpu.memory_space<semaphore_mem>>
      %dma_start3A_406 = arith.constant 0 : i32
      %dma_start3A_407 = arith.constant 0 : i32
      %dma_start3A_408 = tpu.memref_slice %arg12[%run_scoped3A_32, %dma_start3A_406, %dma_start3A_407] : memref<2x128x128xf32, #tpu.memory_space<vmem>> -> memref<1x128x128xf32, #tpu.memory_space<vmem>>
      %dma_start3A_409 = tpu.memref_squeeze %dma_start3A_408 : memref<1x128x128xf32, #tpu.memory_space<vmem>> -> memref<128x128xf32, #tpu.memory_space<vmem>>
      %dma_start3A_410 = arith.constant 0 : i32
      %dma_start3A_411 = tpu.memref_slice %arg10[%add3A_31, %dma_start3A_410] : memref<8192x128xf32, #tpu.memory_space<vmem_shared>> -> memref<128x128xf32, #tpu.memory_space<vmem_shared>>
      %dma_start3A_412 = arith.constant 0 : i32
      %dma_start3A_413 = tpu.memref_slice %arg10[%add3A_31, %dma_start3A_412] : memref<8192x128xf32, #tpu.memory_space<vmem_shared>> -> memref<128x128xf32, #tpu.memory_space<vmem_shared>>
      %dma_start3A_414 = arith.constant 0 : i32
      %dma_start3A_415 = arith.constant 0 : i32
      %dma_start3A_416 = tpu.memref_slice %arg12[%run_scoped3A_32, %dma_start3A_414, %dma_start3A_415] : memref<2x128x128xf32, #tpu.memory_space<vmem>> -> memref<1x128x128xf32, #tpu.memory_space<vmem>>
      %dma_start3A_417 = tpu.memref_squeeze %dma_start3A_416 : memref<1x128x128xf32, #tpu.memory_space<vmem>> -> memref<128x128xf32, #tpu.memory_space<vmem>>
      tpu.enqueue_dma source(%dma_start3A_417 : memref<128x128xf32, #tpu.memory_space<vmem>>) target(%dma_start3A_413 : memref<128x128xf32, #tpu.memory_space<vmem_shared>>) target_semaphore(%run_scoped3A_405 : memref<!tpu.dma_semaphore, #tpu.memory_space<semaphore_mem>>)
      %dma_wait3A = arith.constant 0 : i32
      %dma_wait3A_418 = arith.constant 0 : i32
      %dma_wait3A_419 = tpu.memref_slice %arg12[%run_scoped3A_32, %dma_wait3A, %dma_wait3A_418] : memref<2x128x128xf32, #tpu.memory_space<vmem>> -> memref<1x128x128xf32, #tpu.memory_space<vmem>>
      %dma_wait3A_420 = tpu.memref_squeeze %dma_wait3A_419 : memref<1x128x128xf32, #tpu.memory_space<vmem>> -> memref<128x128xf32, #tpu.memory_space<vmem>>
      %dma_wait3A_421 = arith.constant 0 : i32
      %dma_wait3A_422 = tpu.memref_slice %arg10[%add3A_31, %dma_wait3A_421] : memref<8192x128xf32, #tpu.memory_space<vmem_shared>> -> memref<128x128xf32, #tpu.memory_space<vmem_shared>>
      %dma_wait3A_423 = arith.constant 0 : i32
      %dma_wait3A_424 = tpu.memref_slice %arg10[%add3A_31, %dma_wait3A_423] : memref<8192x128xf32, #tpu.memory_space<vmem_shared>> -> memref<128x128xf32, #tpu.memory_space<vmem_shared>>
      %dma_wait3A_425 = arith.constant 0 : i32
      %dma_wait3A_426 = arith.constant 0 : i32
      %dma_wait3A_427 = tpu.memref_slice %arg12[%run_scoped3A_32, %dma_wait3A_425, %dma_wait3A_426] : memref<2x128x128xf32, #tpu.memory_space<vmem>> -> memref<1x128x128xf32, #tpu.memory_space<vmem>>
      %dma_wait3A_428 = tpu.memref_squeeze %dma_wait3A_427 : memref<1x128x128xf32, #tpu.memory_space<vmem>> -> memref<128x128xf32, #tpu.memory_space<vmem>>
      tpu.wait_dma2 semaphore(%run_scoped3A_405 : memref<!tpu.dma_semaphore, #tpu.memory_space<semaphore_mem>>) src(%dma_wait3A_428 : memref<128x128xf32, #tpu.memory_space<vmem>>) dst(%dma_wait3A_424 : memref<128x128xf32, #tpu.memory_space<vmem_shared>>)
      tpu.yield
    }) : () -> ()
    %mul3A_33 = arith.constant 512 : i32
    %mul3A_34 = arith.muli %arg1, %mul3A_33 : i32
    %add3A_35 = arith.constant 384 : i32
    %add3A_36 = arith.addi %mul3A_34, %add3A_35 : i32
    %run_scoped3A_37 = arith.constant 0 : i32
    "tpu.region"() ({
      %run_scoped3A_405 = tpu.sem_alloc : memref<!tpu.dma_semaphore, #tpu.memory_space<semaphore_mem>>
      %dma_start3A_406 = arith.constant 0 : i32
      %dma_start3A_407 = arith.constant 0 : i32
      %dma_start3A_408 = tpu.memref_slice %arg12[%run_scoped3A_37, %dma_start3A_406, %dma_start3A_407] : memref<2x128x128xf32, #tpu.memory_space<vmem>> -> memref<1x128x128xf32, #tpu.memory_space<vmem>>
      %dma_start3A_409 = tpu.memref_squeeze %dma_start3A_408 : memref<1x128x128xf32, #tpu.memory_space<vmem>> -> memref<128x128xf32, #tpu.memory_space<vmem>>
      %dma_start3A_410 = arith.constant 0 : i32
      %dma_start3A_411 = tpu.memref_slice %arg10[%add3A_36, %dma_start3A_410] : memref<8192x128xf32, #tpu.memory_space<vmem_shared>> -> memref<128x128xf32, #tpu.memory_space<vmem_shared>>
      %dma_start3A_412 = arith.constant 0 : i32
      %dma_start3A_413 = tpu.memref_slice %arg10[%add3A_36, %dma_start3A_412] : memref<8192x128xf32, #tpu.memory_space<vmem_shared>> -> memref<128x128xf32, #tpu.memory_space<vmem_shared>>
      %dma_start3A_414 = arith.constant 0 : i32
      %dma_start3A_415 = arith.constant 0 : i32
      %dma_start3A_416 = tpu.memref_slice %arg12[%run_scoped3A_37, %dma_start3A_414, %dma_start3A_415] : memref<2x128x128xf32, #tpu.memory_space<vmem>> -> memref<1x128x128xf32, #tpu.memory_space<vmem>>
      %dma_start3A_417 = tpu.memref_squeeze %dma_start3A_416 : memref<1x128x128xf32, #tpu.memory_space<vmem>> -> memref<128x128xf32, #tpu.memory_space<vmem>>
      tpu.enqueue_dma source(%dma_start3A_417 : memref<128x128xf32, #tpu.memory_space<vmem>>) target(%dma_start3A_413 : memref<128x128xf32, #tpu.memory_space<vmem_shared>>) target_semaphore(%run_scoped3A_405 : memref<!tpu.dma_semaphore, #tpu.memory_space<semaphore_mem>>)
      %dma_wait3A = arith.constant 0 : i32
      %dma_wait3A_418 = arith.constant 0 : i32
      %dma_wait3A_419 = tpu.memref_slice %arg12[%run_scoped3A_37, %dma_wait3A, %dma_wait3A_418] : memref<2x128x128xf32, #tpu.memory_space<vmem>> -> memref<1x128x128xf32, #tpu.memory_space<vmem>>
      %dma_wait3A_420 = tpu.memref_squeeze %dma_wait3A_419 : memref<1x128x128xf32, #tpu.memory_space<vmem>> -> memref<128x128xf32, #tpu.memory_space<vmem>>
      %dma_wait3A_421 = arith.constant 0 : i32
      %dma_wait3A_422 = tpu.memref_slice %arg10[%add3A_36, %dma_wait3A_421] : memref<8192x128xf32, #tpu.memory_space<vmem_shared>> -> memref<128x128xf32, #tpu.memory_space<vmem_shared>>
      %dma_wait3A_423 = arith.constant 0 : i32
      %dma_wait3A_424 = tpu.memref_slice %arg10[%add3A_36, %dma_wait3A_423] : memref<8192x128xf32, #tpu.memory_space<vmem_shared>> -> memref<128x128xf32, #tpu.memory_space<vmem_shared>>
      %dma_wait3A_425 = arith.constant 0 : i32
      %dma_wait3A_426 = arith.constant 0 : i32
      %dma_wait3A_427 = tpu.memref_slice %arg12[%run_scoped3A_37, %dma_wait3A_425, %dma_wait3A_426] : memref<2x128x128xf32, #tpu.memory_space<vmem>> -> memref<1x128x128xf32, #tpu.memory_space<vmem>>
      %dma_wait3A_428 = tpu.memref_squeeze %dma_wait3A_427 : memref<1x128x128xf32, #tpu.memory_space<vmem>> -> memref<128x128xf32, #tpu.memory_space<vmem>>
      tpu.wait_dma2 semaphore(%run_scoped3A_405 : memref<!tpu.dma_semaphore, #tpu.memory_space<semaphore_mem>>) src(%dma_wait3A_428 : memref<128x128xf32, #tpu.memory_space<vmem>>) dst(%dma_wait3A_424 : memref<128x128xf32, #tpu.memory_space<vmem_shared>>)
      tpu.yield
    }) : () -> ()
    %mul3A_38 = arith.constant 128 : i32
    %mul3A_39 = arith.muli %arg1, %mul3A_38 : i32
    %add3A_40 = arith.constant 0 : i32
    %add3A_41 = arith.addi %mul3A_39, %add3A_40 : i32
    %run_scoped3A_42 = arith.constant 0 : i32
    "tpu.region"() ({
      %run_scoped3A_405 = tpu.sem_alloc : memref<!tpu.dma_semaphore, #tpu.memory_space<semaphore_mem>>
      %dma_start3A_406 = arith.constant 0 : i32
      %dma_start3A_407 = arith.constant 0 : i32
      %dma_start3A_408 = tpu.memref_slice %arg13[%run_scoped3A_42, %dma_start3A_406, %dma_start3A_407] : memref<2x32x64xf32, #tpu.memory_space<vmem>> -> memref<1x32x64xf32, #tpu.memory_space<vmem>>
      %dma_start3A_409 = tpu.memref_squeeze %dma_start3A_408 : memref<1x32x64xf32, #tpu.memory_space<vmem>> -> memref<32x64xf32, #tpu.memory_space<vmem>>
      %dma_start3A_410 = arith.constant 0 : i32
      %dma_start3A_411 = tpu.memref_slice %arg9[%add3A_41, %dma_start3A_410] : memref<2048x64xf32, #tpu.memory_space<vmem_shared>> -> memref<32x64xf32, #tpu.memory_space<vmem_shared>>
      %dma_start3A_412 = arith.constant 0 : i32
      %dma_start3A_413 = tpu.memref_slice %arg9[%add3A_41, %dma_start3A_412] : memref<2048x64xf32, #tpu.memory_space<vmem_shared>> -> memref<32x64xf32, #tpu.memory_space<vmem_shared>>
      %dma_start3A_414 = arith.constant 0 : i32
      %dma_start3A_415 = arith.constant 0 : i32
      %dma_start3A_416 = tpu.memref_slice %arg13[%run_scoped3A_42, %dma_start3A_414, %dma_start3A_415] : memref<2x32x64xf32, #tpu.memory_space<vmem>> -> memref<1x32x64xf32, #tpu.memory_space<vmem>>
      %dma_start3A_417 = tpu.memref_squeeze %dma_start3A_416 : memref<1x32x64xf32, #tpu.memory_space<vmem>> -> memref<32x64xf32, #tpu.memory_space<vmem>>
      tpu.enqueue_dma source(%dma_start3A_417 : memref<32x64xf32, #tpu.memory_space<vmem>>) target(%dma_start3A_413 : memref<32x64xf32, #tpu.memory_space<vmem_shared>>) target_semaphore(%run_scoped3A_405 : memref<!tpu.dma_semaphore, #tpu.memory_space<semaphore_mem>>)
      %dma_wait3A = arith.constant 0 : i32
      %dma_wait3A_418 = arith.constant 0 : i32
      %dma_wait3A_419 = tpu.memref_slice %arg13[%run_scoped3A_42, %dma_wait3A, %dma_wait3A_418] : memref<2x32x64xf32, #tpu.memory_space<vmem>> -> memref<1x32x64xf32, #tpu.memory_space<vmem>>
      %dma_wait3A_420 = tpu.memref_squeeze %dma_wait3A_419 : memref<1x32x64xf32, #tpu.memory_space<vmem>> -> memref<32x64xf32, #tpu.memory_space<vmem>>
      %dma_wait3A_421 = arith.constant 0 : i32
      %dma_wait3A_422 = tpu.memref_slice %arg9[%add3A_41, %dma_wait3A_421] : memref<2048x64xf32, #tpu.memory_space<vmem_shared>> -> memref<32x64xf32, #tpu.memory_space<vmem_shared>>
      %dma_wait3A_423 = arith.constant 0 : i32
      %dma_wait3A_424 = tpu.memref_slice %arg9[%add3A_41, %dma_wait3A_423] : memref<2048x64xf32, #tpu.memory_space<vmem_shared>> -> memref<32x64xf32, #tpu.memory_space<vmem_shared>>
      %dma_wait3A_425 = arith.constant 0 : i32
      %dma_wait3A_426 = arith.constant 0 : i32
      %dma_wait3A_427 = tpu.memref_slice %arg13[%run_scoped3A_42, %dma_wait3A_425, %dma_wait3A_426] : memref<2x32x64xf32, #tpu.memory_space<vmem>> -> memref<1x32x64xf32, #tpu.memory_space<vmem>>
      %dma_wait3A_428 = tpu.memref_squeeze %dma_wait3A_427 : memref<1x32x64xf32, #tpu.memory_space<vmem>> -> memref<32x64xf32, #tpu.memory_space<vmem>>
      tpu.wait_dma2 semaphore(%run_scoped3A_405 : memref<!tpu.dma_semaphore, #tpu.memory_space<semaphore_mem>>) src(%dma_wait3A_428 : memref<32x64xf32, #tpu.memory_space<vmem>>) dst(%dma_wait3A_424 : memref<32x64xf32, #tpu.memory_space<vmem_shared>>)
      tpu.yield
    }) : () -> ()
    %mul3A_43 = arith.constant 128 : i32
    %mul3A_44 = arith.muli %arg1, %mul3A_43 : i32
    %add3A_45 = arith.constant 32 : i32
    %add3A_46 = arith.addi %mul3A_44, %add3A_45 : i32
    %run_scoped3A_47 = arith.constant 1 : i32
    "tpu.region"() ({
      %run_scoped3A_405 = tpu.sem_alloc : memref<!tpu.dma_semaphore, #tpu.memory_space<semaphore_mem>>
      %dma_start3A_406 = arith.constant 0 : i32
      %dma_start3A_407 = arith.constant 0 : i32
      %dma_start3A_408 = tpu.memref_slice %arg13[%run_scoped3A_47, %dma_start3A_406, %dma_start3A_407] : memref<2x32x64xf32, #tpu.memory_space<vmem>> -> memref<1x32x64xf32, #tpu.memory_space<vmem>>
      %dma_start3A_409 = tpu.memref_squeeze %dma_start3A_408 : memref<1x32x64xf32, #tpu.memory_space<vmem>> -> memref<32x64xf32, #tpu.memory_space<vmem>>
      %dma_start3A_410 = arith.constant 0 : i32
      %dma_start3A_411 = tpu.memref_slice %arg9[%add3A_46, %dma_start3A_410] : memref<2048x64xf32, #tpu.memory_space<vmem_shared>> -> memref<32x64xf32, #tpu.memory_space<vmem_shared>>
      %dma_start3A_412 = arith.constant 0 : i32
      %dma_start3A_413 = tpu.memref_slice %arg9[%add3A_46, %dma_start3A_412] : memref<2048x64xf32, #tpu.memory_space<vmem_shared>> -> memref<32x64xf32, #tpu.memory_space<vmem_shared>>
      %dma_start3A_414 = arith.constant 0 : i32
      %dma_start3A_415 = arith.constant 0 : i32
      %dma_start3A_416 = tpu.memref_slice %arg13[%run_scoped3A_47, %dma_start3A_414, %dma_start3A_415] : memref<2x32x64xf32, #tpu.memory_space<vmem>> -> memref<1x32x64xf32, #tpu.memory_space<vmem>>
      %dma_start3A_417 = tpu.memref_squeeze %dma_start3A_416 : memref<1x32x64xf32, #tpu.memory_space<vmem>> -> memref<32x64xf32, #tpu.memory_space<vmem>>
      tpu.enqueue_dma source(%dma_start3A_417 : memref<32x64xf32, #tpu.memory_space<vmem>>) target(%dma_start3A_413 : memref<32x64xf32, #tpu.memory_space<vmem_shared>>) target_semaphore(%run_scoped3A_405 : memref<!tpu.dma_semaphore, #tpu.memory_space<semaphore_mem>>)
      %dma_wait3A = arith.constant 0 : i32
      %dma_wait3A_418 = arith.constant 0 : i32
      %dma_wait3A_419 = tpu.memref_slice %arg13[%run_scoped3A_47, %dma_wait3A, %dma_wait3A_418] : memref<2x32x64xf32, #tpu.memory_space<vmem>> -> memref<1x32x64xf32, #tpu.memory_space<vmem>>
      %dma_wait3A_420 = tpu.memref_squeeze %dma_wait3A_419 : memref<1x32x64xf32, #tpu.memory_space<vmem>> -> memref<32x64xf32, #tpu.memory_space<vmem>>
      %dma_wait3A_421 = arith.constant 0 : i32
      %dma_wait3A_422 = tpu.memref_slice %arg9[%add3A_46, %dma_wait3A_421] : memref<2048x64xf32, #tpu.memory_space<vmem_shared>> -> memref<32x64xf32, #tpu.memory_space<vmem_shared>>
      %dma_wait3A_423 = arith.constant 0 : i32
      %dma_wait3A_424 = tpu.memref_slice %arg9[%add3A_46, %dma_wait3A_423] : memref<2048x64xf32, #tpu.memory_space<vmem_shared>> -> memref<32x64xf32, #tpu.memory_space<vmem_shared>>
      %dma_wait3A_425 = arith.constant 0 : i32
      %dma_wait3A_426 = arith.constant 0 : i32
      %dma_wait3A_427 = tpu.memref_slice %arg13[%run_scoped3A_47, %dma_wait3A_425, %dma_wait3A_426] : memref<2x32x64xf32, #tpu.memory_space<vmem>> -> memref<1x32x64xf32, #tpu.memory_space<vmem>>
      %dma_wait3A_428 = tpu.memref_squeeze %dma_wait3A_427 : memref<1x32x64xf32, #tpu.memory_space<vmem>> -> memref<32x64xf32, #tpu.memory_space<vmem>>
      tpu.wait_dma2 semaphore(%run_scoped3A_405 : memref<!tpu.dma_semaphore, #tpu.memory_space<semaphore_mem>>) src(%dma_wait3A_428 : memref<32x64xf32, #tpu.memory_space<vmem>>) dst(%dma_wait3A_424 : memref<32x64xf32, #tpu.memory_space<vmem_shared>>)
      tpu.yield
    }) : () -> ()
    %mul3A_48 = arith.constant 128 : i32
    %mul3A_49 = arith.muli %arg1, %mul3A_48 : i32
    %add3A_50 = arith.constant 64 : i32
    %add3A_51 = arith.addi %mul3A_49, %add3A_50 : i32
    %run_scoped3A_52 = arith.constant 0 : i32
    "tpu.region"() ({
      %run_scoped3A_405 = tpu.sem_alloc : memref<!tpu.dma_semaphore, #tpu.memory_space<semaphore_mem>>
      %dma_start3A_406 = arith.constant 0 : i32
      %dma_start3A_407 = arith.constant 0 : i32
      %dma_start3A_408 = tpu.memref_slice %arg13[%run_scoped3A_52, %dma_start3A_406, %dma_start3A_407] : memref<2x32x64xf32, #tpu.memory_space<vmem>> -> memref<1x32x64xf32, #tpu.memory_space<vmem>>
      %dma_start3A_409 = tpu.memref_squeeze %dma_start3A_408 : memref<1x32x64xf32, #tpu.memory_space<vmem>> -> memref<32x64xf32, #tpu.memory_space<vmem>>
      %dma_start3A_410 = arith.constant 0 : i32
      %dma_start3A_411 = tpu.memref_slice %arg9[%add3A_51, %dma_start3A_410] : memref<2048x64xf32, #tpu.memory_space<vmem_shared>> -> memref<32x64xf32, #tpu.memory_space<vmem_shared>>
      %dma_start3A_412 = arith.constant 0 : i32
      %dma_start3A_413 = tpu.memref_slice %arg9[%add3A_51, %dma_start3A_412] : memref<2048x64xf32, #tpu.memory_space<vmem_shared>> -> memref<32x64xf32, #tpu.memory_space<vmem_shared>>
      %dma_start3A_414 = arith.constant 0 : i32
      %dma_start3A_415 = arith.constant 0 : i32
      %dma_start3A_416 = tpu.memref_slice %arg13[%run_scoped3A_52, %dma_start3A_414, %dma_start3A_415] : memref<2x32x64xf32, #tpu.memory_space<vmem>> -> memref<1x32x64xf32, #tpu.memory_space<vmem>>
      %dma_start3A_417 = tpu.memref_squeeze %dma_start3A_416 : memref<1x32x64xf32, #tpu.memory_space<vmem>> -> memref<32x64xf32, #tpu.memory_space<vmem>>
      tpu.enqueue_dma source(%dma_start3A_417 : memref<32x64xf32, #tpu.memory_space<vmem>>) target(%dma_start3A_413 : memref<32x64xf32, #tpu.memory_space<vmem_shared>>) target_semaphore(%run_scoped3A_405 : memref<!tpu.dma_semaphore, #tpu.memory_space<semaphore_mem>>)
      %dma_wait3A = arith.constant 0 : i32
      %dma_wait3A_418 = arith.constant 0 : i32
      %dma_wait3A_419 = tpu.memref_slice %arg13[%run_scoped3A_52, %dma_wait3A, %dma_wait3A_418] : memref<2x32x64xf32, #tpu.memory_space<vmem>> -> memref<1x32x64xf32, #tpu.memory_space<vmem>>
      %dma_wait3A_420 = tpu.memref_squeeze %dma_wait3A_419 : memref<1x32x64xf32, #tpu.memory_space<vmem>> -> memref<32x64xf32, #tpu.memory_space<vmem>>
      %dma_wait3A_421 = arith.constant 0 : i32
      %dma_wait3A_422 = tpu.memref_slice %arg9[%add3A_51, %dma_wait3A_421] : memref<2048x64xf32, #tpu.memory_space<vmem_shared>> -> memref<32x64xf32, #tpu.memory_space<vmem_shared>>
      %dma_wait3A_423 = arith.constant 0 : i32
      %dma_wait3A_424 = tpu.memref_slice %arg9[%add3A_51, %dma_wait3A_423] : memref<2048x64xf32, #tpu.memory_space<vmem_shared>> -> memref<32x64xf32, #tpu.memory_space<vmem_shared>>
      %dma_wait3A_425 = arith.constant 0 : i32
      %dma_wait3A_426 = arith.constant 0 : i32
      %dma_wait3A_427 = tpu.memref_slice %arg13[%run_scoped3A_52, %dma_wait3A_425, %dma_wait3A_426] : memref<2x32x64xf32, #tpu.memory_space<vmem>> -> memref<1x32x64xf32, #tpu.memory_space<vmem>>
      %dma_wait3A_428 = tpu.memref_squeeze %dma_wait3A_427 : memref<1x32x64xf32, #tpu.memory_space<vmem>> -> memref<32x64xf32, #tpu.memory_space<vmem>>
      tpu.wait_dma2 semaphore(%run_scoped3A_405 : memref<!tpu.dma_semaphore, #tpu.memory_space<semaphore_mem>>) src(%dma_wait3A_428 : memref<32x64xf32, #tpu.memory_space<vmem>>) dst(%dma_wait3A_424 : memref<32x64xf32, #tpu.memory_space<vmem_shared>>)
      tpu.yield
    }) : () -> ()
    %mul3A_53 = arith.constant 128 : i32
    %mul3A_54 = arith.muli %arg1, %mul3A_53 : i32
    %add3A_55 = arith.constant 96 : i32
    %add3A_56 = arith.addi %mul3A_54, %add3A_55 : i32
    %run_scoped3A_57 = arith.constant 1 : i32
    "tpu.region"() ({
      %run_scoped3A_405 = tpu.sem_alloc : memref<!tpu.dma_semaphore, #tpu.memory_space<semaphore_mem>>
      %dma_start3A_406 = arith.constant 0 : i32
      %dma_start3A_407 = arith.constant 0 : i32
      %dma_start3A_408 = tpu.memref_slice %arg13[%run_scoped3A_57, %dma_start3A_406, %dma_start3A_407] : memref<2x32x64xf32, #tpu.memory_space<vmem>> -> memref<1x32x64xf32, #tpu.memory_space<vmem>>
      %dma_start3A_409 = tpu.memref_squeeze %dma_start3A_408 : memref<1x32x64xf32, #tpu.memory_space<vmem>> -> memref<32x64xf32, #tpu.memory_space<vmem>>
      %dma_start3A_410 = arith.constant 0 : i32
      %dma_start3A_411 = tpu.memref_slice %arg9[%add3A_56, %dma_start3A_410] : memref<2048x64xf32, #tpu.memory_space<vmem_shared>> -> memref<32x64xf32, #tpu.memory_space<vmem_shared>>
      %dma_start3A_412 = arith.constant 0 : i32
      %dma_start3A_413 = tpu.memref_slice %arg9[%add3A_56, %dma_start3A_412] : memref<2048x64xf32, #tpu.memory_space<vmem_shared>> -> memref<32x64xf32, #tpu.memory_space<vmem_shared>>
      %dma_start3A_414 = arith.constant 0 : i32
      %dma_start3A_415 = arith.constant 0 : i32
      %dma_start3A_416 = tpu.memref_slice %arg13[%run_scoped3A_57, %dma_start3A_414, %dma_start3A_415] : memref<2x32x64xf32, #tpu.memory_space<vmem>> -> memref<1x32x64xf32, #tpu.memory_space<vmem>>
      %dma_start3A_417 = tpu.memref_squeeze %dma_start3A_416 : memref<1x32x64xf32, #tpu.memory_space<vmem>> -> memref<32x64xf32, #tpu.memory_space<vmem>>
      tpu.enqueue_dma source(%dma_start3A_417 : memref<32x64xf32, #tpu.memory_space<vmem>>) target(%dma_start3A_413 : memref<32x64xf32, #tpu.memory_space<vmem_shared>>) target_semaphore(%run_scoped3A_405 : memref<!tpu.dma_semaphore, #tpu.memory_space<semaphore_mem>>)
      %dma_wait3A = arith.constant 0 : i32
      %dma_wait3A_418 = arith.constant 0 : i32
      %dma_wait3A_419 = tpu.memref_slice %arg13[%run_scoped3A_57, %dma_wait3A, %dma_wait3A_418] : memref<2x32x64xf32, #tpu.memory_space<vmem>> -> memref<1x32x64xf32, #tpu.memory_space<vmem>>
      %dma_wait3A_420 = tpu.memref_squeeze %dma_wait3A_419 : memref<1x32x64xf32, #tpu.memory_space<vmem>> -> memref<32x64xf32, #tpu.memory_space<vmem>>
      %dma_wait3A_421 = arith.constant 0 : i32
      %dma_wait3A_422 = tpu.memref_slice %arg9[%add3A_56, %dma_wait3A_421] : memref<2048x64xf32, #tpu.memory_space<vmem_shared>> -> memref<32x64xf32, #tpu.memory_space<vmem_shared>>
      %dma_wait3A_423 = arith.constant 0 : i32
      %dma_wait3A_424 = tpu.memref_slice %arg9[%add3A_56, %dma_wait3A_423] : memref<2048x64xf32, #tpu.memory_space<vmem_shared>> -> memref<32x64xf32, #tpu.memory_space<vmem_shared>>
      %dma_wait3A_425 = arith.constant 0 : i32
      %dma_wait3A_426 = arith.constant 0 : i32
      %dma_wait3A_427 = tpu.memref_slice %arg13[%run_scoped3A_57, %dma_wait3A_425, %dma_wait3A_426] : memref<2x32x64xf32, #tpu.memory_space<vmem>> -> memref<1x32x64xf32, #tpu.memory_space<vmem>>
      %dma_wait3A_428 = tpu.memref_squeeze %dma_wait3A_427 : memref<1x32x64xf32, #tpu.memory_space<vmem>> -> memref<32x64xf32, #tpu.memory_space<vmem>>
      tpu.wait_dma2 semaphore(%run_scoped3A_405 : memref<!tpu.dma_semaphore, #tpu.memory_space<semaphore_mem>>) src(%dma_wait3A_428 : memref<32x64xf32, #tpu.memory_space<vmem>>) dst(%dma_wait3A_424 : memref<32x64xf32, #tpu.memory_space<vmem_shared>>)
      tpu.yield
    }) : () -> ()
    %barrier3A = arith.constant 0 : index
    tpu.barrier barrier_id(%barrier3A)
    %mul3A_58 = arith.constant 3200 : i32
    %mul3A_59 = arith.muli %arg1, %mul3A_58 : i32
    %add3A_60 = arith.constant 0 : i32
    %add3A_61 = arith.addi %mul3A_59, %add3A_60 : i32
    %dma_start3A = tpu.memref_slice %arg5[%add3A_61] : memref<51200xi32, #tpu.memory_space<hbm>> -> memref<32xi32, #tpu.memory_space<hbm>>
    %dma_start3A_62 = tpu.memref_slice %arg5[%add3A_61] : memref<51200xi32, #tpu.memory_space<hbm>> -> memref<32xi32, #tpu.memory_space<hbm>>
    tpu.enqueue_dma source(%dma_start3A_62 : memref<32xi32, #tpu.memory_space<hbm>>) target(%arg15 : memref<32xi32, #tpu.memory_space<vmem>>) target_semaphore(%arg22 : memref<!tpu.dma_semaphore, #tpu.memory_space<semaphore_mem>>)
    %dma_start3A_63 = arith.constant 0 : i32
    %dma_start3A_64 = arith.constant 0 : i32
    %dma_start3A_65 = tpu.memref_slice %arg14[%dma_start3A_63, %dma_start3A_64] : memref<2x32xf32, #tpu.memory_space<vmem>> -> memref<1x32xf32, #tpu.memory_space<vmem>>
    %dma_start3A_66 = tpu.memref_squeeze %dma_start3A_65 : memref<1x32xf32, #tpu.memory_space<vmem>> -> memref<32xf32, #tpu.memory_space<vmem>>
    %dma_start3A_67 = tpu.memref_slice %arg2[%add3A_61] : memref<51200xf32, #tpu.memory_space<hbm>> -> memref<32xf32, #tpu.memory_space<hbm>>
    %dma_start3A_68 = arith.constant 0 : i32
    %dma_start3A_69 = tpu.memref_slice %arg14[%dma_start3A_63, %dma_start3A_68] : memref<2x32xf32, #tpu.memory_space<vmem>> -> memref<1x32xf32, #tpu.memory_space<vmem>>
    %dma_start3A_70 = tpu.memref_squeeze %dma_start3A_69 : memref<1x32xf32, #tpu.memory_space<vmem>> -> memref<32xf32, #tpu.memory_space<vmem>>
    %dma_start3A_71 = tpu.memref_slice %arg2[%add3A_61] : memref<51200xf32, #tpu.memory_space<hbm>> -> memref<32xf32, #tpu.memory_space<hbm>>
    tpu.enqueue_dma source(%dma_start3A_71 : memref<32xf32, #tpu.memory_space<hbm>>) target(%dma_start3A_70 : memref<32xf32, #tpu.memory_space<vmem>>) target_semaphore(%arg22 : memref<!tpu.dma_semaphore, #tpu.memory_space<semaphore_mem>>)
    %add3A_72 = arith.constant 0 : i32
    %add3A_73 = arith.addi %mul3A_59, %add3A_72 : i32
    %jit3A = arith.constant 8 : i32
    %div3A = arith.divsi %add3A_73, %jit3A : i32
    %sign3A = arith.constant 0 : i32
    %sign3A_74 = arith.cmpi sgt, %add3A_73, %sign3A : i32
    %sign3A_75 = arith.extui %sign3A_74 : i1 to i32
    %sign3A_76 = arith.constant 0 : i32
    %sign3A_77 = arith.cmpi slt, %add3A_73, %sign3A_76 : i32
    %sign3A_78 = arith.extui %sign3A_77 : i1 to i32
    %sign3A_79 = arith.subi %sign3A_75, %sign3A_78 : i32
    %sign3A_80 = arith.constant 0 : i32
    %sign3A_81 = arith.cmpi sgt, %jit3A, %sign3A_80 : i32
    %sign3A_82 = arith.extui %sign3A_81 : i1 to i32
    %sign3A_83 = arith.constant 0 : i32
    %sign3A_84 = arith.cmpi slt, %jit3A, %sign3A_83 : i32
    %sign3A_85 = arith.extui %sign3A_84 : i1 to i32
    %sign3A_86 = arith.subi %sign3A_82, %sign3A_85 : i32
    %ne3A = arith.cmpi ne, %sign3A_79, %sign3A_86 : i32
    %rem3A = arith.remsi %add3A_73, %jit3A : i32
    %ne3A_87 = arith.constant 0 : i32
    %ne3A_88 = arith.cmpi ne, %rem3A, %ne3A_87 : i32
    %and3A = arith.andi %ne3A, %ne3A_88 : i1
    %sub3A = arith.constant 1 : i32
    %sub3A_89 = arith.subi %div3A, %sub3A : i32
    %select_n3A = arith.select %and3A, %sub3A_89, %div3A : i32
    %add3A_90 = arith.constant 0 : i32
    %add3A_91 = arith.addi %select_n3A, %add3A_90 : i32
    %mul3A_92 = arith.constant 64 : i32
    %mul3A_93 = arith.muli %add3A_91, %mul3A_92 : i32
    %mul3A_94 = arith.constant 32 : i32
    %mul3A_95 = arith.muli %arg0, %mul3A_94 : i32
    %add3A_96 = arith.addi %mul3A_93, %mul3A_95 : i32
    %dma_start3A_97 = arith.constant 0 : i32
    %dma_start3A_98 = arith.constant 0 : i32
    %dma_start3A_99 = arith.constant 0 : i32
    %dma_start3A_100 = tpu.memref_slice %arg12[%dma_start3A_97, %dma_start3A_98, %dma_start3A_99] : memref<2x128x128xf32, #tpu.memory_space<vmem>> -> memref<1x32x128xf32, #tpu.memory_space<vmem>>
    %dma_start3A_101 = tpu.memref_squeeze %dma_start3A_100 : memref<1x32x128xf32, #tpu.memory_space<vmem>> -> memref<32x128xf32, #tpu.memory_space<vmem>>
    %dma_start3A_102 = arith.constant 0 : i32
    %dma_start3A_103 = tpu.memref_slice %arg4[%add3A_96, %dma_start3A_102] : memref<409600x128xf32, #tpu.memory_space<hbm>> -> memref<32x128xf32, #tpu.memory_space<hbm>>
    %dma_start3A_104 = arith.constant 0 : i32
    %dma_start3A_105 = arith.constant 0 : i32
    %dma_start3A_106 = tpu.memref_slice %arg12[%dma_start3A_97, %dma_start3A_104, %dma_start3A_105] : memref<2x128x128xf32, #tpu.memory_space<vmem>> -> memref<1x32x128xf32, #tpu.memory_space<vmem>>
    %dma_start3A_107 = tpu.memref_squeeze %dma_start3A_106 : memref<1x32x128xf32, #tpu.memory_space<vmem>> -> memref<32x128xf32, #tpu.memory_space<vmem>>
    %dma_start3A_108 = arith.constant 0 : i32
    %dma_start3A_109 = tpu.memref_slice %arg4[%add3A_96, %dma_start3A_108] : memref<409600x128xf32, #tpu.memory_space<hbm>> -> memref<32x128xf32, #tpu.memory_space<hbm>>
    tpu.enqueue_dma source(%dma_start3A_109 : memref<32x128xf32, #tpu.memory_space<hbm>>) target(%dma_start3A_107 : memref<32x128xf32, #tpu.memory_space<vmem>>) target_semaphore(%arg22 : memref<!tpu.dma_semaphore, #tpu.memory_space<semaphore_mem>>)
    %add3A_110 = arith.constant 1 : i32
    %add3A_111 = arith.addi %select_n3A, %add3A_110 : i32
    %mul3A_112 = arith.constant 64 : i32
    %mul3A_113 = arith.muli %add3A_111, %mul3A_112 : i32
    %mul3A_114 = arith.constant 32 : i32
    %mul3A_115 = arith.muli %arg0, %mul3A_114 : i32
    %add3A_116 = arith.addi %mul3A_113, %mul3A_115 : i32
    %dma_start3A_117 = arith.constant 0 : i32
    %dma_start3A_118 = arith.constant 32 : i32
    %dma_start3A_119 = arith.constant 0 : i32
    %dma_start3A_120 = tpu.memref_slice %arg12[%dma_start3A_117, %dma_start3A_118, %dma_start3A_119] : memref<2x128x128xf32, #tpu.memory_space<vmem>> -> memref<1x32x128xf32, #tpu.memory_space<vmem>>
    %dma_start3A_121 = tpu.memref_squeeze %dma_start3A_120 : memref<1x32x128xf32, #tpu.memory_space<vmem>> -> memref<32x128xf32, #tpu.memory_space<vmem>>
    %dma_start3A_122 = arith.constant 0 : i32
    %dma_start3A_123 = tpu.memref_slice %arg4[%add3A_116, %dma_start3A_122] : memref<409600x128xf32, #tpu.memory_space<hbm>> -> memref<32x128xf32, #tpu.memory_space<hbm>>
    %dma_start3A_124 = arith.constant 32 : i32
    %dma_start3A_125 = arith.constant 0 : i32
    %dma_start3A_126 = tpu.memref_slice %arg12[%dma_start3A_117, %dma_start3A_124, %dma_start3A_125] : memref<2x128x128xf32, #tpu.memory_space<vmem>> -> memref<1x32x128xf32, #tpu.memory_space<vmem>>
    %dma_start3A_127 = tpu.memref_squeeze %dma_start3A_126 : memref<1x32x128xf32, #tpu.memory_space<vmem>> -> memref<32x128xf32, #tpu.memory_space<vmem>>
    %dma_start3A_128 = arith.constant 0 : i32
    %dma_start3A_129 = tpu.memref_slice %arg4[%add3A_116, %dma_start3A_128] : memref<409600x128xf32, #tpu.memory_space<hbm>> -> memref<32x128xf32, #tpu.memory_space<hbm>>
    tpu.enqueue_dma source(%dma_start3A_129 : memref<32x128xf32, #tpu.memory_space<hbm>>) target(%dma_start3A_127 : memref<32x128xf32, #tpu.memory_space<vmem>>) target_semaphore(%arg22 : memref<!tpu.dma_semaphore, #tpu.memory_space<semaphore_mem>>)
    %add3A_130 = arith.constant 2 : i32
    %add3A_131 = arith.addi %select_n3A, %add3A_130 : i32
    %mul3A_132 = arith.constant 64 : i32
    %mul3A_133 = arith.muli %add3A_131, %mul3A_132 : i32
    %mul3A_134 = arith.constant 32 : i32
    %mul3A_135 = arith.muli %arg0, %mul3A_134 : i32
    %add3A_136 = arith.addi %mul3A_133, %mul3A_135 : i32
    %dma_start3A_137 = arith.constant 0 : i32
    %dma_start3A_138 = arith.constant 64 : i32
    %dma_start3A_139 = arith.constant 0 : i32
    %dma_start3A_140 = tpu.memref_slice %arg12[%dma_start3A_137, %dma_start3A_138, %dma_start3A_139] : memref<2x128x128xf32, #tpu.memory_space<vmem>> -> memref<1x32x128xf32, #tpu.memory_space<vmem>>
    %dma_start3A_141 = tpu.memref_squeeze %dma_start3A_140 : memref<1x32x128xf32, #tpu.memory_space<vmem>> -> memref<32x128xf32, #tpu.memory_space<vmem>>
    %dma_start3A_142 = arith.constant 0 : i32
    %dma_start3A_143 = tpu.memref_slice %arg4[%add3A_136, %dma_start3A_142] : memref<409600x128xf32, #tpu.memory_space<hbm>> -> memref<32x128xf32, #tpu.memory_space<hbm>>
    %dma_start3A_144 = arith.constant 64 : i32
    %dma_start3A_145 = arith.constant 0 : i32
    %dma_start3A_146 = tpu.memref_slice %arg12[%dma_start3A_137, %dma_start3A_144, %dma_start3A_145] : memref<2x128x128xf32, #tpu.memory_space<vmem>> -> memref<1x32x128xf32, #tpu.memory_space<vmem>>
    %dma_start3A_147 = tpu.memref_squeeze %dma_start3A_146 : memref<1x32x128xf32, #tpu.memory_space<vmem>> -> memref<32x128xf32, #tpu.memory_space<vmem>>
    %dma_start3A_148 = arith.constant 0 : i32
    %dma_start3A_149 = tpu.memref_slice %arg4[%add3A_136, %dma_start3A_148] : memref<409600x128xf32, #tpu.memory_space<hbm>> -> memref<32x128xf32, #tpu.memory_space<hbm>>
    tpu.enqueue_dma source(%dma_start3A_149 : memref<32x128xf32, #tpu.memory_space<hbm>>) target(%dma_start3A_147 : memref<32x128xf32, #tpu.memory_space<vmem>>) target_semaphore(%arg22 : memref<!tpu.dma_semaphore, #tpu.memory_space<semaphore_mem>>)
    %add3A_150 = arith.constant 3 : i32
    %add3A_151 = arith.addi %select_n3A, %add3A_150 : i32
    %mul3A_152 = arith.constant 64 : i32
    %mul3A_153 = arith.muli %add3A_151, %mul3A_152 : i32
    %mul3A_154 = arith.constant 32 : i32
    %mul3A_155 = arith.muli %arg0, %mul3A_154 : i32
    %add3A_156 = arith.addi %mul3A_153, %mul3A_155 : i32
    %dma_start3A_157 = arith.constant 0 : i32
    %dma_start3A_158 = arith.constant 96 : i32
    %dma_start3A_159 = arith.constant 0 : i32
    %dma_start3A_160 = tpu.memref_slice %arg12[%dma_start3A_157, %dma_start3A_158, %dma_start3A_159] : memref<2x128x128xf32, #tpu.memory_space<vmem>> -> memref<1x32x128xf32, #tpu.memory_space<vmem>>
    %dma_start3A_161 = tpu.memref_squeeze %dma_start3A_160 : memref<1x32x128xf32, #tpu.memory_space<vmem>> -> memref<32x128xf32, #tpu.memory_space<vmem>>
    %dma_start3A_162 = arith.constant 0 : i32
    %dma_start3A_163 = tpu.memref_slice %arg4[%add3A_156, %dma_start3A_162] : memref<409600x128xf32, #tpu.memory_space<hbm>> -> memref<32x128xf32, #tpu.memory_space<hbm>>
    %dma_start3A_164 = arith.constant 96 : i32
    %dma_start3A_165 = arith.constant 0 : i32
    %dma_start3A_166 = tpu.memref_slice %arg12[%dma_start3A_157, %dma_start3A_164, %dma_start3A_165] : memref<2x128x128xf32, #tpu.memory_space<vmem>> -> memref<1x32x128xf32, #tpu.memory_space<vmem>>
    %dma_start3A_167 = tpu.memref_squeeze %dma_start3A_166 : memref<1x32x128xf32, #tpu.memory_space<vmem>> -> memref<32x128xf32, #tpu.memory_space<vmem>>
    %dma_start3A_168 = arith.constant 0 : i32
    %dma_start3A_169 = tpu.memref_slice %arg4[%add3A_156, %dma_start3A_168] : memref<409600x128xf32, #tpu.memory_space<hbm>> -> memref<32x128xf32, #tpu.memory_space<hbm>>
    tpu.enqueue_dma source(%dma_start3A_169 : memref<32x128xf32, #tpu.memory_space<hbm>>) target(%dma_start3A_167 : memref<32x128xf32, #tpu.memory_space<vmem>>) target_semaphore(%arg22 : memref<!tpu.dma_semaphore, #tpu.memory_space<semaphore_mem>>)
    %mul3A_170 = arith.constant 64 : i32
    %mul3A_171 = arith.muli %arg0, %mul3A_170 : i32
    %dma_start3A_172 = arith.constant 0 : i32
    %dma_start3A_173 = arith.constant 0 : i32
    %dma_start3A_174 = arith.constant 0 : i32
    %dma_start3A_175 = tpu.memref_slice %arg13[%dma_start3A_172, %dma_start3A_173, %dma_start3A_174] : memref<2x32x64xf32, #tpu.memory_space<vmem>> -> memref<1x32x64xf32, #tpu.memory_space<vmem>>
    %dma_start3A_176 = tpu.memref_squeeze %dma_start3A_175 : memref<1x32x64xf32, #tpu.memory_space<vmem>> -> memref<32x64xf32, #tpu.memory_space<vmem>>
    %dma_start3A_177 = tpu.memref_slice %arg3[%add3A_61, %mul3A_171] : memref<51200x128xf32, #tpu.memory_space<hbm>> -> memref<32x64xf32, #tpu.memory_space<hbm>>
    %dma_start3A_178 = arith.constant 0 : i32
    %dma_start3A_179 = arith.constant 0 : i32
    %dma_start3A_180 = tpu.memref_slice %arg13[%dma_start3A_172, %dma_start3A_178, %dma_start3A_179] : memref<2x32x64xf32, #tpu.memory_space<vmem>> -> memref<1x32x64xf32, #tpu.memory_space<vmem>>
    %dma_start3A_181 = tpu.memref_squeeze %dma_start3A_180 : memref<1x32x64xf32, #tpu.memory_space<vmem>> -> memref<32x64xf32, #tpu.memory_space<vmem>>
    %dma_start3A_182 = tpu.memref_slice %arg3[%add3A_61, %mul3A_171] : memref<51200x128xf32, #tpu.memory_space<hbm>> -> memref<32x64xf32, #tpu.memory_space<hbm>>
    tpu.enqueue_dma source(%dma_start3A_182 : memref<32x64xf32, #tpu.memory_space<hbm>>) target(%dma_start3A_181 : memref<32x64xf32, #tpu.memory_space<vmem>>) target_semaphore(%arg22 : memref<!tpu.dma_semaphore, #tpu.memory_space<semaphore_mem>>)
    %add3A_183 = arith.constant 32 : i32
    %add3A_184 = arith.addi %mul3A_59, %add3A_183 : i32
    %dma_start3A_185 = tpu.memref_slice %arg5[%add3A_184] : memref<51200xi32, #tpu.memory_space<hbm>> -> memref<32xi32, #tpu.memory_space<hbm>>
    %dma_start3A_186 = tpu.memref_slice %arg5[%add3A_184] : memref<51200xi32, #tpu.memory_space<hbm>> -> memref<32xi32, #tpu.memory_space<hbm>>
    tpu.enqueue_dma source(%dma_start3A_186 : memref<32xi32, #tpu.memory_space<hbm>>) target(%arg16 : memref<32xi32, #tpu.memory_space<vmem>>) target_semaphore(%arg23 : memref<!tpu.dma_semaphore, #tpu.memory_space<semaphore_mem>>)
    %dma_start3A_187 = arith.constant 1 : i32
    %dma_start3A_188 = arith.constant 0 : i32
    %dma_start3A_189 = tpu.memref_slice %arg14[%dma_start3A_187, %dma_start3A_188] : memref<2x32xf32, #tpu.memory_space<vmem>> -> memref<1x32xf32, #tpu.memory_space<vmem>>
    %dma_start3A_190 = tpu.memref_squeeze %dma_start3A_189 : memref<1x32xf32, #tpu.memory_space<vmem>> -> memref<32xf32, #tpu.memory_space<vmem>>
    %dma_start3A_191 = tpu.memref_slice %arg2[%add3A_184] : memref<51200xf32, #tpu.memory_space<hbm>> -> memref<32xf32, #tpu.memory_space<hbm>>
    %dma_start3A_192 = arith.constant 0 : i32
    %dma_start3A_193 = tpu.memref_slice %arg14[%dma_start3A_187, %dma_start3A_192] : memref<2x32xf32, #tpu.memory_space<vmem>> -> memref<1x32xf32, #tpu.memory_space<vmem>>
    %dma_start3A_194 = tpu.memref_squeeze %dma_start3A_193 : memref<1x32xf32, #tpu.memory_space<vmem>> -> memref<32xf32, #tpu.memory_space<vmem>>
    %dma_start3A_195 = tpu.memref_slice %arg2[%add3A_184] : memref<51200xf32, #tpu.memory_space<hbm>> -> memref<32xf32, #tpu.memory_space<hbm>>
    tpu.enqueue_dma source(%dma_start3A_195 : memref<32xf32, #tpu.memory_space<hbm>>) target(%dma_start3A_194 : memref<32xf32, #tpu.memory_space<vmem>>) target_semaphore(%arg23 : memref<!tpu.dma_semaphore, #tpu.memory_space<semaphore_mem>>)
    %add3A_196 = arith.constant 32 : i32
    %add3A_197 = arith.addi %mul3A_59, %add3A_196 : i32
    %jit3A_198 = arith.constant 8 : i32
    %div3A_199 = arith.divsi %add3A_197, %jit3A_198 : i32
    %sign3A_200 = arith.constant 0 : i32
    %sign3A_201 = arith.cmpi sgt, %add3A_197, %sign3A_200 : i32
    %sign3A_202 = arith.extui %sign3A_201 : i1 to i32
    %sign3A_203 = arith.constant 0 : i32
    %sign3A_204 = arith.cmpi slt, %add3A_197, %sign3A_203 : i32
    %sign3A_205 = arith.extui %sign3A_204 : i1 to i32
    %sign3A_206 = arith.subi %sign3A_202, %sign3A_205 : i32
    %sign3A_207 = arith.constant 0 : i32
    %sign3A_208 = arith.cmpi sgt, %jit3A_198, %sign3A_207 : i32
    %sign3A_209 = arith.extui %sign3A_208 : i1 to i32
    %sign3A_210 = arith.constant 0 : i32
    %sign3A_211 = arith.cmpi slt, %jit3A_198, %sign3A_210 : i32
    %sign3A_212 = arith.extui %sign3A_211 : i1 to i32
    %sign3A_213 = arith.subi %sign3A_209, %sign3A_212 : i32
    %ne3A_214 = arith.cmpi ne, %sign3A_206, %sign3A_213 : i32
    %rem3A_215 = arith.remsi %add3A_197, %jit3A_198 : i32
    %ne3A_216 = arith.constant 0 : i32
    %ne3A_217 = arith.cmpi ne, %rem3A_215, %ne3A_216 : i32
    %and3A_218 = arith.andi %ne3A_214, %ne3A_217 : i1
    %sub3A_219 = arith.constant 1 : i32
    %sub3A_220 = arith.subi %div3A_199, %sub3A_219 : i32
    %select_n3A_221 = arith.select %and3A_218, %sub3A_220, %div3A_199 : i32
    %add3A_222 = arith.constant 0 : i32
    %add3A_223 = arith.addi %select_n3A_221, %add3A_222 : i32
    %mul3A_224 = arith.constant 64 : i32
    %mul3A_225 = arith.muli %add3A_223, %mul3A_224 : i32
    %mul3A_226 = arith.constant 32 : i32
    %mul3A_227 = arith.muli %arg0, %mul3A_226 : i32
    %add3A_228 = arith.addi %mul3A_225, %mul3A_227 : i32
    %dma_start3A_229 = arith.constant 1 : i32
    %dma_start3A_230 = arith.constant 0 : i32
    %dma_start3A_231 = arith.constant 0 : i32
    %dma_start3A_232 = tpu.memref_slice %arg12[%dma_start3A_229, %dma_start3A_230, %dma_start3A_231] : memref<2x128x128xf32, #tpu.memory_space<vmem>> -> memref<1x32x128xf32, #tpu.memory_space<vmem>>
    %dma_start3A_233 = tpu.memref_squeeze %dma_start3A_232 : memref<1x32x128xf32, #tpu.memory_space<vmem>> -> memref<32x128xf32, #tpu.memory_space<vmem>>
    %dma_start3A_234 = arith.constant 0 : i32
    %dma_start3A_235 = tpu.memref_slice %arg4[%add3A_228, %dma_start3A_234] : memref<409600x128xf32, #tpu.memory_space<hbm>> -> memref<32x128xf32, #tpu.memory_space<hbm>>
    %dma_start3A_236 = arith.constant 0 : i32
    %dma_start3A_237 = arith.constant 0 : i32
    %dma_start3A_238 = tpu.memref_slice %arg12[%dma_start3A_229, %dma_start3A_236, %dma_start3A_237] : memref<2x128x128xf32, #tpu.memory_space<vmem>> -> memref<1x32x128xf32, #tpu.memory_space<vmem>>
    %dma_start3A_239 = tpu.memref_squeeze %dma_start3A_238 : memref<1x32x128xf32, #tpu.memory_space<vmem>> -> memref<32x128xf32, #tpu.memory_space<vmem>>
    %dma_start3A_240 = arith.constant 0 : i32
    %dma_start3A_241 = tpu.memref_slice %arg4[%add3A_228, %dma_start3A_240] : memref<409600x128xf32, #tpu.memory_space<hbm>> -> memref<32x128xf32, #tpu.memory_space<hbm>>
    tpu.enqueue_dma source(%dma_start3A_241 : memref<32x128xf32, #tpu.memory_space<hbm>>) target(%dma_start3A_239 : memref<32x128xf32, #tpu.memory_space<vmem>>) target_semaphore(%arg23 : memref<!tpu.dma_semaphore, #tpu.memory_space<semaphore_mem>>)
    %add3A_242 = arith.constant 1 : i32
    %add3A_243 = arith.addi %select_n3A_221, %add3A_242 : i32
    %mul3A_244 = arith.constant 64 : i32
    %mul3A_245 = arith.muli %add3A_243, %mul3A_244 : i32
    %mul3A_246 = arith.constant 32 : i32
    %mul3A_247 = arith.muli %arg0, %mul3A_246 : i32
    %add3A_248 = arith.addi %mul3A_245, %mul3A_247 : i32
    %dma_start3A_249 = arith.constant 1 : i32
    %dma_start3A_250 = arith.constant 32 : i32
    %dma_start3A_251 = arith.constant 0 : i32
    %dma_start3A_252 = tpu.memref_slice %arg12[%dma_start3A_249, %dma_start3A_250, %dma_start3A_251] : memref<2x128x128xf32, #tpu.memory_space<vmem>> -> memref<1x32x128xf32, #tpu.memory_space<vmem>>
    %dma_start3A_253 = tpu.memref_squeeze %dma_start3A_252 : memref<1x32x128xf32, #tpu.memory_space<vmem>> -> memref<32x128xf32, #tpu.memory_space<vmem>>
    %dma_start3A_254 = arith.constant 0 : i32
    %dma_start3A_255 = tpu.memref_slice %arg4[%add3A_248, %dma_start3A_254] : memref<409600x128xf32, #tpu.memory_space<hbm>> -> memref<32x128xf32, #tpu.memory_space<hbm>>
    %dma_start3A_256 = arith.constant 32 : i32
    %dma_start3A_257 = arith.constant 0 : i32
    %dma_start3A_258 = tpu.memref_slice %arg12[%dma_start3A_249, %dma_start3A_256, %dma_start3A_257] : memref<2x128x128xf32, #tpu.memory_space<vmem>> -> memref<1x32x128xf32, #tpu.memory_space<vmem>>
    %dma_start3A_259 = tpu.memref_squeeze %dma_start3A_258 : memref<1x32x128xf32, #tpu.memory_space<vmem>> -> memref<32x128xf32, #tpu.memory_space<vmem>>
    %dma_start3A_260 = arith.constant 0 : i32
    %dma_start3A_261 = tpu.memref_slice %arg4[%add3A_248, %dma_start3A_260] : memref<409600x128xf32, #tpu.memory_space<hbm>> -> memref<32x128xf32, #tpu.memory_space<hbm>>
    tpu.enqueue_dma source(%dma_start3A_261 : memref<32x128xf32, #tpu.memory_space<hbm>>) target(%dma_start3A_259 : memref<32x128xf32, #tpu.memory_space<vmem>>) target_semaphore(%arg23 : memref<!tpu.dma_semaphore, #tpu.memory_space<semaphore_mem>>)
    %add3A_262 = arith.constant 2 : i32
    %add3A_263 = arith.addi %select_n3A_221, %add3A_262 : i32
    %mul3A_264 = arith.constant 64 : i32
    %mul3A_265 = arith.muli %add3A_263, %mul3A_264 : i32
    %mul3A_266 = arith.constant 32 : i32
    %mul3A_267 = arith.muli %arg0, %mul3A_266 : i32
    %add3A_268 = arith.addi %mul3A_265, %mul3A_267 : i32
    %dma_start3A_269 = arith.constant 1 : i32
    %dma_start3A_270 = arith.constant 64 : i32
    %dma_start3A_271 = arith.constant 0 : i32
    %dma_start3A_272 = tpu.memref_slice %arg12[%dma_start3A_269, %dma_start3A_270, %dma_start3A_271] : memref<2x128x128xf32, #tpu.memory_space<vmem>> -> memref<1x32x128xf32, #tpu.memory_space<vmem>>
    %dma_start3A_273 = tpu.memref_squeeze %dma_start3A_272 : memref<1x32x128xf32, #tpu.memory_space<vmem>> -> memref<32x128xf32, #tpu.memory_space<vmem>>
    %dma_start3A_274 = arith.constant 0 : i32
    %dma_start3A_275 = tpu.memref_slice %arg4[%add3A_268, %dma_start3A_274] : memref<409600x128xf32, #tpu.memory_space<hbm>> -> memref<32x128xf32, #tpu.memory_space<hbm>>
    %dma_start3A_276 = arith.constant 64 : i32
    %dma_start3A_277 = arith.constant 0 : i32
    %dma_start3A_278 = tpu.memref_slice %arg12[%dma_start3A_269, %dma_start3A_276, %dma_start3A_277] : memref<2x128x128xf32, #tpu.memory_space<vmem>> -> memref<1x32x128xf32, #tpu.memory_space<vmem>>
    %dma_start3A_279 = tpu.memref_squeeze %dma_start3A_278 : memref<1x32x128xf32, #tpu.memory_space<vmem>> -> memref<32x128xf32, #tpu.memory_space<vmem>>
    %dma_start3A_280 = arith.constant 0 : i32
    %dma_start3A_281 = tpu.memref_slice %arg4[%add3A_268, %dma_start3A_280] : memref<409600x128xf32, #tpu.memory_space<hbm>> -> memref<32x128xf32, #tpu.memory_space<hbm>>
    tpu.enqueue_dma source(%dma_start3A_281 : memref<32x128xf32, #tpu.memory_space<hbm>>) target(%dma_start3A_279 : memref<32x128xf32, #tpu.memory_space<vmem>>) target_semaphore(%arg23 : memref<!tpu.dma_semaphore, #tpu.memory_space<semaphore_mem>>)
    %add3A_282 = arith.constant 3 : i32
    %add3A_283 = arith.addi %select_n3A_221, %add3A_282 : i32
    %mul3A_284 = arith.constant 64 : i32
    %mul3A_285 = arith.muli %add3A_283, %mul3A_284 : i32
    %mul3A_286 = arith.constant 32 : i32
    %mul3A_287 = arith.muli %arg0, %mul3A_286 : i32
    %add3A_288 = arith.addi %mul3A_285, %mul3A_287 : i32
    %dma_start3A_289 = arith.constant 1 : i32
    %dma_start3A_290 = arith.constant 96 : i32
    %dma_start3A_291 = arith.constant 0 : i32
    %dma_start3A_292 = tpu.memref_slice %arg12[%dma_start3A_289, %dma_start3A_290, %dma_start3A_291] : memref<2x128x128xf32, #tpu.memory_space<vmem>> -> memref<1x32x128xf32, #tpu.memory_space<vmem>>
    %dma_start3A_293 = tpu.memref_squeeze %dma_start3A_292 : memref<1x32x128xf32, #tpu.memory_space<vmem>> -> memref<32x128xf32, #tpu.memory_space<vmem>>
    %dma_start3A_294 = arith.constant 0 : i32
    %dma_start3A_295 = tpu.memref_slice %arg4[%add3A_288, %dma_start3A_294] : memref<409600x128xf32, #tpu.memory_space<hbm>> -> memref<32x128xf32, #tpu.memory_space<hbm>>
    %dma_start3A_296 = arith.constant 96 : i32
    %dma_start3A_297 = arith.constant 0 : i32
    %dma_start3A_298 = tpu.memref_slice %arg12[%dma_start3A_289, %dma_start3A_296, %dma_start3A_297] : memref<2x128x128xf32, #tpu.memory_space<vmem>> -> memref<1x32x128xf32, #tpu.memory_space<vmem>>
    %dma_start3A_299 = tpu.memref_squeeze %dma_start3A_298 : memref<1x32x128xf32, #tpu.memory_space<vmem>> -> memref<32x128xf32, #tpu.memory_space<vmem>>
    %dma_start3A_300 = arith.constant 0 : i32
    %dma_start3A_301 = tpu.memref_slice %arg4[%add3A_288, %dma_start3A_300] : memref<409600x128xf32, #tpu.memory_space<hbm>> -> memref<32x128xf32, #tpu.memory_space<hbm>>
    tpu.enqueue_dma source(%dma_start3A_301 : memref<32x128xf32, #tpu.memory_space<hbm>>) target(%dma_start3A_299 : memref<32x128xf32, #tpu.memory_space<vmem>>) target_semaphore(%arg23 : memref<!tpu.dma_semaphore, #tpu.memory_space<semaphore_mem>>)
    %mul3A_302 = arith.constant 64 : i32
    %mul3A_303 = arith.muli %arg0, %mul3A_302 : i32
    %dma_start3A_304 = arith.constant 1 : i32
    %dma_start3A_305 = arith.constant 0 : i32
    %dma_start3A_306 = arith.constant 0 : i32
    %dma_start3A_307 = tpu.memref_slice %arg13[%dma_start3A_304, %dma_start3A_305, %dma_start3A_306] : memref<2x32x64xf32, #tpu.memory_space<vmem>> -> memref<1x32x64xf32, #tpu.memory_space<vmem>>
    %dma_start3A_308 = tpu.memref_squeeze %dma_start3A_307 : memref<1x32x64xf32, #tpu.memory_space<vmem>> -> memref<32x64xf32, #tpu.memory_space<vmem>>
    %dma_start3A_309 = tpu.memref_slice %arg3[%add3A_184, %mul3A_303] : memref<51200x128xf32, #tpu.memory_space<hbm>> -> memref<32x64xf32, #tpu.memory_space<hbm>>
    %dma_start3A_310 = arith.constant 0 : i32
    %dma_start3A_311 = arith.constant 0 : i32
    %dma_start3A_312 = tpu.memref_slice %arg13[%dma_start3A_304, %dma_start3A_310, %dma_start3A_311] : memref<2x32x64xf32, #tpu.memory_space<vmem>> -> memref<1x32x64xf32, #tpu.memory_space<vmem>>
    %dma_start3A_313 = tpu.memref_squeeze %dma_start3A_312 : memref<1x32x64xf32, #tpu.memory_space<vmem>> -> memref<32x64xf32, #tpu.memory_space<vmem>>
    %dma_start3A_314 = tpu.memref_slice %arg3[%add3A_184, %mul3A_303] : memref<51200x128xf32, #tpu.memory_space<hbm>> -> memref<32x64xf32, #tpu.memory_space<hbm>>
    tpu.enqueue_dma source(%dma_start3A_314 : memref<32x64xf32, #tpu.memory_space<hbm>>) target(%dma_start3A_313 : memref<32x64xf32, #tpu.memory_space<vmem>>) target_semaphore(%arg23 : memref<!tpu.dma_semaphore, #tpu.memory_space<semaphore_mem>>)
    %scan3A_315 = arith.constant 0 : i32
    %scan3A_316 = arith.constant 0 : i32
    %scan3A_317 = arith.constant 50 : i32
    %scan3A_318 = arith.addi %scan3A_316, %scan3A_317 : i32
    %scan3A_319 = arith.constant 1 : i32
    %scan3A_320 = scf.for %scan3A_405 = %scan3A_316 to %scan3A_318 step %scan3A_319 iter_args(%scan3A_406 = %scan3A_315) -> (i32)  : i32 {
      %mul3A_407 = arith.constant 2 : i32
      %mul3A_408 = arith.muli %scan3A_405, %mul3A_407 : i32
      %add3A_409 = arith.constant 0 : i32
      %add3A_410 = arith.addi %mul3A_408, %add3A_409 : i32
      %mul3A_411 = arith.constant 32 : i32
      %mul3A_412 = arith.muli %add3A_410, %mul3A_411 : i32
      %add3A_413 = arith.addi %mul3A_59, %mul3A_412 : i32
      %mul3A_414 = arith.constant 32 : i32
      %mul3A_415 = arith.muli %add3A_410, %mul3A_414 : i32
      %add3A_416 = arith.addi %mul3A_59, %mul3A_415 : i32
      %jit3A_417 = arith.constant 8 : i32
      %div3A_418 = arith.divsi %add3A_416, %jit3A_417 : i32
      %sign3A_419 = arith.constant 0 : i32
      %sign3A_420 = arith.cmpi sgt, %add3A_416, %sign3A_419 : i32
      %sign3A_421 = arith.extui %sign3A_420 : i1 to i32
      %sign3A_422 = arith.constant 0 : i32
      %sign3A_423 = arith.cmpi slt, %add3A_416, %sign3A_422 : i32
      %sign3A_424 = arith.extui %sign3A_423 : i1 to i32
      %sign3A_425 = arith.subi %sign3A_421, %sign3A_424 : i32
      %sign3A_426 = arith.constant 0 : i32
      %sign3A_427 = arith.cmpi sgt, %jit3A_417, %sign3A_426 : i32
      %sign3A_428 = arith.extui %sign3A_427 : i1 to i32
      %sign3A_429 = arith.constant 0 : i32
      %sign3A_430 = arith.cmpi slt, %jit3A_417, %sign3A_429 : i32
      %sign3A_431 = arith.extui %sign3A_430 : i1 to i32
      %sign3A_432 = arith.subi %sign3A_428, %sign3A_431 : i32
      %ne3A_433 = arith.cmpi ne, %sign3A_425, %sign3A_432 : i32
      %rem3A_434 = arith.remsi %add3A_416, %jit3A_417 : i32
      %ne3A_435 = arith.constant 0 : i32
      %ne3A_436 = arith.cmpi ne, %rem3A_434, %ne3A_435 : i32
      %and3A_437 = arith.andi %ne3A_433, %ne3A_436 : i1
      %sub3A_438 = arith.constant 1 : i32
      %sub3A_439 = arith.subi %div3A_418, %sub3A_438 : i32
      %select_n3A_440 = arith.select %and3A_437, %sub3A_439, %div3A_418 : i32
      %dma_wait3A = tpu.memref_slice %arg5[%add3A_413] : memref<51200xi32, #tpu.memory_space<hbm>> -> memref<32xi32, #tpu.memory_space<hbm>>
      %dma_wait3A_441 = tpu.memref_slice %arg5[%add3A_413] : memref<51200xi32, #tpu.memory_space<hbm>> -> memref<32xi32, #tpu.memory_space<hbm>>
      tpu.wait_dma2 semaphore(%arg22 : memref<!tpu.dma_semaphore, #tpu.memory_space<semaphore_mem>>) src(%dma_wait3A_441 : memref<32xi32, #tpu.memory_space<hbm>>) dst(%arg15 : memref<32xi32, #tpu.memory_space<vmem>>)
      %dma_wait3A_442 = arith.constant 0 : i32
      %dma_wait3A_443 = arith.constant 0 : i32
      %dma_wait3A_444 = tpu.memref_slice %arg14[%dma_wait3A_442, %dma_wait3A_443] : memref<2x32xf32, #tpu.memory_space<vmem>> -> memref<1x32xf32, #tpu.memory_space<vmem>>
      %dma_wait3A_445 = tpu.memref_squeeze %dma_wait3A_444 : memref<1x32xf32, #tpu.memory_space<vmem>> -> memref<32xf32, #tpu.memory_space<vmem>>
      %dma_wait3A_446 = tpu.memref_slice %arg2[%add3A_413] : memref<51200xf32, #tpu.memory_space<hbm>> -> memref<32xf32, #tpu.memory_space<hbm>>
      %dma_wait3A_447 = arith.constant 0 : i32
      %dma_wait3A_448 = tpu.memref_slice %arg14[%dma_wait3A_442, %dma_wait3A_447] : memref<2x32xf32, #tpu.memory_space<vmem>> -> memref<1x32xf32, #tpu.memory_space<vmem>>
      %dma_wait3A_449 = tpu.memref_squeeze %dma_wait3A_448 : memref<1x32xf32, #tpu.memory_space<vmem>> -> memref<32xf32, #tpu.memory_space<vmem>>
      %dma_wait3A_450 = tpu.memref_slice %arg2[%add3A_413] : memref<51200xf32, #tpu.memory_space<hbm>> -> memref<32xf32, #tpu.memory_space<hbm>>
      tpu.wait_dma2 semaphore(%arg22 : memref<!tpu.dma_semaphore, #tpu.memory_space<semaphore_mem>>) src(%dma_wait3A_450 : memref<32xf32, #tpu.memory_space<hbm>>) dst(%dma_wait3A_449 : memref<32xf32, #tpu.memory_space<vmem>>)
      %add3A_451 = arith.constant 0 : i32
      %add3A_452 = arith.addi %select_n3A_440, %add3A_451 : i32
      %mul3A_453 = arith.constant 64 : i32
      %mul3A_454 = arith.muli %add3A_452, %mul3A_453 : i32
      %mul3A_455 = arith.constant 32 : i32
      %mul3A_456 = arith.muli %arg0, %mul3A_455 : i32
      %add3A_457 = arith.addi %mul3A_454, %mul3A_456 : i32
      %dma_wait3A_458 = arith.constant 0 : i32
      %dma_wait3A_459 = arith.constant 0 : i32
      %dma_wait3A_460 = arith.constant 0 : i32
      %dma_wait3A_461 = tpu.memref_slice %arg12[%dma_wait3A_458, %dma_wait3A_459, %dma_wait3A_460] : memref<2x128x128xf32, #tpu.memory_space<vmem>> -> memref<1x32x128xf32, #tpu.memory_space<vmem>>
      %dma_wait3A_462 = tpu.memref_squeeze %dma_wait3A_461 : memref<1x32x128xf32, #tpu.memory_space<vmem>> -> memref<32x128xf32, #tpu.memory_space<vmem>>
      %dma_wait3A_463 = arith.constant 0 : i32
      %dma_wait3A_464 = tpu.memref_slice %arg4[%add3A_457, %dma_wait3A_463] : memref<409600x128xf32, #tpu.memory_space<hbm>> -> memref<32x128xf32, #tpu.memory_space<hbm>>
      %dma_wait3A_465 = arith.constant 0 : i32
      %dma_wait3A_466 = arith.constant 0 : i32
      %dma_wait3A_467 = tpu.memref_slice %arg12[%dma_wait3A_458, %dma_wait3A_465, %dma_wait3A_466] : memref<2x128x128xf32, #tpu.memory_space<vmem>> -> memref<1x32x128xf32, #tpu.memory_space<vmem>>
      %dma_wait3A_468 = tpu.memref_squeeze %dma_wait3A_467 : memref<1x32x128xf32, #tpu.memory_space<vmem>> -> memref<32x128xf32, #tpu.memory_space<vmem>>
      %dma_wait3A_469 = arith.constant 0 : i32
      %dma_wait3A_470 = tpu.memref_slice %arg4[%add3A_457, %dma_wait3A_469] : memref<409600x128xf32, #tpu.memory_space<hbm>> -> memref<32x128xf32, #tpu.memory_space<hbm>>
      tpu.wait_dma2 semaphore(%arg22 : memref<!tpu.dma_semaphore, #tpu.memory_space<semaphore_mem>>) src(%dma_wait3A_470 : memref<32x128xf32, #tpu.memory_space<hbm>>) dst(%dma_wait3A_468 : memref<32x128xf32, #tpu.memory_space<vmem>>)
      %add3A_471 = arith.constant 1 : i32
      %add3A_472 = arith.addi %select_n3A_440, %add3A_471 : i32
      %mul3A_473 = arith.constant 64 : i32
      %mul3A_474 = arith.muli %add3A_472, %mul3A_473 : i32
      %mul3A_475 = arith.constant 32 : i32
      %mul3A_476 = arith.muli %arg0, %mul3A_475 : i32
      %add3A_477 = arith.addi %mul3A_474, %mul3A_476 : i32
      %dma_wait3A_478 = arith.constant 0 : i32
      %dma_wait3A_479 = arith.constant 32 : i32
      %dma_wait3A_480 = arith.constant 0 : i32
      %dma_wait3A_481 = tpu.memref_slice %arg12[%dma_wait3A_478, %dma_wait3A_479, %dma_wait3A_480] : memref<2x128x128xf32, #tpu.memory_space<vmem>> -> memref<1x32x128xf32, #tpu.memory_space<vmem>>
      %dma_wait3A_482 = tpu.memref_squeeze %dma_wait3A_481 : memref<1x32x128xf32, #tpu.memory_space<vmem>> -> memref<32x128xf32, #tpu.memory_space<vmem>>
      %dma_wait3A_483 = arith.constant 0 : i32
      %dma_wait3A_484 = tpu.memref_slice %arg4[%add3A_477, %dma_wait3A_483] : memref<409600x128xf32, #tpu.memory_space<hbm>> -> memref<32x128xf32, #tpu.memory_space<hbm>>
      %dma_wait3A_485 = arith.constant 32 : i32
      %dma_wait3A_486 = arith.constant 0 : i32
      %dma_wait3A_487 = tpu.memref_slice %arg12[%dma_wait3A_478, %dma_wait3A_485, %dma_wait3A_486] : memref<2x128x128xf32, #tpu.memory_space<vmem>> -> memref<1x32x128xf32, #tpu.memory_space<vmem>>
      %dma_wait3A_488 = tpu.memref_squeeze %dma_wait3A_487 : memref<1x32x128xf32, #tpu.memory_space<vmem>> -> memref<32x128xf32, #tpu.memory_space<vmem>>
      %dma_wait3A_489 = arith.constant 0 : i32
      %dma_wait3A_490 = tpu.memref_slice %arg4[%add3A_477, %dma_wait3A_489] : memref<409600x128xf32, #tpu.memory_space<hbm>> -> memref<32x128xf32, #tpu.memory_space<hbm>>
      tpu.wait_dma2 semaphore(%arg22 : memref<!tpu.dma_semaphore, #tpu.memory_space<semaphore_mem>>) src(%dma_wait3A_490 : memref<32x128xf32, #tpu.memory_space<hbm>>) dst(%dma_wait3A_488 : memref<32x128xf32, #tpu.memory_space<vmem>>)
      %add3A_491 = arith.constant 2 : i32
      %add3A_492 = arith.addi %select_n3A_440, %add3A_491 : i32
      %mul3A_493 = arith.constant 64 : i32
      %mul3A_494 = arith.muli %add3A_492, %mul3A_493 : i32
      %mul3A_495 = arith.constant 32 : i32
      %mul3A_496 = arith.muli %arg0, %mul3A_495 : i32
      %add3A_497 = arith.addi %mul3A_494, %mul3A_496 : i32
      %dma_wait3A_498 = arith.constant 0 : i32
      %dma_wait3A_499 = arith.constant 64 : i32
      %dma_wait3A_500 = arith.constant 0 : i32
      %dma_wait3A_501 = tpu.memref_slice %arg12[%dma_wait3A_498, %dma_wait3A_499, %dma_wait3A_500] : memref<2x128x128xf32, #tpu.memory_space<vmem>> -> memref<1x32x128xf32, #tpu.memory_space<vmem>>
      %dma_wait3A_502 = tpu.memref_squeeze %dma_wait3A_501 : memref<1x32x128xf32, #tpu.memory_space<vmem>> -> memref<32x128xf32, #tpu.memory_space<vmem>>
      %dma_wait3A_503 = arith.constant 0 : i32
      %dma_wait3A_504 = tpu.memref_slice %arg4[%add3A_497, %dma_wait3A_503] : memref<409600x128xf32, #tpu.memory_space<hbm>> -> memref<32x128xf32, #tpu.memory_space<hbm>>
      %dma_wait3A_505 = arith.constant 64 : i32
      %dma_wait3A_506 = arith.constant 0 : i32
      %dma_wait3A_507 = tpu.memref_slice %arg12[%dma_wait3A_498, %dma_wait3A_505, %dma_wait3A_506] : memref<2x128x128xf32, #tpu.memory_space<vmem>> -> memref<1x32x128xf32, #tpu.memory_space<vmem>>
      %dma_wait3A_508 = tpu.memref_squeeze %dma_wait3A_507 : memref<1x32x128xf32, #tpu.memory_space<vmem>> -> memref<32x128xf32, #tpu.memory_space<vmem>>
      %dma_wait3A_509 = arith.constant 0 : i32
      %dma_wait3A_510 = tpu.memref_slice %arg4[%add3A_497, %dma_wait3A_509] : memref<409600x128xf32, #tpu.memory_space<hbm>> -> memref<32x128xf32, #tpu.memory_space<hbm>>
      tpu.wait_dma2 semaphore(%arg22 : memref<!tpu.dma_semaphore, #tpu.memory_space<semaphore_mem>>) src(%dma_wait3A_510 : memref<32x128xf32, #tpu.memory_space<hbm>>) dst(%dma_wait3A_508 : memref<32x128xf32, #tpu.memory_space<vmem>>)
      %add3A_511 = arith.constant 3 : i32
      %add3A_512 = arith.addi %select_n3A_440, %add3A_511 : i32
      %mul3A_513 = arith.constant 64 : i32
      %mul3A_514 = arith.muli %add3A_512, %mul3A_513 : i32
      %mul3A_515 = arith.constant 32 : i32
      %mul3A_516 = arith.muli %arg0, %mul3A_515 : i32
      %add3A_517 = arith.addi %mul3A_514, %mul3A_516 : i32
      %dma_wait3A_518 = arith.constant 0 : i32
      %dma_wait3A_519 = arith.constant 96 : i32
      %dma_wait3A_520 = arith.constant 0 : i32
      %dma_wait3A_521 = tpu.memref_slice %arg12[%dma_wait3A_518, %dma_wait3A_519, %dma_wait3A_520] : memref<2x128x128xf32, #tpu.memory_space<vmem>> -> memref<1x32x128xf32, #tpu.memory_space<vmem>>
      %dma_wait3A_522 = tpu.memref_squeeze %dma_wait3A_521 : memref<1x32x128xf32, #tpu.memory_space<vmem>> -> memref<32x128xf32, #tpu.memory_space<vmem>>
      %dma_wait3A_523 = arith.constant 0 : i32
      %dma_wait3A_524 = tpu.memref_slice %arg4[%add3A_517, %dma_wait3A_523] : memref<409600x128xf32, #tpu.memory_space<hbm>> -> memref<32x128xf32, #tpu.memory_space<hbm>>
      %dma_wait3A_525 = arith.constant 96 : i32
      %dma_wait3A_526 = arith.constant 0 : i32
      %dma_wait3A_527 = tpu.memref_slice %arg12[%dma_wait3A_518, %dma_wait3A_525, %dma_wait3A_526] : memref<2x128x128xf32, #tpu.memory_space<vmem>> -> memref<1x32x128xf32, #tpu.memory_space<vmem>>
      %dma_wait3A_528 = tpu.memref_squeeze %dma_wait3A_527 : memref<1x32x128xf32, #tpu.memory_space<vmem>> -> memref<32x128xf32, #tpu.memory_space<vmem>>
      %dma_wait3A_529 = arith.constant 0 : i32
      %dma_wait3A_530 = tpu.memref_slice %arg4[%add3A_517, %dma_wait3A_529] : memref<409600x128xf32, #tpu.memory_space<hbm>> -> memref<32x128xf32, #tpu.memory_space<hbm>>
      tpu.wait_dma2 semaphore(%arg22 : memref<!tpu.dma_semaphore, #tpu.memory_space<semaphore_mem>>) src(%dma_wait3A_530 : memref<32x128xf32, #tpu.memory_space<hbm>>) dst(%dma_wait3A_528 : memref<32x128xf32, #tpu.memory_space<vmem>>)
      %mul3A_531 = arith.constant 64 : i32
      %mul3A_532 = arith.muli %arg0, %mul3A_531 : i32
      %dma_wait3A_533 = arith.constant 0 : i32
      %dma_wait3A_534 = arith.constant 0 : i32
      %dma_wait3A_535 = arith.constant 0 : i32
      %dma_wait3A_536 = tpu.memref_slice %arg13[%dma_wait3A_533, %dma_wait3A_534, %dma_wait3A_535] : memref<2x32x64xf32, #tpu.memory_space<vmem>> -> memref<1x32x64xf32, #tpu.memory_space<vmem>>
      %dma_wait3A_537 = tpu.memref_squeeze %dma_wait3A_536 : memref<1x32x64xf32, #tpu.memory_space<vmem>> -> memref<32x64xf32, #tpu.memory_space<vmem>>
      %dma_wait3A_538 = tpu.memref_slice %arg3[%add3A_413, %mul3A_532] : memref<51200x128xf32, #tpu.memory_space<hbm>> -> memref<32x64xf32, #tpu.memory_space<hbm>>
      %dma_wait3A_539 = arith.constant 0 : i32
      %dma_wait3A_540 = arith.constant 0 : i32
      %dma_wait3A_541 = tpu.memref_slice %arg13[%dma_wait3A_533, %dma_wait3A_539, %dma_wait3A_540] : memref<2x32x64xf32, #tpu.memory_space<vmem>> -> memref<1x32x64xf32, #tpu.memory_space<vmem>>
      %dma_wait3A_542 = tpu.memref_squeeze %dma_wait3A_541 : memref<1x32x64xf32, #tpu.memory_space<vmem>> -> memref<32x64xf32, #tpu.memory_space<vmem>>
      %dma_wait3A_543 = tpu.memref_slice %arg3[%add3A_413, %mul3A_532] : memref<51200x128xf32, #tpu.memory_space<hbm>> -> memref<32x64xf32, #tpu.memory_space<hbm>>
      tpu.wait_dma2 semaphore(%arg22 : memref<!tpu.dma_semaphore, #tpu.memory_space<semaphore_mem>>) src(%dma_wait3A_543 : memref<32x64xf32, #tpu.memory_space<hbm>>) dst(%dma_wait3A_542 : memref<32x64xf32, #tpu.memory_space<vmem>>)
      %add3A_544 = arith.constant 0 : i32
      %add3A_545 = vector.broadcast %add3A_544 : i32 to vector<16xi32>
      %add3A_546 = arith.addi %iota3A, %add3A_545 : vector<16xi32>
      %shift_right_arithmetic3A = arith.constant 5 : i32
      %shift_right_arithmetic3A_547 = vector.broadcast %shift_right_arithmetic3A : i32 to vector<16xi32>
      %shift_right_arithmetic3A_548 = arith.shrsi %add3A_546, %shift_right_arithmetic3A_547 : vector<16xi32>
      %mul3A_549 = arith.constant 8 : i32
      %mul3A_550 = vector.broadcast %mul3A_549 : i32 to vector<16xi32>
      %mul3A_551 = arith.muli %mul3A_550, %shift_right_arithmetic3A_548 : vector<16xi32>
      %and3A_552 = arith.constant 7 : i32
      %and3A_553 = vector.broadcast %and3A_552 : i32 to vector<16xi32>
      %and3A_554 = arith.andi %add3A_546, %and3A_553 : vector<16xi32>
      %add3A_555 = arith.addi %mul3A_551, %and3A_554 : vector<16xi32>
      %shift_right_arithmetic3A_556 = arith.constant 3 : i32
      %shift_right_arithmetic3A_557 = vector.broadcast %shift_right_arithmetic3A_556 : i32 to vector<16xi32>
      %shift_right_arithmetic3A_558 = arith.shrsi %add3A_546, %shift_right_arithmetic3A_557 : vector<16xi32>
      %and3A_559 = arith.constant 3 : i32
      %and3A_560 = vector.broadcast %and3A_559 : i32 to vector<16xi32>
      %and3A_561 = arith.andi %shift_right_arithmetic3A_558, %and3A_560 : vector<16xi32>
      %gather3A = tpu.vector_load_idx %arg15[%add3A_555] : memref<32xi32, #tpu.memory_space<vmem>>[vector<16xi32>], vector<16xi32>,
      %mul3A_562 = arith.constant 2048 : i32
      %mul3A_563 = vector.broadcast %mul3A_562 : i32 to vector<16xi32>
      %mul3A_564 = arith.muli %and3A_561, %mul3A_563 : vector<16xi32>
      %add3A_565 = arith.addi %gather3A, %mul3A_564 : vector<16xi32>
      %swap3A = arith.constant 0 : index
      %swap3A_566 = tpu.vector_load %arg17[%swap3A] {strides = array<i32>} : memref<128xi32, #tpu.memory_space<vmem>>, vector<16xi32>,
      tpu.vector_store %arg17[%swap3A], %add3A_565 {strides = array<i32>} : memref<128xi32, #tpu.memory_space<vmem>>, vector<16xi32>,
      %add3A_567 = arith.constant 16 : i32
      %add3A_568 = vector.broadcast %add3A_567 : i32 to vector<16xi32>
      %add3A_569 = arith.addi %iota3A, %add3A_568 : vector<16xi32>
      %shift_right_arithmetic3A_570 = arith.constant 5 : i32
      %shift_right_arithmetic3A_571 = vector.broadcast %shift_right_arithmetic3A_570 : i32 to vector<16xi32>
      %shift_right_arithmetic3A_572 = arith.shrsi %add3A_569, %shift_right_arithmetic3A_571 : vector<16xi32>
      %mul3A_573 = arith.constant 8 : i32
      %mul3A_574 = vector.broadcast %mul3A_573 : i32 to vector<16xi32>
      %mul3A_575 = arith.muli %mul3A_574, %shift_right_arithmetic3A_572 : vector<16xi32>
      %and3A_576 = arith.constant 7 : i32
      %and3A_577 = vector.broadcast %and3A_576 : i32 to vector<16xi32>
      %and3A_578 = arith.andi %add3A_569, %and3A_577 : vector<16xi32>
      %add3A_579 = arith.addi %mul3A_575, %and3A_578 : vector<16xi32>
      %shift_right_arithmetic3A_580 = arith.constant 3 : i32
      %shift_right_arithmetic3A_581 = vector.broadcast %shift_right_arithmetic3A_580 : i32 to vector<16xi32>
      %shift_right_arithmetic3A_582 = arith.shrsi %add3A_569, %shift_right_arithmetic3A_581 : vector<16xi32>
      %and3A_583 = arith.constant 3 : i32
      %and3A_584 = vector.broadcast %and3A_583 : i32 to vector<16xi32>
      %and3A_585 = arith.andi %shift_right_arithmetic3A_582, %and3A_584 : vector<16xi32>
      %gather3A_586 = tpu.vector_load_idx %arg15[%add3A_579] : memref<32xi32, #tpu.memory_space<vmem>>[vector<16xi32>], vector<16xi32>,
      %mul3A_587 = arith.constant 2048 : i32
      %mul3A_588 = vector.broadcast %mul3A_587 : i32 to vector<16xi32>
      %mul3A_589 = arith.muli %and3A_585, %mul3A_588 : vector<16xi32>
      %add3A_590 = arith.addi %gather3A_586, %mul3A_589 : vector<16xi32>
      %swap3A_591 = arith.constant 16 : index
      %swap3A_592 = tpu.vector_load %arg17[%swap3A_591] {strides = array<i32>} : memref<128xi32, #tpu.memory_space<vmem>>, vector<16xi32>,
      tpu.vector_store %arg17[%swap3A_591], %add3A_590 {strides = array<i32>} : memref<128xi32, #tpu.memory_space<vmem>>, vector<16xi32>,
      %add3A_593 = arith.constant 32 : i32
      %add3A_594 = vector.broadcast %add3A_593 : i32 to vector<16xi32>
      %add3A_595 = arith.addi %iota3A, %add3A_594 : vector<16xi32>
      %shift_right_arithmetic3A_596 = arith.constant 5 : i32
      %shift_right_arithmetic3A_597 = vector.broadcast %shift_right_arithmetic3A_596 : i32 to vector<16xi32>
      %shift_right_arithmetic3A_598 = arith.shrsi %add3A_595, %shift_right_arithmetic3A_597 : vector<16xi32>
      %mul3A_599 = arith.constant 8 : i32
      %mul3A_600 = vector.broadcast %mul3A_599 : i32 to vector<16xi32>
      %mul3A_601 = arith.muli %mul3A_600, %shift_right_arithmetic3A_598 : vector<16xi32>
      %and3A_602 = arith.constant 7 : i32
      %and3A_603 = vector.broadcast %and3A_602 : i32 to vector<16xi32>
      %and3A_604 = arith.andi %add3A_595, %and3A_603 : vector<16xi32>
      %add3A_605 = arith.addi %mul3A_601, %and3A_604 : vector<16xi32>
      %shift_right_arithmetic3A_606 = arith.constant 3 : i32
      %shift_right_arithmetic3A_607 = vector.broadcast %shift_right_arithmetic3A_606 : i32 to vector<16xi32>
      %shift_right_arithmetic3A_608 = arith.shrsi %add3A_595, %shift_right_arithmetic3A_607 : vector<16xi32>
      %and3A_609 = arith.constant 3 : i32
      %and3A_610 = vector.broadcast %and3A_609 : i32 to vector<16xi32>
      %and3A_611 = arith.andi %shift_right_arithmetic3A_608, %and3A_610 : vector<16xi32>
      %gather3A_612 = tpu.vector_load_idx %arg15[%add3A_605] : memref<32xi32, #tpu.memory_space<vmem>>[vector<16xi32>], vector<16xi32>,
      %mul3A_613 = arith.constant 2048 : i32
      %mul3A_614 = vector.broadcast %mul3A_613 : i32 to vector<16xi32>
      %mul3A_615 = arith.muli %and3A_611, %mul3A_614 : vector<16xi32>
      %add3A_616 = arith.addi %gather3A_612, %mul3A_615 : vector<16xi32>
      %swap3A_617 = arith.constant 32 : index
      %swap3A_618 = tpu.vector_load %arg17[%swap3A_617] {strides = array<i32>} : memref<128xi32, #tpu.memory_space<vmem>>, vector<16xi32>,
      tpu.vector_store %arg17[%swap3A_617], %add3A_616 {strides = array<i32>} : memref<128xi32, #tpu.memory_space<vmem>>, vector<16xi32>,
      %add3A_619 = arith.constant 48 : i32
      %add3A_620 = vector.broadcast %add3A_619 : i32 to vector<16xi32>
      %add3A_621 = arith.addi %iota3A, %add3A_620 : vector<16xi32>
      %shift_right_arithmetic3A_622 = arith.constant 5 : i32
      %shift_right_arithmetic3A_623 = vector.broadcast %shift_right_arithmetic3A_622 : i32 to vector<16xi32>
      %shift_right_arithmetic3A_624 = arith.shrsi %add3A_621, %shift_right_arithmetic3A_623 : vector<16xi32>
      %mul3A_625 = arith.constant 8 : i32
      %mul3A_626 = vector.broadcast %mul3A_625 : i32 to vector<16xi32>
      %mul3A_627 = arith.muli %mul3A_626, %shift_right_arithmetic3A_624 : vector<16xi32>
      %and3A_628 = arith.constant 7 : i32
      %and3A_629 = vector.broadcast %and3A_628 : i32 to vector<16xi32>
      %and3A_630 = arith.andi %add3A_621, %and3A_629 : vector<16xi32>
      %add3A_631 = arith.addi %mul3A_627, %and3A_630 : vector<16xi32>
      %shift_right_arithmetic3A_632 = arith.constant 3 : i32
      %shift_right_arithmetic3A_633 = vector.broadcast %shift_right_arithmetic3A_632 : i32 to vector<16xi32>
      %shift_right_arithmetic3A_634 = arith.shrsi %add3A_621, %shift_right_arithmetic3A_633 : vector<16xi32>
      %and3A_635 = arith.constant 3 : i32
      %and3A_636 = vector.broadcast %and3A_635 : i32 to vector<16xi32>
      %and3A_637 = arith.andi %shift_right_arithmetic3A_634, %and3A_636 : vector<16xi32>
      %gather3A_638 = tpu.vector_load_idx %arg15[%add3A_631] : memref<32xi32, #tpu.memory_space<vmem>>[vector<16xi32>], vector<16xi32>,
      %mul3A_639 = arith.constant 2048 : i32
      %mul3A_640 = vector.broadcast %mul3A_639 : i32 to vector<16xi32>
      %mul3A_641 = arith.muli %and3A_637, %mul3A_640 : vector<16xi32>
      %add3A_642 = arith.addi %gather3A_638, %mul3A_641 : vector<16xi32>
      %swap3A_643 = arith.constant 48 : index
      %swap3A_644 = tpu.vector_load %arg17[%swap3A_643] {strides = array<i32>} : memref<128xi32, #tpu.memory_space<vmem>>, vector<16xi32>,
      tpu.vector_store %arg17[%swap3A_643], %add3A_642 {strides = array<i32>} : memref<128xi32, #tpu.memory_space<vmem>>, vector<16xi32>,
      %add3A_645 = arith.constant 64 : i32
      %add3A_646 = vector.broadcast %add3A_645 : i32 to vector<16xi32>
      %add3A_647 = arith.addi %iota3A, %add3A_646 : vector<16xi32>
      %shift_right_arithmetic3A_648 = arith.constant 5 : i32
      %shift_right_arithmetic3A_649 = vector.broadcast %shift_right_arithmetic3A_648 : i32 to vector<16xi32>
      %shift_right_arithmetic3A_650 = arith.shrsi %add3A_647, %shift_right_arithmetic3A_649 : vector<16xi32>
      %mul3A_651 = arith.constant 8 : i32
      %mul3A_652 = vector.broadcast %mul3A_651 : i32 to vector<16xi32>
      %mul3A_653 = arith.muli %mul3A_652, %shift_right_arithmetic3A_650 : vector<16xi32>
      %and3A_654 = arith.constant 7 : i32
      %and3A_655 = vector.broadcast %and3A_654 : i32 to vector<16xi32>
      %and3A_656 = arith.andi %add3A_647, %and3A_655 : vector<16xi32>
      %add3A_657 = arith.addi %mul3A_653, %and3A_656 : vector<16xi32>
      %shift_right_arithmetic3A_658 = arith.constant 3 : i32
      %shift_right_arithmetic3A_659 = vector.broadcast %shift_right_arithmetic3A_658 : i32 to vector<16xi32>
      %shift_right_arithmetic3A_660 = arith.shrsi %add3A_647, %shift_right_arithmetic3A_659 : vector<16xi32>
      %and3A_661 = arith.constant 3 : i32
      %and3A_662 = vector.broadcast %and3A_661 : i32 to vector<16xi32>
      %and3A_663 = arith.andi %shift_right_arithmetic3A_660, %and3A_662 : vector<16xi32>
      %gather3A_664 = tpu.vector_load_idx %arg15[%add3A_657] : memref<32xi32, #tpu.memory_space<vmem>>[vector<16xi32>], vector<16xi32>,
      %mul3A_665 = arith.constant 2048 : i32
      %mul3A_666 = vector.broadcast %mul3A_665 : i32 to vector<16xi32>
      %mul3A_667 = arith.muli %and3A_663, %mul3A_666 : vector<16xi32>
      %add3A_668 = arith.addi %gather3A_664, %mul3A_667 : vector<16xi32>
      %swap3A_669 = arith.constant 64 : index
      %swap3A_670 = tpu.vector_load %arg17[%swap3A_669] {strides = array<i32>} : memref<128xi32, #tpu.memory_space<vmem>>, vector<16xi32>,
      tpu.vector_store %arg17[%swap3A_669], %add3A_668 {strides = array<i32>} : memref<128xi32, #tpu.memory_space<vmem>>, vector<16xi32>,
      %add3A_671 = arith.constant 80 : i32
      %add3A_672 = vector.broadcast %add3A_671 : i32 to vector<16xi32>
      %add3A_673 = arith.addi %iota3A, %add3A_672 : vector<16xi32>
      %shift_right_arithmetic3A_674 = arith.constant 5 : i32
      %shift_right_arithmetic3A_675 = vector.broadcast %shift_right_arithmetic3A_674 : i32 to vector<16xi32>
      %shift_right_arithmetic3A_676 = arith.shrsi %add3A_673, %shift_right_arithmetic3A_675 : vector<16xi32>
      %mul3A_677 = arith.constant 8 : i32
      %mul3A_678 = vector.broadcast %mul3A_677 : i32 to vector<16xi32>
      %mul3A_679 = arith.muli %mul3A_678, %shift_right_arithmetic3A_676 : vector<16xi32>
      %and3A_680 = arith.constant 7 : i32
      %and3A_681 = vector.broadcast %and3A_680 : i32 to vector<16xi32>
      %and3A_682 = arith.andi %add3A_673, %and3A_681 : vector<16xi32>
      %add3A_683 = arith.addi %mul3A_679, %and3A_682 : vector<16xi32>
      %shift_right_arithmetic3A_684 = arith.constant 3 : i32
      %shift_right_arithmetic3A_685 = vector.broadcast %shift_right_arithmetic3A_684 : i32 to vector<16xi32>
      %shift_right_arithmetic3A_686 = arith.shrsi %add3A_673, %shift_right_arithmetic3A_685 : vector<16xi32>
      %and3A_687 = arith.constant 3 : i32
      %and3A_688 = vector.broadcast %and3A_687 : i32 to vector<16xi32>
      %and3A_689 = arith.andi %shift_right_arithmetic3A_686, %and3A_688 : vector<16xi32>
      %gather3A_690 = tpu.vector_load_idx %arg15[%add3A_683] : memref<32xi32, #tpu.memory_space<vmem>>[vector<16xi32>], vector<16xi32>,
      %mul3A_691 = arith.constant 2048 : i32
      %mul3A_692 = vector.broadcast %mul3A_691 : i32 to vector<16xi32>
      %mul3A_693 = arith.muli %and3A_689, %mul3A_692 : vector<16xi32>
      %add3A_694 = arith.addi %gather3A_690, %mul3A_693 : vector<16xi32>
      %swap3A_695 = arith.constant 80 : index
      %swap3A_696 = tpu.vector_load %arg17[%swap3A_695] {strides = array<i32>} : memref<128xi32, #tpu.memory_space<vmem>>, vector<16xi32>,
      tpu.vector_store %arg17[%swap3A_695], %add3A_694 {strides = array<i32>} : memref<128xi32, #tpu.memory_space<vmem>>, vector<16xi32>,
      %add3A_697 = arith.constant 96 : i32
      %add3A_698 = vector.broadcast %add3A_697 : i32 to vector<16xi32>
      %add3A_699 = arith.addi %iota3A, %add3A_698 : vector<16xi32>
      %shift_right_arithmetic3A_700 = arith.constant 5 : i32
      %shift_right_arithmetic3A_701 = vector.broadcast %shift_right_arithmetic3A_700 : i32 to vector<16xi32>
      %shift_right_arithmetic3A_702 = arith.shrsi %add3A_699, %shift_right_arithmetic3A_701 : vector<16xi32>
      %mul3A_703 = arith.constant 8 : i32
      %mul3A_704 = vector.broadcast %mul3A_703 : i32 to vector<16xi32>
      %mul3A_705 = arith.muli %mul3A_704, %shift_right_arithmetic3A_702 : vector<16xi32>
      %and3A_706 = arith.constant 7 : i32
      %and3A_707 = vector.broadcast %and3A_706 : i32 to vector<16xi32>
      %and3A_708 = arith.andi %add3A_699, %and3A_707 : vector<16xi32>
      %add3A_709 = arith.addi %mul3A_705, %and3A_708 : vector<16xi32>
      %shift_right_arithmetic3A_710 = arith.constant 3 : i32
      %shift_right_arithmetic3A_711 = vector.broadcast %shift_right_arithmetic3A_710 : i32 to vector<16xi32>
      %shift_right_arithmetic3A_712 = arith.shrsi %add3A_699, %shift_right_arithmetic3A_711 : vector<16xi32>
      %and3A_713 = arith.constant 3 : i32
      %and3A_714 = vector.broadcast %and3A_713 : i32 to vector<16xi32>
      %and3A_715 = arith.andi %shift_right_arithmetic3A_712, %and3A_714 : vector<16xi32>
      %gather3A_716 = tpu.vector_load_idx %arg15[%add3A_709] : memref<32xi32, #tpu.memory_space<vmem>>[vector<16xi32>], vector<16xi32>,
      %mul3A_717 = arith.constant 2048 : i32
      %mul3A_718 = vector.broadcast %mul3A_717 : i32 to vector<16xi32>
      %mul3A_719 = arith.muli %and3A_715, %mul3A_718 : vector<16xi32>
      %add3A_720 = arith.addi %gather3A_716, %mul3A_719 : vector<16xi32>
      %swap3A_721 = arith.constant 96 : index
      %swap3A_722 = tpu.vector_load %arg17[%swap3A_721] {strides = array<i32>} : memref<128xi32, #tpu.memory_space<vmem>>, vector<16xi32>,
      tpu.vector_store %arg17[%swap3A_721], %add3A_720 {strides = array<i32>} : memref<128xi32, #tpu.memory_space<vmem>>, vector<16xi32>,
      %add3A_723 = arith.constant 112 : i32
      %add3A_724 = vector.broadcast %add3A_723 : i32 to vector<16xi32>
      %add3A_725 = arith.addi %iota3A, %add3A_724 : vector<16xi32>
      %shift_right_arithmetic3A_726 = arith.constant 5 : i32
      %shift_right_arithmetic3A_727 = vector.broadcast %shift_right_arithmetic3A_726 : i32 to vector<16xi32>
      %shift_right_arithmetic3A_728 = arith.shrsi %add3A_725, %shift_right_arithmetic3A_727 : vector<16xi32>
      %mul3A_729 = arith.constant 8 : i32
      %mul3A_730 = vector.broadcast %mul3A_729 : i32 to vector<16xi32>
      %mul3A_731 = arith.muli %mul3A_730, %shift_right_arithmetic3A_728 : vector<16xi32>
      %and3A_732 = arith.constant 7 : i32
      %and3A_733 = vector.broadcast %and3A_732 : i32 to vector<16xi32>
      %and3A_734 = arith.andi %add3A_725, %and3A_733 : vector<16xi32>
      %add3A_735 = arith.addi %mul3A_731, %and3A_734 : vector<16xi32>
      %shift_right_arithmetic3A_736 = arith.constant 3 : i32
      %shift_right_arithmetic3A_737 = vector.broadcast %shift_right_arithmetic3A_736 : i32 to vector<16xi32>
      %shift_right_arithmetic3A_738 = arith.shrsi %add3A_725, %shift_right_arithmetic3A_737 : vector<16xi32>
      %and3A_739 = arith.constant 3 : i32
      %and3A_740 = vector.broadcast %and3A_739 : i32 to vector<16xi32>
      %and3A_741 = arith.andi %shift_right_arithmetic3A_738, %and3A_740 : vector<16xi32>
      %gather3A_742 = tpu.vector_load_idx %arg15[%add3A_735] : memref<32xi32, #tpu.memory_space<vmem>>[vector<16xi32>], vector<16xi32>,
      %mul3A_743 = arith.constant 2048 : i32
      %mul3A_744 = vector.broadcast %mul3A_743 : i32 to vector<16xi32>
      %mul3A_745 = arith.muli %and3A_741, %mul3A_744 : vector<16xi32>
      %add3A_746 = arith.addi %gather3A_742, %mul3A_745 : vector<16xi32>
      %swap3A_747 = arith.constant 112 : index
      %swap3A_748 = tpu.vector_load %arg17[%swap3A_747] {strides = array<i32>} : memref<128xi32, #tpu.memory_space<vmem>>, vector<16xi32>,
      tpu.vector_store %arg17[%swap3A_747], %add3A_746 {strides = array<i32>} : memref<128xi32, #tpu.memory_space<vmem>>, vector<16xi32>,
      %get3A = arith.constant 0 : index
      %get3A_749 = tpu.vector_load %arg15[%get3A] {strides = array<i32>} : memref<32xi32, #tpu.memory_space<vmem>>, vector<16xi32>,
      %get3A_750 = arith.constant 0 : i32
      %get3A_751 = arith.index_cast %get3A_750 : i32 to index
      %get3A_752 = arith.constant 0 : index
      %get3A_753 = tpu.vector_load %arg14[%get3A_751, %get3A_752] {strides = array<i32>} : memref<2x32xf32, #tpu.memory_space<vmem>>, vector<16xf32>,
      tpu.vector_store_idx %arg19[%get3A_749], %get3A_753 {add = true} : memref<2048xf32, #tpu.memory_space<vmem>>[vector<16xi32>], vector<16xf32>,
      %get3A_754 = arith.constant 16 : index
      %get3A_755 = tpu.vector_load %arg15[%get3A_754] {strides = array<i32>} : memref<32xi32, #tpu.memory_space<vmem>>, vector<16xi32>,
      %get3A_756 = arith.constant 0 : i32
      %get3A_757 = arith.index_cast %get3A_756 : i32 to index
      %get3A_758 = arith.constant 16 : index
      %get3A_759 = tpu.vector_load %arg14[%get3A_757, %get3A_758] {strides = array<i32>} : memref<2x32xf32, #tpu.memory_space<vmem>>, vector<16xf32>,
      tpu.vector_store_idx %arg19[%get3A_755], %get3A_759 {add = true} : memref<2048xf32, #tpu.memory_space<vmem>>[vector<16xi32>], vector<16xf32>,
      %dma_start3A_760 = arith.constant 0 : i32
      %dma_start3A_761 = arith.constant 0 : i32
      %dma_start3A_762 = arith.constant 0 : i32
      %dma_start3A_763 = tpu.memref_slice %arg12[%dma_start3A_760, %dma_start3A_761, %dma_start3A_762] : memref<2x128x128xf32, #tpu.memory_space<vmem>> -> memref<1x128x128xf32, #tpu.memory_space<vmem>>
      %dma_start3A_764 = tpu.memref_squeeze %dma_start3A_763 : memref<1x128x128xf32, #tpu.memory_space<vmem>> -> memref<128x128xf32, #tpu.memory_space<vmem>>
      %dma_start3A_765 = arith.constant 0 : i32
      %dma_start3A_766 = arith.constant 0 : i32
      %dma_start3A_767 = tpu.memref_slice %arg10[%dma_start3A_765, %dma_start3A_766] : memref<8192x128xf32, #tpu.memory_space<vmem_shared>> -> memref<8192x128xf32, #tpu.memory_space<vmem_shared>>
      tpu.enqueue_indirect_dma source(%dma_start3A_764 : memref<128x128xf32, #tpu.memory_space<vmem>>) target(%dma_start3A_767 : memref<8192x128xf32, #tpu.memory_space<vmem_shared>>) offsets(%arg17 : memref<128xi32, #tpu.memory_space<vmem>>) semaphore(%arg24 : memref<!tpu.dma_semaphore, #tpu.memory_space<semaphore_mem>>) {add = true}
      %dma_start3A_768 = arith.constant 0 : i32
      %dma_start3A_769 = arith.constant 0 : i32
      %dma_start3A_770 = arith.constant 0 : i32
      %dma_start3A_771 = tpu.memref_slice %arg13[%dma_start3A_768, %dma_start3A_769, %dma_start3A_770] : memref<2x32x64xf32, #tpu.memory_space<vmem>> -> memref<1x32x64xf32, #tpu.memory_space<vmem>>
      %dma_start3A_772 = tpu.memref_squeeze %dma_start3A_771 : memref<1x32x64xf32, #tpu.memory_space<vmem>> -> memref<32x64xf32, #tpu.memory_space<vmem>>
      %dma_start3A_773 = arith.constant 0 : i32
      %dma_start3A_774 = arith.constant 0 : i32
      %dma_start3A_775 = tpu.memref_slice %arg9[%dma_start3A_773, %dma_start3A_774] : memref<2048x64xf32, #tpu.memory_space<vmem_shared>> -> memref<2048x64xf32, #tpu.memory_space<vmem_shared>>
      tpu.enqueue_indirect_dma source(%dma_start3A_772 : memref<32x64xf32, #tpu.memory_space<vmem>>) target(%dma_start3A_775 : memref<2048x64xf32, #tpu.memory_space<vmem_shared>>) offsets(%arg15 : memref<32xi32, #tpu.memory_space<vmem>>) semaphore(%arg24 : memref<!tpu.dma_semaphore, #tpu.memory_space<semaphore_mem>>) {add = true}
      %dma_wait3A_776 = arith.constant 0 : i32
      %dma_wait3A_777 = arith.constant 0 : i32
      %dma_wait3A_778 = arith.constant 0 : i32
      %dma_wait3A_779 = tpu.memref_slice %arg12[%dma_wait3A_776, %dma_wait3A_777, %dma_wait3A_778] : memref<2x128x128xf32, #tpu.memory_space<vmem>> -> memref<1x128x128xf32, #tpu.memory_space<vmem>>
      %dma_wait3A_780 = tpu.memref_squeeze %dma_wait3A_779 : memref<1x128x128xf32, #tpu.memory_space<vmem>> -> memref<128x128xf32, #tpu.memory_space<vmem>>
      %dma_wait3A_781 = arith.constant 0 : i32
      %dma_wait3A_782 = arith.constant 0 : i32
      %dma_wait3A_783 = tpu.memref_slice %arg10[%dma_wait3A_781, %dma_wait3A_782] : memref<8192x128xf32, #tpu.memory_space<vmem_shared>> -> memref<8192x128xf32, #tpu.memory_space<vmem_shared>>
      tpu.wait_indirect_dma semaphore(%arg24 : memref<!tpu.dma_semaphore, #tpu.memory_space<semaphore_mem>>) src(%dma_wait3A_780 : memref<128x128xf32, #tpu.memory_space<vmem>>) dst(%dma_wait3A_783 : memref<8192x128xf32, #tpu.memory_space<vmem_shared>>)
      %dma_wait3A_784 = arith.constant 0 : i32
      %dma_wait3A_785 = arith.constant 0 : i32
      %dma_wait3A_786 = arith.constant 0 : i32
      %dma_wait3A_787 = tpu.memref_slice %arg13[%dma_wait3A_784, %dma_wait3A_785, %dma_wait3A_786] : memref<2x32x64xf32, #tpu.memory_space<vmem>> -> memref<1x32x64xf32, #tpu.memory_space<vmem>>
      %dma_wait3A_788 = tpu.memref_squeeze %dma_wait3A_787 : memref<1x32x64xf32, #tpu.memory_space<vmem>> -> memref<32x64xf32, #tpu.memory_space<vmem>>
      %dma_wait3A_789 = arith.constant 0 : i32
      %dma_wait3A_790 = arith.constant 0 : i32
      %dma_wait3A_791 = tpu.memref_slice %arg9[%dma_wait3A_789, %dma_wait3A_790] : memref<2048x64xf32, #tpu.memory_space<vmem_shared>> -> memref<2048x64xf32, #tpu.memory_space<vmem_shared>>
      tpu.wait_indirect_dma semaphore(%arg24 : memref<!tpu.dma_semaphore, #tpu.memory_space<semaphore_mem>>) src(%dma_wait3A_788 : memref<32x64xf32, #tpu.memory_space<vmem>>) dst(%dma_wait3A_791 : memref<2048x64xf32, #tpu.memory_space<vmem_shared>>)
      %add3A_792 = arith.constant 2 : i32
      %add3A_793 = arith.addi %add3A_410, %add3A_792 : i32
      %lt3A = arith.constant 100 : i32
      %lt3A_794 = arith.cmpi slt, %add3A_793, %lt3A : i32
      %convert_element_type3A_795 = arith.extui %lt3A_794 : i1 to i32
      %cond3A_796 = arith.constant 0 : i32
      %cond3A_797 = arith.cmpi ne, %convert_element_type3A_795, %cond3A_796 : i32
      scf.if %cond3A_797 {
        %add3A_1196 = arith.constant 2 : i32
        %add3A_1197 = arith.addi %add3A_410, %add3A_1196 : i32
        %mul3A_1198 = arith.constant 32 : i32
        %mul3A_1199 = arith.muli %add3A_1197, %mul3A_1198 : i32
        %add3A_1200 = arith.addi %mul3A_59, %mul3A_1199 : i32
        %dma_start3A_1201 = tpu.memref_slice %arg5[%add3A_1200] : memref<51200xi32, #tpu.memory_space<hbm>> -> memref<32xi32, #tpu.memory_space<hbm>>
        %dma_start3A_1202 = tpu.memref_slice %arg5[%add3A_1200] : memref<51200xi32, #tpu.memory_space<hbm>> -> memref<32xi32, #tpu.memory_space<hbm>>
        tpu.enqueue_dma source(%dma_start3A_1202 : memref<32xi32, #tpu.memory_space<hbm>>) target(%arg15 : memref<32xi32, #tpu.memory_space<vmem>>) target_semaphore(%arg22 : memref<!tpu.dma_semaphore, #tpu.memory_space<semaphore_mem>>)
        %dma_start3A_1203 = arith.constant 0 : i32
        %dma_start3A_1204 = arith.constant 0 : i32
        %dma_start3A_1205 = tpu.memref_slice %arg14[%dma_start3A_1203, %dma_start3A_1204] : memref<2x32xf32, #tpu.memory_space<vmem>> -> memref<1x32xf32, #tpu.memory_space<vmem>>
        %dma_start3A_1206 = tpu.memref_squeeze %dma_start3A_1205 : memref<1x32xf32, #tpu.memory_space<vmem>> -> memref<32xf32, #tpu.memory_space<vmem>>
        %dma_start3A_1207 = tpu.memref_slice %arg2[%add3A_1200] : memref<51200xf32, #tpu.memory_space<hbm>> -> memref<32xf32, #tpu.memory_space<hbm>>
        %dma_start3A_1208 = arith.constant 0 : i32
        %dma_start3A_1209 = tpu.memref_slice %arg14[%dma_start3A_1203, %dma_start3A_1208] : memref<2x32xf32, #tpu.memory_space<vmem>> -> memref<1x32xf32, #tpu.memory_space<vmem>>
        %dma_start3A_1210 = tpu.memref_squeeze %dma_start3A_1209 : memref<1x32xf32, #tpu.memory_space<vmem>> -> memref<32xf32, #tpu.memory_space<vmem>>
        %dma_start3A_1211 = tpu.memref_slice %arg2[%add3A_1200] : memref<51200xf32, #tpu.memory_space<hbm>> -> memref<32xf32, #tpu.memory_space<hbm>>
        tpu.enqueue_dma source(%dma_start3A_1211 : memref<32xf32, #tpu.memory_space<hbm>>) target(%dma_start3A_1210 : memref<32xf32, #tpu.memory_space<vmem>>) target_semaphore(%arg22 : memref<!tpu.dma_semaphore, #tpu.memory_space<semaphore_mem>>)
        %mul3A_1212 = arith.constant 32 : i32
        %mul3A_1213 = arith.muli %add3A_1197, %mul3A_1212 : i32
        %add3A_1214 = arith.addi %mul3A_59, %mul3A_1213 : i32
        %jit3A_1215 = arith.constant 8 : i32
        %div3A_1216 = arith.divsi %add3A_1214, %jit3A_1215 : i32
        %sign3A_1217 = arith.constant 0 : i32
        %sign3A_1218 = arith.cmpi sgt, %add3A_1214, %sign3A_1217 : i32
        %sign3A_1219 = arith.extui %sign3A_1218 : i1 to i32
        %sign3A_1220 = arith.constant 0 : i32
        %sign3A_1221 = arith.cmpi slt, %add3A_1214, %sign3A_1220 : i32
        %sign3A_1222 = arith.extui %sign3A_1221 : i1 to i32
        %sign3A_1223 = arith.subi %sign3A_1219, %sign3A_1222 : i32
        %sign3A_1224 = arith.constant 0 : i32
        %sign3A_1225 = arith.cmpi sgt, %jit3A_1215, %sign3A_1224 : i32
        %sign3A_1226 = arith.extui %sign3A_1225 : i1 to i32
        %sign3A_1227 = arith.constant 0 : i32
        %sign3A_1228 = arith.cmpi slt, %jit3A_1215, %sign3A_1227 : i32
        %sign3A_1229 = arith.extui %sign3A_1228 : i1 to i32
        %sign3A_1230 = arith.subi %sign3A_1226, %sign3A_1229 : i32
        %ne3A_1231 = arith.cmpi ne, %sign3A_1223, %sign3A_1230 : i32
        %rem3A_1232 = arith.remsi %add3A_1214, %jit3A_1215 : i32
        %ne3A_1233 = arith.constant 0 : i32
        %ne3A_1234 = arith.cmpi ne, %rem3A_1232, %ne3A_1233 : i32
        %and3A_1235 = arith.andi %ne3A_1231, %ne3A_1234 : i1
        %sub3A_1236 = arith.constant 1 : i32
        %sub3A_1237 = arith.subi %div3A_1216, %sub3A_1236 : i32
        %select_n3A_1238 = arith.select %and3A_1235, %sub3A_1237, %div3A_1216 : i32
        %add3A_1239 = arith.constant 0 : i32
        %add3A_1240 = arith.addi %select_n3A_1238, %add3A_1239 : i32
        %mul3A_1241 = arith.constant 64 : i32
        %mul3A_1242 = arith.muli %add3A_1240, %mul3A_1241 : i32
        %mul3A_1243 = arith.constant 32 : i32
        %mul3A_1244 = arith.muli %arg0, %mul3A_1243 : i32
        %add3A_1245 = arith.addi %mul3A_1242, %mul3A_1244 : i32
        %dma_start3A_1246 = arith.constant 0 : i32
        %dma_start3A_1247 = arith.constant 0 : i32
        %dma_start3A_1248 = arith.constant 0 : i32
        %dma_start3A_1249 = tpu.memref_slice %arg12[%dma_start3A_1246, %dma_start3A_1247, %dma_start3A_1248] : memref<2x128x128xf32, #tpu.memory_space<vmem>> -> memref<1x32x128xf32, #tpu.memory_space<vmem>>
        %dma_start3A_1250 = tpu.memref_squeeze %dma_start3A_1249 : memref<1x32x128xf32, #tpu.memory_space<vmem>> -> memref<32x128xf32, #tpu.memory_space<vmem>>
        %dma_start3A_1251 = arith.constant 0 : i32
        %dma_start3A_1252 = tpu.memref_slice %arg4[%add3A_1245, %dma_start3A_1251] : memref<409600x128xf32, #tpu.memory_space<hbm>> -> memref<32x128xf32, #tpu.memory_space<hbm>>
        %dma_start3A_1253 = arith.constant 0 : i32
        %dma_start3A_1254 = arith.constant 0 : i32
        %dma_start3A_1255 = tpu.memref_slice %arg12[%dma_start3A_1246, %dma_start3A_1253, %dma_start3A_1254] : memref<2x128x128xf32, #tpu.memory_space<vmem>> -> memref<1x32x128xf32, #tpu.memory_space<vmem>>
        %dma_start3A_1256 = tpu.memref_squeeze %dma_start3A_1255 : memref<1x32x128xf32, #tpu.memory_space<vmem>> -> memref<32x128xf32, #tpu.memory_space<vmem>>
        %dma_start3A_1257 = arith.constant 0 : i32
        %dma_start3A_1258 = tpu.memref_slice %arg4[%add3A_1245, %dma_start3A_1257] : memref<409600x128xf32, #tpu.memory_space<hbm>> -> memref<32x128xf32, #tpu.memory_space<hbm>>
        tpu.enqueue_dma source(%dma_start3A_1258 : memref<32x128xf32, #tpu.memory_space<hbm>>) target(%dma_start3A_1256 : memref<32x128xf32, #tpu.memory_space<vmem>>) target_semaphore(%arg22 : memref<!tpu.dma_semaphore, #tpu.memory_space<semaphore_mem>>)
        %add3A_1259 = arith.constant 1 : i32
        %add3A_1260 = arith.addi %select_n3A_1238, %add3A_1259 : i32
        %mul3A_1261 = arith.constant 64 : i32
        %mul3A_1262 = arith.muli %add3A_1260, %mul3A_1261 : i32
        %mul3A_1263 = arith.constant 32 : i32
        %mul3A_1264 = arith.muli %arg0, %mul3A_1263 : i32
        %add3A_1265 = arith.addi %mul3A_1262, %mul3A_1264 : i32
        %dma_start3A_1266 = arith.constant 0 : i32
        %dma_start3A_1267 = arith.constant 32 : i32
        %dma_start3A_1268 = arith.constant 0 : i32
        %dma_start3A_1269 = tpu.memref_slice %arg12[%dma_start3A_1266, %dma_start3A_1267, %dma_start3A_1268] : memref<2x128x128xf32, #tpu.memory_space<vmem>> -> memref<1x32x128xf32, #tpu.memory_space<vmem>>
        %dma_start3A_1270 = tpu.memref_squeeze %dma_start3A_1269 : memref<1x32x128xf32, #tpu.memory_space<vmem>> -> memref<32x128xf32, #tpu.memory_space<vmem>>
        %dma_start3A_1271 = arith.constant 0 : i32
        %dma_start3A_1272 = tpu.memref_slice %arg4[%add3A_1265, %dma_start3A_1271] : memref<409600x128xf32, #tpu.memory_space<hbm>> -> memref<32x128xf32, #tpu.memory_space<hbm>>
        %dma_start3A_1273 = arith.constant 32 : i32
        %dma_start3A_1274 = arith.constant 0 : i32
        %dma_start3A_1275 = tpu.memref_slice %arg12[%dma_start3A_1266, %dma_start3A_1273, %dma_start3A_1274] : memref<2x128x128xf32, #tpu.memory_space<vmem>> -> memref<1x32x128xf32, #tpu.memory_space<vmem>>
        %dma_start3A_1276 = tpu.memref_squeeze %dma_start3A_1275 : memref<1x32x128xf32, #tpu.memory_space<vmem>> -> memref<32x128xf32, #tpu.memory_space<vmem>>
        %dma_start3A_1277 = arith.constant 0 : i32
        %dma_start3A_1278 = tpu.memref_slice %arg4[%add3A_1265, %dma_start3A_1277] : memref<409600x128xf32, #tpu.memory_space<hbm>> -> memref<32x128xf32, #tpu.memory_space<hbm>>
        tpu.enqueue_dma source(%dma_start3A_1278 : memref<32x128xf32, #tpu.memory_space<hbm>>) target(%dma_start3A_1276 : memref<32x128xf32, #tpu.memory_space<vmem>>) target_semaphore(%arg22 : memref<!tpu.dma_semaphore, #tpu.memory_space<semaphore_mem>>)
        %add3A_1279 = arith.constant 2 : i32
        %add3A_1280 = arith.addi %select_n3A_1238, %add3A_1279 : i32
        %mul3A_1281 = arith.constant 64 : i32
        %mul3A_1282 = arith.muli %add3A_1280, %mul3A_1281 : i32
        %mul3A_1283 = arith.constant 32 : i32
        %mul3A_1284 = arith.muli %arg0, %mul3A_1283 : i32
        %add3A_1285 = arith.addi %mul3A_1282, %mul3A_1284 : i32
        %dma_start3A_1286 = arith.constant 0 : i32
        %dma_start3A_1287 = arith.constant 64 : i32
        %dma_start3A_1288 = arith.constant 0 : i32
        %dma_start3A_1289 = tpu.memref_slice %arg12[%dma_start3A_1286, %dma_start3A_1287, %dma_start3A_1288] : memref<2x128x128xf32, #tpu.memory_space<vmem>> -> memref<1x32x128xf32, #tpu.memory_space<vmem>>
        %dma_start3A_1290 = tpu.memref_squeeze %dma_start3A_1289 : memref<1x32x128xf32, #tpu.memory_space<vmem>> -> memref<32x128xf32, #tpu.memory_space<vmem>>
        %dma_start3A_1291 = arith.constant 0 : i32
        %dma_start3A_1292 = tpu.memref_slice %arg4[%add3A_1285, %dma_start3A_1291] : memref<409600x128xf32, #tpu.memory_space<hbm>> -> memref<32x128xf32, #tpu.memory_space<hbm>>
        %dma_start3A_1293 = arith.constant 64 : i32
        %dma_start3A_1294 = arith.constant 0 : i32
        %dma_start3A_1295 = tpu.memref_slice %arg12[%dma_start3A_1286, %dma_start3A_1293, %dma_start3A_1294] : memref<2x128x128xf32, #tpu.memory_space<vmem>> -> memref<1x32x128xf32, #tpu.memory_space<vmem>>
        %dma_start3A_1296 = tpu.memref_squeeze %dma_start3A_1295 : memref<1x32x128xf32, #tpu.memory_space<vmem>> -> memref<32x128xf32, #tpu.memory_space<vmem>>
        %dma_start3A_1297 = arith.constant 0 : i32
        %dma_start3A_1298 = tpu.memref_slice %arg4[%add3A_1285, %dma_start3A_1297] : memref<409600x128xf32, #tpu.memory_space<hbm>> -> memref<32x128xf32, #tpu.memory_space<hbm>>
        tpu.enqueue_dma source(%dma_start3A_1298 : memref<32x128xf32, #tpu.memory_space<hbm>>) target(%dma_start3A_1296 : memref<32x128xf32, #tpu.memory_space<vmem>>) target_semaphore(%arg22 : memref<!tpu.dma_semaphore, #tpu.memory_space<semaphore_mem>>)
        %add3A_1299 = arith.constant 3 : i32
        %add3A_1300 = arith.addi %select_n3A_1238, %add3A_1299 : i32
        %mul3A_1301 = arith.constant 64 : i32
        %mul3A_1302 = arith.muli %add3A_1300, %mul3A_1301 : i32
        %mul3A_1303 = arith.constant 32 : i32
        %mul3A_1304 = arith.muli %arg0, %mul3A_1303 : i32
        %add3A_1305 = arith.addi %mul3A_1302, %mul3A_1304 : i32
        %dma_start3A_1306 = arith.constant 0 : i32
        %dma_start3A_1307 = arith.constant 96 : i32
        %dma_start3A_1308 = arith.constant 0 : i32
        %dma_start3A_1309 = tpu.memref_slice %arg12[%dma_start3A_1306, %dma_start3A_1307, %dma_start3A_1308] : memref<2x128x128xf32, #tpu.memory_space<vmem>> -> memref<1x32x128xf32, #tpu.memory_space<vmem>>
        %dma_start3A_1310 = tpu.memref_squeeze %dma_start3A_1309 : memref<1x32x128xf32, #tpu.memory_space<vmem>> -> memref<32x128xf32, #tpu.memory_space<vmem>>
        %dma_start3A_1311 = arith.constant 0 : i32
        %dma_start3A_1312 = tpu.memref_slice %arg4[%add3A_1305, %dma_start3A_1311] : memref<409600x128xf32, #tpu.memory_space<hbm>> -> memref<32x128xf32, #tpu.memory_space<hbm>>
        %dma_start3A_1313 = arith.constant 96 : i32
        %dma_start3A_1314 = arith.constant 0 : i32
        %dma_start3A_1315 = tpu.memref_slice %arg12[%dma_start3A_1306, %dma_start3A_1313, %dma_start3A_1314] : memref<2x128x128xf32, #tpu.memory_space<vmem>> -> memref<1x32x128xf32, #tpu.memory_space<vmem>>
        %dma_start3A_1316 = tpu.memref_squeeze %dma_start3A_1315 : memref<1x32x128xf32, #tpu.memory_space<vmem>> -> memref<32x128xf32, #tpu.memory_space<vmem>>
        %dma_start3A_1317 = arith.constant 0 : i32
        %dma_start3A_1318 = tpu.memref_slice %arg4[%add3A_1305, %dma_start3A_1317] : memref<409600x128xf32, #tpu.memory_space<hbm>> -> memref<32x128xf32, #tpu.memory_space<hbm>>
        tpu.enqueue_dma source(%dma_start3A_1318 : memref<32x128xf32, #tpu.memory_space<hbm>>) target(%dma_start3A_1316 : memref<32x128xf32, #tpu.memory_space<vmem>>) target_semaphore(%arg22 : memref<!tpu.dma_semaphore, #tpu.memory_space<semaphore_mem>>)
        %mul3A_1319 = arith.constant 64 : i32
        %mul3A_1320 = arith.muli %arg0, %mul3A_1319 : i32
        %dma_start3A_1321 = arith.constant 0 : i32
        %dma_start3A_1322 = arith.constant 0 : i32
        %dma_start3A_1323 = arith.constant 0 : i32
        %dma_start3A_1324 = tpu.memref_slice %arg13[%dma_start3A_1321, %dma_start3A_1322, %dma_start3A_1323] : memref<2x32x64xf32, #tpu.memory_space<vmem>> -> memref<1x32x64xf32, #tpu.memory_space<vmem>>
        %dma_start3A_1325 = tpu.memref_squeeze %dma_start3A_1324 : memref<1x32x64xf32, #tpu.memory_space<vmem>> -> memref<32x64xf32, #tpu.memory_space<vmem>>
        %dma_start3A_1326 = tpu.memref_slice %arg3[%add3A_1200, %mul3A_1320] : memref<51200x128xf32, #tpu.memory_space<hbm>> -> memref<32x64xf32, #tpu.memory_space<hbm>>
        %dma_start3A_1327 = arith.constant 0 : i32
        %dma_start3A_1328 = arith.constant 0 : i32
        %dma_start3A_1329 = tpu.memref_slice %arg13[%dma_start3A_1321, %dma_start3A_1327, %dma_start3A_1328] : memref<2x32x64xf32, #tpu.memory_space<vmem>> -> memref<1x32x64xf32, #tpu.memory_space<vmem>>
        %dma_start3A_1330 = tpu.memref_squeeze %dma_start3A_1329 : memref<1x32x64xf32, #tpu.memory_space<vmem>> -> memref<32x64xf32, #tpu.memory_space<vmem>>
        %dma_start3A_1331 = tpu.memref_slice %arg3[%add3A_1200, %mul3A_1320] : memref<51200x128xf32, #tpu.memory_space<hbm>> -> memref<32x64xf32, #tpu.memory_space<hbm>>
        tpu.enqueue_dma source(%dma_start3A_1331 : memref<32x64xf32, #tpu.memory_space<hbm>>) target(%dma_start3A_1330 : memref<32x64xf32, #tpu.memory_space<vmem>>) target_semaphore(%arg22 : memref<!tpu.dma_semaphore, #tpu.memory_space<semaphore_mem>>)
      } else {
      }
      %mul3A_798 = arith.constant 2 : i32
      %mul3A_799 = arith.muli %scan3A_405, %mul3A_798 : i32
      %add3A_800 = arith.constant 1 : i32
      %add3A_801 = arith.addi %mul3A_799, %add3A_800 : i32
      %mul3A_802 = arith.constant 32 : i32
      %mul3A_803 = arith.muli %add3A_801, %mul3A_802 : i32
      %add3A_804 = arith.addi %mul3A_59, %mul3A_803 : i32
      %mul3A_805 = arith.constant 32 : i32
      %mul3A_806 = arith.muli %add3A_801, %mul3A_805 : i32
      %add3A_807 = arith.addi %mul3A_59, %mul3A_806 : i32
      %jit3A_808 = arith.constant 8 : i32
      %div3A_809 = arith.divsi %add3A_807, %jit3A_808 : i32
      %sign3A_810 = arith.constant 0 : i32
      %sign3A_811 = arith.cmpi sgt, %add3A_807, %sign3A_810 : i32
      %sign3A_812 = arith.extui %sign3A_811 : i1 to i32
      %sign3A_813 = arith.constant 0 : i32
      %sign3A_814 = arith.cmpi slt, %add3A_807, %sign3A_813 : i32
      %sign3A_815 = arith.extui %sign3A_814 : i1 to i32
      %sign3A_816 = arith.subi %sign3A_812, %sign3A_815 : i32
      %sign3A_817 = arith.constant 0 : i32
      %sign3A_818 = arith.cmpi sgt, %jit3A_808, %sign3A_817 : i32
      %sign3A_819 = arith.extui %sign3A_818 : i1 to i32
      %sign3A_820 = arith.constant 0 : i32
      %sign3A_821 = arith.cmpi slt, %jit3A_808, %sign3A_820 : i32
      %sign3A_822 = arith.extui %sign3A_821 : i1 to i32
      %sign3A_823 = arith.subi %sign3A_819, %sign3A_822 : i32
      %ne3A_824 = arith.cmpi ne, %sign3A_816, %sign3A_823 : i32
      %rem3A_825 = arith.remsi %add3A_807, %jit3A_808 : i32
      %ne3A_826 = arith.constant 0 : i32
      %ne3A_827 = arith.cmpi ne, %rem3A_825, %ne3A_826 : i32
      %and3A_828 = arith.andi %ne3A_824, %ne3A_827 : i1
      %sub3A_829 = arith.constant 1 : i32
      %sub3A_830 = arith.subi %div3A_809, %sub3A_829 : i32
      %select_n3A_831 = arith.select %and3A_828, %sub3A_830, %div3A_809 : i32
      %dma_wait3A_832 = tpu.memref_slice %arg5[%add3A_804] : memref<51200xi32, #tpu.memory_space<hbm>> -> memref<32xi32, #tpu.memory_space<hbm>>
      %dma_wait3A_833 = tpu.memref_slice %arg5[%add3A_804] : memref<51200xi32, #tpu.memory_space<hbm>> -> memref<32xi32, #tpu.memory_space<hbm>>
      tpu.wait_dma2 semaphore(%arg23 : memref<!tpu.dma_semaphore, #tpu.memory_space<semaphore_mem>>) src(%dma_wait3A_833 : memref<32xi32, #tpu.memory_space<hbm>>) dst(%arg16 : memref<32xi32, #tpu.memory_space<vmem>>)
      %dma_wait3A_834 = arith.constant 1 : i32
      %dma_wait3A_835 = arith.constant 0 : i32
      %dma_wait3A_836 = tpu.memref_slice %arg14[%dma_wait3A_834, %dma_wait3A_835] : memref<2x32xf32, #tpu.memory_space<vmem>> -> memref<1x32xf32, #tpu.memory_space<vmem>>
      %dma_wait3A_837 = tpu.memref_squeeze %dma_wait3A_836 : memref<1x32xf32, #tpu.memory_space<vmem>> -> memref<32xf32, #tpu.memory_space<vmem>>
      %dma_wait3A_838 = tpu.memref_slice %arg2[%add3A_804] : memref<51200xf32, #tpu.memory_space<hbm>> -> memref<32xf32, #tpu.memory_space<hbm>>
      %dma_wait3A_839 = arith.constant 0 : i32
      %dma_wait3A_840 = tpu.memref_slice %arg14[%dma_wait3A_834, %dma_wait3A_839] : memref<2x32xf32, #tpu.memory_space<vmem>> -> memref<1x32xf32, #tpu.memory_space<vmem>>
      %dma_wait3A_841 = tpu.memref_squeeze %dma_wait3A_840 : memref<1x32xf32, #tpu.memory_space<vmem>> -> memref<32xf32, #tpu.memory_space<vmem>>
      %dma_wait3A_842 = tpu.memref_slice %arg2[%add3A_804] : memref<51200xf32, #tpu.memory_space<hbm>> -> memref<32xf32, #tpu.memory_space<hbm>>
      tpu.wait_dma2 semaphore(%arg23 : memref<!tpu.dma_semaphore, #tpu.memory_space<semaphore_mem>>) src(%dma_wait3A_842 : memref<32xf32, #tpu.memory_space<hbm>>) dst(%dma_wait3A_841 : memref<32xf32, #tpu.memory_space<vmem>>)
      %add3A_843 = arith.constant 0 : i32
      %add3A_844 = arith.addi %select_n3A_831, %add3A_843 : i32
      %mul3A_845 = arith.constant 64 : i32
      %mul3A_846 = arith.muli %add3A_844, %mul3A_845 : i32
      %mul3A_847 = arith.constant 32 : i32
      %mul3A_848 = arith.muli %arg0, %mul3A_847 : i32
      %add3A_849 = arith.addi %mul3A_846, %mul3A_848 : i32
      %dma_wait3A_850 = arith.constant 1 : i32
      %dma_wait3A_851 = arith.constant 0 : i32
      %dma_wait3A_852 = arith.constant 0 : i32
      %dma_wait3A_853 = tpu.memref_slice %arg12[%dma_wait3A_850, %dma_wait3A_851, %dma_wait3A_852] : memref<2x128x128xf32, #tpu.memory_space<vmem>> -> memref<1x32x128xf32, #tpu.memory_space<vmem>>
      %dma_wait3A_854 = tpu.memref_squeeze %dma_wait3A_853 : memref<1x32x128xf32, #tpu.memory_space<vmem>> -> memref<32x128xf32, #tpu.memory_space<vmem>>
      %dma_wait3A_855 = arith.constant 0 : i32
      %dma_wait3A_856 = tpu.memref_slice %arg4[%add3A_849, %dma_wait3A_855] : memref<409600x128xf32, #tpu.memory_space<hbm>> -> memref<32x128xf32, #tpu.memory_space<hbm>>
      %dma_wait3A_857 = arith.constant 0 : i32
      %dma_wait3A_858 = arith.constant 0 : i32
      %dma_wait3A_859 = tpu.memref_slice %arg12[%dma_wait3A_850, %dma_wait3A_857, %dma_wait3A_858] : memref<2x128x128xf32, #tpu.memory_space<vmem>> -> memref<1x32x128xf32, #tpu.memory_space<vmem>>
      %dma_wait3A_860 = tpu.memref_squeeze %dma_wait3A_859 : memref<1x32x128xf32, #tpu.memory_space<vmem>> -> memref<32x128xf32, #tpu.memory_space<vmem>>
      %dma_wait3A_861 = arith.constant 0 : i32
      %dma_wait3A_862 = tpu.memref_slice %arg4[%add3A_849, %dma_wait3A_861] : memref<409600x128xf32, #tpu.memory_space<hbm>> -> memref<32x128xf32, #tpu.memory_space<hbm>>
      tpu.wait_dma2 semaphore(%arg23 : memref<!tpu.dma_semaphore, #tpu.memory_space<semaphore_mem>>) src(%dma_wait3A_862 : memref<32x128xf32, #tpu.memory_space<hbm>>) dst(%dma_wait3A_860 : memref<32x128xf32, #tpu.memory_space<vmem>>)
      %add3A_863 = arith.constant 1 : i32
      %add3A_864 = arith.addi %select_n3A_831, %add3A_863 : i32
      %mul3A_865 = arith.constant 64 : i32
      %mul3A_866 = arith.muli %add3A_864, %mul3A_865 : i32
      %mul3A_867 = arith.constant 32 : i32
      %mul3A_868 = arith.muli %arg0, %mul3A_867 : i32
      %add3A_869 = arith.addi %mul3A_866, %mul3A_868 : i32
      %dma_wait3A_870 = arith.constant 1 : i32
      %dma_wait3A_871 = arith.constant 32 : i32
      %dma_wait3A_872 = arith.constant 0 : i32
      %dma_wait3A_873 = tpu.memref_slice %arg12[%dma_wait3A_870, %dma_wait3A_871, %dma_wait3A_872] : memref<2x128x128xf32, #tpu.memory_space<vmem>> -> memref<1x32x128xf32, #tpu.memory_space<vmem>>
      %dma_wait3A_874 = tpu.memref_squeeze %dma_wait3A_873 : memref<1x32x128xf32, #tpu.memory_space<vmem>> -> memref<32x128xf32, #tpu.memory_space<vmem>>
      %dma_wait3A_875 = arith.constant 0 : i32
      %dma_wait3A_876 = tpu.memref_slice %arg4[%add3A_869, %dma_wait3A_875] : memref<409600x128xf32, #tpu.memory_space<hbm>> -> memref<32x128xf32, #tpu.memory_space<hbm>>
      %dma_wait3A_877 = arith.constant 32 : i32
      %dma_wait3A_878 = arith.constant 0 : i32
      %dma_wait3A_879 = tpu.memref_slice %arg12[%dma_wait3A_870, %dma_wait3A_877, %dma_wait3A_878] : memref<2x128x128xf32, #tpu.memory_space<vmem>> -> memref<1x32x128xf32, #tpu.memory_space<vmem>>
      %dma_wait3A_880 = tpu.memref_squeeze %dma_wait3A_879 : memref<1x32x128xf32, #tpu.memory_space<vmem>> -> memref<32x128xf32, #tpu.memory_space<vmem>>
      %dma_wait3A_881 = arith.constant 0 : i32
      %dma_wait3A_882 = tpu.memref_slice %arg4[%add3A_869, %dma_wait3A_881] : memref<409600x128xf32, #tpu.memory_space<hbm>> -> memref<32x128xf32, #tpu.memory_space<hbm>>
      tpu.wait_dma2 semaphore(%arg23 : memref<!tpu.dma_semaphore, #tpu.memory_space<semaphore_mem>>) src(%dma_wait3A_882 : memref<32x128xf32, #tpu.memory_space<hbm>>) dst(%dma_wait3A_880 : memref<32x128xf32, #tpu.memory_space<vmem>>)
      %add3A_883 = arith.constant 2 : i32
      %add3A_884 = arith.addi %select_n3A_831, %add3A_883 : i32
      %mul3A_885 = arith.constant 64 : i32
      %mul3A_886 = arith.muli %add3A_884, %mul3A_885 : i32
      %mul3A_887 = arith.constant 32 : i32
      %mul3A_888 = arith.muli %arg0, %mul3A_887 : i32
      %add3A_889 = arith.addi %mul3A_886, %mul3A_888 : i32
      %dma_wait3A_890 = arith.constant 1 : i32
      %dma_wait3A_891 = arith.constant 64 : i32
      %dma_wait3A_892 = arith.constant 0 : i32
      %dma_wait3A_893 = tpu.memref_slice %arg12[%dma_wait3A_890, %dma_wait3A_891, %dma_wait3A_892] : memref<2x128x128xf32, #tpu.memory_space<vmem>> -> memref<1x32x128xf32, #tpu.memory_space<vmem>>
      %dma_wait3A_894 = tpu.memref_squeeze %dma_wait3A_893 : memref<1x32x128xf32, #tpu.memory_space<vmem>> -> memref<32x128xf32, #tpu.memory_space<vmem>>
      %dma_wait3A_895 = arith.constant 0 : i32
      %dma_wait3A_896 = tpu.memref_slice %arg4[%add3A_889, %dma_wait3A_895] : memref<409600x128xf32, #tpu.memory_space<hbm>> -> memref<32x128xf32, #tpu.memory_space<hbm>>
      %dma_wait3A_897 = arith.constant 64 : i32
      %dma_wait3A_898 = arith.constant 0 : i32
      %dma_wait3A_899 = tpu.memref_slice %arg12[%dma_wait3A_890, %dma_wait3A_897, %dma_wait3A_898] : memref<2x128x128xf32, #tpu.memory_space<vmem>> -> memref<1x32x128xf32, #tpu.memory_space<vmem>>
      %dma_wait3A_900 = tpu.memref_squeeze %dma_wait3A_899 : memref<1x32x128xf32, #tpu.memory_space<vmem>> -> memref<32x128xf32, #tpu.memory_space<vmem>>
      %dma_wait3A_901 = arith.constant 0 : i32
      %dma_wait3A_902 = tpu.memref_slice %arg4[%add3A_889, %dma_wait3A_901] : memref<409600x128xf32, #tpu.memory_space<hbm>> -> memref<32x128xf32, #tpu.memory_space<hbm>>
      tpu.wait_dma2 semaphore(%arg23 : memref<!tpu.dma_semaphore, #tpu.memory_space<semaphore_mem>>) src(%dma_wait3A_902 : memref<32x128xf32, #tpu.memory_space<hbm>>) dst(%dma_wait3A_900 : memref<32x128xf32, #tpu.memory_space<vmem>>)
      %add3A_903 = arith.constant 3 : i32
      %add3A_904 = arith.addi %select_n3A_831, %add3A_903 : i32
      %mul3A_905 = arith.constant 64 : i32
      %mul3A_906 = arith.muli %add3A_904, %mul3A_905 : i32
      %mul3A_907 = arith.constant 32 : i32
      %mul3A_908 = arith.muli %arg0, %mul3A_907 : i32
      %add3A_909 = arith.addi %mul3A_906, %mul3A_908 : i32
      %dma_wait3A_910 = arith.constant 1 : i32
      %dma_wait3A_911 = arith.constant 96 : i32
      %dma_wait3A_912 = arith.constant 0 : i32
      %dma_wait3A_913 = tpu.memref_slice %arg12[%dma_wait3A_910, %dma_wait3A_911, %dma_wait3A_912] : memref<2x128x128xf32, #tpu.memory_space<vmem>> -> memref<1x32x128xf32, #tpu.memory_space<vmem>>
      %dma_wait3A_914 = tpu.memref_squeeze %dma_wait3A_913 : memref<1x32x128xf32, #tpu.memory_space<vmem>> -> memref<32x128xf32, #tpu.memory_space<vmem>>
      %dma_wait3A_915 = arith.constant 0 : i32
      %dma_wait3A_916 = tpu.memref_slice %arg4[%add3A_909, %dma_wait3A_915] : memref<409600x128xf32, #tpu.memory_space<hbm>> -> memref<32x128xf32, #tpu.memory_space<hbm>>
      %dma_wait3A_917 = arith.constant 96 : i32
      %dma_wait3A_918 = arith.constant 0 : i32
      %dma_wait3A_919 = tpu.memref_slice %arg12[%dma_wait3A_910, %dma_wait3A_917, %dma_wait3A_918] : memref<2x128x128xf32, #tpu.memory_space<vmem>> -> memref<1x32x128xf32, #tpu.memory_space<vmem>>
      %dma_wait3A_920 = tpu.memref_squeeze %dma_wait3A_919 : memref<1x32x128xf32, #tpu.memory_space<vmem>> -> memref<32x128xf32, #tpu.memory_space<vmem>>
      %dma_wait3A_921 = arith.constant 0 : i32
      %dma_wait3A_922 = tpu.memref_slice %arg4[%add3A_909, %dma_wait3A_921] : memref<409600x128xf32, #tpu.memory_space<hbm>> -> memref<32x128xf32, #tpu.memory_space<hbm>>
      tpu.wait_dma2 semaphore(%arg23 : memref<!tpu.dma_semaphore, #tpu.memory_space<semaphore_mem>>) src(%dma_wait3A_922 : memref<32x128xf32, #tpu.memory_space<hbm>>) dst(%dma_wait3A_920 : memref<32x128xf32, #tpu.memory_space<vmem>>)
      %mul3A_923 = arith.constant 64 : i32
      %mul3A_924 = arith.muli %arg0, %mul3A_923 : i32
      %dma_wait3A_925 = arith.constant 1 : i32
      %dma_wait3A_926 = arith.constant 0 : i32
      %dma_wait3A_927 = arith.constant 0 : i32
      %dma_wait3A_928 = tpu.memref_slice %arg13[%dma_wait3A_925, %dma_wait3A_926, %dma_wait3A_927] : memref<2x32x64xf32, #tpu.memory_space<vmem>> -> memref<1x32x64xf32, #tpu.memory_space<vmem>>
      %dma_wait3A_929 = tpu.memref_squeeze %dma_wait3A_928 : memref<1x32x64xf32, #tpu.memory_space<vmem>> -> memref<32x64xf32, #tpu.memory_space<vmem>>
      %dma_wait3A_930 = tpu.memref_slice %arg3[%add3A_804, %mul3A_924] : memref<51200x128xf32, #tpu.memory_space<hbm>> -> memref<32x64xf32, #tpu.memory_space<hbm>>
      %dma_wait3A_931 = arith.constant 0 : i32
      %dma_wait3A_932 = arith.constant 0 : i32
      %dma_wait3A_933 = tpu.memref_slice %arg13[%dma_wait3A_925, %dma_wait3A_931, %dma_wait3A_932] : memref<2x32x64xf32, #tpu.memory_space<vmem>> -> memref<1x32x64xf32, #tpu.memory_space<vmem>>
      %dma_wait3A_934 = tpu.memref_squeeze %dma_wait3A_933 : memref<1x32x64xf32, #tpu.memory_space<vmem>> -> memref<32x64xf32, #tpu.memory_space<vmem>>
      %dma_wait3A_935 = tpu.memref_slice %arg3[%add3A_804, %mul3A_924] : memref<51200x128xf32, #tpu.memory_space<hbm>> -> memref<32x64xf32, #tpu.memory_space<hbm>>
      tpu.wait_dma2 semaphore(%arg23 : memref<!tpu.dma_semaphore, #tpu.memory_space<semaphore_mem>>) src(%dma_wait3A_935 : memref<32x64xf32, #tpu.memory_space<hbm>>) dst(%dma_wait3A_934 : memref<32x64xf32, #tpu.memory_space<vmem>>)
      %add3A_936 = arith.constant 0 : i32
      %add3A_937 = vector.broadcast %add3A_936 : i32 to vector<16xi32>
      %add3A_938 = arith.addi %iota3A, %add3A_937 : vector<16xi32>
      %shift_right_arithmetic3A_939 = arith.constant 5 : i32
      %shift_right_arithmetic3A_940 = vector.broadcast %shift_right_arithmetic3A_939 : i32 to vector<16xi32>
      %shift_right_arithmetic3A_941 = arith.shrsi %add3A_938, %shift_right_arithmetic3A_940 : vector<16xi32>
      %mul3A_942 = arith.constant 8 : i32
      %mul3A_943 = vector.broadcast %mul3A_942 : i32 to vector<16xi32>
      %mul3A_944 = arith.muli %mul3A_943, %shift_right_arithmetic3A_941 : vector<16xi32>
      %and3A_945 = arith.constant 7 : i32
      %and3A_946 = vector.broadcast %and3A_945 : i32 to vector<16xi32>
      %and3A_947 = arith.andi %add3A_938, %and3A_946 : vector<16xi32>
      %add3A_948 = arith.addi %mul3A_944, %and3A_947 : vector<16xi32>
      %shift_right_arithmetic3A_949 = arith.constant 3 : i32
      %shift_right_arithmetic3A_950 = vector.broadcast %shift_right_arithmetic3A_949 : i32 to vector<16xi32>
      %shift_right_arithmetic3A_951 = arith.shrsi %add3A_938, %shift_right_arithmetic3A_950 : vector<16xi32>
      %and3A_952 = arith.constant 3 : i32
      %and3A_953 = vector.broadcast %and3A_952 : i32 to vector<16xi32>
      %and3A_954 = arith.andi %shift_right_arithmetic3A_951, %and3A_953 : vector<16xi32>
      %gather3A_955 = tpu.vector_load_idx %arg16[%add3A_948] : memref<32xi32, #tpu.memory_space<vmem>>[vector<16xi32>], vector<16xi32>,
      %mul3A_956 = arith.constant 2048 : i32
      %mul3A_957 = vector.broadcast %mul3A_956 : i32 to vector<16xi32>
      %mul3A_958 = arith.muli %and3A_954, %mul3A_957 : vector<16xi32>
      %add3A_959 = arith.addi %gather3A_955, %mul3A_958 : vector<16xi32>
      %swap3A_960 = arith.constant 0 : index
      %swap3A_961 = tpu.vector_load %arg18[%swap3A_960] {strides = array<i32>} : memref<128xi32, #tpu.memory_space<vmem>>, vector<16xi32>,
      tpu.vector_store %arg18[%swap3A_960], %add3A_959 {strides = array<i32>} : memref<128xi32, #tpu.memory_space<vmem>>, vector<16xi32>,
      %add3A_962 = arith.constant 16 : i32
      %add3A_963 = vector.broadcast %add3A_962 : i32 to vector<16xi32>
      %add3A_964 = arith.addi %iota3A, %add3A_963 : vector<16xi32>
      %shift_right_arithmetic3A_965 = arith.constant 5 : i32
      %shift_right_arithmetic3A_966 = vector.broadcast %shift_right_arithmetic3A_965 : i32 to vector<16xi32>
      %shift_right_arithmetic3A_967 = arith.shrsi %add3A_964, %shift_right_arithmetic3A_966 : vector<16xi32>
      %mul3A_968 = arith.constant 8 : i32
      %mul3A_969 = vector.broadcast %mul3A_968 : i32 to vector<16xi32>
      %mul3A_970 = arith.muli %mul3A_969, %shift_right_arithmetic3A_967 : vector<16xi32>
      %and3A_971 = arith.constant 7 : i32
      %and3A_972 = vector.broadcast %and3A_971 : i32 to vector<16xi32>
      %and3A_973 = arith.andi %add3A_964, %and3A_972 : vector<16xi32>
      %add3A_974 = arith.addi %mul3A_970, %and3A_973 : vector<16xi32>
      %shift_right_arithmetic3A_975 = arith.constant 3 : i32
      %shift_right_arithmetic3A_976 = vector.broadcast %shift_right_arithmetic3A_975 : i32 to vector<16xi32>
      %shift_right_arithmetic3A_977 = arith.shrsi %add3A_964, %shift_right_arithmetic3A_976 : vector<16xi32>
      %and3A_978 = arith.constant 3 : i32
      %and3A_979 = vector.broadcast %and3A_978 : i32 to vector<16xi32>
      %and3A_980 = arith.andi %shift_right_arithmetic3A_977, %and3A_979 : vector<16xi32>
      %gather3A_981 = tpu.vector_load_idx %arg16[%add3A_974] : memref<32xi32, #tpu.memory_space<vmem>>[vector<16xi32>], vector<16xi32>,
      %mul3A_982 = arith.constant 2048 : i32
      %mul3A_983 = vector.broadcast %mul3A_982 : i32 to vector<16xi32>
      %mul3A_984 = arith.muli %and3A_980, %mul3A_983 : vector<16xi32>
      %add3A_985 = arith.addi %gather3A_981, %mul3A_984 : vector<16xi32>
      %swap3A_986 = arith.constant 16 : index
      %swap3A_987 = tpu.vector_load %arg18[%swap3A_986] {strides = array<i32>} : memref<128xi32, #tpu.memory_space<vmem>>, vector<16xi32>,
      tpu.vector_store %arg18[%swap3A_986], %add3A_985 {strides = array<i32>} : memref<128xi32, #tpu.memory_space<vmem>>, vector<16xi32>,
      %add3A_988 = arith.constant 32 : i32
      %add3A_989 = vector.broadcast %add3A_988 : i32 to vector<16xi32>
      %add3A_990 = arith.addi %iota3A, %add3A_989 : vector<16xi32>
      %shift_right_arithmetic3A_991 = arith.constant 5 : i32
      %shift_right_arithmetic3A_992 = vector.broadcast %shift_right_arithmetic3A_991 : i32 to vector<16xi32>
      %shift_right_arithmetic3A_993 = arith.shrsi %add3A_990, %shift_right_arithmetic3A_992 : vector<16xi32>
      %mul3A_994 = arith.constant 8 : i32
      %mul3A_995 = vector.broadcast %mul3A_994 : i32 to vector<16xi32>
      %mul3A_996 = arith.muli %mul3A_995, %shift_right_arithmetic3A_993 : vector<16xi32>
      %and3A_997 = arith.constant 7 : i32
      %and3A_998 = vector.broadcast %and3A_997 : i32 to vector<16xi32>
      %and3A_999 = arith.andi %add3A_990, %and3A_998 : vector<16xi32>
      %add3A_1000 = arith.addi %mul3A_996, %and3A_999 : vector<16xi32>
      %shift_right_arithmetic3A_1001 = arith.constant 3 : i32
      %shift_right_arithmetic3A_1002 = vector.broadcast %shift_right_arithmetic3A_1001 : i32 to vector<16xi32>
      %shift_right_arithmetic3A_1003 = arith.shrsi %add3A_990, %shift_right_arithmetic3A_1002 : vector<16xi32>
      %and3A_1004 = arith.constant 3 : i32
      %and3A_1005 = vector.broadcast %and3A_1004 : i32 to vector<16xi32>
      %and3A_1006 = arith.andi %shift_right_arithmetic3A_1003, %and3A_1005 : vector<16xi32>
      %gather3A_1007 = tpu.vector_load_idx %arg16[%add3A_1000] : memref<32xi32, #tpu.memory_space<vmem>>[vector<16xi32>], vector<16xi32>,
      %mul3A_1008 = arith.constant 2048 : i32
      %mul3A_1009 = vector.broadcast %mul3A_1008 : i32 to vector<16xi32>
      %mul3A_1010 = arith.muli %and3A_1006, %mul3A_1009 : vector<16xi32>
      %add3A_1011 = arith.addi %gather3A_1007, %mul3A_1010 : vector<16xi32>
      %swap3A_1012 = arith.constant 32 : index
      %swap3A_1013 = tpu.vector_load %arg18[%swap3A_1012] {strides = array<i32>} : memref<128xi32, #tpu.memory_space<vmem>>, vector<16xi32>,
      tpu.vector_store %arg18[%swap3A_1012], %add3A_1011 {strides = array<i32>} : memref<128xi32, #tpu.memory_space<vmem>>, vector<16xi32>,
      %add3A_1014 = arith.constant 48 : i32
      %add3A_1015 = vector.broadcast %add3A_1014 : i32 to vector<16xi32>
      %add3A_1016 = arith.addi %iota3A, %add3A_1015 : vector<16xi32>
      %shift_right_arithmetic3A_1017 = arith.constant 5 : i32
      %shift_right_arithmetic3A_1018 = vector.broadcast %shift_right_arithmetic3A_1017 : i32 to vector<16xi32>
      %shift_right_arithmetic3A_1019 = arith.shrsi %add3A_1016, %shift_right_arithmetic3A_1018 : vector<16xi32>
      %mul3A_1020 = arith.constant 8 : i32
      %mul3A_1021 = vector.broadcast %mul3A_1020 : i32 to vector<16xi32>
      %mul3A_1022 = arith.muli %mul3A_1021, %shift_right_arithmetic3A_1019 : vector<16xi32>
      %and3A_1023 = arith.constant 7 : i32
      %and3A_1024 = vector.broadcast %and3A_1023 : i32 to vector<16xi32>
      %and3A_1025 = arith.andi %add3A_1016, %and3A_1024 : vector<16xi32>
      %add3A_1026 = arith.addi %mul3A_1022, %and3A_1025 : vector<16xi32>
      %shift_right_arithmetic3A_1027 = arith.constant 3 : i32
      %shift_right_arithmetic3A_1028 = vector.broadcast %shift_right_arithmetic3A_1027 : i32 to vector<16xi32>
      %shift_right_arithmetic3A_1029 = arith.shrsi %add3A_1016, %shift_right_arithmetic3A_1028 : vector<16xi32>
      %and3A_1030 = arith.constant 3 : i32
      %and3A_1031 = vector.broadcast %and3A_1030 : i32 to vector<16xi32>
      %and3A_1032 = arith.andi %shift_right_arithmetic3A_1029, %and3A_1031 : vector<16xi32>
      %gather3A_1033 = tpu.vector_load_idx %arg16[%add3A_1026] : memref<32xi32, #tpu.memory_space<vmem>>[vector<16xi32>], vector<16xi32>,
      %mul3A_1034 = arith.constant 2048 : i32
      %mul3A_1035 = vector.broadcast %mul3A_1034 : i32 to vector<16xi32>
      %mul3A_1036 = arith.muli %and3A_1032, %mul3A_1035 : vector<16xi32>
      %add3A_1037 = arith.addi %gather3A_1033, %mul3A_1036 : vector<16xi32>
      %swap3A_1038 = arith.constant 48 : index
      %swap3A_1039 = tpu.vector_load %arg18[%swap3A_1038] {strides = array<i32>} : memref<128xi32, #tpu.memory_space<vmem>>, vector<16xi32>,
      tpu.vector_store %arg18[%swap3A_1038], %add3A_1037 {strides = array<i32>} : memref<128xi32, #tpu.memory_space<vmem>>, vector<16xi32>,
      %add3A_1040 = arith.constant 64 : i32
      %add3A_1041 = vector.broadcast %add3A_1040 : i32 to vector<16xi32>
      %add3A_1042 = arith.addi %iota3A, %add3A_1041 : vector<16xi32>
      %shift_right_arithmetic3A_1043 = arith.constant 5 : i32
      %shift_right_arithmetic3A_1044 = vector.broadcast %shift_right_arithmetic3A_1043 : i32 to vector<16xi32>
      %shift_right_arithmetic3A_1045 = arith.shrsi %add3A_1042, %shift_right_arithmetic3A_1044 : vector<16xi32>
      %mul3A_1046 = arith.constant 8 : i32
      %mul3A_1047 = vector.broadcast %mul3A_1046 : i32 to vector<16xi32>
      %mul3A_1048 = arith.muli %mul3A_1047, %shift_right_arithmetic3A_1045 : vector<16xi32>
      %and3A_1049 = arith.constant 7 : i32
      %and3A_1050 = vector.broadcast %and3A_1049 : i32 to vector<16xi32>
      %and3A_1051 = arith.andi %add3A_1042, %and3A_1050 : vector<16xi32>
      %add3A_1052 = arith.addi %mul3A_1048, %and3A_1051 : vector<16xi32>
      %shift_right_arithmetic3A_1053 = arith.constant 3 : i32
      %shift_right_arithmetic3A_1054 = vector.broadcast %shift_right_arithmetic3A_1053 : i32 to vector<16xi32>
      %shift_right_arithmetic3A_1055 = arith.shrsi %add3A_1042, %shift_right_arithmetic3A_1054 : vector<16xi32>
      %and3A_1056 = arith.constant 3 : i32
      %and3A_1057 = vector.broadcast %and3A_1056 : i32 to vector<16xi32>
      %and3A_1058 = arith.andi %shift_right_arithmetic3A_1055, %and3A_1057 : vector<16xi32>
      %gather3A_1059 = tpu.vector_load_idx %arg16[%add3A_1052] : memref<32xi32, #tpu.memory_space<vmem>>[vector<16xi32>], vector<16xi32>,
      %mul3A_1060 = arith.constant 2048 : i32
      %mul3A_1061 = vector.broadcast %mul3A_1060 : i32 to vector<16xi32>
      %mul3A_1062 = arith.muli %and3A_1058, %mul3A_1061 : vector<16xi32>
      %add3A_1063 = arith.addi %gather3A_1059, %mul3A_1062 : vector<16xi32>
      %swap3A_1064 = arith.constant 64 : index
      %swap3A_1065 = tpu.vector_load %arg18[%swap3A_1064] {strides = array<i32>} : memref<128xi32, #tpu.memory_space<vmem>>, vector<16xi32>,
      tpu.vector_store %arg18[%swap3A_1064], %add3A_1063 {strides = array<i32>} : memref<128xi32, #tpu.memory_space<vmem>>, vector<16xi32>,
      %add3A_1066 = arith.constant 80 : i32
      %add3A_1067 = vector.broadcast %add3A_1066 : i32 to vector<16xi32>
      %add3A_1068 = arith.addi %iota3A, %add3A_1067 : vector<16xi32>
      %shift_right_arithmetic3A_1069 = arith.constant 5 : i32
      %shift_right_arithmetic3A_1070 = vector.broadcast %shift_right_arithmetic3A_1069 : i32 to vector<16xi32>
      %shift_right_arithmetic3A_1071 = arith.shrsi %add3A_1068, %shift_right_arithmetic3A_1070 : vector<16xi32>
      %mul3A_1072 = arith.constant 8 : i32
      %mul3A_1073 = vector.broadcast %mul3A_1072 : i32 to vector<16xi32>
      %mul3A_1074 = arith.muli %mul3A_1073, %shift_right_arithmetic3A_1071 : vector<16xi32>
      %and3A_1075 = arith.constant 7 : i32
      %and3A_1076 = vector.broadcast %and3A_1075 : i32 to vector<16xi32>
      %and3A_1077 = arith.andi %add3A_1068, %and3A_1076 : vector<16xi32>
      %add3A_1078 = arith.addi %mul3A_1074, %and3A_1077 : vector<16xi32>
      %shift_right_arithmetic3A_1079 = arith.constant 3 : i32
      %shift_right_arithmetic3A_1080 = vector.broadcast %shift_right_arithmetic3A_1079 : i32 to vector<16xi32>
      %shift_right_arithmetic3A_1081 = arith.shrsi %add3A_1068, %shift_right_arithmetic3A_1080 : vector<16xi32>
      %and3A_1082 = arith.constant 3 : i32
      %and3A_1083 = vector.broadcast %and3A_1082 : i32 to vector<16xi32>
      %and3A_1084 = arith.andi %shift_right_arithmetic3A_1081, %and3A_1083 : vector<16xi32>
      %gather3A_1085 = tpu.vector_load_idx %arg16[%add3A_1078] : memref<32xi32, #tpu.memory_space<vmem>>[vector<16xi32>], vector<16xi32>,
      %mul3A_1086 = arith.constant 2048 : i32
      %mul3A_1087 = vector.broadcast %mul3A_1086 : i32 to vector<16xi32>
      %mul3A_1088 = arith.muli %and3A_1084, %mul3A_1087 : vector<16xi32>
      %add3A_1089 = arith.addi %gather3A_1085, %mul3A_1088 : vector<16xi32>
      %swap3A_1090 = arith.constant 80 : index
      %swap3A_1091 = tpu.vector_load %arg18[%swap3A_1090] {strides = array<i32>} : memref<128xi32, #tpu.memory_space<vmem>>, vector<16xi32>,
      tpu.vector_store %arg18[%swap3A_1090], %add3A_1089 {strides = array<i32>} : memref<128xi32, #tpu.memory_space<vmem>>, vector<16xi32>,
      %add3A_1092 = arith.constant 96 : i32
      %add3A_1093 = vector.broadcast %add3A_1092 : i32 to vector<16xi32>
      %add3A_1094 = arith.addi %iota3A, %add3A_1093 : vector<16xi32>
      %shift_right_arithmetic3A_1095 = arith.constant 5 : i32
      %shift_right_arithmetic3A_1096 = vector.broadcast %shift_right_arithmetic3A_1095 : i32 to vector<16xi32>
      %shift_right_arithmetic3A_1097 = arith.shrsi %add3A_1094, %shift_right_arithmetic3A_1096 : vector<16xi32>
      %mul3A_1098 = arith.constant 8 : i32
      %mul3A_1099 = vector.broadcast %mul3A_1098 : i32 to vector<16xi32>
      %mul3A_1100 = arith.muli %mul3A_1099, %shift_right_arithmetic3A_1097 : vector<16xi32>
      %and3A_1101 = arith.constant 7 : i32
      %and3A_1102 = vector.broadcast %and3A_1101 : i32 to vector<16xi32>
      %and3A_1103 = arith.andi %add3A_1094, %and3A_1102 : vector<16xi32>
      %add3A_1104 = arith.addi %mul3A_1100, %and3A_1103 : vector<16xi32>
      %shift_right_arithmetic3A_1105 = arith.constant 3 : i32
      %shift_right_arithmetic3A_1106 = vector.broadcast %shift_right_arithmetic3A_1105 : i32 to vector<16xi32>
      %shift_right_arithmetic3A_1107 = arith.shrsi %add3A_1094, %shift_right_arithmetic3A_1106 : vector<16xi32>
      %and3A_1108 = arith.constant 3 : i32
      %and3A_1109 = vector.broadcast %and3A_1108 : i32 to vector<16xi32>
      %and3A_1110 = arith.andi %shift_right_arithmetic3A_1107, %and3A_1109 : vector<16xi32>
      %gather3A_1111 = tpu.vector_load_idx %arg16[%add3A_1104] : memref<32xi32, #tpu.memory_space<vmem>>[vector<16xi32>], vector<16xi32>,
      %mul3A_1112 = arith.constant 2048 : i32
      %mul3A_1113 = vector.broadcast %mul3A_1112 : i32 to vector<16xi32>
      %mul3A_1114 = arith.muli %and3A_1110, %mul3A_1113 : vector<16xi32>
      %add3A_1115 = arith.addi %gather3A_1111, %mul3A_1114 : vector<16xi32>
      %swap3A_1116 = arith.constant 96 : index
      %swap3A_1117 = tpu.vector_load %arg18[%swap3A_1116] {strides = array<i32>} : memref<128xi32, #tpu.memory_space<vmem>>, vector<16xi32>,
      tpu.vector_store %arg18[%swap3A_1116], %add3A_1115 {strides = array<i32>} : memref<128xi32, #tpu.memory_space<vmem>>, vector<16xi32>,
      %add3A_1118 = arith.constant 112 : i32
      %add3A_1119 = vector.broadcast %add3A_1118 : i32 to vector<16xi32>
      %add3A_1120 = arith.addi %iota3A, %add3A_1119 : vector<16xi32>
      %shift_right_arithmetic3A_1121 = arith.constant 5 : i32
      %shift_right_arithmetic3A_1122 = vector.broadcast %shift_right_arithmetic3A_1121 : i32 to vector<16xi32>
      %shift_right_arithmetic3A_1123 = arith.shrsi %add3A_1120, %shift_right_arithmetic3A_1122 : vector<16xi32>
      %mul3A_1124 = arith.constant 8 : i32
      %mul3A_1125 = vector.broadcast %mul3A_1124 : i32 to vector<16xi32>
      %mul3A_1126 = arith.muli %mul3A_1125, %shift_right_arithmetic3A_1123 : vector<16xi32>
      %and3A_1127 = arith.constant 7 : i32
      %and3A_1128 = vector.broadcast %and3A_1127 : i32 to vector<16xi32>
      %and3A_1129 = arith.andi %add3A_1120, %and3A_1128 : vector<16xi32>
      %add3A_1130 = arith.addi %mul3A_1126, %and3A_1129 : vector<16xi32>
      %shift_right_arithmetic3A_1131 = arith.constant 3 : i32
      %shift_right_arithmetic3A_1132 = vector.broadcast %shift_right_arithmetic3A_1131 : i32 to vector<16xi32>
      %shift_right_arithmetic3A_1133 = arith.shrsi %add3A_1120, %shift_right_arithmetic3A_1132 : vector<16xi32>
      %and3A_1134 = arith.constant 3 : i32
      %and3A_1135 = vector.broadcast %and3A_1134 : i32 to vector<16xi32>
      %and3A_1136 = arith.andi %shift_right_arithmetic3A_1133, %and3A_1135 : vector<16xi32>
      %gather3A_1137 = tpu.vector_load_idx %arg16[%add3A_1130] : memref<32xi32, #tpu.memory_space<vmem>>[vector<16xi32>], vector<16xi32>,
      %mul3A_1138 = arith.constant 2048 : i32
      %mul3A_1139 = vector.broadcast %mul3A_1138 : i32 to vector<16xi32>
      %mul3A_1140 = arith.muli %and3A_1136, %mul3A_1139 : vector<16xi32>
      %add3A_1141 = arith.addi %gather3A_1137, %mul3A_1140 : vector<16xi32>
      %swap3A_1142 = arith.constant 112 : index
      %swap3A_1143 = tpu.vector_load %arg18[%swap3A_1142] {strides = array<i32>} : memref<128xi32, #tpu.memory_space<vmem>>, vector<16xi32>,
      tpu.vector_store %arg18[%swap3A_1142], %add3A_1141 {strides = array<i32>} : memref<128xi32, #tpu.memory_space<vmem>>, vector<16xi32>,
      %get3A_1144 = arith.constant 0 : index
      %get3A_1145 = tpu.vector_load %arg16[%get3A_1144] {strides = array<i32>} : memref<32xi32, #tpu.memory_space<vmem>>, vector<16xi32>,
      %get3A_1146 = arith.constant 1 : i32
      %get3A_1147 = arith.index_cast %get3A_1146 : i32 to index
      %get3A_1148 = arith.constant 0 : index
      %get3A_1149 = tpu.vector_load %arg14[%get3A_1147, %get3A_1148] {strides = array<i32>} : memref<2x32xf32, #tpu.memory_space<vmem>>, vector<16xf32>,
      tpu.vector_store_idx %arg19[%get3A_1145], %get3A_1149 {add = true} : memref<2048xf32, #tpu.memory_space<vmem>>[vector<16xi32>], vector<16xf32>,
      %get3A_1150 = arith.constant 16 : index
      %get3A_1151 = tpu.vector_load %arg16[%get3A_1150] {strides = array<i32>} : memref<32xi32, #tpu.memory_space<vmem>>, vector<16xi32>,
      %get3A_1152 = arith.constant 1 : i32
      %get3A_1153 = arith.index_cast %get3A_1152 : i32 to index
      %get3A_1154 = arith.constant 16 : index
      %get3A_1155 = tpu.vector_load %arg14[%get3A_1153, %get3A_1154] {strides = array<i32>} : memref<2x32xf32, #tpu.memory_space<vmem>>, vector<16xf32>,
      tpu.vector_store_idx %arg19[%get3A_1151], %get3A_1155 {add = true} : memref<2048xf32, #tpu.memory_space<vmem>>[vector<16xi32>], vector<16xf32>,
      %dma_start3A_1156 = arith.constant 1 : i32
      %dma_start3A_1157 = arith.constant 0 : i32
      %dma_start3A_1158 = arith.constant 0 : i32
      %dma_start3A_1159 = tpu.memref_slice %arg12[%dma_start3A_1156, %dma_start3A_1157, %dma_start3A_1158] : memref<2x128x128xf32, #tpu.memory_space<vmem>> -> memref<1x128x128xf32, #tpu.memory_space<vmem>>
      %dma_start3A_1160 = tpu.memref_squeeze %dma_start3A_1159 : memref<1x128x128xf32, #tpu.memory_space<vmem>> -> memref<128x128xf32, #tpu.memory_space<vmem>>
      %dma_start3A_1161 = arith.constant 0 : i32
      %dma_start3A_1162 = arith.constant 0 : i32
      %dma_start3A_1163 = tpu.memref_slice %arg10[%dma_start3A_1161, %dma_start3A_1162] : memref<8192x128xf32, #tpu.memory_space<vmem_shared>> -> memref<8192x128xf32, #tpu.memory_space<vmem_shared>>
      tpu.enqueue_indirect_dma source(%dma_start3A_1160 : memref<128x128xf32, #tpu.memory_space<vmem>>) target(%dma_start3A_1163 : memref<8192x128xf32, #tpu.memory_space<vmem_shared>>) offsets(%arg18 : memref<128xi32, #tpu.memory_space<vmem>>) semaphore(%arg25 : memref<!tpu.dma_semaphore, #tpu.memory_space<semaphore_mem>>) {add = true}
      %dma_start3A_1164 = arith.constant 1 : i32
      %dma_start3A_1165 = arith.constant 0 : i32
      %dma_start3A_1166 = arith.constant 0 : i32
      %dma_start3A_1167 = tpu.memref_slice %arg13[%dma_start3A_1164, %dma_start3A_1165, %dma_start3A_1166] : memref<2x32x64xf32, #tpu.memory_space<vmem>> -> memref<1x32x64xf32, #tpu.memory_space<vmem>>
      %dma_start3A_1168 = tpu.memref_squeeze %dma_start3A_1167 : memref<1x32x64xf32, #tpu.memory_space<vmem>> -> memref<32x64xf32, #tpu.memory_space<vmem>>
      %dma_start3A_1169 = arith.constant 0 : i32
      %dma_start3A_1170 = arith.constant 0 : i32
      %dma_start3A_1171 = tpu.memref_slice %arg9[%dma_start3A_1169, %dma_start3A_1170] : memref<2048x64xf32, #tpu.memory_space<vmem_shared>> -> memref<2048x64xf32, #tpu.memory_space<vmem_shared>>
      tpu.enqueue_indirect_dma source(%dma_start3A_1168 : memref<32x64xf32, #tpu.memory_space<vmem>>) target(%dma_start3A_1171 : memref<2048x64xf32, #tpu.memory_space<vmem_shared>>) offsets(%arg16 : memref<32xi32, #tpu.memory_space<vmem>>) semaphore(%arg25 : memref<!tpu.dma_semaphore, #tpu.memory_space<semaphore_mem>>) {add = true}
      %dma_wait3A_1172 = arith.constant 1 : i32
      %dma_wait3A_1173 = arith.constant 0 : i32
      %dma_wait3A_1174 = arith.constant 0 : i32
      %dma_wait3A_1175 = tpu.memref_slice %arg12[%dma_wait3A_1172, %dma_wait3A_1173, %dma_wait3A_1174] : memref<2x128x128xf32, #tpu.memory_space<vmem>> -> memref<1x128x128xf32, #tpu.memory_space<vmem>>
      %dma_wait3A_1176 = tpu.memref_squeeze %dma_wait3A_1175 : memref<1x128x128xf32, #tpu.memory_space<vmem>> -> memref<128x128xf32, #tpu.memory_space<vmem>>
      %dma_wait3A_1177 = arith.constant 0 : i32
      %dma_wait3A_1178 = arith.constant 0 : i32
      %dma_wait3A_1179 = tpu.memref_slice %arg10[%dma_wait3A_1177, %dma_wait3A_1178] : memref<8192x128xf32, #tpu.memory_space<vmem_shared>> -> memref<8192x128xf32, #tpu.memory_space<vmem_shared>>
      tpu.wait_indirect_dma semaphore(%arg25 : memref<!tpu.dma_semaphore, #tpu.memory_space<semaphore_mem>>) src(%dma_wait3A_1176 : memref<128x128xf32, #tpu.memory_space<vmem>>) dst(%dma_wait3A_1179 : memref<8192x128xf32, #tpu.memory_space<vmem_shared>>)
      %dma_wait3A_1180 = arith.constant 1 : i32
      %dma_wait3A_1181 = arith.constant 0 : i32
      %dma_wait3A_1182 = arith.constant 0 : i32
      %dma_wait3A_1183 = tpu.memref_slice %arg13[%dma_wait3A_1180, %dma_wait3A_1181, %dma_wait3A_1182] : memref<2x32x64xf32, #tpu.memory_space<vmem>> -> memref<1x32x64xf32, #tpu.memory_space<vmem>>
      %dma_wait3A_1184 = tpu.memref_squeeze %dma_wait3A_1183 : memref<1x32x64xf32, #tpu.memory_space<vmem>> -> memref<32x64xf32, #tpu.memory_space<vmem>>
      %dma_wait3A_1185 = arith.constant 0 : i32
      %dma_wait3A_1186 = arith.constant 0 : i32
      %dma_wait3A_1187 = tpu.memref_slice %arg9[%dma_wait3A_1185, %dma_wait3A_1186] : memref<2048x64xf32, #tpu.memory_space<vmem_shared>> -> memref<2048x64xf32, #tpu.memory_space<vmem_shared>>
      tpu.wait_indirect_dma semaphore(%arg25 : memref<!tpu.dma_semaphore, #tpu.memory_space<semaphore_mem>>) src(%dma_wait3A_1184 : memref<32x64xf32, #tpu.memory_space<vmem>>) dst(%dma_wait3A_1187 : memref<2048x64xf32, #tpu.memory_space<vmem_shared>>)
      %add3A_1188 = arith.constant 2 : i32
      %add3A_1189 = arith.addi %add3A_801, %add3A_1188 : i32
      %lt3A_1190 = arith.constant 100 : i32
      %lt3A_1191 = arith.cmpi slt, %add3A_1189, %lt3A_1190 : i32
      %convert_element_type3A_1192 = arith.extui %lt3A_1191 : i1 to i32
      %cond3A_1193 = arith.constant 0 : i32
      %cond3A_1194 = arith.cmpi ne, %convert_element_type3A_1192, %cond3A_1193 : i32
      scf.if %cond3A_1194 {
        %add3A_1196 = arith.constant 2 : i32
        %add3A_1197 = arith.addi %add3A_801, %add3A_1196 : i32
        %mul3A_1198 = arith.constant 32 : i32
        %mul3A_1199 = arith.muli %add3A_1197, %mul3A_1198 : i32
        %add3A_1200 = arith.addi %mul3A_59, %mul3A_1199 : i32
        %dma_start3A_1201 = tpu.memref_slice %arg5[%add3A_1200] : memref<51200xi32, #tpu.memory_space<hbm>> -> memref<32xi32, #tpu.memory_space<hbm>>
        %dma_start3A_1202 = tpu.memref_slice %arg5[%add3A_1200] : memref<51200xi32, #tpu.memory_space<hbm>> -> memref<32xi32, #tpu.memory_space<hbm>>
        tpu.enqueue_dma source(%dma_start3A_1202 : memref<32xi32, #tpu.memory_space<hbm>>) target(%arg16 : memref<32xi32, #tpu.memory_space<vmem>>) target_semaphore(%arg23 : memref<!tpu.dma_semaphore, #tpu.memory_space<semaphore_mem>>)
        %dma_start3A_1203 = arith.constant 1 : i32
        %dma_start3A_1204 = arith.constant 0 : i32
        %dma_start3A_1205 = tpu.memref_slice %arg14[%dma_start3A_1203, %dma_start3A_1204] : memref<2x32xf32, #tpu.memory_space<vmem>> -> memref<1x32xf32, #tpu.memory_space<vmem>>
        %dma_start3A_1206 = tpu.memref_squeeze %dma_start3A_1205 : memref<1x32xf32, #tpu.memory_space<vmem>> -> memref<32xf32, #tpu.memory_space<vmem>>
        %dma_start3A_1207 = tpu.memref_slice %arg2[%add3A_1200] : memref<51200xf32, #tpu.memory_space<hbm>> -> memref<32xf32, #tpu.memory_space<hbm>>
        %dma_start3A_1208 = arith.constant 0 : i32
        %dma_start3A_1209 = tpu.memref_slice %arg14[%dma_start3A_1203, %dma_start3A_1208] : memref<2x32xf32, #tpu.memory_space<vmem>> -> memref<1x32xf32, #tpu.memory_space<vmem>>
        %dma_start3A_1210 = tpu.memref_squeeze %dma_start3A_1209 : memref<1x32xf32, #tpu.memory_space<vmem>> -> memref<32xf32, #tpu.memory_space<vmem>>
        %dma_start3A_1211 = tpu.memref_slice %arg2[%add3A_1200] : memref<51200xf32, #tpu.memory_space<hbm>> -> memref<32xf32, #tpu.memory_space<hbm>>
        tpu.enqueue_dma source(%dma_start3A_1211 : memref<32xf32, #tpu.memory_space<hbm>>) target(%dma_start3A_1210 : memref<32xf32, #tpu.memory_space<vmem>>) target_semaphore(%arg23 : memref<!tpu.dma_semaphore, #tpu.memory_space<semaphore_mem>>)
        %mul3A_1212 = arith.constant 32 : i32
        %mul3A_1213 = arith.muli %add3A_1197, %mul3A_1212 : i32
        %add3A_1214 = arith.addi %mul3A_59, %mul3A_1213 : i32
        %jit3A_1215 = arith.constant 8 : i32
        %div3A_1216 = arith.divsi %add3A_1214, %jit3A_1215 : i32
        %sign3A_1217 = arith.constant 0 : i32
        %sign3A_1218 = arith.cmpi sgt, %add3A_1214, %sign3A_1217 : i32
        %sign3A_1219 = arith.extui %sign3A_1218 : i1 to i32
        %sign3A_1220 = arith.constant 0 : i32
        %sign3A_1221 = arith.cmpi slt, %add3A_1214, %sign3A_1220 : i32
        %sign3A_1222 = arith.extui %sign3A_1221 : i1 to i32
        %sign3A_1223 = arith.subi %sign3A_1219, %sign3A_1222 : i32
        %sign3A_1224 = arith.constant 0 : i32
        %sign3A_1225 = arith.cmpi sgt, %jit3A_1215, %sign3A_1224 : i32
        %sign3A_1226 = arith.extui %sign3A_1225 : i1 to i32
        %sign3A_1227 = arith.constant 0 : i32
        %sign3A_1228 = arith.cmpi slt, %jit3A_1215, %sign3A_1227 : i32
        %sign3A_1229 = arith.extui %sign3A_1228 : i1 to i32
        %sign3A_1230 = arith.subi %sign3A_1226, %sign3A_1229 : i32
        %ne3A_1231 = arith.cmpi ne, %sign3A_1223, %sign3A_1230 : i32
        %rem3A_1232 = arith.remsi %add3A_1214, %jit3A_1215 : i32
        %ne3A_1233 = arith.constant 0 : i32
        %ne3A_1234 = arith.cmpi ne, %rem3A_1232, %ne3A_1233 : i32
        %and3A_1235 = arith.andi %ne3A_1231, %ne3A_1234 : i1
        %sub3A_1236 = arith.constant 1 : i32
        %sub3A_1237 = arith.subi %div3A_1216, %sub3A_1236 : i32
        %select_n3A_1238 = arith.select %and3A_1235, %sub3A_1237, %div3A_1216 : i32
        %add3A_1239 = arith.constant 0 : i32
        %add3A_1240 = arith.addi %select_n3A_1238, %add3A_1239 : i32
        %mul3A_1241 = arith.constant 64 : i32
        %mul3A_1242 = arith.muli %add3A_1240, %mul3A_1241 : i32
        %mul3A_1243 = arith.constant 32 : i32
        %mul3A_1244 = arith.muli %arg0, %mul3A_1243 : i32
        %add3A_1245 = arith.addi %mul3A_1242, %mul3A_1244 : i32
        %dma_start3A_1246 = arith.constant 1 : i32
        %dma_start3A_1247 = arith.constant 0 : i32
        %dma_start3A_1248 = arith.constant 0 : i32
        %dma_start3A_1249 = tpu.memref_slice %arg12[%dma_start3A_1246, %dma_start3A_1247, %dma_start3A_1248] : memref<2x128x128xf32, #tpu.memory_space<vmem>> -> memref<1x32x128xf32, #tpu.memory_space<vmem>>
        %dma_start3A_1250 = tpu.memref_squeeze %dma_start3A_1249 : memref<1x32x128xf32, #tpu.memory_space<vmem>> -> memref<32x128xf32, #tpu.memory_space<vmem>>
        %dma_start3A_1251 = arith.constant 0 : i32
        %dma_start3A_1252 = tpu.memref_slice %arg4[%add3A_1245, %dma_start3A_1251] : memref<409600x128xf32, #tpu.memory_space<hbm>> -> memref<32x128xf32, #tpu.memory_space<hbm>>
        %dma_start3A_1253 = arith.constant 0 : i32
        %dma_start3A_1254 = arith.constant 0 : i32
        %dma_start3A_1255 = tpu.memref_slice %arg12[%dma_start3A_1246, %dma_start3A_1253, %dma_start3A_1254] : memref<2x128x128xf32, #tpu.memory_space<vmem>> -> memref<1x32x128xf32, #tpu.memory_space<vmem>>
        %dma_start3A_1256 = tpu.memref_squeeze %dma_start3A_1255 : memref<1x32x128xf32, #tpu.memory_space<vmem>> -> memref<32x128xf32, #tpu.memory_space<vmem>>
        %dma_start3A_1257 = arith.constant 0 : i32
        %dma_start3A_1258 = tpu.memref_slice %arg4[%add3A_1245, %dma_start3A_1257] : memref<409600x128xf32, #tpu.memory_space<hbm>> -> memref<32x128xf32, #tpu.memory_space<hbm>>
        tpu.enqueue_dma source(%dma_start3A_1258 : memref<32x128xf32, #tpu.memory_space<hbm>>) target(%dma_start3A_1256 : memref<32x128xf32, #tpu.memory_space<vmem>>) target_semaphore(%arg23 : memref<!tpu.dma_semaphore, #tpu.memory_space<semaphore_mem>>)
        %add3A_1259 = arith.constant 1 : i32
        %add3A_1260 = arith.addi %select_n3A_1238, %add3A_1259 : i32
        %mul3A_1261 = arith.constant 64 : i32
        %mul3A_1262 = arith.muli %add3A_1260, %mul3A_1261 : i32
        %mul3A_1263 = arith.constant 32 : i32
        %mul3A_1264 = arith.muli %arg0, %mul3A_1263 : i32
        %add3A_1265 = arith.addi %mul3A_1262, %mul3A_1264 : i32
        %dma_start3A_1266 = arith.constant 1 : i32
        %dma_start3A_1267 = arith.constant 32 : i32
        %dma_start3A_1268 = arith.constant 0 : i32
        %dma_start3A_1269 = tpu.memref_slice %arg12[%dma_start3A_1266, %dma_start3A_1267, %dma_start3A_1268] : memref<2x128x128xf32, #tpu.memory_space<vmem>> -> memref<1x32x128xf32, #tpu.memory_space<vmem>>
        %dma_start3A_1270 = tpu.memref_squeeze %dma_start3A_1269 : memref<1x32x128xf32, #tpu.memory_space<vmem>> -> memref<32x128xf32, #tpu.memory_space<vmem>>
        %dma_start3A_1271 = arith.constant 0 : i32
        %dma_start3A_1272 = tpu.memref_slice %arg4[%add3A_1265, %dma_start3A_1271] : memref<409600x128xf32, #tpu.memory_space<hbm>> -> memref<32x128xf32, #tpu.memory_space<hbm>>
        %dma_start3A_1273 = arith.constant 32 : i32
        %dma_start3A_1274 = arith.constant 0 : i32
        %dma_start3A_1275 = tpu.memref_slice %arg12[%dma_start3A_1266, %dma_start3A_1273, %dma_start3A_1274] : memref<2x128x128xf32, #tpu.memory_space<vmem>> -> memref<1x32x128xf32, #tpu.memory_space<vmem>>
        %dma_start3A_1276 = tpu.memref_squeeze %dma_start3A_1275 : memref<1x32x128xf32, #tpu.memory_space<vmem>> -> memref<32x128xf32, #tpu.memory_space<vmem>>
        %dma_start3A_1277 = arith.constant 0 : i32
        %dma_start3A_1278 = tpu.memref_slice %arg4[%add3A_1265, %dma_start3A_1277] : memref<409600x128xf32, #tpu.memory_space<hbm>> -> memref<32x128xf32, #tpu.memory_space<hbm>>
        tpu.enqueue_dma source(%dma_start3A_1278 : memref<32x128xf32, #tpu.memory_space<hbm>>) target(%dma_start3A_1276 : memref<32x128xf32, #tpu.memory_space<vmem>>) target_semaphore(%arg23 : memref<!tpu.dma_semaphore, #tpu.memory_space<semaphore_mem>>)
        %add3A_1279 = arith.constant 2 : i32
        %add3A_1280 = arith.addi %select_n3A_1238, %add3A_1279 : i32
        %mul3A_1281 = arith.constant 64 : i32
        %mul3A_1282 = arith.muli %add3A_1280, %mul3A_1281 : i32
        %mul3A_1283 = arith.constant 32 : i32
        %mul3A_1284 = arith.muli %arg0, %mul3A_1283 : i32
        %add3A_1285 = arith.addi %mul3A_1282, %mul3A_1284 : i32
        %dma_start3A_1286 = arith.constant 1 : i32
        %dma_start3A_1287 = arith.constant 64 : i32
        %dma_start3A_1288 = arith.constant 0 : i32
        %dma_start3A_1289 = tpu.memref_slice %arg12[%dma_start3A_1286, %dma_start3A_1287, %dma_start3A_1288] : memref<2x128x128xf32, #tpu.memory_space<vmem>> -> memref<1x32x128xf32, #tpu.memory_space<vmem>>
        %dma_start3A_1290 = tpu.memref_squeeze %dma_start3A_1289 : memref<1x32x128xf32, #tpu.memory_space<vmem>> -> memref<32x128xf32, #tpu.memory_space<vmem>>
        %dma_start3A_1291 = arith.constant 0 : i32
        %dma_start3A_1292 = tpu.memref_slice %arg4[%add3A_1285, %dma_start3A_1291] : memref<409600x128xf32, #tpu.memory_space<hbm>> -> memref<32x128xf32, #tpu.memory_space<hbm>>
        %dma_start3A_1293 = arith.constant 64 : i32
        %dma_start3A_1294 = arith.constant 0 : i32
        %dma_start3A_1295 = tpu.memref_slice %arg12[%dma_start3A_1286, %dma_start3A_1293, %dma_start3A_1294] : memref<2x128x128xf32, #tpu.memory_space<vmem>> -> memref<1x32x128xf32, #tpu.memory_space<vmem>>
        %dma_start3A_1296 = tpu.memref_squeeze %dma_start3A_1295 : memref<1x32x128xf32, #tpu.memory_space<vmem>> -> memref<32x128xf32, #tpu.memory_space<vmem>>
        %dma_start3A_1297 = arith.constant 0 : i32
        %dma_start3A_1298 = tpu.memref_slice %arg4[%add3A_1285, %dma_start3A_1297] : memref<409600x128xf32, #tpu.memory_space<hbm>> -> memref<32x128xf32, #tpu.memory_space<hbm>>
        tpu.enqueue_dma source(%dma_start3A_1298 : memref<32x128xf32, #tpu.memory_space<hbm>>) target(%dma_start3A_1296 : memref<32x128xf32, #tpu.memory_space<vmem>>) target_semaphore(%arg23 : memref<!tpu.dma_semaphore, #tpu.memory_space<semaphore_mem>>)
        %add3A_1299 = arith.constant 3 : i32
        %add3A_1300 = arith.addi %select_n3A_1238, %add3A_1299 : i32
        %mul3A_1301 = arith.constant 64 : i32
        %mul3A_1302 = arith.muli %add3A_1300, %mul3A_1301 : i32
        %mul3A_1303 = arith.constant 32 : i32
        %mul3A_1304 = arith.muli %arg0, %mul3A_1303 : i32
        %add3A_1305 = arith.addi %mul3A_1302, %mul3A_1304 : i32
        %dma_start3A_1306 = arith.constant 1 : i32
        %dma_start3A_1307 = arith.constant 96 : i32
        %dma_start3A_1308 = arith.constant 0 : i32
        %dma_start3A_1309 = tpu.memref_slice %arg12[%dma_start3A_1306, %dma_start3A_1307, %dma_start3A_1308] : memref<2x128x128xf32, #tpu.memory_space<vmem>> -> memref<1x32x128xf32, #tpu.memory_space<vmem>>
        %dma_start3A_1310 = tpu.memref_squeeze %dma_start3A_1309 : memref<1x32x128xf32, #tpu.memory_space<vmem>> -> memref<32x128xf32, #tpu.memory_space<vmem>>
        %dma_start3A_1311 = arith.constant 0 : i32
        %dma_start3A_1312 = tpu.memref_slice %arg4[%add3A_1305, %dma_start3A_1311] : memref<409600x128xf32, #tpu.memory_space<hbm>> -> memref<32x128xf32, #tpu.memory_space<hbm>>
        %dma_start3A_1313 = arith.constant 96 : i32
        %dma_start3A_1314 = arith.constant 0 : i32
        %dma_start3A_1315 = tpu.memref_slice %arg12[%dma_start3A_1306, %dma_start3A_1313, %dma_start3A_1314] : memref<2x128x128xf32, #tpu.memory_space<vmem>> -> memref<1x32x128xf32, #tpu.memory_space<vmem>>
        %dma_start3A_1316 = tpu.memref_squeeze %dma_start3A_1315 : memref<1x32x128xf32, #tpu.memory_space<vmem>> -> memref<32x128xf32, #tpu.memory_space<vmem>>
        %dma_start3A_1317 = arith.constant 0 : i32
        %dma_start3A_1318 = tpu.memref_slice %arg4[%add3A_1305, %dma_start3A_1317] : memref<409600x128xf32, #tpu.memory_space<hbm>> -> memref<32x128xf32, #tpu.memory_space<hbm>>
        tpu.enqueue_dma source(%dma_start3A_1318 : memref<32x128xf32, #tpu.memory_space<hbm>>) target(%dma_start3A_1316 : memref<32x128xf32, #tpu.memory_space<vmem>>) target_semaphore(%arg23 : memref<!tpu.dma_semaphore, #tpu.memory_space<semaphore_mem>>)
        %mul3A_1319 = arith.constant 64 : i32
        %mul3A_1320 = arith.muli %arg0, %mul3A_1319 : i32
        %dma_start3A_1321 = arith.constant 1 : i32
        %dma_start3A_1322 = arith.constant 0 : i32
        %dma_start3A_1323 = arith.constant 0 : i32
        %dma_start3A_1324 = tpu.memref_slice %arg13[%dma_start3A_1321, %dma_start3A_1322, %dma_start3A_1323] : memref<2x32x64xf32, #tpu.memory_space<vmem>> -> memref<1x32x64xf32, #tpu.memory_space<vmem>>
        %dma_start3A_1325 = tpu.memref_squeeze %dma_start3A_1324 : memref<1x32x64xf32, #tpu.memory_space<vmem>> -> memref<32x64xf32, #tpu.memory_space<vmem>>
        %dma_start3A_1326 = tpu.memref_slice %arg3[%add3A_1200, %mul3A_1320] : memref<51200x128xf32, #tpu.memory_space<hbm>> -> memref<32x64xf32, #tpu.memory_space<hbm>>
        %dma_start3A_1327 = arith.constant 0 : i32
        %dma_start3A_1328 = arith.constant 0 : i32
        %dma_start3A_1329 = tpu.memref_slice %arg13[%dma_start3A_1321, %dma_start3A_1327, %dma_start3A_1328] : memref<2x32x64xf32, #tpu.memory_space<vmem>> -> memref<1x32x64xf32, #tpu.memory_space<vmem>>
        %dma_start3A_1330 = tpu.memref_squeeze %dma_start3A_1329 : memref<1x32x64xf32, #tpu.memory_space<vmem>> -> memref<32x64xf32, #tpu.memory_space<vmem>>
        %dma_start3A_1331 = tpu.memref_slice %arg3[%add3A_1200, %mul3A_1320] : memref<51200x128xf32, #tpu.memory_space<hbm>> -> memref<32x64xf32, #tpu.memory_space<hbm>>
        tpu.enqueue_dma source(%dma_start3A_1331 : memref<32x64xf32, #tpu.memory_space<hbm>>) target(%dma_start3A_1330 : memref<32x64xf32, #tpu.memory_space<vmem>>) target_semaphore(%arg23 : memref<!tpu.dma_semaphore, #tpu.memory_space<semaphore_mem>>)
      } else {
      }
      %scan3A_1195 = arith.constant 0 : i32
      scf.yield %scan3A_1195 : i32
    }
    %scan3A_321 = arith.constant 50 : i32
    "tpu.region"() ({
      %run_scoped3A_405 = tpu.sem_alloc : memref<!tpu.dma_semaphore, #tpu.memory_space<semaphore_mem>>
      %dma_start3A_406 = arith.constant 0 : i32
      %dma_start3A_407 = tpu.memref_slice %arg11[%arg1, %dma_start3A_406] : memref<16x2048xf32, #tpu.memory_space<vmem_shared>> -> memref<1x2048xf32, #tpu.memory_space<vmem_shared>>
      %dma_start3A_408 = tpu.memref_squeeze %dma_start3A_407 : memref<1x2048xf32, #tpu.memory_space<vmem_shared>> -> memref<2048xf32, #tpu.memory_space<vmem_shared>>
      %dma_start3A_409 = arith.constant 0 : i32
      %dma_start3A_410 = tpu.memref_slice %arg11[%arg1, %dma_start3A_409] : memref<16x2048xf32, #tpu.memory_space<vmem_shared>> -> memref<1x2048xf32, #tpu.memory_space<vmem_shared>>
      %dma_start3A_411 = tpu.memref_squeeze %dma_start3A_410 : memref<1x2048xf32, #tpu.memory_space<vmem_shared>> -> memref<2048xf32, #tpu.memory_space<vmem_shared>>
      tpu.enqueue_dma source(%arg19 : memref<2048xf32, #tpu.memory_space<vmem>>) target(%dma_start3A_411 : memref<2048xf32, #tpu.memory_space<vmem_shared>>) target_semaphore(%run_scoped3A_405 : memref<!tpu.dma_semaphore, #tpu.memory_space<semaphore_mem>>)
      %dma_wait3A = arith.constant 0 : i32
      %dma_wait3A_412 = tpu.memref_slice %arg11[%arg1, %dma_wait3A] : memref<16x2048xf32, #tpu.memory_space<vmem_shared>> -> memref<1x2048xf32, #tpu.memory_space<vmem_shared>>
      %dma_wait3A_413 = tpu.memref_squeeze %dma_wait3A_412 : memref<1x2048xf32, #tpu.memory_space<vmem_shared>> -> memref<2048xf32, #tpu.memory_space<vmem_shared>>
      %dma_wait3A_414 = arith.constant 0 : i32
      %dma_wait3A_415 = tpu.memref_slice %arg11[%arg1, %dma_wait3A_414] : memref<16x2048xf32, #tpu.memory_space<vmem_shared>> -> memref<1x2048xf32, #tpu.memory_space<vmem_shared>>
      %dma_wait3A_416 = tpu.memref_squeeze %dma_wait3A_415 : memref<1x2048xf32, #tpu.memory_space<vmem_shared>> -> memref<2048xf32, #tpu.memory_space<vmem_shared>>
      tpu.wait_dma2 semaphore(%run_scoped3A_405 : memref<!tpu.dma_semaphore, #tpu.memory_space<semaphore_mem>>) src(%arg19 : memref<2048xf32, #tpu.memory_space<vmem>>) dst(%dma_wait3A_416 : memref<2048xf32, #tpu.memory_space<vmem_shared>>)
      tpu.yield
    }) : () -> ()
    %barrier3A_322 = arith.constant 0 : index
    tpu.barrier barrier_id(%barrier3A_322)
    %mul3A_323 = arith.constant 128 : i32
    %mul3A_324 = arith.muli %arg1, %mul3A_323 : i32
    %add3A_325 = arith.constant 0 : i32
    %add3A_326 = arith.addi %add3A_325, %mul3A_324 : i32
    %run_scoped3A_327 = arith.constant 0 : i32
    "tpu.region"() ({
      %run_scoped3A_405 = tpu.sem_alloc : memref<!tpu.dma_semaphore, #tpu.memory_space<semaphore_mem>>
      %dma_start3A_406 = arith.constant 0 : i32
      %dma_start3A_407 = arith.constant 0 : i32
      %dma_start3A_408 = tpu.memref_slice %arg12[%run_scoped3A_327, %dma_start3A_406, %dma_start3A_407] : memref<2x128x128xf32, #tpu.memory_space<vmem>> -> memref<1x128x128xf32, #tpu.memory_space<vmem>>
      %dma_start3A_409 = tpu.memref_squeeze %dma_start3A_408 : memref<1x128x128xf32, #tpu.memory_space<vmem>> -> memref<128x128xf32, #tpu.memory_space<vmem>>
      %dma_start3A_410 = arith.constant 0 : i32
      %dma_start3A_411 = tpu.memref_slice %arg10[%add3A_326, %dma_start3A_410] : memref<8192x128xf32, #tpu.memory_space<vmem_shared>> -> memref<128x128xf32, #tpu.memory_space<vmem_shared>>
      %dma_start3A_412 = arith.constant 0 : i32
      %dma_start3A_413 = arith.constant 0 : i32
      %dma_start3A_414 = tpu.memref_slice %arg12[%run_scoped3A_327, %dma_start3A_412, %dma_start3A_413] : memref<2x128x128xf32, #tpu.memory_space<vmem>> -> memref<1x128x128xf32, #tpu.memory_space<vmem>>
      %dma_start3A_415 = tpu.memref_squeeze %dma_start3A_414 : memref<1x128x128xf32, #tpu.memory_space<vmem>> -> memref<128x128xf32, #tpu.memory_space<vmem>>
      %dma_start3A_416 = arith.constant 0 : i32
      %dma_start3A_417 = tpu.memref_slice %arg10[%add3A_326, %dma_start3A_416] : memref<8192x128xf32, #tpu.memory_space<vmem_shared>> -> memref<128x128xf32, #tpu.memory_space<vmem_shared>>
      tpu.enqueue_dma source(%dma_start3A_417 : memref<128x128xf32, #tpu.memory_space<vmem_shared>>) target(%dma_start3A_415 : memref<128x128xf32, #tpu.memory_space<vmem>>) target_semaphore(%run_scoped3A_405 : memref<!tpu.dma_semaphore, #tpu.memory_space<semaphore_mem>>)
      %dma_wait3A = arith.constant 0 : i32
      %dma_wait3A_418 = arith.constant 0 : i32
      %dma_wait3A_419 = tpu.memref_slice %arg12[%run_scoped3A_327, %dma_wait3A, %dma_wait3A_418] : memref<2x128x128xf32, #tpu.memory_space<vmem>> -> memref<1x128x128xf32, #tpu.memory_space<vmem>>
      %dma_wait3A_420 = tpu.memref_squeeze %dma_wait3A_419 : memref<1x128x128xf32, #tpu.memory_space<vmem>> -> memref<128x128xf32, #tpu.memory_space<vmem>>
      %dma_wait3A_421 = arith.constant 0 : i32
      %dma_wait3A_422 = tpu.memref_slice %arg10[%add3A_326, %dma_wait3A_421] : memref<8192x128xf32, #tpu.memory_space<vmem_shared>> -> memref<128x128xf32, #tpu.memory_space<vmem_shared>>
      %dma_wait3A_423 = arith.constant 0 : i32
      %dma_wait3A_424 = arith.constant 0 : i32
      %dma_wait3A_425 = tpu.memref_slice %arg12[%run_scoped3A_327, %dma_wait3A_423, %dma_wait3A_424] : memref<2x128x128xf32, #tpu.memory_space<vmem>> -> memref<1x128x128xf32, #tpu.memory_space<vmem>>
      %dma_wait3A_426 = tpu.memref_squeeze %dma_wait3A_425 : memref<1x128x128xf32, #tpu.memory_space<vmem>> -> memref<128x128xf32, #tpu.memory_space<vmem>>
      %dma_wait3A_427 = arith.constant 0 : i32
      %dma_wait3A_428 = tpu.memref_slice %arg10[%add3A_326, %dma_wait3A_427] : memref<8192x128xf32, #tpu.memory_space<vmem_shared>> -> memref<128x128xf32, #tpu.memory_space<vmem_shared>>
      tpu.wait_dma2 semaphore(%run_scoped3A_405 : memref<!tpu.dma_semaphore, #tpu.memory_space<semaphore_mem>>) src(%dma_wait3A_428 : memref<128x128xf32, #tpu.memory_space<vmem_shared>>) dst(%dma_wait3A_426 : memref<128x128xf32, #tpu.memory_space<vmem>>)
      tpu.yield
    }) : () -> ()
    %mul3A_328 = arith.constant 128 : i32
    %mul3A_329 = arith.muli %arg1, %mul3A_328 : i32
    %mul3A_330 = arith.constant 4 : i32
    %mul3A_331 = arith.muli %mul3A_330, %arg0 : i32
    %add3A_332 = arith.constant 0 : i32
    %add3A_333 = arith.addi %mul3A_331, %add3A_332 : i32
    %mul3A_334 = arith.constant 128 : i32
    %mul3A_335 = arith.muli %add3A_333, %mul3A_334 : i32
    %run_scoped3A_336 = arith.constant 0 : i32
    "tpu.region"() ({
      %run_scoped3A_405 = tpu.sem_alloc : memref<!tpu.dma_semaphore, #tpu.memory_space<semaphore_mem>>
      %dma_start3A_406 = arith.constant 0 : i32
      %dma_start3A_407 = arith.constant 0 : i32
      %dma_start3A_408 = tpu.memref_slice %arg12[%run_scoped3A_336, %dma_start3A_406, %dma_start3A_407] : memref<2x128x128xf32, #tpu.memory_space<vmem>> -> memref<1x128x128xf32, #tpu.memory_space<vmem>>
      %dma_start3A_409 = tpu.memref_squeeze %dma_start3A_408 : memref<1x128x128xf32, #tpu.memory_space<vmem>> -> memref<128x128xf32, #tpu.memory_space<vmem>>
      %dma_start3A_410 = tpu.memref_slice %arg8[%mul3A_329, %mul3A_335] : memref<2048x1024xf32, #tpu.memory_space<hbm>> -> memref<128x128xf32, #tpu.memory_space<hbm>>
      %dma_start3A_411 = tpu.memref_slice %arg8[%mul3A_329, %mul3A_335] : memref<2048x1024xf32, #tpu.memory_space<hbm>> -> memref<128x128xf32, #tpu.memory_space<hbm>>
      %dma_start3A_412 = arith.constant 0 : i32
      %dma_start3A_413 = arith.constant 0 : i32
      %dma_start3A_414 = tpu.memref_slice %arg12[%run_scoped3A_336, %dma_start3A_412, %dma_start3A_413] : memref<2x128x128xf32, #tpu.memory_space<vmem>> -> memref<1x128x128xf32, #tpu.memory_space<vmem>>
      %dma_start3A_415 = tpu.memref_squeeze %dma_start3A_414 : memref<1x128x128xf32, #tpu.memory_space<vmem>> -> memref<128x128xf32, #tpu.memory_space<vmem>>
      tpu.enqueue_dma source(%dma_start3A_415 : memref<128x128xf32, #tpu.memory_space<vmem>>) target(%dma_start3A_411 : memref<128x128xf32, #tpu.memory_space<hbm>>) target_semaphore(%run_scoped3A_405 : memref<!tpu.dma_semaphore, #tpu.memory_space<semaphore_mem>>)
      %dma_wait3A = arith.constant 0 : i32
      %dma_wait3A_416 = arith.constant 0 : i32
      %dma_wait3A_417 = tpu.memref_slice %arg12[%run_scoped3A_336, %dma_wait3A, %dma_wait3A_416] : memref<2x128x128xf32, #tpu.memory_space<vmem>> -> memref<1x128x128xf32, #tpu.memory_space<vmem>>
      %dma_wait3A_418 = tpu.memref_squeeze %dma_wait3A_417 : memref<1x128x128xf32, #tpu.memory_space<vmem>> -> memref<128x128xf32, #tpu.memory_space<vmem>>
      %dma_wait3A_419 = tpu.memref_slice %arg8[%mul3A_329, %mul3A_335] : memref<2048x1024xf32, #tpu.memory_space<hbm>> -> memref<128x128xf32, #tpu.memory_space<hbm>>
      %dma_wait3A_420 = tpu.memref_slice %arg8[%mul3A_329, %mul3A_335] : memref<2048x1024xf32, #tpu.memory_space<hbm>> -> memref<128x128xf32, #tpu.memory_space<hbm>>
      %dma_wait3A_421 = arith.constant 0 : i32
      %dma_wait3A_422 = arith.constant 0 : i32
      %dma_wait3A_423 = tpu.memref_slice %arg12[%run_scoped3A_336, %dma_wait3A_421, %dma_wait3A_422] : memref<2x128x128xf32, #tpu.memory_space<vmem>> -> memref<1x128x128xf32, #tpu.memory_space<vmem>>
      %dma_wait3A_424 = tpu.memref_squeeze %dma_wait3A_423 : memref<1x128x128xf32, #tpu.memory_space<vmem>> -> memref<128x128xf32, #tpu.memory_space<vmem>>
      tpu.wait_dma2 semaphore(%run_scoped3A_405 : memref<!tpu.dma_semaphore, #tpu.memory_space<semaphore_mem>>) src(%dma_wait3A_424 : memref<128x128xf32, #tpu.memory_space<vmem>>) dst(%dma_wait3A_420 : memref<128x128xf32, #tpu.memory_space<hbm>>)
      tpu.yield
    }) : () -> ()
    %mul3A_337 = arith.constant 128 : i32
    %mul3A_338 = arith.muli %arg1, %mul3A_337 : i32
    %add3A_339 = arith.constant 2048 : i32
    %add3A_340 = arith.addi %add3A_339, %mul3A_338 : i32
    %run_scoped3A_341 = arith.constant 0 : i32
    "tpu.region"() ({
      %run_scoped3A_405 = tpu.sem_alloc : memref<!tpu.dma_semaphore, #tpu.memory_space<semaphore_mem>>
      %dma_start3A_406 = arith.constant 0 : i32
      %dma_start3A_407 = arith.constant 0 : i32
      %dma_start3A_408 = tpu.memref_slice %arg12[%run_scoped3A_341, %dma_start3A_406, %dma_start3A_407] : memref<2x128x128xf32, #tpu.memory_space<vmem>> -> memref<1x128x128xf32, #tpu.memory_space<vmem>>
      %dma_start3A_409 = tpu.memref_squeeze %dma_start3A_408 : memref<1x128x128xf32, #tpu.memory_space<vmem>> -> memref<128x128xf32, #tpu.memory_space<vmem>>
      %dma_start3A_410 = arith.constant 0 : i32
      %dma_start3A_411 = tpu.memref_slice %arg10[%add3A_340, %dma_start3A_410] : memref<8192x128xf32, #tpu.memory_space<vmem_shared>> -> memref<128x128xf32, #tpu.memory_space<vmem_shared>>
      %dma_start3A_412 = arith.constant 0 : i32
      %dma_start3A_413 = arith.constant 0 : i32
      %dma_start3A_414 = tpu.memref_slice %arg12[%run_scoped3A_341, %dma_start3A_412, %dma_start3A_413] : memref<2x128x128xf32, #tpu.memory_space<vmem>> -> memref<1x128x128xf32, #tpu.memory_space<vmem>>
      %dma_start3A_415 = tpu.memref_squeeze %dma_start3A_414 : memref<1x128x128xf32, #tpu.memory_space<vmem>> -> memref<128x128xf32, #tpu.memory_space<vmem>>
      %dma_start3A_416 = arith.constant 0 : i32
      %dma_start3A_417 = tpu.memref_slice %arg10[%add3A_340, %dma_start3A_416] : memref<8192x128xf32, #tpu.memory_space<vmem_shared>> -> memref<128x128xf32, #tpu.memory_space<vmem_shared>>
      tpu.enqueue_dma source(%dma_start3A_417 : memref<128x128xf32, #tpu.memory_space<vmem_shared>>) target(%dma_start3A_415 : memref<128x128xf32, #tpu.memory_space<vmem>>) target_semaphore(%run_scoped3A_405 : memref<!tpu.dma_semaphore, #tpu.memory_space<semaphore_mem>>)
      %dma_wait3A = arith.constant 0 : i32
      %dma_wait3A_418 = arith.constant 0 : i32
      %dma_wait3A_419 = tpu.memref_slice %arg12[%run_scoped3A_341, %dma_wait3A, %dma_wait3A_418] : memref<2x128x128xf32, #tpu.memory_space<vmem>> -> memref<1x128x128xf32, #tpu.memory_space<vmem>>
      %dma_wait3A_420 = tpu.memref_squeeze %dma_wait3A_419 : memref<1x128x128xf32, #tpu.memory_space<vmem>> -> memref<128x128xf32, #tpu.memory_space<vmem>>
      %dma_wait3A_421 = arith.constant 0 : i32
      %dma_wait3A_422 = tpu.memref_slice %arg10[%add3A_340, %dma_wait3A_421] : memref<8192x128xf32, #tpu.memory_space<vmem_shared>> -> memref<128x128xf32, #tpu.memory_space<vmem_shared>>
      %dma_wait3A_423 = arith.constant 0 : i32
      %dma_wait3A_424 = arith.constant 0 : i32
      %dma_wait3A_425 = tpu.memref_slice %arg12[%run_scoped3A_341, %dma_wait3A_423, %dma_wait3A_424] : memref<2x128x128xf32, #tpu.memory_space<vmem>> -> memref<1x128x128xf32, #tpu.memory_space<vmem>>
      %dma_wait3A_426 = tpu.memref_squeeze %dma_wait3A_425 : memref<1x128x128xf32, #tpu.memory_space<vmem>> -> memref<128x128xf32, #tpu.memory_space<vmem>>
      %dma_wait3A_427 = arith.constant 0 : i32
      %dma_wait3A_428 = tpu.memref_slice %arg10[%add3A_340, %dma_wait3A_427] : memref<8192x128xf32, #tpu.memory_space<vmem_shared>> -> memref<128x128xf32, #tpu.memory_space<vmem_shared>>
      tpu.wait_dma2 semaphore(%run_scoped3A_405 : memref<!tpu.dma_semaphore, #tpu.memory_space<semaphore_mem>>) src(%dma_wait3A_428 : memref<128x128xf32, #tpu.memory_space<vmem_shared>>) dst(%dma_wait3A_426 : memref<128x128xf32, #tpu.memory_space<vmem>>)
      tpu.yield
    }) : () -> ()
    %mul3A_342 = arith.constant 128 : i32
    %mul3A_343 = arith.muli %arg1, %mul3A_342 : i32
    %mul3A_344 = arith.constant 4 : i32
    %mul3A_345 = arith.muli %mul3A_344, %arg0 : i32
    %add3A_346 = arith.constant 1 : i32
    %add3A_347 = arith.addi %mul3A_345, %add3A_346 : i32
    %mul3A_348 = arith.constant 128 : i32
    %mul3A_349 = arith.muli %add3A_347, %mul3A_348 : i32
    %run_scoped3A_350 = arith.constant 0 : i32
    "tpu.region"() ({
      %run_scoped3A_405 = tpu.sem_alloc : memref<!tpu.dma_semaphore, #tpu.memory_space<semaphore_mem>>
      %dma_start3A_406 = arith.constant 0 : i32
      %dma_start3A_407 = arith.constant 0 : i32
      %dma_start3A_408 = tpu.memref_slice %arg12[%run_scoped3A_350, %dma_start3A_406, %dma_start3A_407] : memref<2x128x128xf32, #tpu.memory_space<vmem>> -> memref<1x128x128xf32, #tpu.memory_space<vmem>>
      %dma_start3A_409 = tpu.memref_squeeze %dma_start3A_408 : memref<1x128x128xf32, #tpu.memory_space<vmem>> -> memref<128x128xf32, #tpu.memory_space<vmem>>
      %dma_start3A_410 = tpu.memref_slice %arg8[%mul3A_343, %mul3A_349] : memref<2048x1024xf32, #tpu.memory_space<hbm>> -> memref<128x128xf32, #tpu.memory_space<hbm>>
      %dma_start3A_411 = tpu.memref_slice %arg8[%mul3A_343, %mul3A_349] : memref<2048x1024xf32, #tpu.memory_space<hbm>> -> memref<128x128xf32, #tpu.memory_space<hbm>>
      %dma_start3A_412 = arith.constant 0 : i32
      %dma_start3A_413 = arith.constant 0 : i32
      %dma_start3A_414 = tpu.memref_slice %arg12[%run_scoped3A_350, %dma_start3A_412, %dma_start3A_413] : memref<2x128x128xf32, #tpu.memory_space<vmem>> -> memref<1x128x128xf32, #tpu.memory_space<vmem>>
      %dma_start3A_415 = tpu.memref_squeeze %dma_start3A_414 : memref<1x128x128xf32, #tpu.memory_space<vmem>> -> memref<128x128xf32, #tpu.memory_space<vmem>>
      tpu.enqueue_dma source(%dma_start3A_415 : memref<128x128xf32, #tpu.memory_space<vmem>>) target(%dma_start3A_411 : memref<128x128xf32, #tpu.memory_space<hbm>>) target_semaphore(%run_scoped3A_405 : memref<!tpu.dma_semaphore, #tpu.memory_space<semaphore_mem>>)
      %dma_wait3A = arith.constant 0 : i32
      %dma_wait3A_416 = arith.constant 0 : i32
      %dma_wait3A_417 = tpu.memref_slice %arg12[%run_scoped3A_350, %dma_wait3A, %dma_wait3A_416] : memref<2x128x128xf32, #tpu.memory_space<vmem>> -> memref<1x128x128xf32, #tpu.memory_space<vmem>>
      %dma_wait3A_418 = tpu.memref_squeeze %dma_wait3A_417 : memref<1x128x128xf32, #tpu.memory_space<vmem>> -> memref<128x128xf32, #tpu.memory_space<vmem>>
      %dma_wait3A_419 = tpu.memref_slice %arg8[%mul3A_343, %mul3A_349] : memref<2048x1024xf32, #tpu.memory_space<hbm>> -> memref<128x128xf32, #tpu.memory_space<hbm>>
      %dma_wait3A_420 = tpu.memref_slice %arg8[%mul3A_343, %mul3A_349] : memref<2048x1024xf32, #tpu.memory_space<hbm>> -> memref<128x128xf32, #tpu.memory_space<hbm>>
      %dma_wait3A_421 = arith.constant 0 : i32
      %dma_wait3A_422 = arith.constant 0 : i32
      %dma_wait3A_423 = tpu.memref_slice %arg12[%run_scoped3A_350, %dma_wait3A_421, %dma_wait3A_422] : memref<2x128x128xf32, #tpu.memory_space<vmem>> -> memref<1x128x128xf32, #tpu.memory_space<vmem>>
      %dma_wait3A_424 = tpu.memref_squeeze %dma_wait3A_423 : memref<1x128x128xf32, #tpu.memory_space<vmem>> -> memref<128x128xf32, #tpu.memory_space<vmem>>
      tpu.wait_dma2 semaphore(%run_scoped3A_405 : memref<!tpu.dma_semaphore, #tpu.memory_space<semaphore_mem>>) src(%dma_wait3A_424 : memref<128x128xf32, #tpu.memory_space<vmem>>) dst(%dma_wait3A_420 : memref<128x128xf32, #tpu.memory_space<hbm>>)
      tpu.yield
    }) : () -> ()
    %mul3A_351 = arith.constant 128 : i32
    %mul3A_352 = arith.muli %arg1, %mul3A_351 : i32
    %add3A_353 = arith.constant 4096 : i32
    %add3A_354 = arith.addi %add3A_353, %mul3A_352 : i32
    %run_scoped3A_355 = arith.constant 0 : i32
    "tpu.region"() ({
      %run_scoped3A_405 = tpu.sem_alloc : memref<!tpu.dma_semaphore, #tpu.memory_space<semaphore_mem>>
      %dma_start3A_406 = arith.constant 0 : i32
      %dma_start3A_407 = arith.constant 0 : i32
      %dma_start3A_408 = tpu.memref_slice %arg12[%run_scoped3A_355, %dma_start3A_406, %dma_start3A_407] : memref<2x128x128xf32, #tpu.memory_space<vmem>> -> memref<1x128x128xf32, #tpu.memory_space<vmem>>
      %dma_start3A_409 = tpu.memref_squeeze %dma_start3A_408 : memref<1x128x128xf32, #tpu.memory_space<vmem>> -> memref<128x128xf32, #tpu.memory_space<vmem>>
      %dma_start3A_410 = arith.constant 0 : i32
      %dma_start3A_411 = tpu.memref_slice %arg10[%add3A_354, %dma_start3A_410] : memref<8192x128xf32, #tpu.memory_space<vmem_shared>> -> memref<128x128xf32, #tpu.memory_space<vmem_shared>>
      %dma_start3A_412 = arith.constant 0 : i32
      %dma_start3A_413 = arith.constant 0 : i32
      %dma_start3A_414 = tpu.memref_slice %arg12[%run_scoped3A_355, %dma_start3A_412, %dma_start3A_413] : memref<2x128x128xf32, #tpu.memory_space<vmem>> -> memref<1x128x128xf32, #tpu.memory_space<vmem>>
      %dma_start3A_415 = tpu.memref_squeeze %dma_start3A_414 : memref<1x128x128xf32, #tpu.memory_space<vmem>> -> memref<128x128xf32, #tpu.memory_space<vmem>>
      %dma_start3A_416 = arith.constant 0 : i32
      %dma_start3A_417 = tpu.memref_slice %arg10[%add3A_354, %dma_start3A_416] : memref<8192x128xf32, #tpu.memory_space<vmem_shared>> -> memref<128x128xf32, #tpu.memory_space<vmem_shared>>
      tpu.enqueue_dma source(%dma_start3A_417 : memref<128x128xf32, #tpu.memory_space<vmem_shared>>) target(%dma_start3A_415 : memref<128x128xf32, #tpu.memory_space<vmem>>) target_semaphore(%run_scoped3A_405 : memref<!tpu.dma_semaphore, #tpu.memory_space<semaphore_mem>>)
      %dma_wait3A = arith.constant 0 : i32
      %dma_wait3A_418 = arith.constant 0 : i32
      %dma_wait3A_419 = tpu.memref_slice %arg12[%run_scoped3A_355, %dma_wait3A, %dma_wait3A_418] : memref<2x128x128xf32, #tpu.memory_space<vmem>> -> memref<1x128x128xf32, #tpu.memory_space<vmem>>
      %dma_wait3A_420 = tpu.memref_squeeze %dma_wait3A_419 : memref<1x128x128xf32, #tpu.memory_space<vmem>> -> memref<128x128xf32, #tpu.memory_space<vmem>>
      %dma_wait3A_421 = arith.constant 0 : i32
      %dma_wait3A_422 = tpu.memref_slice %arg10[%add3A_354, %dma_wait3A_421] : memref<8192x128xf32, #tpu.memory_space<vmem_shared>> -> memref<128x128xf32, #tpu.memory_space<vmem_shared>>
      %dma_wait3A_423 = arith.constant 0 : i32
      %dma_wait3A_424 = arith.constant 0 : i32
      %dma_wait3A_425 = tpu.memref_slice %arg12[%run_scoped3A_355, %dma_wait3A_423, %dma_wait3A_424] : memref<2x128x128xf32, #tpu.memory_space<vmem>> -> memref<1x128x128xf32, #tpu.memory_space<vmem>>
      %dma_wait3A_426 = tpu.memref_squeeze %dma_wait3A_425 : memref<1x128x128xf32, #tpu.memory_space<vmem>> -> memref<128x128xf32, #tpu.memory_space<vmem>>
      %dma_wait3A_427 = arith.constant 0 : i32
      %dma_wait3A_428 = tpu.memref_slice %arg10[%add3A_354, %dma_wait3A_427] : memref<8192x128xf32, #tpu.memory_space<vmem_shared>> -> memref<128x128xf32, #tpu.memory_space<vmem_shared>>
      tpu.wait_dma2 semaphore(%run_scoped3A_405 : memref<!tpu.dma_semaphore, #tpu.memory_space<semaphore_mem>>) src(%dma_wait3A_428 : memref<128x128xf32, #tpu.memory_space<vmem_shared>>) dst(%dma_wait3A_426 : memref<128x128xf32, #tpu.memory_space<vmem>>)
      tpu.yield
    }) : () -> ()
    %mul3A_356 = arith.constant 128 : i32
    %mul3A_357 = arith.muli %arg1, %mul3A_356 : i32
    %mul3A_358 = arith.constant 4 : i32
    %mul3A_359 = arith.muli %mul3A_358, %arg0 : i32
    %add3A_360 = arith.constant 2 : i32
    %add3A_361 = arith.addi %mul3A_359, %add3A_360 : i32
    %mul3A_362 = arith.constant 128 : i32
    %mul3A_363 = arith.muli %add3A_361, %mul3A_362 : i32
    %run_scoped3A_364 = arith.constant 0 : i32
    "tpu.region"() ({
      %run_scoped3A_405 = tpu.sem_alloc : memref<!tpu.dma_semaphore, #tpu.memory_space<semaphore_mem>>
      %dma_start3A_406 = arith.constant 0 : i32
      %dma_start3A_407 = arith.constant 0 : i32
      %dma_start3A_408 = tpu.memref_slice %arg12[%run_scoped3A_364, %dma_start3A_406, %dma_start3A_407] : memref<2x128x128xf32, #tpu.memory_space<vmem>> -> memref<1x128x128xf32, #tpu.memory_space<vmem>>
      %dma_start3A_409 = tpu.memref_squeeze %dma_start3A_408 : memref<1x128x128xf32, #tpu.memory_space<vmem>> -> memref<128x128xf32, #tpu.memory_space<vmem>>
      %dma_start3A_410 = tpu.memref_slice %arg8[%mul3A_357, %mul3A_363] : memref<2048x1024xf32, #tpu.memory_space<hbm>> -> memref<128x128xf32, #tpu.memory_space<hbm>>
      %dma_start3A_411 = tpu.memref_slice %arg8[%mul3A_357, %mul3A_363] : memref<2048x1024xf32, #tpu.memory_space<hbm>> -> memref<128x128xf32, #tpu.memory_space<hbm>>
      %dma_start3A_412 = arith.constant 0 : i32
      %dma_start3A_413 = arith.constant 0 : i32
      %dma_start3A_414 = tpu.memref_slice %arg12[%run_scoped3A_364, %dma_start3A_412, %dma_start3A_413] : memref<2x128x128xf32, #tpu.memory_space<vmem>> -> memref<1x128x128xf32, #tpu.memory_space<vmem>>
      %dma_start3A_415 = tpu.memref_squeeze %dma_start3A_414 : memref<1x128x128xf32, #tpu.memory_space<vmem>> -> memref<128x128xf32, #tpu.memory_space<vmem>>
      tpu.enqueue_dma source(%dma_start3A_415 : memref<128x128xf32, #tpu.memory_space<vmem>>) target(%dma_start3A_411 : memref<128x128xf32, #tpu.memory_space<hbm>>) target_semaphore(%run_scoped3A_405 : memref<!tpu.dma_semaphore, #tpu.memory_space<semaphore_mem>>)
      %dma_wait3A = arith.constant 0 : i32
      %dma_wait3A_416 = arith.constant 0 : i32
      %dma_wait3A_417 = tpu.memref_slice %arg12[%run_scoped3A_364, %dma_wait3A, %dma_wait3A_416] : memref<2x128x128xf32, #tpu.memory_space<vmem>> -> memref<1x128x128xf32, #tpu.memory_space<vmem>>
      %dma_wait3A_418 = tpu.memref_squeeze %dma_wait3A_417 : memref<1x128x128xf32, #tpu.memory_space<vmem>> -> memref<128x128xf32, #tpu.memory_space<vmem>>
      %dma_wait3A_419 = tpu.memref_slice %arg8[%mul3A_357, %mul3A_363] : memref<2048x1024xf32, #tpu.memory_space<hbm>> -> memref<128x128xf32, #tpu.memory_space<hbm>>
      %dma_wait3A_420 = tpu.memref_slice %arg8[%mul3A_357, %mul3A_363] : memref<2048x1024xf32, #tpu.memory_space<hbm>> -> memref<128x128xf32, #tpu.memory_space<hbm>>
      %dma_wait3A_421 = arith.constant 0 : i32
      %dma_wait3A_422 = arith.constant 0 : i32
      %dma_wait3A_423 = tpu.memref_slice %arg12[%run_scoped3A_364, %dma_wait3A_421, %dma_wait3A_422] : memref<2x128x128xf32, #tpu.memory_space<vmem>> -> memref<1x128x128xf32, #tpu.memory_space<vmem>>
      %dma_wait3A_424 = tpu.memref_squeeze %dma_wait3A_423 : memref<1x128x128xf32, #tpu.memory_space<vmem>> -> memref<128x128xf32, #tpu.memory_space<vmem>>
      tpu.wait_dma2 semaphore(%run_scoped3A_405 : memref<!tpu.dma_semaphore, #tpu.memory_space<semaphore_mem>>) src(%dma_wait3A_424 : memref<128x128xf32, #tpu.memory_space<vmem>>) dst(%dma_wait3A_420 : memref<128x128xf32, #tpu.memory_space<hbm>>)
      tpu.yield
    }) : () -> ()
    %mul3A_365 = arith.constant 128 : i32
    %mul3A_366 = arith.muli %arg1, %mul3A_365 : i32
    %add3A_367 = arith.constant 6144 : i32
    %add3A_368 = arith.addi %add3A_367, %mul3A_366 : i32
    %run_scoped3A_369 = arith.constant 0 : i32
    "tpu.region"() ({
      %run_scoped3A_405 = tpu.sem_alloc : memref<!tpu.dma_semaphore, #tpu.memory_space<semaphore_mem>>
      %dma_start3A_406 = arith.constant 0 : i32
      %dma_start3A_407 = arith.constant 0 : i32
      %dma_start3A_408 = tpu.memref_slice %arg12[%run_scoped3A_369, %dma_start3A_406, %dma_start3A_407] : memref<2x128x128xf32, #tpu.memory_space<vmem>> -> memref<1x128x128xf32, #tpu.memory_space<vmem>>
      %dma_start3A_409 = tpu.memref_squeeze %dma_start3A_408 : memref<1x128x128xf32, #tpu.memory_space<vmem>> -> memref<128x128xf32, #tpu.memory_space<vmem>>
      %dma_start3A_410 = arith.constant 0 : i32
      %dma_start3A_411 = tpu.memref_slice %arg10[%add3A_368, %dma_start3A_410] : memref<8192x128xf32, #tpu.memory_space<vmem_shared>> -> memref<128x128xf32, #tpu.memory_space<vmem_shared>>
      %dma_start3A_412 = arith.constant 0 : i32
      %dma_start3A_413 = arith.constant 0 : i32
      %dma_start3A_414 = tpu.memref_slice %arg12[%run_scoped3A_369, %dma_start3A_412, %dma_start3A_413] : memref<2x128x128xf32, #tpu.memory_space<vmem>> -> memref<1x128x128xf32, #tpu.memory_space<vmem>>
      %dma_start3A_415 = tpu.memref_squeeze %dma_start3A_414 : memref<1x128x128xf32, #tpu.memory_space<vmem>> -> memref<128x128xf32, #tpu.memory_space<vmem>>
      %dma_start3A_416 = arith.constant 0 : i32
      %dma_start3A_417 = tpu.memref_slice %arg10[%add3A_368, %dma_start3A_416] : memref<8192x128xf32, #tpu.memory_space<vmem_shared>> -> memref<128x128xf32, #tpu.memory_space<vmem_shared>>
      tpu.enqueue_dma source(%dma_start3A_417 : memref<128x128xf32, #tpu.memory_space<vmem_shared>>) target(%dma_start3A_415 : memref<128x128xf32, #tpu.memory_space<vmem>>) target_semaphore(%run_scoped3A_405 : memref<!tpu.dma_semaphore, #tpu.memory_space<semaphore_mem>>)
      %dma_wait3A = arith.constant 0 : i32
      %dma_wait3A_418 = arith.constant 0 : i32
      %dma_wait3A_419 = tpu.memref_slice %arg12[%run_scoped3A_369, %dma_wait3A, %dma_wait3A_418] : memref<2x128x128xf32, #tpu.memory_space<vmem>> -> memref<1x128x128xf32, #tpu.memory_space<vmem>>
      %dma_wait3A_420 = tpu.memref_squeeze %dma_wait3A_419 : memref<1x128x128xf32, #tpu.memory_space<vmem>> -> memref<128x128xf32, #tpu.memory_space<vmem>>
      %dma_wait3A_421 = arith.constant 0 : i32
      %dma_wait3A_422 = tpu.memref_slice %arg10[%add3A_368, %dma_wait3A_421] : memref<8192x128xf32, #tpu.memory_space<vmem_shared>> -> memref<128x128xf32, #tpu.memory_space<vmem_shared>>
      %dma_wait3A_423 = arith.constant 0 : i32
      %dma_wait3A_424 = arith.constant 0 : i32
      %dma_wait3A_425 = tpu.memref_slice %arg12[%run_scoped3A_369, %dma_wait3A_423, %dma_wait3A_424] : memref<2x128x128xf32, #tpu.memory_space<vmem>> -> memref<1x128x128xf32, #tpu.memory_space<vmem>>
      %dma_wait3A_426 = tpu.memref_squeeze %dma_wait3A_425 : memref<1x128x128xf32, #tpu.memory_space<vmem>> -> memref<128x128xf32, #tpu.memory_space<vmem>>
      %dma_wait3A_427 = arith.constant 0 : i32
      %dma_wait3A_428 = tpu.memref_slice %arg10[%add3A_368, %dma_wait3A_427] : memref<8192x128xf32, #tpu.memory_space<vmem_shared>> -> memref<128x128xf32, #tpu.memory_space<vmem_shared>>
      tpu.wait_dma2 semaphore(%run_scoped3A_405 : memref<!tpu.dma_semaphore, #tpu.memory_space<semaphore_mem>>) src(%dma_wait3A_428 : memref<128x128xf32, #tpu.memory_space<vmem_shared>>) dst(%dma_wait3A_426 : memref<128x128xf32, #tpu.memory_space<vmem>>)
      tpu.yield
    }) : () -> ()
    %mul3A_370 = arith.constant 128 : i32
    %mul3A_371 = arith.muli %arg1, %mul3A_370 : i32
    %mul3A_372 = arith.constant 4 : i32
    %mul3A_373 = arith.muli %mul3A_372, %arg0 : i32
    %add3A_374 = arith.constant 3 : i32
    %add3A_375 = arith.addi %mul3A_373, %add3A_374 : i32
    %mul3A_376 = arith.constant 128 : i32
    %mul3A_377 = arith.muli %add3A_375, %mul3A_376 : i32
    %run_scoped3A_378 = arith.constant 0 : i32
    "tpu.region"() ({
      %run_scoped3A_405 = tpu.sem_alloc : memref<!tpu.dma_semaphore, #tpu.memory_space<semaphore_mem>>
      %dma_start3A_406 = arith.constant 0 : i32
      %dma_start3A_407 = arith.constant 0 : i32
      %dma_start3A_408 = tpu.memref_slice %arg12[%run_scoped3A_378, %dma_start3A_406, %dma_start3A_407] : memref<2x128x128xf32, #tpu.memory_space<vmem>> -> memref<1x128x128xf32, #tpu.memory_space<vmem>>
      %dma_start3A_409 = tpu.memref_squeeze %dma_start3A_408 : memref<1x128x128xf32, #tpu.memory_space<vmem>> -> memref<128x128xf32, #tpu.memory_space<vmem>>
      %dma_start3A_410 = tpu.memref_slice %arg8[%mul3A_371, %mul3A_377] : memref<2048x1024xf32, #tpu.memory_space<hbm>> -> memref<128x128xf32, #tpu.memory_space<hbm>>
      %dma_start3A_411 = tpu.memref_slice %arg8[%mul3A_371, %mul3A_377] : memref<2048x1024xf32, #tpu.memory_space<hbm>> -> memref<128x128xf32, #tpu.memory_space<hbm>>
      %dma_start3A_412 = arith.constant 0 : i32
      %dma_start3A_413 = arith.constant 0 : i32
      %dma_start3A_414 = tpu.memref_slice %arg12[%run_scoped3A_378, %dma_start3A_412, %dma_start3A_413] : memref<2x128x128xf32, #tpu.memory_space<vmem>> -> memref<1x128x128xf32, #tpu.memory_space<vmem>>
      %dma_start3A_415 = tpu.memref_squeeze %dma_start3A_414 : memref<1x128x128xf32, #tpu.memory_space<vmem>> -> memref<128x128xf32, #tpu.memory_space<vmem>>
      tpu.enqueue_dma source(%dma_start3A_415 : memref<128x128xf32, #tpu.memory_space<vmem>>) target(%dma_start3A_411 : memref<128x128xf32, #tpu.memory_space<hbm>>) target_semaphore(%run_scoped3A_405 : memref<!tpu.dma_semaphore, #tpu.memory_space<semaphore_mem>>)
      %dma_wait3A = arith.constant 0 : i32
      %dma_wait3A_416 = arith.constant 0 : i32
      %dma_wait3A_417 = tpu.memref_slice %arg12[%run_scoped3A_378, %dma_wait3A, %dma_wait3A_416] : memref<2x128x128xf32, #tpu.memory_space<vmem>> -> memref<1x128x128xf32, #tpu.memory_space<vmem>>
      %dma_wait3A_418 = tpu.memref_squeeze %dma_wait3A_417 : memref<1x128x128xf32, #tpu.memory_space<vmem>> -> memref<128x128xf32, #tpu.memory_space<vmem>>
      %dma_wait3A_419 = tpu.memref_slice %arg8[%mul3A_371, %mul3A_377] : memref<2048x1024xf32, #tpu.memory_space<hbm>> -> memref<128x128xf32, #tpu.memory_space<hbm>>
      %dma_wait3A_420 = tpu.memref_slice %arg8[%mul3A_371, %mul3A_377] : memref<2048x1024xf32, #tpu.memory_space<hbm>> -> memref<128x128xf32, #tpu.memory_space<hbm>>
      %dma_wait3A_421 = arith.constant 0 : i32
      %dma_wait3A_422 = arith.constant 0 : i32
      %dma_wait3A_423 = tpu.memref_slice %arg12[%run_scoped3A_378, %dma_wait3A_421, %dma_wait3A_422] : memref<2x128x128xf32, #tpu.memory_space<vmem>> -> memref<1x128x128xf32, #tpu.memory_space<vmem>>
      %dma_wait3A_424 = tpu.memref_squeeze %dma_wait3A_423 : memref<1x128x128xf32, #tpu.memory_space<vmem>> -> memref<128x128xf32, #tpu.memory_space<vmem>>
      tpu.wait_dma2 semaphore(%run_scoped3A_405 : memref<!tpu.dma_semaphore, #tpu.memory_space<semaphore_mem>>) src(%dma_wait3A_424 : memref<128x128xf32, #tpu.memory_space<vmem>>) dst(%dma_wait3A_420 : memref<128x128xf32, #tpu.memory_space<hbm>>)
      tpu.yield
    }) : () -> ()
    %mul3A_379 = arith.constant 128 : i32
    %mul3A_380 = arith.muli %arg1, %mul3A_379 : i32
    %add3A_381 = arith.constant 0 : i32
    %add3A_382 = arith.addi %mul3A_380, %add3A_381 : i32
    %run_scoped3A_383 = arith.constant 0 : i32
    "tpu.region"() ({
      %run_scoped3A_405 = tpu.sem_alloc : memref<!tpu.dma_semaphore, #tpu.memory_space<semaphore_mem>>
      %dma_start3A_406 = arith.constant 0 : i32
      %dma_start3A_407 = arith.constant 0 : i32
      %dma_start3A_408 = tpu.memref_slice %arg13[%run_scoped3A_383, %dma_start3A_406, %dma_start3A_407] : memref<2x32x64xf32, #tpu.memory_space<vmem>> -> memref<1x32x64xf32, #tpu.memory_space<vmem>>
      %dma_start3A_409 = tpu.memref_squeeze %dma_start3A_408 : memref<1x32x64xf32, #tpu.memory_space<vmem>> -> memref<32x64xf32, #tpu.memory_space<vmem>>
      %dma_start3A_410 = arith.constant 0 : i32
      %dma_start3A_411 = tpu.memref_slice %arg9[%add3A_382, %dma_start3A_410] : memref<2048x64xf32, #tpu.memory_space<vmem_shared>> -> memref<32x64xf32, #tpu.memory_space<vmem_shared>>
      %dma_start3A_412 = arith.constant 0 : i32
      %dma_start3A_413 = arith.constant 0 : i32
      %dma_start3A_414 = tpu.memref_slice %arg13[%run_scoped3A_383, %dma_start3A_412, %dma_start3A_413] : memref<2x32x64xf32, #tpu.memory_space<vmem>> -> memref<1x32x64xf32, #tpu.memory_space<vmem>>
      %dma_start3A_415 = tpu.memref_squeeze %dma_start3A_414 : memref<1x32x64xf32, #tpu.memory_space<vmem>> -> memref<32x64xf32, #tpu.memory_space<vmem>>
      %dma_start3A_416 = arith.constant 0 : i32
      %dma_start3A_417 = tpu.memref_slice %arg9[%add3A_382, %dma_start3A_416] : memref<2048x64xf32, #tpu.memory_space<vmem_shared>> -> memref<32x64xf32, #tpu.memory_space<vmem_shared>>
      tpu.enqueue_dma source(%dma_start3A_417 : memref<32x64xf32, #tpu.memory_space<vmem_shared>>) target(%dma_start3A_415 : memref<32x64xf32, #tpu.memory_space<vmem>>) target_semaphore(%run_scoped3A_405 : memref<!tpu.dma_semaphore, #tpu.memory_space<semaphore_mem>>)
      %dma_wait3A = arith.constant 0 : i32
      %dma_wait3A_418 = arith.constant 0 : i32
      %dma_wait3A_419 = tpu.memref_slice %arg13[%run_scoped3A_383, %dma_wait3A, %dma_wait3A_418] : memref<2x32x64xf32, #tpu.memory_space<vmem>> -> memref<1x32x64xf32, #tpu.memory_space<vmem>>
      %dma_wait3A_420 = tpu.memref_squeeze %dma_wait3A_419 : memref<1x32x64xf32, #tpu.memory_space<vmem>> -> memref<32x64xf32, #tpu.memory_space<vmem>>
      %dma_wait3A_421 = arith.constant 0 : i32
      %dma_wait3A_422 = tpu.memref_slice %arg9[%add3A_382, %dma_wait3A_421] : memref<2048x64xf32, #tpu.memory_space<vmem_shared>> -> memref<32x64xf32, #tpu.memory_space<vmem_shared>>
      %dma_wait3A_423 = arith.constant 0 : i32
      %dma_wait3A_424 = arith.constant 0 : i32
      %dma_wait3A_425 = tpu.memref_slice %arg13[%run_scoped3A_383, %dma_wait3A_423, %dma_wait3A_424] : memref<2x32x64xf32, #tpu.memory_space<vmem>> -> memref<1x32x64xf32, #tpu.memory_space<vmem>>
      %dma_wait3A_426 = tpu.memref_squeeze %dma_wait3A_425 : memref<1x32x64xf32, #tpu.memory_space<vmem>> -> memref<32x64xf32, #tpu.memory_space<vmem>>
      %dma_wait3A_427 = arith.constant 0 : i32
      %dma_wait3A_428 = tpu.memref_slice %arg9[%add3A_382, %dma_wait3A_427] : memref<2048x64xf32, #tpu.memory_space<vmem_shared>> -> memref<32x64xf32, #tpu.memory_space<vmem_shared>>
      tpu.wait_dma2 semaphore(%run_scoped3A_405 : memref<!tpu.dma_semaphore, #tpu.memory_space<semaphore_mem>>) src(%dma_wait3A_428 : memref<32x64xf32, #tpu.memory_space<vmem_shared>>) dst(%dma_wait3A_426 : memref<32x64xf32, #tpu.memory_space<vmem>>)
      tpu.yield
    }) : () -> ()
    %run_scoped3A_384 = arith.constant 0 : i32
    "tpu.region"() ({
      %run_scoped3A_405 = tpu.sem_alloc : memref<!tpu.dma_semaphore, #tpu.memory_space<semaphore_mem>>
      %dma_start3A_406 = arith.constant 0 : i32
      %dma_start3A_407 = arith.constant 0 : i32
      %dma_start3A_408 = tpu.memref_slice %arg13[%run_scoped3A_384, %dma_start3A_406, %dma_start3A_407] : memref<2x32x64xf32, #tpu.memory_space<vmem>> -> memref<1x32x64xf32, #tpu.memory_space<vmem>>
      %dma_start3A_409 = tpu.memref_squeeze %dma_start3A_408 : memref<1x32x64xf32, #tpu.memory_space<vmem>> -> memref<32x64xf32, #tpu.memory_space<vmem>>
      %dma_start3A_410 = arith.constant 0 : i32
      %dma_start3A_411 = tpu.memref_slice %arg7[%arg0, %add3A_382, %dma_start3A_410] : memref<2x2048x64xf32, #tpu.memory_space<hbm>> -> memref<1x32x64xf32, #tpu.memory_space<hbm>>
      %dma_start3A_412 = tpu.memref_squeeze %dma_start3A_411 : memref<1x32x64xf32, #tpu.memory_space<hbm>> -> memref<32x64xf32, #tpu.memory_space<hbm>>
      %dma_start3A_413 = arith.constant 0 : i32
      %dma_start3A_414 = tpu.memref_slice %arg7[%arg0, %add3A_382, %dma_start3A_413] : memref<2x2048x64xf32, #tpu.memory_space<hbm>> -> memref<1x32x64xf32, #tpu.memory_space<hbm>>
      %dma_start3A_415 = tpu.memref_squeeze %dma_start3A_414 : memref<1x32x64xf32, #tpu.memory_space<hbm>> -> memref<32x64xf32, #tpu.memory_space<hbm>>
      %dma_start3A_416 = arith.constant 0 : i32
      %dma_start3A_417 = arith.constant 0 : i32
      %dma_start3A_418 = tpu.memref_slice %arg13[%run_scoped3A_384, %dma_start3A_416, %dma_start3A_417] : memref<2x32x64xf32, #tpu.memory_space<vmem>> -> memref<1x32x64xf32, #tpu.memory_space<vmem>>
      %dma_start3A_419 = tpu.memref_squeeze %dma_start3A_418 : memref<1x32x64xf32, #tpu.memory_space<vmem>> -> memref<32x64xf32, #tpu.memory_space<vmem>>
      tpu.enqueue_dma source(%dma_start3A_419 : memref<32x64xf32, #tpu.memory_space<vmem>>) target(%dma_start3A_415 : memref<32x64xf32, #tpu.memory_space<hbm>>) target_semaphore(%run_scoped3A_405 : memref<!tpu.dma_semaphore, #tpu.memory_space<semaphore_mem>>)
      %dma_wait3A = arith.constant 0 : i32
      %dma_wait3A_420 = arith.constant 0 : i32
      %dma_wait3A_421 = tpu.memref_slice %arg13[%run_scoped3A_384, %dma_wait3A, %dma_wait3A_420] : memref<2x32x64xf32, #tpu.memory_space<vmem>> -> memref<1x32x64xf32, #tpu.memory_space<vmem>>
      %dma_wait3A_422 = tpu.memref_squeeze %dma_wait3A_421 : memref<1x32x64xf32, #tpu.memory_space<vmem>> -> memref<32x64xf32, #tpu.memory_space<vmem>>
      %dma_wait3A_423 = arith.constant 0 : i32
      %dma_wait3A_424 = tpu.memref_slice %arg7[%arg0, %add3A_382, %dma_wait3A_423] : memref<2x2048x64xf32, #tpu.memory_space<hbm>> -> memref<1x32x64xf32, #tpu.memory_space<hbm>>
      %dma_wait3A_425 = tpu.memref_squeeze %dma_wait3A_424 : memref<1x32x64xf32, #tpu.memory_space<hbm>> -> memref<32x64xf32, #tpu.memory_space<hbm>>
      %dma_wait3A_426 = arith.constant 0 : i32
      %dma_wait3A_427 = tpu.memref_slice %arg7[%arg0, %add3A_382, %dma_wait3A_426] : memref<2x2048x64xf32, #tpu.memory_space<hbm>> -> memref<1x32x64xf32, #tpu.memory_space<hbm>>
      %dma_wait3A_428 = tpu.memref_squeeze %dma_wait3A_427 : memref<1x32x64xf32, #tpu.memory_space<hbm>> -> memref<32x64xf32, #tpu.memory_space<hbm>>
      %dma_wait3A_429 = arith.constant 0 : i32
      %dma_wait3A_430 = arith.constant 0 : i32
      %dma_wait3A_431 = tpu.memref_slice %arg13[%run_scoped3A_384, %dma_wait3A_429, %dma_wait3A_430] : memref<2x32x64xf32, #tpu.memory_space<vmem>> -> memref<1x32x64xf32, #tpu.memory_space<vmem>>
      %dma_wait3A_432 = tpu.memref_squeeze %dma_wait3A_431 : memref<1x32x64xf32, #tpu.memory_space<vmem>> -> memref<32x64xf32, #tpu.memory_space<vmem>>
      tpu.wait_dma2 semaphore(%run_scoped3A_405 : memref<!tpu.dma_semaphore, #tpu.memory_space<semaphore_mem>>) src(%dma_wait3A_432 : memref<32x64xf32, #tpu.memory_space<vmem>>) dst(%dma_wait3A_428 : memref<32x64xf32, #tpu.memory_space<hbm>>)
      tpu.yield
    }) : () -> ()
    %mul3A_385 = arith.constant 128 : i32
    %mul3A_386 = arith.muli %arg1, %mul3A_385 : i32
    %add3A_387 = arith.constant 32 : i32
    %add3A_388 = arith.addi %mul3A_386, %add3A_387 : i32
    %run_scoped3A_389 = arith.constant 1 : i32
    "tpu.region"() ({
      %run_scoped3A_405 = tpu.sem_alloc : memref<!tpu.dma_semaphore, #tpu.memory_space<semaphore_mem>>
      %dma_start3A_406 = arith.constant 0 : i32
      %dma_start3A_407 = arith.constant 0 : i32
      %dma_start3A_408 = tpu.memref_slice %arg13[%run_scoped3A_389, %dma_start3A_406, %dma_start3A_407] : memref<2x32x64xf32, #tpu.memory_space<vmem>> -> memref<1x32x64xf32, #tpu.memory_space<vmem>>
      %dma_start3A_409 = tpu.memref_squeeze %dma_start3A_408 : memref<1x32x64xf32, #tpu.memory_space<vmem>> -> memref<32x64xf32, #tpu.memory_space<vmem>>
      %dma_start3A_410 = arith.constant 0 : i32
      %dma_start3A_411 = tpu.memref_slice %arg9[%add3A_388, %dma_start3A_410] : memref<2048x64xf32, #tpu.memory_space<vmem_shared>> -> memref<32x64xf32, #tpu.memory_space<vmem_shared>>
      %dma_start3A_412 = arith.constant 0 : i32
      %dma_start3A_413 = arith.constant 0 : i32
      %dma_start3A_414 = tpu.memref_slice %arg13[%run_scoped3A_389, %dma_start3A_412, %dma_start3A_413] : memref<2x32x64xf32, #tpu.memory_space<vmem>> -> memref<1x32x64xf32, #tpu.memory_space<vmem>>
      %dma_start3A_415 = tpu.memref_squeeze %dma_start3A_414 : memref<1x32x64xf32, #tpu.memory_space<vmem>> -> memref<32x64xf32, #tpu.memory_space<vmem>>
      %dma_start3A_416 = arith.constant 0 : i32
      %dma_start3A_417 = tpu.memref_slice %arg9[%add3A_388, %dma_start3A_416] : memref<2048x64xf32, #tpu.memory_space<vmem_shared>> -> memref<32x64xf32, #tpu.memory_space<vmem_shared>>
      tpu.enqueue_dma source(%dma_start3A_417 : memref<32x64xf32, #tpu.memory_space<vmem_shared>>) target(%dma_start3A_415 : memref<32x64xf32, #tpu.memory_space<vmem>>) target_semaphore(%run_scoped3A_405 : memref<!tpu.dma_semaphore, #tpu.memory_space<semaphore_mem>>)
      %dma_wait3A = arith.constant 0 : i32
      %dma_wait3A_418 = arith.constant 0 : i32
      %dma_wait3A_419 = tpu.memref_slice %arg13[%run_scoped3A_389, %dma_wait3A, %dma_wait3A_418] : memref<2x32x64xf32, #tpu.memory_space<vmem>> -> memref<1x32x64xf32, #tpu.memory_space<vmem>>
      %dma_wait3A_420 = tpu.memref_squeeze %dma_wait3A_419 : memref<1x32x64xf32, #tpu.memory_space<vmem>> -> memref<32x64xf32, #tpu.memory_space<vmem>>
      %dma_wait3A_421 = arith.constant 0 : i32
      %dma_wait3A_422 = tpu.memref_slice %arg9[%add3A_388, %dma_wait3A_421] : memref<2048x64xf32, #tpu.memory_space<vmem_shared>> -> memref<32x64xf32, #tpu.memory_space<vmem_shared>>
      %dma_wait3A_423 = arith.constant 0 : i32
      %dma_wait3A_424 = arith.constant 0 : i32
      %dma_wait3A_425 = tpu.memref_slice %arg13[%run_scoped3A_389, %dma_wait3A_423, %dma_wait3A_424] : memref<2x32x64xf32, #tpu.memory_space<vmem>> -> memref<1x32x64xf32, #tpu.memory_space<vmem>>
      %dma_wait3A_426 = tpu.memref_squeeze %dma_wait3A_425 : memref<1x32x64xf32, #tpu.memory_space<vmem>> -> memref<32x64xf32, #tpu.memory_space<vmem>>
      %dma_wait3A_427 = arith.constant 0 : i32
      %dma_wait3A_428 = tpu.memref_slice %arg9[%add3A_388, %dma_wait3A_427] : memref<2048x64xf32, #tpu.memory_space<vmem_shared>> -> memref<32x64xf32, #tpu.memory_space<vmem_shared>>
      tpu.wait_dma2 semaphore(%run_scoped3A_405 : memref<!tpu.dma_semaphore, #tpu.memory_space<semaphore_mem>>) src(%dma_wait3A_428 : memref<32x64xf32, #tpu.memory_space<vmem_shared>>) dst(%dma_wait3A_426 : memref<32x64xf32, #tpu.memory_space<vmem>>)
      tpu.yield
    }) : () -> ()
    %run_scoped3A_390 = arith.constant 1 : i32
    "tpu.region"() ({
      %run_scoped3A_405 = tpu.sem_alloc : memref<!tpu.dma_semaphore, #tpu.memory_space<semaphore_mem>>
      %dma_start3A_406 = arith.constant 0 : i32
      %dma_start3A_407 = arith.constant 0 : i32
      %dma_start3A_408 = tpu.memref_slice %arg13[%run_scoped3A_390, %dma_start3A_406, %dma_start3A_407] : memref<2x32x64xf32, #tpu.memory_space<vmem>> -> memref<1x32x64xf32, #tpu.memory_space<vmem>>
      %dma_start3A_409 = tpu.memref_squeeze %dma_start3A_408 : memref<1x32x64xf32, #tpu.memory_space<vmem>> -> memref<32x64xf32, #tpu.memory_space<vmem>>
      %dma_start3A_410 = arith.constant 0 : i32
      %dma_start3A_411 = tpu.memref_slice %arg7[%arg0, %add3A_388, %dma_start3A_410] : memref<2x2048x64xf32, #tpu.memory_space<hbm>> -> memref<1x32x64xf32, #tpu.memory_space<hbm>>
      %dma_start3A_412 = tpu.memref_squeeze %dma_start3A_411 : memref<1x32x64xf32, #tpu.memory_space<hbm>> -> memref<32x64xf32, #tpu.memory_space<hbm>>
      %dma_start3A_413 = arith.constant 0 : i32
      %dma_start3A_414 = tpu.memref_slice %arg7[%arg0, %add3A_388, %dma_start3A_413] : memref<2x2048x64xf32, #tpu.memory_space<hbm>> -> memref<1x32x64xf32, #tpu.memory_space<hbm>>
      %dma_start3A_415 = tpu.memref_squeeze %dma_start3A_414 : memref<1x32x64xf32, #tpu.memory_space<hbm>> -> memref<32x64xf32, #tpu.memory_space<hbm>>
      %dma_start3A_416 = arith.constant 0 : i32
      %dma_start3A_417 = arith.constant 0 : i32
      %dma_start3A_418 = tpu.memref_slice %arg13[%run_scoped3A_390, %dma_start3A_416, %dma_start3A_417] : memref<2x32x64xf32, #tpu.memory_space<vmem>> -> memref<1x32x64xf32, #tpu.memory_space<vmem>>
      %dma_start3A_419 = tpu.memref_squeeze %dma_start3A_418 : memref<1x32x64xf32, #tpu.memory_space<vmem>> -> memref<32x64xf32, #tpu.memory_space<vmem>>
      tpu.enqueue_dma source(%dma_start3A_419 : memref<32x64xf32, #tpu.memory_space<vmem>>) target(%dma_start3A_415 : memref<32x64xf32, #tpu.memory_space<hbm>>) target_semaphore(%run_scoped3A_405 : memref<!tpu.dma_semaphore, #tpu.memory_space<semaphore_mem>>)
      %dma_wait3A = arith.constant 0 : i32
      %dma_wait3A_420 = arith.constant 0 : i32
      %dma_wait3A_421 = tpu.memref_slice %arg13[%run_scoped3A_390, %dma_wait3A, %dma_wait3A_420] : memref<2x32x64xf32, #tpu.memory_space<vmem>> -> memref<1x32x64xf32, #tpu.memory_space<vmem>>
      %dma_wait3A_422 = tpu.memref_squeeze %dma_wait3A_421 : memref<1x32x64xf32, #tpu.memory_space<vmem>> -> memref<32x64xf32, #tpu.memory_space<vmem>>
      %dma_wait3A_423 = arith.constant 0 : i32
      %dma_wait3A_424 = tpu.memref_slice %arg7[%arg0, %add3A_388, %dma_wait3A_423] : memref<2x2048x64xf32, #tpu.memory_space<hbm>> -> memref<1x32x64xf32, #tpu.memory_space<hbm>>
      %dma_wait3A_425 = tpu.memref_squeeze %dma_wait3A_424 : memref<1x32x64xf32, #tpu.memory_space<hbm>> -> memref<32x64xf32, #tpu.memory_space<hbm>>
      %dma_wait3A_426 = arith.constant 0 : i32
      %dma_wait3A_427 = tpu.memref_slice %arg7[%arg0, %add3A_388, %dma_wait3A_426] : memref<2x2048x64xf32, #tpu.memory_space<hbm>> -> memref<1x32x64xf32, #tpu.memory_space<hbm>>
      %dma_wait3A_428 = tpu.memref_squeeze %dma_wait3A_427 : memref<1x32x64xf32, #tpu.memory_space<hbm>> -> memref<32x64xf32, #tpu.memory_space<hbm>>
      %dma_wait3A_429 = arith.constant 0 : i32
      %dma_wait3A_430 = arith.constant 0 : i32
      %dma_wait3A_431 = tpu.memref_slice %arg13[%run_scoped3A_390, %dma_wait3A_429, %dma_wait3A_430] : memref<2x32x64xf32, #tpu.memory_space<vmem>> -> memref<1x32x64xf32, #tpu.memory_space<vmem>>
      %dma_wait3A_432 = tpu.memref_squeeze %dma_wait3A_431 : memref<1x32x64xf32, #tpu.memory_space<vmem>> -> memref<32x64xf32, #tpu.memory_space<vmem>>
      tpu.wait_dma2 semaphore(%run_scoped3A_405 : memref<!tpu.dma_semaphore, #tpu.memory_space<semaphore_mem>>) src(%dma_wait3A_432 : memref<32x64xf32, #tpu.memory_space<vmem>>) dst(%dma_wait3A_428 : memref<32x64xf32, #tpu.memory_space<hbm>>)
      tpu.yield
    }) : () -> ()
    %mul3A_391 = arith.constant 128 : i32
    %mul3A_392 = arith.muli %arg1, %mul3A_391 : i32
    %add3A_393 = arith.constant 64 : i32
    %add3A_394 = arith.addi %mul3A_392, %add3A_393 : i32
    %run_scoped3A_395 = arith.constant 0 : i32
    "tpu.region"() ({
      %run_scoped3A_405 = tpu.sem_alloc : memref<!tpu.dma_semaphore, #tpu.memory_space<semaphore_mem>>
      %dma_start3A_406 = arith.constant 0 : i32
      %dma_start3A_407 = arith.constant 0 : i32
      %dma_start3A_408 = tpu.memref_slice %arg13[%run_scoped3A_395, %dma_start3A_406, %dma_start3A_407] : memref<2x32x64xf32, #tpu.memory_space<vmem>> -> memref<1x32x64xf32, #tpu.memory_space<vmem>>
      %dma_start3A_409 = tpu.memref_squeeze %dma_start3A_408 : memref<1x32x64xf32, #tpu.memory_space<vmem>> -> memref<32x64xf32, #tpu.memory_space<vmem>>
      %dma_start3A_410 = arith.constant 0 : i32
      %dma_start3A_411 = tpu.memref_slice %arg9[%add3A_394, %dma_start3A_410] : memref<2048x64xf32, #tpu.memory_space<vmem_shared>> -> memref<32x64xf32, #tpu.memory_space<vmem_shared>>
      %dma_start3A_412 = arith.constant 0 : i32
      %dma_start3A_413 = arith.constant 0 : i32
      %dma_start3A_414 = tpu.memref_slice %arg13[%run_scoped3A_395, %dma_start3A_412, %dma_start3A_413] : memref<2x32x64xf32, #tpu.memory_space<vmem>> -> memref<1x32x64xf32, #tpu.memory_space<vmem>>
      %dma_start3A_415 = tpu.memref_squeeze %dma_start3A_414 : memref<1x32x64xf32, #tpu.memory_space<vmem>> -> memref<32x64xf32, #tpu.memory_space<vmem>>
      %dma_start3A_416 = arith.constant 0 : i32
      %dma_start3A_417 = tpu.memref_slice %arg9[%add3A_394, %dma_start3A_416] : memref<2048x64xf32, #tpu.memory_space<vmem_shared>> -> memref<32x64xf32, #tpu.memory_space<vmem_shared>>
      tpu.enqueue_dma source(%dma_start3A_417 : memref<32x64xf32, #tpu.memory_space<vmem_shared>>) target(%dma_start3A_415 : memref<32x64xf32, #tpu.memory_space<vmem>>) target_semaphore(%run_scoped3A_405 : memref<!tpu.dma_semaphore, #tpu.memory_space<semaphore_mem>>)
      %dma_wait3A = arith.constant 0 : i32
      %dma_wait3A_418 = arith.constant 0 : i32
      %dma_wait3A_419 = tpu.memref_slice %arg13[%run_scoped3A_395, %dma_wait3A, %dma_wait3A_418] : memref<2x32x64xf32, #tpu.memory_space<vmem>> -> memref<1x32x64xf32, #tpu.memory_space<vmem>>
      %dma_wait3A_420 = tpu.memref_squeeze %dma_wait3A_419 : memref<1x32x64xf32, #tpu.memory_space<vmem>> -> memref<32x64xf32, #tpu.memory_space<vmem>>
      %dma_wait3A_421 = arith.constant 0 : i32
      %dma_wait3A_422 = tpu.memref_slice %arg9[%add3A_394, %dma_wait3A_421] : memref<2048x64xf32, #tpu.memory_space<vmem_shared>> -> memref<32x64xf32, #tpu.memory_space<vmem_shared>>
      %dma_wait3A_423 = arith.constant 0 : i32
      %dma_wait3A_424 = arith.constant 0 : i32
      %dma_wait3A_425 = tpu.memref_slice %arg13[%run_scoped3A_395, %dma_wait3A_423, %dma_wait3A_424] : memref<2x32x64xf32, #tpu.memory_space<vmem>> -> memref<1x32x64xf32, #tpu.memory_space<vmem>>
      %dma_wait3A_426 = tpu.memref_squeeze %dma_wait3A_425 : memref<1x32x64xf32, #tpu.memory_space<vmem>> -> memref<32x64xf32, #tpu.memory_space<vmem>>
      %dma_wait3A_427 = arith.constant 0 : i32
      %dma_wait3A_428 = tpu.memref_slice %arg9[%add3A_394, %dma_wait3A_427] : memref<2048x64xf32, #tpu.memory_space<vmem_shared>> -> memref<32x64xf32, #tpu.memory_space<vmem_shared>>
      tpu.wait_dma2 semaphore(%run_scoped3A_405 : memref<!tpu.dma_semaphore, #tpu.memory_space<semaphore_mem>>) src(%dma_wait3A_428 : memref<32x64xf32, #tpu.memory_space<vmem_shared>>) dst(%dma_wait3A_426 : memref<32x64xf32, #tpu.memory_space<vmem>>)
      tpu.yield
    }) : () -> ()
    %run_scoped3A_396 = arith.constant 0 : i32
    "tpu.region"() ({
      %run_scoped3A_405 = tpu.sem_alloc : memref<!tpu.dma_semaphore, #tpu.memory_space<semaphore_mem>>
      %dma_start3A_406 = arith.constant 0 : i32
      %dma_start3A_407 = arith.constant 0 : i32
      %dma_start3A_408 = tpu.memref_slice %arg13[%run_scoped3A_396, %dma_start3A_406, %dma_start3A_407] : memref<2x32x64xf32, #tpu.memory_space<vmem>> -> memref<1x32x64xf32, #tpu.memory_space<vmem>>
      %dma_start3A_409 = tpu.memref_squeeze %dma_start3A_408 : memref<1x32x64xf32, #tpu.memory_space<vmem>> -> memref<32x64xf32, #tpu.memory_space<vmem>>
      %dma_start3A_410 = arith.constant 0 : i32
      %dma_start3A_411 = tpu.memref_slice %arg7[%arg0, %add3A_394, %dma_start3A_410] : memref<2x2048x64xf32, #tpu.memory_space<hbm>> -> memref<1x32x64xf32, #tpu.memory_space<hbm>>
      %dma_start3A_412 = tpu.memref_squeeze %dma_start3A_411 : memref<1x32x64xf32, #tpu.memory_space<hbm>> -> memref<32x64xf32, #tpu.memory_space<hbm>>
      %dma_start3A_413 = arith.constant 0 : i32
      %dma_start3A_414 = tpu.memref_slice %arg7[%arg0, %add3A_394, %dma_start3A_413] : memref<2x2048x64xf32, #tpu.memory_space<hbm>> -> memref<1x32x64xf32, #tpu.memory_space<hbm>>
      %dma_start3A_415 = tpu.memref_squeeze %dma_start3A_414 : memref<1x32x64xf32, #tpu.memory_space<hbm>> -> memref<32x64xf32, #tpu.memory_space<hbm>>
      %dma_start3A_416 = arith.constant 0 : i32
      %dma_start3A_417 = arith.constant 0 : i32
      %dma_start3A_418 = tpu.memref_slice %arg13[%run_scoped3A_396, %dma_start3A_416, %dma_start3A_417] : memref<2x32x64xf32, #tpu.memory_space<vmem>> -> memref<1x32x64xf32, #tpu.memory_space<vmem>>
      %dma_start3A_419 = tpu.memref_squeeze %dma_start3A_418 : memref<1x32x64xf32, #tpu.memory_space<vmem>> -> memref<32x64xf32, #tpu.memory_space<vmem>>
      tpu.enqueue_dma source(%dma_start3A_419 : memref<32x64xf32, #tpu.memory_space<vmem>>) target(%dma_start3A_415 : memref<32x64xf32, #tpu.memory_space<hbm>>) target_semaphore(%run_scoped3A_405 : memref<!tpu.dma_semaphore, #tpu.memory_space<semaphore_mem>>)
      %dma_wait3A = arith.constant 0 : i32
      %dma_wait3A_420 = arith.constant 0 : i32
      %dma_wait3A_421 = tpu.memref_slice %arg13[%run_scoped3A_396, %dma_wait3A, %dma_wait3A_420] : memref<2x32x64xf32, #tpu.memory_space<vmem>> -> memref<1x32x64xf32, #tpu.memory_space<vmem>>
      %dma_wait3A_422 = tpu.memref_squeeze %dma_wait3A_421 : memref<1x32x64xf32, #tpu.memory_space<vmem>> -> memref<32x64xf32, #tpu.memory_space<vmem>>
      %dma_wait3A_423 = arith.constant 0 : i32
      %dma_wait3A_424 = tpu.memref_slice %arg7[%arg0, %add3A_394, %dma_wait3A_423] : memref<2x2048x64xf32, #tpu.memory_space<hbm>> -> memref<1x32x64xf32, #tpu.memory_space<hbm>>
      %dma_wait3A_425 = tpu.memref_squeeze %dma_wait3A_424 : memref<1x32x64xf32, #tpu.memory_space<hbm>> -> memref<32x64xf32, #tpu.memory_space<hbm>>
      %dma_wait3A_426 = arith.constant 0 : i32
      %dma_wait3A_427 = tpu.memref_slice %arg7[%arg0, %add3A_394, %dma_wait3A_426] : memref<2x2048x64xf32, #tpu.memory_space<hbm>> -> memref<1x32x64xf32, #tpu.memory_space<hbm>>
      %dma_wait3A_428 = tpu.memref_squeeze %dma_wait3A_427 : memref<1x32x64xf32, #tpu.memory_space<hbm>> -> memref<32x64xf32, #tpu.memory_space<hbm>>
      %dma_wait3A_429 = arith.constant 0 : i32
      %dma_wait3A_430 = arith.constant 0 : i32
      %dma_wait3A_431 = tpu.memref_slice %arg13[%run_scoped3A_396, %dma_wait3A_429, %dma_wait3A_430] : memref<2x32x64xf32, #tpu.memory_space<vmem>> -> memref<1x32x64xf32, #tpu.memory_space<vmem>>
      %dma_wait3A_432 = tpu.memref_squeeze %dma_wait3A_431 : memref<1x32x64xf32, #tpu.memory_space<vmem>> -> memref<32x64xf32, #tpu.memory_space<vmem>>
      tpu.wait_dma2 semaphore(%run_scoped3A_405 : memref<!tpu.dma_semaphore, #tpu.memory_space<semaphore_mem>>) src(%dma_wait3A_432 : memref<32x64xf32, #tpu.memory_space<vmem>>) dst(%dma_wait3A_428 : memref<32x64xf32, #tpu.memory_space<hbm>>)
      tpu.yield
    }) : () -> ()
    %mul3A_397 = arith.constant 128 : i32
    %mul3A_398 = arith.muli %arg1, %mul3A_397 : i32
    %add3A_399 = arith.constant 96 : i32
    %add3A_400 = arith.addi %mul3A_398, %add3A_399 : i32
    %run_scoped3A_401 = arith.constant 1 : i32
    "tpu.region"() ({
      %run_scoped3A_405 = tpu.sem_alloc : memref<!tpu.dma_semaphore, #tpu.memory_space<semaphore_mem>>
      %dma_start3A_406 = arith.constant 0 : i32
      %dma_start3A_407 = arith.constant 0 : i32
      %dma_start3A_408 = tpu.memref_slice %arg13[%run_scoped3A_401, %dma_start3A_406, %dma_start3A_407] : memref<2x32x64xf32, #tpu.memory_space<vmem>> -> memref<1x32x64xf32, #tpu.memory_space<vmem>>
      %dma_start3A_409 = tpu.memref_squeeze %dma_start3A_408 : memref<1x32x64xf32, #tpu.memory_space<vmem>> -> memref<32x64xf32, #tpu.memory_space<vmem>>
      %dma_start3A_410 = arith.constant 0 : i32
      %dma_start3A_411 = tpu.memref_slice %arg9[%add3A_400, %dma_start3A_410] : memref<2048x64xf32, #tpu.memory_space<vmem_shared>> -> memref<32x64xf32, #tpu.memory_space<vmem_shared>>
      %dma_start3A_412 = arith.constant 0 : i32
      %dma_start3A_413 = arith.constant 0 : i32
      %dma_start3A_414 = tpu.memref_slice %arg13[%run_scoped3A_401, %dma_start3A_412, %dma_start3A_413] : memref<2x32x64xf32, #tpu.memory_space<vmem>> -> memref<1x32x64xf32, #tpu.memory_space<vmem>>
      %dma_start3A_415 = tpu.memref_squeeze %dma_start3A_414 : memref<1x32x64xf32, #tpu.memory_space<vmem>> -> memref<32x64xf32, #tpu.memory_space<vmem>>
      %dma_start3A_416 = arith.constant 0 : i32
      %dma_start3A_417 = tpu.memref_slice %arg9[%add3A_400, %dma_start3A_416] : memref<2048x64xf32, #tpu.memory_space<vmem_shared>> -> memref<32x64xf32, #tpu.memory_space<vmem_shared>>
      tpu.enqueue_dma source(%dma_start3A_417 : memref<32x64xf32, #tpu.memory_space<vmem_shared>>) target(%dma_start3A_415 : memref<32x64xf32, #tpu.memory_space<vmem>>) target_semaphore(%run_scoped3A_405 : memref<!tpu.dma_semaphore, #tpu.memory_space<semaphore_mem>>)
      %dma_wait3A = arith.constant 0 : i32
      %dma_wait3A_418 = arith.constant 0 : i32
      %dma_wait3A_419 = tpu.memref_slice %arg13[%run_scoped3A_401, %dma_wait3A, %dma_wait3A_418] : memref<2x32x64xf32, #tpu.memory_space<vmem>> -> memref<1x32x64xf32, #tpu.memory_space<vmem>>
      %dma_wait3A_420 = tpu.memref_squeeze %dma_wait3A_419 : memref<1x32x64xf32, #tpu.memory_space<vmem>> -> memref<32x64xf32, #tpu.memory_space<vmem>>
      %dma_wait3A_421 = arith.constant 0 : i32
      %dma_wait3A_422 = tpu.memref_slice %arg9[%add3A_400, %dma_wait3A_421] : memref<2048x64xf32, #tpu.memory_space<vmem_shared>> -> memref<32x64xf32, #tpu.memory_space<vmem_shared>>
      %dma_wait3A_423 = arith.constant 0 : i32
      %dma_wait3A_424 = arith.constant 0 : i32
      %dma_wait3A_425 = tpu.memref_slice %arg13[%run_scoped3A_401, %dma_wait3A_423, %dma_wait3A_424] : memref<2x32x64xf32, #tpu.memory_space<vmem>> -> memref<1x32x64xf32, #tpu.memory_space<vmem>>
      %dma_wait3A_426 = tpu.memref_squeeze %dma_wait3A_425 : memref<1x32x64xf32, #tpu.memory_space<vmem>> -> memref<32x64xf32, #tpu.memory_space<vmem>>
      %dma_wait3A_427 = arith.constant 0 : i32
      %dma_wait3A_428 = tpu.memref_slice %arg9[%add3A_400, %dma_wait3A_427] : memref<2048x64xf32, #tpu.memory_space<vmem_shared>> -> memref<32x64xf32, #tpu.memory_space<vmem_shared>>
      tpu.wait_dma2 semaphore(%run_scoped3A_405 : memref<!tpu.dma_semaphore, #tpu.memory_space<semaphore_mem>>) src(%dma_wait3A_428 : memref<32x64xf32, #tpu.memory_space<vmem_shared>>) dst(%dma_wait3A_426 : memref<32x64xf32, #tpu.memory_space<vmem>>)
      tpu.yield
    }) : () -> ()
    %run_scoped3A_402 = arith.constant 1 : i32
    "tpu.region"() ({
      %run_scoped3A_405 = tpu.sem_alloc : memref<!tpu.dma_semaphore, #tpu.memory_space<semaphore_mem>>
      %dma_start3A_406 = arith.constant 0 : i32
      %dma_start3A_407 = arith.constant 0 : i32
      %dma_start3A_408 = tpu.memref_slice %arg13[%run_scoped3A_402, %dma_start3A_406, %dma_start3A_407] : memref<2x32x64xf32, #tpu.memory_space<vmem>> -> memref<1x32x64xf32, #tpu.memory_space<vmem>>
      %dma_start3A_409 = tpu.memref_squeeze %dma_start3A_408 : memref<1x32x64xf32, #tpu.memory_space<vmem>> -> memref<32x64xf32, #tpu.memory_space<vmem>>
      %dma_start3A_410 = arith.constant 0 : i32
      %dma_start3A_411 = tpu.memref_slice %arg7[%arg0, %add3A_400, %dma_start3A_410] : memref<2x2048x64xf32, #tpu.memory_space<hbm>> -> memref<1x32x64xf32, #tpu.memory_space<hbm>>
      %dma_start3A_412 = tpu.memref_squeeze %dma_start3A_411 : memref<1x32x64xf32, #tpu.memory_space<hbm>> -> memref<32x64xf32, #tpu.memory_space<hbm>>
      %dma_start3A_413 = arith.constant 0 : i32
      %dma_start3A_414 = tpu.memref_slice %arg7[%arg0, %add3A_400, %dma_start3A_413] : memref<2x2048x64xf32, #tpu.memory_space<hbm>> -> memref<1x32x64xf32, #tpu.memory_space<hbm>>
      %dma_start3A_415 = tpu.memref_squeeze %dma_start3A_414 : memref<1x32x64xf32, #tpu.memory_space<hbm>> -> memref<32x64xf32, #tpu.memory_space<hbm>>
      %dma_start3A_416 = arith.constant 0 : i32
      %dma_start3A_417 = arith.constant 0 : i32
      %dma_start3A_418 = tpu.memref_slice %arg13[%run_scoped3A_402, %dma_start3A_416, %dma_start3A_417] : memref<2x32x64xf32, #tpu.memory_space<vmem>> -> memref<1x32x64xf32, #tpu.memory_space<vmem>>
      %dma_start3A_419 = tpu.memref_squeeze %dma_start3A_418 : memref<1x32x64xf32, #tpu.memory_space<vmem>> -> memref<32x64xf32, #tpu.memory_space<vmem>>
      tpu.enqueue_dma source(%dma_start3A_419 : memref<32x64xf32, #tpu.memory_space<vmem>>) target(%dma_start3A_415 : memref<32x64xf32, #tpu.memory_space<hbm>>) target_semaphore(%run_scoped3A_405 : memref<!tpu.dma_semaphore, #tpu.memory_space<semaphore_mem>>)
      %dma_wait3A = arith.constant 0 : i32
      %dma_wait3A_420 = arith.constant 0 : i32
      %dma_wait3A_421 = tpu.memref_slice %arg13[%run_scoped3A_402, %dma_wait3A, %dma_wait3A_420] : memref<2x32x64xf32, #tpu.memory_space<vmem>> -> memref<1x32x64xf32, #tpu.memory_space<vmem>>
      %dma_wait3A_422 = tpu.memref_squeeze %dma_wait3A_421 : memref<1x32x64xf32, #tpu.memory_space<vmem>> -> memref<32x64xf32, #tpu.memory_space<vmem>>
      %dma_wait3A_423 = arith.constant 0 : i32
      %dma_wait3A_424 = tpu.memref_slice %arg7[%arg0, %add3A_400, %dma_wait3A_423] : memref<2x2048x64xf32, #tpu.memory_space<hbm>> -> memref<1x32x64xf32, #tpu.memory_space<hbm>>
      %dma_wait3A_425 = tpu.memref_squeeze %dma_wait3A_424 : memref<1x32x64xf32, #tpu.memory_space<hbm>> -> memref<32x64xf32, #tpu.memory_space<hbm>>
      %dma_wait3A_426 = arith.constant 0 : i32
      %dma_wait3A_427 = tpu.memref_slice %arg7[%arg0, %add3A_400, %dma_wait3A_426] : memref<2x2048x64xf32, #tpu.memory_space<hbm>> -> memref<1x32x64xf32, #tpu.memory_space<hbm>>
      %dma_wait3A_428 = tpu.memref_squeeze %dma_wait3A_427 : memref<1x32x64xf32, #tpu.memory_space<hbm>> -> memref<32x64xf32, #tpu.memory_space<hbm>>
      %dma_wait3A_429 = arith.constant 0 : i32
      %dma_wait3A_430 = arith.constant 0 : i32
      %dma_wait3A_431 = tpu.memref_slice %arg13[%run_scoped3A_402, %dma_wait3A_429, %dma_wait3A_430] : memref<2x32x64xf32, #tpu.memory_space<vmem>> -> memref<1x32x64xf32, #tpu.memory_space<vmem>>
      %dma_wait3A_432 = tpu.memref_squeeze %dma_wait3A_431 : memref<1x32x64xf32, #tpu.memory_space<vmem>> -> memref<32x64xf32, #tpu.memory_space<vmem>>
      tpu.wait_dma2 semaphore(%run_scoped3A_405 : memref<!tpu.dma_semaphore, #tpu.memory_space<semaphore_mem>>) src(%dma_wait3A_432 : memref<32x64xf32, #tpu.memory_space<vmem>>) dst(%dma_wait3A_428 : memref<32x64xf32, #tpu.memory_space<hbm>>)
      tpu.yield
    }) : () -> ()
    %eq3A = arith.constant 0 : i32
    %eq3A_403 = arith.cmpi eq, %arg0, %eq3A : i32
    %convert_element_type3A = arith.extui %eq3A_403 : i1 to i32
    %cond3A = arith.constant 0 : i32
    %cond3A_404 = arith.cmpi ne, %convert_element_type3A, %cond3A : i32
    scf.if %cond3A_404 {
      %mul3A_405 = arith.constant 128 : i32
      %mul3A_406 = arith.muli %arg1, %mul3A_405 : i32
      "tpu.region"() ({
        %run_scoped3A_1063 = tpu.sem_alloc : memref<!tpu.dma_semaphore, #tpu.memory_space<semaphore_mem>>
        %dma_start3A_1064 = arith.constant 0 : i32
        %dma_start3A_1065 = tpu.memref_slice %arg11[%dma_start3A_1064, %mul3A_406] : memref<16x2048xf32, #tpu.memory_space<vmem_shared>> -> memref<16x128xf32, #tpu.memory_space<vmem_shared>>
        %dma_start3A_1066 = arith.constant 0 : i32
        %dma_start3A_1067 = tpu.memref_slice %arg11[%dma_start3A_1066, %mul3A_406] : memref<16x2048xf32, #tpu.memory_space<vmem_shared>> -> memref<16x128xf32, #tpu.memory_space<vmem_shared>>
        tpu.enqueue_dma source(%dma_start3A_1067 : memref<16x128xf32, #tpu.memory_space<vmem_shared>>) target(%arg20 : memref<16x128xf32, #tpu.memory_space<vmem>>) target_semaphore(%run_scoped3A_1063 : memref<!tpu.dma_semaphore, #tpu.memory_space<semaphore_mem>>)
        %dma_wait3A = arith.constant 0 : i32
        %dma_wait3A_1068 = tpu.memref_slice %arg11[%dma_wait3A, %mul3A_406] : memref<16x2048xf32, #tpu.memory_space<vmem_shared>> -> memref<16x128xf32, #tpu.memory_space<vmem_shared>>
        %dma_wait3A_1069 = arith.constant 0 : i32
        %dma_wait3A_1070 = tpu.memref_slice %arg11[%dma_wait3A_1069, %mul3A_406] : memref<16x2048xf32, #tpu.memory_space<vmem_shared>> -> memref<16x128xf32, #tpu.memory_space<vmem_shared>>
        tpu.wait_dma2 semaphore(%run_scoped3A_1063 : memref<!tpu.dma_semaphore, #tpu.memory_space<semaphore_mem>>) src(%dma_wait3A_1070 : memref<16x128xf32, #tpu.memory_space<vmem_shared>>) dst(%arg20 : memref<16x128xf32, #tpu.memory_space<vmem>>)
        tpu.yield
      }) : () -> ()
      %get3A = arith.constant 0 : i32
      %get3A_407 = arith.index_cast %get3A : i32 to index
      %get3A_408 = arith.constant 0 : index
      %get3A_409 = tpu.vector_load %arg20[%get3A_407, %get3A_408] {strides = array<i32>} : memref<16x128xf32, #tpu.memory_space<vmem>>, vector<16xf32>,
      %add3A_410 = arith.addf %broadcast_in_dim3A_0, %get3A_409 : vector<16xf32>
      %get3A_411 = arith.constant 1 : i32
      %get3A_412 = arith.index_cast %get3A_411 : i32 to index
      %get3A_413 = arith.constant 0 : index
      %get3A_414 = tpu.vector_load %arg20[%get3A_412, %get3A_413] {strides = array<i32>} : memref<16x128xf32, #tpu.memory_space<vmem>>, vector<16xf32>,
      %add3A_415 = arith.addf %add3A_410, %get3A_414 : vector<16xf32>
      %get3A_416 = arith.constant 2 : i32
      %get3A_417 = arith.index_cast %get3A_416 : i32 to index
      %get3A_418 = arith.constant 0 : index
      %get3A_419 = tpu.vector_load %arg20[%get3A_417, %get3A_418] {strides = array<i32>} : memref<16x128xf32, #tpu.memory_space<vmem>>, vector<16xf32>,
      %add3A_420 = arith.addf %add3A_415, %get3A_419 : vector<16xf32>
      %get3A_421 = arith.constant 3 : i32
      %get3A_422 = arith.index_cast %get3A_421 : i32 to index
      %get3A_423 = arith.constant 0 : index
      %get3A_424 = tpu.vector_load %arg20[%get3A_422, %get3A_423] {strides = array<i32>} : memref<16x128xf32, #tpu.memory_space<vmem>>, vector<16xf32>,
      %add3A_425 = arith.addf %add3A_420, %get3A_424 : vector<16xf32>
      %get3A_426 = arith.constant 4 : i32
      %get3A_427 = arith.index_cast %get3A_426 : i32 to index
      %get3A_428 = arith.constant 0 : index
      %get3A_429 = tpu.vector_load %arg20[%get3A_427, %get3A_428] {strides = array<i32>} : memref<16x128xf32, #tpu.memory_space<vmem>>, vector<16xf32>,
      %add3A_430 = arith.addf %add3A_425, %get3A_429 : vector<16xf32>
      %get3A_431 = arith.constant 5 : i32
      %get3A_432 = arith.index_cast %get3A_431 : i32 to index
      %get3A_433 = arith.constant 0 : index
      %get3A_434 = tpu.vector_load %arg20[%get3A_432, %get3A_433] {strides = array<i32>} : memref<16x128xf32, #tpu.memory_space<vmem>>, vector<16xf32>,
      %add3A_435 = arith.addf %add3A_430, %get3A_434 : vector<16xf32>
      %get3A_436 = arith.constant 6 : i32
      %get3A_437 = arith.index_cast %get3A_436 : i32 to index
      %get3A_438 = arith.constant 0 : index
      %get3A_439 = tpu.vector_load %arg20[%get3A_437, %get3A_438] {strides = array<i32>} : memref<16x128xf32, #tpu.memory_space<vmem>>, vector<16xf32>,
      %add3A_440 = arith.addf %add3A_435, %get3A_439 : vector<16xf32>
      %get3A_441 = arith.constant 7 : i32
      %get3A_442 = arith.index_cast %get3A_441 : i32 to index
      %get3A_443 = arith.constant 0 : index
      %get3A_444 = tpu.vector_load %arg20[%get3A_442, %get3A_443] {strides = array<i32>} : memref<16x128xf32, #tpu.memory_space<vmem>>, vector<16xf32>,
      %add3A_445 = arith.addf %add3A_440, %get3A_444 : vector<16xf32>
      %get3A_446 = arith.constant 8 : i32
      %get3A_447 = arith.index_cast %get3A_446 : i32 to index
      %get3A_448 = arith.constant 0 : index
      %get3A_449 = tpu.vector_load %arg20[%get3A_447, %get3A_448] {strides = array<i32>} : memref<16x128xf32, #tpu.memory_space<vmem>>, vector<16xf32>,
      %add3A_450 = arith.addf %add3A_445, %get3A_449 : vector<16xf32>
      %get3A_451 = arith.constant 9 : i32
      %get3A_452 = arith.index_cast %get3A_451 : i32 to index
      %get3A_453 = arith.constant 0 : index
      %get3A_454 = tpu.vector_load %arg20[%get3A_452, %get3A_453] {strides = array<i32>} : memref<16x128xf32, #tpu.memory_space<vmem>>, vector<16xf32>,
      %add3A_455 = arith.addf %add3A_450, %get3A_454 : vector<16xf32>
      %get3A_456 = arith.constant 10 : i32
      %get3A_457 = arith.index_cast %get3A_456 : i32 to index
      %get3A_458 = arith.constant 0 : index
      %get3A_459 = tpu.vector_load %arg20[%get3A_457, %get3A_458] {strides = array<i32>} : memref<16x128xf32, #tpu.memory_space<vmem>>, vector<16xf32>,
      %add3A_460 = arith.addf %add3A_455, %get3A_459 : vector<16xf32>
      %get3A_461 = arith.constant 11 : i32
      %get3A_462 = arith.index_cast %get3A_461 : i32 to index
      %get3A_463 = arith.constant 0 : index
      %get3A_464 = tpu.vector_load %arg20[%get3A_462, %get3A_463] {strides = array<i32>} : memref<16x128xf32, #tpu.memory_space<vmem>>, vector<16xf32>,
      %add3A_465 = arith.addf %add3A_460, %get3A_464 : vector<16xf32>
      %get3A_466 = arith.constant 12 : i32
      %get3A_467 = arith.index_cast %get3A_466 : i32 to index
      %get3A_468 = arith.constant 0 : index
      %get3A_469 = tpu.vector_load %arg20[%get3A_467, %get3A_468] {strides = array<i32>} : memref<16x128xf32, #tpu.memory_space<vmem>>, vector<16xf32>,
      %add3A_470 = arith.addf %add3A_465, %get3A_469 : vector<16xf32>
      %get3A_471 = arith.constant 13 : i32
      %get3A_472 = arith.index_cast %get3A_471 : i32 to index
      %get3A_473 = arith.constant 0 : index
      %get3A_474 = tpu.vector_load %arg20[%get3A_472, %get3A_473] {strides = array<i32>} : memref<16x128xf32, #tpu.memory_space<vmem>>, vector<16xf32>,
      %add3A_475 = arith.addf %add3A_470, %get3A_474 : vector<16xf32>
      %get3A_476 = arith.constant 14 : i32
      %get3A_477 = arith.index_cast %get3A_476 : i32 to index
      %get3A_478 = arith.constant 0 : index
      %get3A_479 = tpu.vector_load %arg20[%get3A_477, %get3A_478] {strides = array<i32>} : memref<16x128xf32, #tpu.memory_space<vmem>>, vector<16xf32>,
      %add3A_480 = arith.addf %add3A_475, %get3A_479 : vector<16xf32>
      %get3A_481 = arith.constant 15 : i32
      %get3A_482 = arith.index_cast %get3A_481 : i32 to index
      %get3A_483 = arith.constant 0 : index
      %get3A_484 = tpu.vector_load %arg20[%get3A_482, %get3A_483] {strides = array<i32>} : memref<16x128xf32, #tpu.memory_space<vmem>>, vector<16xf32>,
      %add3A_485 = arith.addf %add3A_480, %get3A_484 : vector<16xf32>
      %swap3A = arith.constant 0 : index
      %swap3A_486 = tpu.vector_load %arg21[%swap3A] {strides = array<i32>} : memref<128xf32, #tpu.memory_space<vmem>>, vector<16xf32>,
      tpu.vector_store %arg21[%swap3A], %add3A_485 {strides = array<i32>} : memref<128xf32, #tpu.memory_space<vmem>>, vector<16xf32>,
      %get3A_487 = arith.constant 0 : i32
      %get3A_488 = arith.index_cast %get3A_487 : i32 to index
      %get3A_489 = arith.constant 16 : index
      %get3A_490 = tpu.vector_load %arg20[%get3A_488, %get3A_489] {strides = array<i32>} : memref<16x128xf32, #tpu.memory_space<vmem>>, vector<16xf32>,
      %add3A_491 = arith.addf %broadcast_in_dim3A_0, %get3A_490 : vector<16xf32>
      %get3A_492 = arith.constant 1 : i32
      %get3A_493 = arith.index_cast %get3A_492 : i32 to index
      %get3A_494 = arith.constant 16 : index
      %get3A_495 = tpu.vector_load %arg20[%get3A_493, %get3A_494] {strides = array<i32>} : memref<16x128xf32, #tpu.memory_space<vmem>>, vector<16xf32>,
      %add3A_496 = arith.addf %add3A_491, %get3A_495 : vector<16xf32>
      %get3A_497 = arith.constant 2 : i32
      %get3A_498 = arith.index_cast %get3A_497 : i32 to index
      %get3A_499 = arith.constant 16 : index
      %get3A_500 = tpu.vector_load %arg20[%get3A_498, %get3A_499] {strides = array<i32>} : memref<16x128xf32, #tpu.memory_space<vmem>>, vector<16xf32>,
      %add3A_501 = arith.addf %add3A_496, %get3A_500 : vector<16xf32>
      %get3A_502 = arith.constant 3 : i32
      %get3A_503 = arith.index_cast %get3A_502 : i32 to index
      %get3A_504 = arith.constant 16 : index
      %get3A_505 = tpu.vector_load %arg20[%get3A_503, %get3A_504] {strides = array<i32>} : memref<16x128xf32, #tpu.memory_space<vmem>>, vector<16xf32>,
      %add3A_506 = arith.addf %add3A_501, %get3A_505 : vector<16xf32>
      %get3A_507 = arith.constant 4 : i32
      %get3A_508 = arith.index_cast %get3A_507 : i32 to index
      %get3A_509 = arith.constant 16 : index
      %get3A_510 = tpu.vector_load %arg20[%get3A_508, %get3A_509] {strides = array<i32>} : memref<16x128xf32, #tpu.memory_space<vmem>>, vector<16xf32>,
      %add3A_511 = arith.addf %add3A_506, %get3A_510 : vector<16xf32>
      %get3A_512 = arith.constant 5 : i32
      %get3A_513 = arith.index_cast %get3A_512 : i32 to index
      %get3A_514 = arith.constant 16 : index
      %get3A_515 = tpu.vector_load %arg20[%get3A_513, %get3A_514] {strides = array<i32>} : memref<16x128xf32, #tpu.memory_space<vmem>>, vector<16xf32>,
      %add3A_516 = arith.addf %add3A_511, %get3A_515 : vector<16xf32>
      %get3A_517 = arith.constant 6 : i32
      %get3A_518 = arith.index_cast %get3A_517 : i32 to index
      %get3A_519 = arith.constant 16 : index
      %get3A_520 = tpu.vector_load %arg20[%get3A_518, %get3A_519] {strides = array<i32>} : memref<16x128xf32, #tpu.memory_space<vmem>>, vector<16xf32>,
      %add3A_521 = arith.addf %add3A_516, %get3A_520 : vector<16xf32>
      %get3A_522 = arith.constant 7 : i32
      %get3A_523 = arith.index_cast %get3A_522 : i32 to index
      %get3A_524 = arith.constant 16 : index
      %get3A_525 = tpu.vector_load %arg20[%get3A_523, %get3A_524] {strides = array<i32>} : memref<16x128xf32, #tpu.memory_space<vmem>>, vector<16xf32>,
      %add3A_526 = arith.addf %add3A_521, %get3A_525 : vector<16xf32>
      %get3A_527 = arith.constant 8 : i32
      %get3A_528 = arith.index_cast %get3A_527 : i32 to index
      %get3A_529 = arith.constant 16 : index
      %get3A_530 = tpu.vector_load %arg20[%get3A_528, %get3A_529] {strides = array<i32>} : memref<16x128xf32, #tpu.memory_space<vmem>>, vector<16xf32>,
      %add3A_531 = arith.addf %add3A_526, %get3A_530 : vector<16xf32>
      %get3A_532 = arith.constant 9 : i32
      %get3A_533 = arith.index_cast %get3A_532 : i32 to index
      %get3A_534 = arith.constant 16 : index
      %get3A_535 = tpu.vector_load %arg20[%get3A_533, %get3A_534] {strides = array<i32>} : memref<16x128xf32, #tpu.memory_space<vmem>>, vector<16xf32>,
      %add3A_536 = arith.addf %add3A_531, %get3A_535 : vector<16xf32>
      %get3A_537 = arith.constant 10 : i32
      %get3A_538 = arith.index_cast %get3A_537 : i32 to index
      %get3A_539 = arith.constant 16 : index
      %get3A_540 = tpu.vector_load %arg20[%get3A_538, %get3A_539] {strides = array<i32>} : memref<16x128xf32, #tpu.memory_space<vmem>>, vector<16xf32>,
      %add3A_541 = arith.addf %add3A_536, %get3A_540 : vector<16xf32>
      %get3A_542 = arith.constant 11 : i32
      %get3A_543 = arith.index_cast %get3A_542 : i32 to index
      %get3A_544 = arith.constant 16 : index
      %get3A_545 = tpu.vector_load %arg20[%get3A_543, %get3A_544] {strides = array<i32>} : memref<16x128xf32, #tpu.memory_space<vmem>>, vector<16xf32>,
      %add3A_546 = arith.addf %add3A_541, %get3A_545 : vector<16xf32>
      %get3A_547 = arith.constant 12 : i32
      %get3A_548 = arith.index_cast %get3A_547 : i32 to index
      %get3A_549 = arith.constant 16 : index
      %get3A_550 = tpu.vector_load %arg20[%get3A_548, %get3A_549] {strides = array<i32>} : memref<16x128xf32, #tpu.memory_space<vmem>>, vector<16xf32>,
      %add3A_551 = arith.addf %add3A_546, %get3A_550 : vector<16xf32>
      %get3A_552 = arith.constant 13 : i32
      %get3A_553 = arith.index_cast %get3A_552 : i32 to index
      %get3A_554 = arith.constant 16 : index
      %get3A_555 = tpu.vector_load %arg20[%get3A_553, %get3A_554] {strides = array<i32>} : memref<16x128xf32, #tpu.memory_space<vmem>>, vector<16xf32>,
      %add3A_556 = arith.addf %add3A_551, %get3A_555 : vector<16xf32>
      %get3A_557 = arith.constant 14 : i32
      %get3A_558 = arith.index_cast %get3A_557 : i32 to index
      %get3A_559 = arith.constant 16 : index
      %get3A_560 = tpu.vector_load %arg20[%get3A_558, %get3A_559] {strides = array<i32>} : memref<16x128xf32, #tpu.memory_space<vmem>>, vector<16xf32>,
      %add3A_561 = arith.addf %add3A_556, %get3A_560 : vector<16xf32>
      %get3A_562 = arith.constant 15 : i32
      %get3A_563 = arith.index_cast %get3A_562 : i32 to index
      %get3A_564 = arith.constant 16 : index
      %get3A_565 = tpu.vector_load %arg20[%get3A_563, %get3A_564] {strides = array<i32>} : memref<16x128xf32, #tpu.memory_space<vmem>>, vector<16xf32>,
      %add3A_566 = arith.addf %add3A_561, %get3A_565 : vector<16xf32>
      %swap3A_567 = arith.constant 16 : index
      %swap3A_568 = tpu.vector_load %arg21[%swap3A_567] {strides = array<i32>} : memref<128xf32, #tpu.memory_space<vmem>>, vector<16xf32>,
      tpu.vector_store %arg21[%swap3A_567], %add3A_566 {strides = array<i32>} : memref<128xf32, #tpu.memory_space<vmem>>, vector<16xf32>,
      %get3A_569 = arith.constant 0 : i32
      %get3A_570 = arith.index_cast %get3A_569 : i32 to index
      %get3A_571 = arith.constant 32 : index
      %get3A_572 = tpu.vector_load %arg20[%get3A_570, %get3A_571] {strides = array<i32>} : memref<16x128xf32, #tpu.memory_space<vmem>>, vector<16xf32>,
      %add3A_573 = arith.addf %broadcast_in_dim3A_0, %get3A_572 : vector<16xf32>
      %get3A_574 = arith.constant 1 : i32
      %get3A_575 = arith.index_cast %get3A_574 : i32 to index
      %get3A_576 = arith.constant 32 : index
      %get3A_577 = tpu.vector_load %arg20[%get3A_575, %get3A_576] {strides = array<i32>} : memref<16x128xf32, #tpu.memory_space<vmem>>, vector<16xf32>,
      %add3A_578 = arith.addf %add3A_573, %get3A_577 : vector<16xf32>
      %get3A_579 = arith.constant 2 : i32
      %get3A_580 = arith.index_cast %get3A_579 : i32 to index
      %get3A_581 = arith.constant 32 : index
      %get3A_582 = tpu.vector_load %arg20[%get3A_580, %get3A_581] {strides = array<i32>} : memref<16x128xf32, #tpu.memory_space<vmem>>, vector<16xf32>,
      %add3A_583 = arith.addf %add3A_578, %get3A_582 : vector<16xf32>
      %get3A_584 = arith.constant 3 : i32
      %get3A_585 = arith.index_cast %get3A_584 : i32 to index
      %get3A_586 = arith.constant 32 : index
      %get3A_587 = tpu.vector_load %arg20[%get3A_585, %get3A_586] {strides = array<i32>} : memref<16x128xf32, #tpu.memory_space<vmem>>, vector<16xf32>,
      %add3A_588 = arith.addf %add3A_583, %get3A_587 : vector<16xf32>
      %get3A_589 = arith.constant 4 : i32
      %get3A_590 = arith.index_cast %get3A_589 : i32 to index
      %get3A_591 = arith.constant 32 : index
      %get3A_592 = tpu.vector_load %arg20[%get3A_590, %get3A_591] {strides = array<i32>} : memref<16x128xf32, #tpu.memory_space<vmem>>, vector<16xf32>,
      %add3A_593 = arith.addf %add3A_588, %get3A_592 : vector<16xf32>
      %get3A_594 = arith.constant 5 : i32
      %get3A_595 = arith.index_cast %get3A_594 : i32 to index
      %get3A_596 = arith.constant 32 : index
      %get3A_597 = tpu.vector_load %arg20[%get3A_595, %get3A_596] {strides = array<i32>} : memref<16x128xf32, #tpu.memory_space<vmem>>, vector<16xf32>,
      %add3A_598 = arith.addf %add3A_593, %get3A_597 : vector<16xf32>
      %get3A_599 = arith.constant 6 : i32
      %get3A_600 = arith.index_cast %get3A_599 : i32 to index
      %get3A_601 = arith.constant 32 : index
      %get3A_602 = tpu.vector_load %arg20[%get3A_600, %get3A_601] {strides = array<i32>} : memref<16x128xf32, #tpu.memory_space<vmem>>, vector<16xf32>,
      %add3A_603 = arith.addf %add3A_598, %get3A_602 : vector<16xf32>
      %get3A_604 = arith.constant 7 : i32
      %get3A_605 = arith.index_cast %get3A_604 : i32 to index
      %get3A_606 = arith.constant 32 : index
      %get3A_607 = tpu.vector_load %arg20[%get3A_605, %get3A_606] {strides = array<i32>} : memref<16x128xf32, #tpu.memory_space<vmem>>, vector<16xf32>,
      %add3A_608 = arith.addf %add3A_603, %get3A_607 : vector<16xf32>
      %get3A_609 = arith.constant 8 : i32
      %get3A_610 = arith.index_cast %get3A_609 : i32 to index
      %get3A_611 = arith.constant 32 : index
      %get3A_612 = tpu.vector_load %arg20[%get3A_610, %get3A_611] {strides = array<i32>} : memref<16x128xf32, #tpu.memory_space<vmem>>, vector<16xf32>,
      %add3A_613 = arith.addf %add3A_608, %get3A_612 : vector<16xf32>
      %get3A_614 = arith.constant 9 : i32
      %get3A_615 = arith.index_cast %get3A_614 : i32 to index
      %get3A_616 = arith.constant 32 : index
      %get3A_617 = tpu.vector_load %arg20[%get3A_615, %get3A_616] {strides = array<i32>} : memref<16x128xf32, #tpu.memory_space<vmem>>, vector<16xf32>,
      %add3A_618 = arith.addf %add3A_613, %get3A_617 : vector<16xf32>
      %get3A_619 = arith.constant 10 : i32
      %get3A_620 = arith.index_cast %get3A_619 : i32 to index
      %get3A_621 = arith.constant 32 : index
      %get3A_622 = tpu.vector_load %arg20[%get3A_620, %get3A_621] {strides = array<i32>} : memref<16x128xf32, #tpu.memory_space<vmem>>, vector<16xf32>,
      %add3A_623 = arith.addf %add3A_618, %get3A_622 : vector<16xf32>
      %get3A_624 = arith.constant 11 : i32
      %get3A_625 = arith.index_cast %get3A_624 : i32 to index
      %get3A_626 = arith.constant 32 : index
      %get3A_627 = tpu.vector_load %arg20[%get3A_625, %get3A_626] {strides = array<i32>} : memref<16x128xf32, #tpu.memory_space<vmem>>, vector<16xf32>,
      %add3A_628 = arith.addf %add3A_623, %get3A_627 : vector<16xf32>
      %get3A_629 = arith.constant 12 : i32
      %get3A_630 = arith.index_cast %get3A_629 : i32 to index
      %get3A_631 = arith.constant 32 : index
      %get3A_632 = tpu.vector_load %arg20[%get3A_630, %get3A_631] {strides = array<i32>} : memref<16x128xf32, #tpu.memory_space<vmem>>, vector<16xf32>,
      %add3A_633 = arith.addf %add3A_628, %get3A_632 : vector<16xf32>
      %get3A_634 = arith.constant 13 : i32
      %get3A_635 = arith.index_cast %get3A_634 : i32 to index
      %get3A_636 = arith.constant 32 : index
      %get3A_637 = tpu.vector_load %arg20[%get3A_635, %get3A_636] {strides = array<i32>} : memref<16x128xf32, #tpu.memory_space<vmem>>, vector<16xf32>,
      %add3A_638 = arith.addf %add3A_633, %get3A_637 : vector<16xf32>
      %get3A_639 = arith.constant 14 : i32
      %get3A_640 = arith.index_cast %get3A_639 : i32 to index
      %get3A_641 = arith.constant 32 : index
      %get3A_642 = tpu.vector_load %arg20[%get3A_640, %get3A_641] {strides = array<i32>} : memref<16x128xf32, #tpu.memory_space<vmem>>, vector<16xf32>,
      %add3A_643 = arith.addf %add3A_638, %get3A_642 : vector<16xf32>
      %get3A_644 = arith.constant 15 : i32
      %get3A_645 = arith.index_cast %get3A_644 : i32 to index
      %get3A_646 = arith.constant 32 : index
      %get3A_647 = tpu.vector_load %arg20[%get3A_645, %get3A_646] {strides = array<i32>} : memref<16x128xf32, #tpu.memory_space<vmem>>, vector<16xf32>,
      %add3A_648 = arith.addf %add3A_643, %get3A_647 : vector<16xf32>
      %swap3A_649 = arith.constant 32 : index
      %swap3A_650 = tpu.vector_load %arg21[%swap3A_649] {strides = array<i32>} : memref<128xf32, #tpu.memory_space<vmem>>, vector<16xf32>,
      tpu.vector_store %arg21[%swap3A_649], %add3A_648 {strides = array<i32>} : memref<128xf32, #tpu.memory_space<vmem>>, vector<16xf32>,
      %get3A_651 = arith.constant 0 : i32
      %get3A_652 = arith.index_cast %get3A_651 : i32 to index
      %get3A_653 = arith.constant 48 : index
      %get3A_654 = tpu.vector_load %arg20[%get3A_652, %get3A_653] {strides = array<i32>} : memref<16x128xf32, #tpu.memory_space<vmem>>, vector<16xf32>,
      %add3A_655 = arith.addf %broadcast_in_dim3A_0, %get3A_654 : vector<16xf32>
      %get3A_656 = arith.constant 1 : i32
      %get3A_657 = arith.index_cast %get3A_656 : i32 to index
      %get3A_658 = arith.constant 48 : index
      %get3A_659 = tpu.vector_load %arg20[%get3A_657, %get3A_658] {strides = array<i32>} : memref<16x128xf32, #tpu.memory_space<vmem>>, vector<16xf32>,
      %add3A_660 = arith.addf %add3A_655, %get3A_659 : vector<16xf32>
      %get3A_661 = arith.constant 2 : i32
      %get3A_662 = arith.index_cast %get3A_661 : i32 to index
      %get3A_663 = arith.constant 48 : index
      %get3A_664 = tpu.vector_load %arg20[%get3A_662, %get3A_663] {strides = array<i32>} : memref<16x128xf32, #tpu.memory_space<vmem>>, vector<16xf32>,
      %add3A_665 = arith.addf %add3A_660, %get3A_664 : vector<16xf32>
      %get3A_666 = arith.constant 3 : i32
      %get3A_667 = arith.index_cast %get3A_666 : i32 to index
      %get3A_668 = arith.constant 48 : index
      %get3A_669 = tpu.vector_load %arg20[%get3A_667, %get3A_668] {strides = array<i32>} : memref<16x128xf32, #tpu.memory_space<vmem>>, vector<16xf32>,
      %add3A_670 = arith.addf %add3A_665, %get3A_669 : vector<16xf32>
      %get3A_671 = arith.constant 4 : i32
      %get3A_672 = arith.index_cast %get3A_671 : i32 to index
      %get3A_673 = arith.constant 48 : index
      %get3A_674 = tpu.vector_load %arg20[%get3A_672, %get3A_673] {strides = array<i32>} : memref<16x128xf32, #tpu.memory_space<vmem>>, vector<16xf32>,
      %add3A_675 = arith.addf %add3A_670, %get3A_674 : vector<16xf32>
      %get3A_676 = arith.constant 5 : i32
      %get3A_677 = arith.index_cast %get3A_676 : i32 to index
      %get3A_678 = arith.constant 48 : index
      %get3A_679 = tpu.vector_load %arg20[%get3A_677, %get3A_678] {strides = array<i32>} : memref<16x128xf32, #tpu.memory_space<vmem>>, vector<16xf32>,
      %add3A_680 = arith.addf %add3A_675, %get3A_679 : vector<16xf32>
      %get3A_681 = arith.constant 6 : i32
      %get3A_682 = arith.index_cast %get3A_681 : i32 to index
      %get3A_683 = arith.constant 48 : index
      %get3A_684 = tpu.vector_load %arg20[%get3A_682, %get3A_683] {strides = array<i32>} : memref<16x128xf32, #tpu.memory_space<vmem>>, vector<16xf32>,
      %add3A_685 = arith.addf %add3A_680, %get3A_684 : vector<16xf32>
      %get3A_686 = arith.constant 7 : i32
      %get3A_687 = arith.index_cast %get3A_686 : i32 to index
      %get3A_688 = arith.constant 48 : index
      %get3A_689 = tpu.vector_load %arg20[%get3A_687, %get3A_688] {strides = array<i32>} : memref<16x128xf32, #tpu.memory_space<vmem>>, vector<16xf32>,
      %add3A_690 = arith.addf %add3A_685, %get3A_689 : vector<16xf32>
      %get3A_691 = arith.constant 8 : i32
      %get3A_692 = arith.index_cast %get3A_691 : i32 to index
      %get3A_693 = arith.constant 48 : index
      %get3A_694 = tpu.vector_load %arg20[%get3A_692, %get3A_693] {strides = array<i32>} : memref<16x128xf32, #tpu.memory_space<vmem>>, vector<16xf32>,
      %add3A_695 = arith.addf %add3A_690, %get3A_694 : vector<16xf32>
      %get3A_696 = arith.constant 9 : i32
      %get3A_697 = arith.index_cast %get3A_696 : i32 to index
      %get3A_698 = arith.constant 48 : index
      %get3A_699 = tpu.vector_load %arg20[%get3A_697, %get3A_698] {strides = array<i32>} : memref<16x128xf32, #tpu.memory_space<vmem>>, vector<16xf32>,
      %add3A_700 = arith.addf %add3A_695, %get3A_699 : vector<16xf32>
      %get3A_701 = arith.constant 10 : i32
      %get3A_702 = arith.index_cast %get3A_701 : i32 to index
      %get3A_703 = arith.constant 48 : index
      %get3A_704 = tpu.vector_load %arg20[%get3A_702, %get3A_703] {strides = array<i32>} : memref<16x128xf32, #tpu.memory_space<vmem>>, vector<16xf32>,
      %add3A_705 = arith.addf %add3A_700, %get3A_704 : vector<16xf32>
      %get3A_706 = arith.constant 11 : i32
      %get3A_707 = arith.index_cast %get3A_706 : i32 to index
      %get3A_708 = arith.constant 48 : index
      %get3A_709 = tpu.vector_load %arg20[%get3A_707, %get3A_708] {strides = array<i32>} : memref<16x128xf32, #tpu.memory_space<vmem>>, vector<16xf32>,
      %add3A_710 = arith.addf %add3A_705, %get3A_709 : vector<16xf32>
      %get3A_711 = arith.constant 12 : i32
      %get3A_712 = arith.index_cast %get3A_711 : i32 to index
      %get3A_713 = arith.constant 48 : index
      %get3A_714 = tpu.vector_load %arg20[%get3A_712, %get3A_713] {strides = array<i32>} : memref<16x128xf32, #tpu.memory_space<vmem>>, vector<16xf32>,
      %add3A_715 = arith.addf %add3A_710, %get3A_714 : vector<16xf32>
      %get3A_716 = arith.constant 13 : i32
      %get3A_717 = arith.index_cast %get3A_716 : i32 to index
      %get3A_718 = arith.constant 48 : index
      %get3A_719 = tpu.vector_load %arg20[%get3A_717, %get3A_718] {strides = array<i32>} : memref<16x128xf32, #tpu.memory_space<vmem>>, vector<16xf32>,
      %add3A_720 = arith.addf %add3A_715, %get3A_719 : vector<16xf32>
      %get3A_721 = arith.constant 14 : i32
      %get3A_722 = arith.index_cast %get3A_721 : i32 to index
      %get3A_723 = arith.constant 48 : index
      %get3A_724 = tpu.vector_load %arg20[%get3A_722, %get3A_723] {strides = array<i32>} : memref<16x128xf32, #tpu.memory_space<vmem>>, vector<16xf32>,
      %add3A_725 = arith.addf %add3A_720, %get3A_724 : vector<16xf32>
      %get3A_726 = arith.constant 15 : i32
      %get3A_727 = arith.index_cast %get3A_726 : i32 to index
      %get3A_728 = arith.constant 48 : index
      %get3A_729 = tpu.vector_load %arg20[%get3A_727, %get3A_728] {strides = array<i32>} : memref<16x128xf32, #tpu.memory_space<vmem>>, vector<16xf32>,
      %add3A_730 = arith.addf %add3A_725, %get3A_729 : vector<16xf32>
      %swap3A_731 = arith.constant 48 : index
      %swap3A_732 = tpu.vector_load %arg21[%swap3A_731] {strides = array<i32>} : memref<128xf32, #tpu.memory_space<vmem>>, vector<16xf32>,
      tpu.vector_store %arg21[%swap3A_731], %add3A_730 {strides = array<i32>} : memref<128xf32, #tpu.memory_space<vmem>>, vector<16xf32>,
      %get3A_733 = arith.constant 0 : i32
      %get3A_734 = arith.index_cast %get3A_733 : i32 to index
      %get3A_735 = arith.constant 64 : index
      %get3A_736 = tpu.vector_load %arg20[%get3A_734, %get3A_735] {strides = array<i32>} : memref<16x128xf32, #tpu.memory_space<vmem>>, vector<16xf32>,
      %add3A_737 = arith.addf %broadcast_in_dim3A_0, %get3A_736 : vector<16xf32>
      %get3A_738 = arith.constant 1 : i32
      %get3A_739 = arith.index_cast %get3A_738 : i32 to index
      %get3A_740 = arith.constant 64 : index
      %get3A_741 = tpu.vector_load %arg20[%get3A_739, %get3A_740] {strides = array<i32>} : memref<16x128xf32, #tpu.memory_space<vmem>>, vector<16xf32>,
      %add3A_742 = arith.addf %add3A_737, %get3A_741 : vector<16xf32>
      %get3A_743 = arith.constant 2 : i32
      %get3A_744 = arith.index_cast %get3A_743 : i32 to index
      %get3A_745 = arith.constant 64 : index
      %get3A_746 = tpu.vector_load %arg20[%get3A_744, %get3A_745] {strides = array<i32>} : memref<16x128xf32, #tpu.memory_space<vmem>>, vector<16xf32>,
      %add3A_747 = arith.addf %add3A_742, %get3A_746 : vector<16xf32>
      %get3A_748 = arith.constant 3 : i32
      %get3A_749 = arith.index_cast %get3A_748 : i32 to index
      %get3A_750 = arith.constant 64 : index
      %get3A_751 = tpu.vector_load %arg20[%get3A_749, %get3A_750] {strides = array<i32>} : memref<16x128xf32, #tpu.memory_space<vmem>>, vector<16xf32>,
      %add3A_752 = arith.addf %add3A_747, %get3A_751 : vector<16xf32>
      %get3A_753 = arith.constant 4 : i32
      %get3A_754 = arith.index_cast %get3A_753 : i32 to index
      %get3A_755 = arith.constant 64 : index
      %get3A_756 = tpu.vector_load %arg20[%get3A_754, %get3A_755] {strides = array<i32>} : memref<16x128xf32, #tpu.memory_space<vmem>>, vector<16xf32>,
      %add3A_757 = arith.addf %add3A_752, %get3A_756 : vector<16xf32>
      %get3A_758 = arith.constant 5 : i32
      %get3A_759 = arith.index_cast %get3A_758 : i32 to index
      %get3A_760 = arith.constant 64 : index
      %get3A_761 = tpu.vector_load %arg20[%get3A_759, %get3A_760] {strides = array<i32>} : memref<16x128xf32, #tpu.memory_space<vmem>>, vector<16xf32>,
      %add3A_762 = arith.addf %add3A_757, %get3A_761 : vector<16xf32>
      %get3A_763 = arith.constant 6 : i32
      %get3A_764 = arith.index_cast %get3A_763 : i32 to index
      %get3A_765 = arith.constant 64 : index
      %get3A_766 = tpu.vector_load %arg20[%get3A_764, %get3A_765] {strides = array<i32>} : memref<16x128xf32, #tpu.memory_space<vmem>>, vector<16xf32>,
      %add3A_767 = arith.addf %add3A_762, %get3A_766 : vector<16xf32>
      %get3A_768 = arith.constant 7 : i32
      %get3A_769 = arith.index_cast %get3A_768 : i32 to index
      %get3A_770 = arith.constant 64 : index
      %get3A_771 = tpu.vector_load %arg20[%get3A_769, %get3A_770] {strides = array<i32>} : memref<16x128xf32, #tpu.memory_space<vmem>>, vector<16xf32>,
      %add3A_772 = arith.addf %add3A_767, %get3A_771 : vector<16xf32>
      %get3A_773 = arith.constant 8 : i32
      %get3A_774 = arith.index_cast %get3A_773 : i32 to index
      %get3A_775 = arith.constant 64 : index
      %get3A_776 = tpu.vector_load %arg20[%get3A_774, %get3A_775] {strides = array<i32>} : memref<16x128xf32, #tpu.memory_space<vmem>>, vector<16xf32>,
      %add3A_777 = arith.addf %add3A_772, %get3A_776 : vector<16xf32>
      %get3A_778 = arith.constant 9 : i32
      %get3A_779 = arith.index_cast %get3A_778 : i32 to index
      %get3A_780 = arith.constant 64 : index
      %get3A_781 = tpu.vector_load %arg20[%get3A_779, %get3A_780] {strides = array<i32>} : memref<16x128xf32, #tpu.memory_space<vmem>>, vector<16xf32>,
      %add3A_782 = arith.addf %add3A_777, %get3A_781 : vector<16xf32>
      %get3A_783 = arith.constant 10 : i32
      %get3A_784 = arith.index_cast %get3A_783 : i32 to index
      %get3A_785 = arith.constant 64 : index
      %get3A_786 = tpu.vector_load %arg20[%get3A_784, %get3A_785] {strides = array<i32>} : memref<16x128xf32, #tpu.memory_space<vmem>>, vector<16xf32>,
      %add3A_787 = arith.addf %add3A_782, %get3A_786 : vector<16xf32>
      %get3A_788 = arith.constant 11 : i32
      %get3A_789 = arith.index_cast %get3A_788 : i32 to index
      %get3A_790 = arith.constant 64 : index
      %get3A_791 = tpu.vector_load %arg20[%get3A_789, %get3A_790] {strides = array<i32>} : memref<16x128xf32, #tpu.memory_space<vmem>>, vector<16xf32>,
      %add3A_792 = arith.addf %add3A_787, %get3A_791 : vector<16xf32>
      %get3A_793 = arith.constant 12 : i32
      %get3A_794 = arith.index_cast %get3A_793 : i32 to index
      %get3A_795 = arith.constant 64 : index
      %get3A_796 = tpu.vector_load %arg20[%get3A_794, %get3A_795] {strides = array<i32>} : memref<16x128xf32, #tpu.memory_space<vmem>>, vector<16xf32>,
      %add3A_797 = arith.addf %add3A_792, %get3A_796 : vector<16xf32>
      %get3A_798 = arith.constant 13 : i32
      %get3A_799 = arith.index_cast %get3A_798 : i32 to index
      %get3A_800 = arith.constant 64 : index
      %get3A_801 = tpu.vector_load %arg20[%get3A_799, %get3A_800] {strides = array<i32>} : memref<16x128xf32, #tpu.memory_space<vmem>>, vector<16xf32>,
      %add3A_802 = arith.addf %add3A_797, %get3A_801 : vector<16xf32>
      %get3A_803 = arith.constant 14 : i32
      %get3A_804 = arith.index_cast %get3A_803 : i32 to index
      %get3A_805 = arith.constant 64 : index
      %get3A_806 = tpu.vector_load %arg20[%get3A_804, %get3A_805] {strides = array<i32>} : memref<16x128xf32, #tpu.memory_space<vmem>>, vector<16xf32>,
      %add3A_807 = arith.addf %add3A_802, %get3A_806 : vector<16xf32>
      %get3A_808 = arith.constant 15 : i32
      %get3A_809 = arith.index_cast %get3A_808 : i32 to index
      %get3A_810 = arith.constant 64 : index
      %get3A_811 = tpu.vector_load %arg20[%get3A_809, %get3A_810] {strides = array<i32>} : memref<16x128xf32, #tpu.memory_space<vmem>>, vector<16xf32>,
      %add3A_812 = arith.addf %add3A_807, %get3A_811 : vector<16xf32>
      %swap3A_813 = arith.constant 64 : index
      %swap3A_814 = tpu.vector_load %arg21[%swap3A_813] {strides = array<i32>} : memref<128xf32, #tpu.memory_space<vmem>>, vector<16xf32>,
      tpu.vector_store %arg21[%swap3A_813], %add3A_812 {strides = array<i32>} : memref<128xf32, #tpu.memory_space<vmem>>, vector<16xf32>,
      %get3A_815 = arith.constant 0 : i32
      %get3A_816 = arith.index_cast %get3A_815 : i32 to index
      %get3A_817 = arith.constant 80 : index
      %get3A_818 = tpu.vector_load %arg20[%get3A_816, %get3A_817] {strides = array<i32>} : memref<16x128xf32, #tpu.memory_space<vmem>>, vector<16xf32>,
      %add3A_819 = arith.addf %broadcast_in_dim3A_0, %get3A_818 : vector<16xf32>
      %get3A_820 = arith.constant 1 : i32
      %get3A_821 = arith.index_cast %get3A_820 : i32 to index
      %get3A_822 = arith.constant 80 : index
      %get3A_823 = tpu.vector_load %arg20[%get3A_821, %get3A_822] {strides = array<i32>} : memref<16x128xf32, #tpu.memory_space<vmem>>, vector<16xf32>,
      %add3A_824 = arith.addf %add3A_819, %get3A_823 : vector<16xf32>
      %get3A_825 = arith.constant 2 : i32
      %get3A_826 = arith.index_cast %get3A_825 : i32 to index
      %get3A_827 = arith.constant 80 : index
      %get3A_828 = tpu.vector_load %arg20[%get3A_826, %get3A_827] {strides = array<i32>} : memref<16x128xf32, #tpu.memory_space<vmem>>, vector<16xf32>,
      %add3A_829 = arith.addf %add3A_824, %get3A_828 : vector<16xf32>
      %get3A_830 = arith.constant 3 : i32
      %get3A_831 = arith.index_cast %get3A_830 : i32 to index
      %get3A_832 = arith.constant 80 : index
      %get3A_833 = tpu.vector_load %arg20[%get3A_831, %get3A_832] {strides = array<i32>} : memref<16x128xf32, #tpu.memory_space<vmem>>, vector<16xf32>,
      %add3A_834 = arith.addf %add3A_829, %get3A_833 : vector<16xf32>
      %get3A_835 = arith.constant 4 : i32
      %get3A_836 = arith.index_cast %get3A_835 : i32 to index
      %get3A_837 = arith.constant 80 : index
      %get3A_838 = tpu.vector_load %arg20[%get3A_836, %get3A_837] {strides = array<i32>} : memref<16x128xf32, #tpu.memory_space<vmem>>, vector<16xf32>,
      %add3A_839 = arith.addf %add3A_834, %get3A_838 : vector<16xf32>
      %get3A_840 = arith.constant 5 : i32
      %get3A_841 = arith.index_cast %get3A_840 : i32 to index
      %get3A_842 = arith.constant 80 : index
      %get3A_843 = tpu.vector_load %arg20[%get3A_841, %get3A_842] {strides = array<i32>} : memref<16x128xf32, #tpu.memory_space<vmem>>, vector<16xf32>,
      %add3A_844 = arith.addf %add3A_839, %get3A_843 : vector<16xf32>
      %get3A_845 = arith.constant 6 : i32
      %get3A_846 = arith.index_cast %get3A_845 : i32 to index
      %get3A_847 = arith.constant 80 : index
      %get3A_848 = tpu.vector_load %arg20[%get3A_846, %get3A_847] {strides = array<i32>} : memref<16x128xf32, #tpu.memory_space<vmem>>, vector<16xf32>,
      %add3A_849 = arith.addf %add3A_844, %get3A_848 : vector<16xf32>
      %get3A_850 = arith.constant 7 : i32
      %get3A_851 = arith.index_cast %get3A_850 : i32 to index
      %get3A_852 = arith.constant 80 : index
      %get3A_853 = tpu.vector_load %arg20[%get3A_851, %get3A_852] {strides = array<i32>} : memref<16x128xf32, #tpu.memory_space<vmem>>, vector<16xf32>,
      %add3A_854 = arith.addf %add3A_849, %get3A_853 : vector<16xf32>
      %get3A_855 = arith.constant 8 : i32
      %get3A_856 = arith.index_cast %get3A_855 : i32 to index
      %get3A_857 = arith.constant 80 : index
      %get3A_858 = tpu.vector_load %arg20[%get3A_856, %get3A_857] {strides = array<i32>} : memref<16x128xf32, #tpu.memory_space<vmem>>, vector<16xf32>,
      %add3A_859 = arith.addf %add3A_854, %get3A_858 : vector<16xf32>
      %get3A_860 = arith.constant 9 : i32
      %get3A_861 = arith.index_cast %get3A_860 : i32 to index
      %get3A_862 = arith.constant 80 : index
      %get3A_863 = tpu.vector_load %arg20[%get3A_861, %get3A_862] {strides = array<i32>} : memref<16x128xf32, #tpu.memory_space<vmem>>, vector<16xf32>,
      %add3A_864 = arith.addf %add3A_859, %get3A_863 : vector<16xf32>
      %get3A_865 = arith.constant 10 : i32
      %get3A_866 = arith.index_cast %get3A_865 : i32 to index
      %get3A_867 = arith.constant 80 : index
      %get3A_868 = tpu.vector_load %arg20[%get3A_866, %get3A_867] {strides = array<i32>} : memref<16x128xf32, #tpu.memory_space<vmem>>, vector<16xf32>,
      %add3A_869 = arith.addf %add3A_864, %get3A_868 : vector<16xf32>
      %get3A_870 = arith.constant 11 : i32
      %get3A_871 = arith.index_cast %get3A_870 : i32 to index
      %get3A_872 = arith.constant 80 : index
      %get3A_873 = tpu.vector_load %arg20[%get3A_871, %get3A_872] {strides = array<i32>} : memref<16x128xf32, #tpu.memory_space<vmem>>, vector<16xf32>,
      %add3A_874 = arith.addf %add3A_869, %get3A_873 : vector<16xf32>
      %get3A_875 = arith.constant 12 : i32
      %get3A_876 = arith.index_cast %get3A_875 : i32 to index
      %get3A_877 = arith.constant 80 : index
      %get3A_878 = tpu.vector_load %arg20[%get3A_876, %get3A_877] {strides = array<i32>} : memref<16x128xf32, #tpu.memory_space<vmem>>, vector<16xf32>,
      %add3A_879 = arith.addf %add3A_874, %get3A_878 : vector<16xf32>
      %get3A_880 = arith.constant 13 : i32
      %get3A_881 = arith.index_cast %get3A_880 : i32 to index
      %get3A_882 = arith.constant 80 : index
      %get3A_883 = tpu.vector_load %arg20[%get3A_881, %get3A_882] {strides = array<i32>} : memref<16x128xf32, #tpu.memory_space<vmem>>, vector<16xf32>,
      %add3A_884 = arith.addf %add3A_879, %get3A_883 : vector<16xf32>
      %get3A_885 = arith.constant 14 : i32
      %get3A_886 = arith.index_cast %get3A_885 : i32 to index
      %get3A_887 = arith.constant 80 : index
      %get3A_888 = tpu.vector_load %arg20[%get3A_886, %get3A_887] {strides = array<i32>} : memref<16x128xf32, #tpu.memory_space<vmem>>, vector<16xf32>,
      %add3A_889 = arith.addf %add3A_884, %get3A_888 : vector<16xf32>
      %get3A_890 = arith.constant 15 : i32
      %get3A_891 = arith.index_cast %get3A_890 : i32 to index
      %get3A_892 = arith.constant 80 : index
      %get3A_893 = tpu.vector_load %arg20[%get3A_891, %get3A_892] {strides = array<i32>} : memref<16x128xf32, #tpu.memory_space<vmem>>, vector<16xf32>,
      %add3A_894 = arith.addf %add3A_889, %get3A_893 : vector<16xf32>
      %swap3A_895 = arith.constant 80 : index
      %swap3A_896 = tpu.vector_load %arg21[%swap3A_895] {strides = array<i32>} : memref<128xf32, #tpu.memory_space<vmem>>, vector<16xf32>,
      tpu.vector_store %arg21[%swap3A_895], %add3A_894 {strides = array<i32>} : memref<128xf32, #tpu.memory_space<vmem>>, vector<16xf32>,
      %get3A_897 = arith.constant 0 : i32
      %get3A_898 = arith.index_cast %get3A_897 : i32 to index
      %get3A_899 = arith.constant 96 : index
      %get3A_900 = tpu.vector_load %arg20[%get3A_898, %get3A_899] {strides = array<i32>} : memref<16x128xf32, #tpu.memory_space<vmem>>, vector<16xf32>,
      %add3A_901 = arith.addf %broadcast_in_dim3A_0, %get3A_900 : vector<16xf32>
      %get3A_902 = arith.constant 1 : i32
      %get3A_903 = arith.index_cast %get3A_902 : i32 to index
      %get3A_904 = arith.constant 96 : index
      %get3A_905 = tpu.vector_load %arg20[%get3A_903, %get3A_904] {strides = array<i32>} : memref<16x128xf32, #tpu.memory_space<vmem>>, vector<16xf32>,
      %add3A_906 = arith.addf %add3A_901, %get3A_905 : vector<16xf32>
      %get3A_907 = arith.constant 2 : i32
      %get3A_908 = arith.index_cast %get3A_907 : i32 to index
      %get3A_909 = arith.constant 96 : index
      %get3A_910 = tpu.vector_load %arg20[%get3A_908, %get3A_909] {strides = array<i32>} : memref<16x128xf32, #tpu.memory_space<vmem>>, vector<16xf32>,
      %add3A_911 = arith.addf %add3A_906, %get3A_910 : vector<16xf32>
      %get3A_912 = arith.constant 3 : i32
      %get3A_913 = arith.index_cast %get3A_912 : i32 to index
      %get3A_914 = arith.constant 96 : index
      %get3A_915 = tpu.vector_load %arg20[%get3A_913, %get3A_914] {strides = array<i32>} : memref<16x128xf32, #tpu.memory_space<vmem>>, vector<16xf32>,
      %add3A_916 = arith.addf %add3A_911, %get3A_915 : vector<16xf32>
      %get3A_917 = arith.constant 4 : i32
      %get3A_918 = arith.index_cast %get3A_917 : i32 to index
      %get3A_919 = arith.constant 96 : index
      %get3A_920 = tpu.vector_load %arg20[%get3A_918, %get3A_919] {strides = array<i32>} : memref<16x128xf32, #tpu.memory_space<vmem>>, vector<16xf32>,
      %add3A_921 = arith.addf %add3A_916, %get3A_920 : vector<16xf32>
      %get3A_922 = arith.constant 5 : i32
      %get3A_923 = arith.index_cast %get3A_922 : i32 to index
      %get3A_924 = arith.constant 96 : index
      %get3A_925 = tpu.vector_load %arg20[%get3A_923, %get3A_924] {strides = array<i32>} : memref<16x128xf32, #tpu.memory_space<vmem>>, vector<16xf32>,
      %add3A_926 = arith.addf %add3A_921, %get3A_925 : vector<16xf32>
      %get3A_927 = arith.constant 6 : i32
      %get3A_928 = arith.index_cast %get3A_927 : i32 to index
      %get3A_929 = arith.constant 96 : index
      %get3A_930 = tpu.vector_load %arg20[%get3A_928, %get3A_929] {strides = array<i32>} : memref<16x128xf32, #tpu.memory_space<vmem>>, vector<16xf32>,
      %add3A_931 = arith.addf %add3A_926, %get3A_930 : vector<16xf32>
      %get3A_932 = arith.constant 7 : i32
      %get3A_933 = arith.index_cast %get3A_932 : i32 to index
      %get3A_934 = arith.constant 96 : index
      %get3A_935 = tpu.vector_load %arg20[%get3A_933, %get3A_934] {strides = array<i32>} : memref<16x128xf32, #tpu.memory_space<vmem>>, vector<16xf32>,
      %add3A_936 = arith.addf %add3A_931, %get3A_935 : vector<16xf32>
      %get3A_937 = arith.constant 8 : i32
      %get3A_938 = arith.index_cast %get3A_937 : i32 to index
      %get3A_939 = arith.constant 96 : index
      %get3A_940 = tpu.vector_load %arg20[%get3A_938, %get3A_939] {strides = array<i32>} : memref<16x128xf32, #tpu.memory_space<vmem>>, vector<16xf32>,
      %add3A_941 = arith.addf %add3A_936, %get3A_940 : vector<16xf32>
      %get3A_942 = arith.constant 9 : i32
      %get3A_943 = arith.index_cast %get3A_942 : i32 to index
      %get3A_944 = arith.constant 96 : index
      %get3A_945 = tpu.vector_load %arg20[%get3A_943, %get3A_944] {strides = array<i32>} : memref<16x128xf32, #tpu.memory_space<vmem>>, vector<16xf32>,
      %add3A_946 = arith.addf %add3A_941, %get3A_945 : vector<16xf32>
      %get3A_947 = arith.constant 10 : i32
      %get3A_948 = arith.index_cast %get3A_947 : i32 to index
      %get3A_949 = arith.constant 96 : index
      %get3A_950 = tpu.vector_load %arg20[%get3A_948, %get3A_949] {strides = array<i32>} : memref<16x128xf32, #tpu.memory_space<vmem>>, vector<16xf32>,
      %add3A_951 = arith.addf %add3A_946, %get3A_950 : vector<16xf32>
      %get3A_952 = arith.constant 11 : i32
      %get3A_953 = arith.index_cast %get3A_952 : i32 to index
      %get3A_954 = arith.constant 96 : index
      %get3A_955 = tpu.vector_load %arg20[%get3A_953, %get3A_954] {strides = array<i32>} : memref<16x128xf32, #tpu.memory_space<vmem>>, vector<16xf32>,
      %add3A_956 = arith.addf %add3A_951, %get3A_955 : vector<16xf32>
      %get3A_957 = arith.constant 12 : i32
      %get3A_958 = arith.index_cast %get3A_957 : i32 to index
      %get3A_959 = arith.constant 96 : index
      %get3A_960 = tpu.vector_load %arg20[%get3A_958, %get3A_959] {strides = array<i32>} : memref<16x128xf32, #tpu.memory_space<vmem>>, vector<16xf32>,
      %add3A_961 = arith.addf %add3A_956, %get3A_960 : vector<16xf32>
      %get3A_962 = arith.constant 13 : i32
      %get3A_963 = arith.index_cast %get3A_962 : i32 to index
      %get3A_964 = arith.constant 96 : index
      %get3A_965 = tpu.vector_load %arg20[%get3A_963, %get3A_964] {strides = array<i32>} : memref<16x128xf32, #tpu.memory_space<vmem>>, vector<16xf32>,
      %add3A_966 = arith.addf %add3A_961, %get3A_965 : vector<16xf32>
      %get3A_967 = arith.constant 14 : i32
      %get3A_968 = arith.index_cast %get3A_967 : i32 to index
      %get3A_969 = arith.constant 96 : index
      %get3A_970 = tpu.vector_load %arg20[%get3A_968, %get3A_969] {strides = array<i32>} : memref<16x128xf32, #tpu.memory_space<vmem>>, vector<16xf32>,
      %add3A_971 = arith.addf %add3A_966, %get3A_970 : vector<16xf32>
      %get3A_972 = arith.constant 15 : i32
      %get3A_973 = arith.index_cast %get3A_972 : i32 to index
      %get3A_974 = arith.constant 96 : index
      %get3A_975 = tpu.vector_load %arg20[%get3A_973, %get3A_974] {strides = array<i32>} : memref<16x128xf32, #tpu.memory_space<vmem>>, vector<16xf32>,
      %add3A_976 = arith.addf %add3A_971, %get3A_975 : vector<16xf32>
      %swap3A_977 = arith.constant 96 : index
      %swap3A_978 = tpu.vector_load %arg21[%swap3A_977] {strides = array<i32>} : memref<128xf32, #tpu.memory_space<vmem>>, vector<16xf32>,
      tpu.vector_store %arg21[%swap3A_977], %add3A_976 {strides = array<i32>} : memref<128xf32, #tpu.memory_space<vmem>>, vector<16xf32>,
      %get3A_979 = arith.constant 0 : i32
      %get3A_980 = arith.index_cast %get3A_979 : i32 to index
      %get3A_981 = arith.constant 112 : index
      %get3A_982 = tpu.vector_load %arg20[%get3A_980, %get3A_981] {strides = array<i32>} : memref<16x128xf32, #tpu.memory_space<vmem>>, vector<16xf32>,
      %add3A_983 = arith.addf %broadcast_in_dim3A_0, %get3A_982 : vector<16xf32>
      %get3A_984 = arith.constant 1 : i32
      %get3A_985 = arith.index_cast %get3A_984 : i32 to index
      %get3A_986 = arith.constant 112 : index
      %get3A_987 = tpu.vector_load %arg20[%get3A_985, %get3A_986] {strides = array<i32>} : memref<16x128xf32, #tpu.memory_space<vmem>>, vector<16xf32>,
      %add3A_988 = arith.addf %add3A_983, %get3A_987 : vector<16xf32>
      %get3A_989 = arith.constant 2 : i32
      %get3A_990 = arith.index_cast %get3A_989 : i32 to index
      %get3A_991 = arith.constant 112 : index
      %get3A_992 = tpu.vector_load %arg20[%get3A_990, %get3A_991] {strides = array<i32>} : memref<16x128xf32, #tpu.memory_space<vmem>>, vector<16xf32>,
      %add3A_993 = arith.addf %add3A_988, %get3A_992 : vector<16xf32>
      %get3A_994 = arith.constant 3 : i32
      %get3A_995 = arith.index_cast %get3A_994 : i32 to index
      %get3A_996 = arith.constant 112 : index
      %get3A_997 = tpu.vector_load %arg20[%get3A_995, %get3A_996] {strides = array<i32>} : memref<16x128xf32, #tpu.memory_space<vmem>>, vector<16xf32>,
      %add3A_998 = arith.addf %add3A_993, %get3A_997 : vector<16xf32>
      %get3A_999 = arith.constant 4 : i32
      %get3A_1000 = arith.index_cast %get3A_999 : i32 to index
      %get3A_1001 = arith.constant 112 : index
      %get3A_1002 = tpu.vector_load %arg20[%get3A_1000, %get3A_1001] {strides = array<i32>} : memref<16x128xf32, #tpu.memory_space<vmem>>, vector<16xf32>,
      %add3A_1003 = arith.addf %add3A_998, %get3A_1002 : vector<16xf32>
      %get3A_1004 = arith.constant 5 : i32
      %get3A_1005 = arith.index_cast %get3A_1004 : i32 to index
      %get3A_1006 = arith.constant 112 : index
      %get3A_1007 = tpu.vector_load %arg20[%get3A_1005, %get3A_1006] {strides = array<i32>} : memref<16x128xf32, #tpu.memory_space<vmem>>, vector<16xf32>,
      %add3A_1008 = arith.addf %add3A_1003, %get3A_1007 : vector<16xf32>
      %get3A_1009 = arith.constant 6 : i32
      %get3A_1010 = arith.index_cast %get3A_1009 : i32 to index
      %get3A_1011 = arith.constant 112 : index
      %get3A_1012 = tpu.vector_load %arg20[%get3A_1010, %get3A_1011] {strides = array<i32>} : memref<16x128xf32, #tpu.memory_space<vmem>>, vector<16xf32>,
      %add3A_1013 = arith.addf %add3A_1008, %get3A_1012 : vector<16xf32>
      %get3A_1014 = arith.constant 7 : i32
      %get3A_1015 = arith.index_cast %get3A_1014 : i32 to index
      %get3A_1016 = arith.constant 112 : index
      %get3A_1017 = tpu.vector_load %arg20[%get3A_1015, %get3A_1016] {strides = array<i32>} : memref<16x128xf32, #tpu.memory_space<vmem>>, vector<16xf32>,
      %add3A_1018 = arith.addf %add3A_1013, %get3A_1017 : vector<16xf32>
      %get3A_1019 = arith.constant 8 : i32
      %get3A_1020 = arith.index_cast %get3A_1019 : i32 to index
      %get3A_1021 = arith.constant 112 : index
      %get3A_1022 = tpu.vector_load %arg20[%get3A_1020, %get3A_1021] {strides = array<i32>} : memref<16x128xf32, #tpu.memory_space<vmem>>, vector<16xf32>,
      %add3A_1023 = arith.addf %add3A_1018, %get3A_1022 : vector<16xf32>
      %get3A_1024 = arith.constant 9 : i32
      %get3A_1025 = arith.index_cast %get3A_1024 : i32 to index
      %get3A_1026 = arith.constant 112 : index
      %get3A_1027 = tpu.vector_load %arg20[%get3A_1025, %get3A_1026] {strides = array<i32>} : memref<16x128xf32, #tpu.memory_space<vmem>>, vector<16xf32>,
      %add3A_1028 = arith.addf %add3A_1023, %get3A_1027 : vector<16xf32>
      %get3A_1029 = arith.constant 10 : i32
      %get3A_1030 = arith.index_cast %get3A_1029 : i32 to index
      %get3A_1031 = arith.constant 112 : index
      %get3A_1032 = tpu.vector_load %arg20[%get3A_1030, %get3A_1031] {strides = array<i32>} : memref<16x128xf32, #tpu.memory_space<vmem>>, vector<16xf32>,
      %add3A_1033 = arith.addf %add3A_1028, %get3A_1032 : vector<16xf32>
      %get3A_1034 = arith.constant 11 : i32
      %get3A_1035 = arith.index_cast %get3A_1034 : i32 to index
      %get3A_1036 = arith.constant 112 : index
      %get3A_1037 = tpu.vector_load %arg20[%get3A_1035, %get3A_1036] {strides = array<i32>} : memref<16x128xf32, #tpu.memory_space<vmem>>, vector<16xf32>,
      %add3A_1038 = arith.addf %add3A_1033, %get3A_1037 : vector<16xf32>
      %get3A_1039 = arith.constant 12 : i32
      %get3A_1040 = arith.index_cast %get3A_1039 : i32 to index
      %get3A_1041 = arith.constant 112 : index
      %get3A_1042 = tpu.vector_load %arg20[%get3A_1040, %get3A_1041] {strides = array<i32>} : memref<16x128xf32, #tpu.memory_space<vmem>>, vector<16xf32>,
      %add3A_1043 = arith.addf %add3A_1038, %get3A_1042 : vector<16xf32>
      %get3A_1044 = arith.constant 13 : i32
      %get3A_1045 = arith.index_cast %get3A_1044 : i32 to index
      %get3A_1046 = arith.constant 112 : index
      %get3A_1047 = tpu.vector_load %arg20[%get3A_1045, %get3A_1046] {strides = array<i32>} : memref<16x128xf32, #tpu.memory_space<vmem>>, vector<16xf32>,
      %add3A_1048 = arith.addf %add3A_1043, %get3A_1047 : vector<16xf32>
      %get3A_1049 = arith.constant 14 : i32
      %get3A_1050 = arith.index_cast %get3A_1049 : i32 to index
      %get3A_1051 = arith.constant 112 : index
      %get3A_1052 = tpu.vector_load %arg20[%get3A_1050, %get3A_1051] {strides = array<i32>} : memref<16x128xf32, #tpu.memory_space<vmem>>, vector<16xf32>,
      %add3A_1053 = arith.addf %add3A_1048, %get3A_1052 : vector<16xf32>
      %get3A_1054 = arith.constant 15 : i32
      %get3A_1055 = arith.index_cast %get3A_1054 : i32 to index
      %get3A_1056 = arith.constant 112 : index
      %get3A_1057 = tpu.vector_load %arg20[%get3A_1055, %get3A_1056] {strides = array<i32>} : memref<16x128xf32, #tpu.memory_space<vmem>>, vector<16xf32>,
      %add3A_1058 = arith.addf %add3A_1053, %get3A_1057 : vector<16xf32>
      %swap3A_1059 = arith.constant 112 : index
      %swap3A_1060 = tpu.vector_load %arg21[%swap3A_1059] {strides = array<i32>} : memref<128xf32, #tpu.memory_space<vmem>>, vector<16xf32>,
      tpu.vector_store %arg21[%swap3A_1059], %add3A_1058 {strides = array<i32>} : memref<128xf32, #tpu.memory_space<vmem>>, vector<16xf32>,
      %mul3A_1061 = arith.constant 128 : i32
      %mul3A_1062 = arith.muli %arg1, %mul3A_1061 : i32
      "tpu.region"() ({
        %run_scoped3A_1063 = tpu.sem_alloc : memref<!tpu.dma_semaphore, #tpu.memory_space<semaphore_mem>>
        %dma_start3A_1064 = tpu.memref_slice %arg6[%mul3A_1062] : memref<2048xf32, #tpu.memory_space<hbm>> -> memref<128xf32, #tpu.memory_space<hbm>>
        %dma_start3A_1065 = tpu.memref_slice %arg6[%mul3A_1062] : memref<2048xf32, #tpu.memory_space<hbm>> -> memref<128xf32, #tpu.memory_space<hbm>>
        tpu.enqueue_dma source(%arg21 : memref<128xf32, #tpu.memory_space<vmem>>) target(%dma_start3A_1065 : memref<128xf32, #tpu.memory_space<hbm>>) target_semaphore(%run_scoped3A_1063 : memref<!tpu.dma_semaphore, #tpu.memory_space<semaphore_mem>>)
        %dma_wait3A = tpu.memref_slice %arg6[%mul3A_1062] : memref<2048xf32, #tpu.memory_space<hbm>> -> memref<128xf32, #tpu.memory_space<hbm>>
        %dma_wait3A_1066 = tpu.memref_slice %arg6[%mul3A_1062] : memref<2048xf32, #tpu.memory_space<hbm>> -> memref<128xf32, #tpu.memory_space<hbm>>
        tpu.wait_dma2 semaphore(%run_scoped3A_1063 : memref<!tpu.dma_semaphore, #tpu.memory_space<semaphore_mem>>) src(%arg21 : memref<128xf32, #tpu.memory_space<vmem>>) dst(%dma_wait3A_1066 : memref<128xf32, #tpu.memory_space<hbm>>)
        tpu.yield
      }) : () -> ()
    } else {
    }
    return
  }
}

</mosaic_0001>

<sc_bundles>
// kernel: _segsum.3.cloned.1.call-start
scs
__scs_entry_jumppad:
0x0: {  	(pc) =	sbr.rel $0x88, $3  }
0x1: {  	(tag) =	ssettag $0x0;
	lr =	simm.s32 $0x1  }
0x2: {  	[smem:$0x3F9D] =	sst lr;
	_ =	strace $0xD0000000  }
0x3: {  	_ = 	snop  }
0x4: {  	_ = 	snop  }
0x5: {  	_ = 	snop  }
0x6: {  	_ = 	snop  }
0x7: {  	_ = 	snop  }
__scs_overlays_trampoline_lowered:
0x8: {  	[smem:$0x3FAC] =	sst s0  }
0x9: {  	[smem:$0x3FAD] =	sst s1  }
0xa: {  	[smem:$0x3FAE] =	sst s2  }
0xb: {  	[smem:$0x3FAF] =	sst s3  }
0xc: {  	[smem:$0x3FB0] =	sst s4  }
0xd: {  	[smem:$0x3FB1] =	sst s5  }
0xe: {  	[smem:$0x3FB2] =	sst s6  }
0xf: {  	[smem:$0x3FB3] =	sst s7  }
0x10: {  	[smem:$0x3FB4] =	sst s8  }
0x11: {  	[smem:$0x3FB5] =	sst s9;
	s0 =	simm.s32 @!p0 $0x0  }
0x12: {  	s1 =	sld [smem:$0x3F9B];
	s0 =	simm.s32 @p0 $0x1  }
0x13: {  	[smem:$0x3FB6] =	sst s0;
	s0 =	simm.s32 @!p1 $0x0  }
0x14: {  	s2 =	sld [smem:$0x3F9A];
	s0 =	simm.s32 @p1 $0x1  }
0x15: {  	[smem:$0x3FB7] =	sst s0;
	s0 =	simm.s32 @!p2 $0x0  }
0x16: {  	s3 =	sld [smem:$0x3FDB];
	s0 =	simm.s32 @p2 $0x1  }
0x17: {  	s4 =	simm.s32 $0x1BF5;
	[smem:$0x3FB9] =	sst s0  }
0x18: {  	s0 =	sld [smem:$0x3F9C];
	_ =	swait.ge [sflag:s4], $0x0  }
0x19: {  	s7 =	sld [smem:$0x3F9D]  }
0x1a: {  	s8 =	sadd.s32 $0xFFFFE003, lr  }
0x1b: {  	s9 =	sadd.s32 $0xFFFFFEF7, lr;
	s5 =	simm.s32 $0xFFFFFFFF;
	p2 =	slt.u32 s8, $0xFFFFF086  }
0x1c: {  	p1 =	slt.u32 s9, $0xF7A;
	s5 =	simm.s32 @!p2 $0x0  }
0x1d: {  	s5 =	simm.s32 @p1 $0x1;
	p0 =	seq.s32 s7, s2  }
0x1e: {  	s7 =	smul.u32 @!p0 $0xF7A, s2;
	p2 =	seq.s32 @!p0 s5, $0x0  }
0x1f: {  	s9 =	smul.u32 $0xF7A, s1;
	s8 =	simm.s32 @!p0 $0x1BF5;
	p2 =	por !p2, p0  }
0x20: {  	[sflag:s8] =	ssyncset.s32 @!p0 $0xFFFFF086;
	s6 =	sadd.s32 @!p0 s3, s7;
	s7 =	simm.s32 @!p0 $0x108  }
0x21: {  	s3 =	sadd.s32 s3, s9;
	s6 =	sadd.s32 @!p0 $0x88, s6;
	s7 =	simm.s32 @p2 $0x1082  }
0x22: {  	[simem:s7], [sflag:s8] =	dma.local @!p0 [hbm:s6], $0xF7A  }
0x23: {  	s9 =	sor.u32 $0xD0000000, s2;
	s6 =	simm.s32 $0x108;
	_ =	swait.ge @!p0 [sflag:s8], $0x0  }
0x24: {  	s3 =	sadd.s32 $0x88, s3;
	s6 =	simm.s32 @!p1 $0x1082;
	[sflag:s4] =	ssyncset.s32 $0xFFFFF086  }
0x25: {  	[simem:s6], [sflag:s4] =	dma.local [hbm:s3], $0xF7A  }
0x26: {  	[smem:$0x3F9D] =	sst s1;
	(tag) =	ssettag s2;
	_ =	strace s9  }
0x27: {  	s1 =	sld [smem:$0x3FAD]  }
0x28: {  	s2 =	sld [smem:$0x3FAE]  }
0x29: {  	s4 =	sld [smem:$0x3FB0]  }
0x2a: {  	p0 =	seq.s32 s5, $0x0;
	s5 =	sld [smem:$0x3FB1]  }
0x2b: {  	s6 =	sld [smem:$0x3FB2]  }
0x2c: {  	s7 =	sld [smem:$0x3FB3]  }
0x2d: {  	s3 =	simm.s32 $0x108;
	s8 =	sld [smem:$0x3FB4]  }
0x2e: {  	s3 =	simm.s32 @!p0 $0x1082;
	s9 =	sld [smem:$0x3FB5]  }
0x2f: {  	lr =	sadd.s32 s0, s3;
	s0 =	sld [smem:$0x3FAC]  }
0x30: {  	s3 =	sld [smem:$0x3FAF]  }
0x31: {  	[smem:$0x3FB8] =	sst s10  }
0x32: {  	s10 =	sld [smem:$0x3FB6];
	_ =	sdelay $0x3  }
0x33: {  	p0 =	seq.s32 s10, $0x1;
	s10 =	sld [smem:$0x3FB8];
	_ =	sdelay $0x3  }
0x34: {  	[smem:$0x3FB8] =	sst s10  }
0x35: {  	s10 =	sld [smem:$0x3FB7];
	_ =	sdelay $0x3  }
0x36: {  	p1 =	seq.s32 s10, $0x1;
	s10 =	sld [smem:$0x3FB8];
	_ =	sdelay $0x3  }
0x37: {  	[smem:$0x3FB8] =	sst s10  }
0x38: {  	s10 =	sld [smem:$0x3FB9]  }
0x39: {  	_ = 	snop;
	(pc) =	sbr.ind lr, $3  }
0x3a: {  	_ = 	snop  }
0x3b: {  	_ = 	snop  }
0x3c: {  	p2 =	seq.s32 s10, $0x1;
	s10 =	sld [smem:$0x3FB8]  }
0x3d: {  	_ =	shalt  }
0x3e: {  	_ =	shalt  }
0x3f: {  	_ =	shalt  }
0x40: {  	_ =	shalt  }
0x41: {  	_ =	shalt  }
0x42: {  	_ =	shalt  }
0x43: {  	_ =	shalt  }
0x44: {  	_ =	shalt  }
0x45: {  	_ =	shalt  }
0x46: {  	_ =	shalt  }
0x47: {  	_ =	shalt  }
0x48: {  	_ =	shalt  }
0x49: {  	_ =	shalt  }
0x4a: {  	_ =	shalt  }
0x4b: {  	_ =	shalt  }
0x4c: {  	_ =	shalt  }
0x4d: {  	_ =	shalt  }
0x4e: {  	_ =	shalt  }
0x4f: {  	_ =	shalt  }
0x50: {  	_ =	shalt  }
0x51: {  	_ =	shalt  }
0x52: {  	_ =	shalt  }
0x53: {  	_ =	shalt  }
0x54: {  	_ =	shalt  }
0x55: {  	_ =	shalt  }
0x56: {  	_ =	shalt  }
0x57: {  	_ =	shalt  }
0x58: {  	_ =	shalt  }
0x59: {  	_ =	shalt  }
0x5a: {  	_ =	shalt  }
0x5b: {  	_ =	shalt  }
0x5c: {  	_ =	shalt  }
0x5d: {  	_ =	shalt  }
0x5e: {  	_ =	shalt  }
0x5f: {  	_ =	shalt  }
0x60: {  	_ =	shalt  }
0x61: {  	_ =	shalt  }
0x62: {  	_ =	shalt  }
0x63: {  	_ =	shalt  }
0x64: {  	_ =	shalt  }
0x65: {  	_ =	shalt  }
0x66: {  	_ =	shalt  }
0x67: {  	_ =	shalt  }
0x68: {  	_ =	shalt  }
0x69: {  	_ =	shalt  }
0x6a: {  	_ =	shalt  }
0x6b: {  	_ =	shalt  }
0x6c: {  	_ =	shalt  }
0x6d: {  	_ =	shalt  }
0x6e: {  	_ =	shalt  }
0x6f: {  	_ =	shalt  }
0x70: {  	_ =	shalt  }
0x71: {  	_ =	shalt  }
0x72: {  	_ =	shalt  }
0x73: {  	_ =	shalt  }
0x74: {  	_ =	shalt  }
0x75: {  	_ =	shalt  }
0x76: {  	_ =	shalt  }
0x77: {  	_ =	shalt  }
0x78: {  	_ =	shalt  }
0x79: {  	_ =	shalt  }
0x7a: {  	_ =	shalt  }
0x7b: {  	_ =	shalt  }
0x7c: {  	_ =	shalt  }
0x7d: {  	_ =	shalt  }
0x7e: {  	_ =	shalt  }
0x7f: {  	_ =	shalt  }
0x80: {  	_ =	shalt  }
0x81: {  	_ =	shalt  }
0x82: {  	_ =	shalt  }
0x83: {  	_ =	shalt  }
0x84: {  	_ =	shalt  }
0x85: {  	_ =	shalt  }
0x86: {  	_ =	shalt  }
0x87: {  	_ =	shalt  }
.Lfunc_end0:
.L_simem_size_0:
called_computation_lowered:
.L_overlay_start_0:
0x88: {  	s2 =	sld [smem:$0x3FD9]  }
0x89: {  	s3 =	sld [smem:$0x3FFE];
	_ =	sdelay $0x1  }
0x8a: {  	s1 =	srdreg.scid  }
0x8b: {  	s0 =	sand.u32 $0x1, s1  }
0x8c: {  	s17 =	sshll.u32 s0, $0xA;
	s2 =	sadd.s32 s3, s2  }
0x8d: {  	s2 =	sadd.s32 s2, s17  }
0x8e: {  	[smem:$0x3FC4] =	sst s2  }
0x8f: {  	_ = 	snop  }
0x90: {  	s2 =	sld [smem:$0x3FC9]  }
0x91: {  	s18 =	sld [smem:$0x3FC8]  }
0x92: {  	s4 =	sld [smem:$0x3FC7]  }
0x93: {  	s5 =	sld [smem:$0x3FC6]  }
0x94: {  	s6 =	sld [smem:$0x3FD0];
	(tm) =	ssettm $0x1  }
0x95: {  	s7 =	sld [smem:$0x3FFB];
	_ =	sdelay $0x3  }
0x96: {  	_ =	strace s7  }
0x97: {  	s7 =	sld [smem:$0x3FFC];
	_ =	sdelay $0x3  }
0x98: {  	_ =	strace s7  }
0x99: {  	s7 =	sld [smem:$0x3FFD];
	_ =	sdelay $0x3  }
0x9a: {  	_ =	strace s7  }
0x9b: {  	_ =	strace $0x8FFFFFFF  }
0x9c: {  	s19 =	sld [smem:$0x3FDB];
	_ =	sdelay $0x1  }
0x9d: {  	s8 =	simm.s32 $_scs_section_size  }
0x9e: {  	s9 =	simm.s32 $_size__tile_overlayer_lowered;
	s10 =	simm.s32 $_tile_overlayer_lowered  }
0x9f: {  	s22 =	simm.s32 $0x1BFF;
	s21 =	sshll.u32 s10, $0x1;
	s7 =	sadd.s32 s8, s19  }
0xa0: {  	s11 =	simm.s32 $0x0;
	s20 =	sshll.u32 s9, $0x1;
	s9 =	sadd.s32 s21, s7  }
0xa1: {  	[timem:s11], [sflag:s22] =	dma.local [hbm:s9], s20  }
0xa2: {  	_ =	swait.ge [sflag:s22], s20  }
0xa3: {  	s8 =	ssub.s32 $0x0, s20;
	[sflag:s22] =	ssyncset.done $0x0  }
0xa4: {  	[sflag:s22] =	ssyncadd.s32 s8;
	_ =	sdelay $0x1  }
0xa5: {  	s23 =	simm.s32 $0x1B8B  }
0xa6: {  	_ =	swait.ge [sflag:s23], $0x1  }
0xa7: {  	[sflag:s23] =	ssyncset.done $0x0  }
0xa8: {  	s25 =	simm.s32 $0x1B8E;
	s24 =	sld [smem:$0x3FFE];
	[sflag:s23] =	ssyncadd.s32 $0xFFFFFFFF  }
0xa9: {  	s26 =	simm.s32 $execute0_lowered;
	[smem:$0x3FD2] =	sst s25  }
0xaa: {  	s9 =	sshll.u32 s26, $0x1;
	_ =	strace $0x80000046;
	[dreg:$0x1] =	wrdreg $0xFFFFFFFF  }
0xab: {  	s28 =	simm.s32 $_size_execute0_lowered;
	s7 =	sadd.s32 s7, s9;
	[dreg:$0x0] =	wrdreg $0x0  }
0xac: {  	s9 =	sshll.u32 s28, $0x1;
	[dreg:$0x2] =	wrdreg s7  }
0xad: {  	[dreg:$0x3] =	wrdreg s9  }
0xae: {  	[dreg:$0x4] =	wrdreg $0xC0  }
0xaf: {  	_ =	task [dreg:s11], $0x5FFFF  }
0xb0: {  	[dreg:$0x1] =	wrdreg $0xFFFFFFFF  }
0xb1: {  	[dreg:$0x0] =	wrdreg $0x60  }
0xb2: {  	[dreg:$0x2] =	wrdreg s2  }
0xb3: {  	[dreg:$0x3] =	wrdreg s18  }
0xb4: {  	[dreg:$0x4] =	wrdreg s4  }
0xb5: {  	[dreg:$0x5] =	wrdreg s5  }
0xb6: {  	[dreg:$0x6] =	wrdreg s24  }
0xb7: {  	[dreg:$0x7] =	wrdreg s6  }
0xb8: {  	[dreg:$0x8] =	wrdreg $0x20000  }
0xb9: {  	[dreg:$0x9] =	wrdreg $0x0  }
0xba: {  	[dreg:$0xa] =	wrdreg $0x120000  }
0xbb: {  	[dreg:$0xb] =	wrdreg $0x9  }
0xbc: {  	_ =	task.clear_ibuf [dreg:s11], $0xCFFFF;
	_ =	strace $0x90000046  }
0xbd: {  	s29 =	simm.s32 $0x9;
	_ =	strace $0x80000048  }
0xbe: {  	_ =	swait.ge [sflag:s29], $0x1  }
0xbf: {  	[sflag:s29] =	ssyncadd.s32 $0xFFFFFFFF  }
0xc0: {  	_ =	strace $0x90000048  }
0xc1: {  	_ =	sfence  }
0xc2: {  	s30 =	sld [smem:$0x0];
	_ =	sdelay $0x2  }
0xc3: {  	s31 =	sshll.u32 s1, $0xD;
	s1 =	sshrl.u32 s1, $0x2  }
0xc4: {  	s3 =	sand.u32 $0x4000, s31;
	s1 =	sadd.s32 s1, s30  }
0xc5: {  	s0 =	sor.u32 s3, s0;
	s1 =	sshll.u32 s1, $0x11  }
0xc6: {  	s0 =	sor.u32 s1, s0  }
0xc7: {  	s0 =	sadd.s32 $0x8F2B, s0  }
0xc8: {  	[sflag:s0] =	ssyncadd.remote.s32 $0x1  }
0xc9: {  	_ =	sfence.sel $0xFFFF  }
0xca: {  	[dreg:$0x0] =	wrdreg $0xFFFFFFFF;
	(pc) =	sbr.abs _section_cstart, $3  }
0xcb: {  	[dreg:$0x1] =	wrdreg $0xFFFFFFFF  }
0xcc: {  	_ =	task.clear_ibuf [dreg:s11], $0x2FFFF;
	_ =	strace $0x9FFFFFFF  }
0xcd: {  	(tm) =	ssettm $0x7FFFFFFF  }
tec
execute0_lowered:
.L_overlay_start_1:
0x0: {  	(tag) =	ssettag $0x1  }
0x1: {  	s7 =	rddreg [dreg:$0x2]  }
0x2: {  	s0 =	srdreg.scid;
	s1 =	rddreg [dreg:$0x4]  }
0x3: {  	s23 =	stileid.u32;
	s8 =	rddreg [dreg:$0x5];
	s2 =	sand.u32 $0x1, s0  }
0x4: {  	s20 =	sshll.u32 s23, $0x4;
	s9 =	sadd.s32 $0xE00, s1;
	s10 =	smul.u32 $0x64000, s23  }
0x5: {  	s13 =	sadd.s32 $0x400, s7;
	s15 =	smul.u32 $0xC80, s23;
	s22 =	sadd.s32 $0x800, s7  }
0x6: {  	s24 =	sshll.u32 s23, $0x11;
	s3 =	ssub.s32 $0x2, s2;
	s0 =	sadd.s32 s20, s1  }
0x7: {  	s11 =	sshll.u32 s2, $0x9;
	s17 =	sshll.u32 s2, $0x11;
	s21 =	sshrl.u32 s3, $0x1  }
0x8: {  	s12 =	sor.u32 s10, s11;
	s18 =	sor.u32 $0x20, s15;
	s1 =	ssub.s32 s3, s21  }
0x9: {  	s3 =	sshll.u32 s23, $0xD;
	s14 =	sadd.s32 s12, s13;
	s16 =	sadd.s32 s12, s22  }
0xa: {  	s20 =	sshll.u32 s18, $0x7;
	s5 =	sor.u32 $0x800, s3;
	[dreg:$0xa] =	wrdreg s14  }
0xb: {  	s4 =	sor.u32 $0x1000, s3;
	s6 =	sor.u32 $0x1800, s3;
	[dreg:$0xb] =	wrdreg s16  }
0xc: {  	s16 =	sor.u32 s11, s24;
	s19 =	sor.u32 s3, s17;
	s21 =	sor.u32 s11, s20  }
0xd: {  	s14 =	simm.s32 $0x0;
	s16 =	sshrl.u32 s16, $0x3;
	s19 =	sshrl.u32 s19, $0x3  }
0xe: {  	s28 =	sor.u32 s17, s4;
	[smem:$0x7FF] =	sst s14;
	s24 =	sadd.s32 s8, s16  }
0xf: {  	s25 =	sadd.s32 s9, s19;
	s16 =	sshrl.u32 s28, $0x3;
	s28 =	rddreg [dreg:$0x8]  }
0x10: {  	s26 =	sor.u32 s17, s5;
	s19 =	sadd.s32 s21, s22;
	[dreg:$0xd] =	wrdreg s25  }
0x11: {  	s17 =	sor.u32 s17, s6;
	s8 =	sshrl.u32 s26, $0x3;
	[dreg:$0x12] =	wrdreg s19  }
0x12: {  	s8 =	sadd.s32 s9, s8;
	s19 =	sshrl.u32 s15, $0x3;
	s15 =	rddreg [dreg:$0x1]  }
0x13: {  	s17 =	sshrl.u32 s17, $0x3;
	s29 =	sadd.s32 s9, s16;
	[dreg:$0xe] =	wrdreg s8  }
0x14: {  	s9 =	sadd.s32 s9, s17;
	[dreg:$0xf] =	wrdreg s29  }
0x15: {  	s17 =	sadd.s32 s21, s13;
	[dreg:$0x10] =	wrdreg s9  }
0x16: {  	s25 =	sadd.s32 s7, s12;
	[dreg:$0x11] =	wrdreg s17  }
0x17: {  	s16 =	sadd.s32 $0xC00, s7;
	[dreg:$0x15] =	wrdreg s25  }
0x18: {  	s21 =	sadd.s32 s21, s16;
	s8 =	sadd.s32 s12, s16;
	s16 =	rddreg [dreg:$0x0]  }
0x19: {  	s25 =	rddreg [dreg:$0x7]  }
0x1a: {  	[dreg:$0x13] =	wrdreg s21  }
0x1b: {  	s22 =	sadd.s32 s7, s11;
	s26 =	sshll.u32 s2, $0x6;
	[dreg:$0x14] =	wrdreg s8  }
0x1c: {  	s7 =	sadd.s32 s10, s7;
	s13 =	sshll.u32 s23, $0x7;
	s21 =	rddreg [dreg:$0x3]  }
0x1d: {  	s29 =	sshrl.u32 s3, $0x2;
	s8 =	sadd.s32 s20, s22;
	s22 =	rddreg [dreg:$0x6]  }
0x1e: {  	s9 =	sor.u32 s26, s20;
	s12 =	sadd.s32 s29, s28;
	[dreg:$0x16] =	wrdreg s8  }
0x1f: {  	s8 =	sor.u32 s26, s10;
	[dreg:$0x17] =	wrdreg s12;
	s10 =	sadd.s32 s13, s28  }
0x20: {  	s20 =	sshrl.u32 s18, $0x3;
	s26 =	sadd.s32 s21, s19;
	[dreg:$0x18] =	wrdreg s10  }
0x21: {  	s29 =	sadd.s32 s21, s20;
	[dreg:$0x19] =	wrdreg s26  }
0x22: {  	s17 =	sadd.s32 s11, s7;
	s11 =	sadd.s32 s16, s20;
	[dreg:$0x1b] =	wrdreg s29  }
0x23: {  	s28 =	smul.u32 $0x190, s23;
	s10 =	sadd.s32 s16, s19;
	[dreg:$0x1c] =	wrdreg s11  }
0x24: {  	p0 =	sne.s32 s2, $0x0;
	s20 =	sshrl.u32 s8, $0x3;
	[dreg:$0x1a] =	wrdreg s10  }
0x25: {  	s7 =	sadd.s32 s28, s16;
	s16 =	sadd.s32 s28, s21;
	s21 =	sadd.s32 s6, s25  }
0x26: {  	s2 =	sadd.s32 s15, s20;
	_ =	strace $0x80000047;
	[smem:$0x7EB] =	sst s21  }
0x27: {  	s0 =	sadd.s32 $0xC00, s0;
	[smem:$0x7EC] =	sst s2  }
0x28: {  	s19 =	sshll.u32 s23, $0x10;
	s6 =	smax.u32 s1, $0x1;
	[smem:$0x7EE] =	sst s0  }
0x29: {  	s11 =	sadd.s32 s19, s22;
	[smem:$0x7EF] =	sst s6  }
0x2a: {  	s30 =	sadd.s32 s5, s25;
	s29 =	sor.u32 $0x3000, s8;
	[dreg:$0x1d] =	wrdreg s11  }
0x2b: {  	s5 =	sshrl.u32 s29, $0x3;
	s29 =	sadd.s32 $0x30, s24;
	[dreg:$0xc] =	wrdreg s24  }
0x2c: {  	s18 =	sadd.s32 s3, s25;
	[smem:$0x7FC] =	sst s29  }
0x2d: {  	s31 =	sadd.s32 s4, s25;
	[dreg:$0x1e] =	wrdreg s18  }
0x2e: {  	s4 =	simm.s32 $0x1;
	s26 =	sshrl.u32 s9, $0x3;
	[dreg:$0x1f] =	wrdreg s30  }
0x2f: {  	s28 =	sshll.u32 s23, $0xE;
	s2 =	sadd.s32 s15, s26;
	[smem:$0x7FD] =	sst s31  }
0x30: {  	s1 =	simm.s32 $0x40;
	s9 =	sadd.s32 s5, s15;
	[smem:$0x7ED] =	sst s2  }
0x31: {  	s3 =	sadd.s32 s28, s22;
	s12 =	sadd.s32 $0xC, s7;
	[smem:$0x7F0] =	sst s9  }
0x32: {  	s13 =	sadd.s32 $0xC, s16;
	s6 =	sor.u32 $0x2000, s8;
	[smem:$0x7F1] =	sst s12  }
0x33: {  	s15 =	sadd.s32 $0x4000, s11;
	s16 =	sadd.s32 $0x8000, s11;
	[smem:$0x7F2] =	sst s13  }
0x34: {  	s19 =	sadd.s32 $0xC000, s11;
	s21 =	sadd.s32 $0x10, s24;
	[smem:$0x7F3] =	sst s15  }
0x35: {  	s26 =	sadd.s32 $0x20, s24;
	s24 =	simm.s32 $0x1A800;
	[smem:$0x7F4] =	sst s16  }
0x36: {  	s0 =	simm.s32 $0x1B840;
	s7 =	simm.s32 $0x1B860;
	[smem:$0x7F5] =	sst s19  }
0x37: {  	s11 =	simm.s32 $0x19800;
	s5 =	simm.s32 $0x1B880;
	[smem:$0x7F7] =	sst s21  }
0x38: {  	s20 =	sadd.s32 $0x40000, s3;
	s23 =	sadd.s32 $0x80000, s3;
	[smem:$0x7F9] =	sst s26  }
0x39: {  	[smem:$0x7FA] =	sst s3;
	s28 =	sadd.s32 $0xC0000, s3;
	s21 =	simm.s32 $0x1B000  }
.Ltmp0:
0x3a: {  	v6 =	vlaneseq.u32;
	s3 =	simm.s32 $0x80;
	s9 =	simm.s32 $0x16800;
	(pc) =	sbr.rel .LBB2_1-.Ltmp0, $4  }
0x3b: {  	v0 =	vshrl.u32 v6, $0x3;
	s12 =	simm.s32 $0x1B980;
	s13 =	simm.s32 $0x20;
	s15 =	simm.s32 $0x3  }
0x3c: {  	v0 =	vmul.u32 $0x800, v0;
	s19 =	simm.s32 $0x2;
	s26 =	simm.s32 $0x1B900;
	[smem:$0x7F6] =	sst s20  }
0x3d: {  	v1 =	vimm.f32 $0.0e+00;
	v2 =	vand.u32 $0x7, v6;
	v6 =	vor.u32 $0x18, v6;
	s16 =	simm.s32 $0x4;
	s2 =	simm.s32 $0x0;
	[smem:$0x7F8] =	sst s23  }
0x3e: {  	v4 =	vor.u32 $0x8, v2;
	v5 =	vor.u32 $0x10, v2;
	v3 =	vor.u32 $0x1000, v0;
	[smem:$0x7FB] =	sst s28;
	s20 =	simm.s32 $0x12800;
	s23 =	simm.s32 $0x5  }
.LBB2_12:
0x3f: {  	s2 =	sld [smem:$0x7EF];
	_ =	sdelay $0x1  }
0x40: {  	s28 =	sadd.s32 $0x1, s28  }
0x41: {  	p1 =	sne.s32 s28, s2  }
.Ltmp1:
0x42: {  	_ = 	snop;
	(pc) =	sbr.rel @!p1 .LBB2_13-.Ltmp1, $2  }
0x43: {  	_ =	sdelay $0x2  }
0x44: {  	s2 =	smov.u32 s28  }
.LBB2_1:
0x45: {  	s28 =	simm.s32 $0x0;
	s29 =	simm.s32 $0x200  }
.LBB2_2:
0x46: {  	p1 =	sne.s32 s29, $0xFE00;
	[tilespmem:s28+$0x12870] =	vst v1  }
0x47: {  	[tilespmem:s28+$0x12800] =	vst v1  }
0x48: {  	[tilespmem:s28+$0x12810] =	vst v1  }
.Ltmp2:
0x49: {  	[tilespmem:s28+$0x12820] =	vst v1;
	(pc) =	sbr.rel @p1 .LBB2_2-.Ltmp2, $4  }
0x4a: {  	[tilespmem:s28+$0x12830] =	vst v1  }
0x4b: {  	[tilespmem:s28+$0x12840] =	vst v1  }
0x4c: {  	[tilespmem:s28+$0x12850] =	vst v1  }
0x4d: {  	[tilespmem:s28+$0x12860] =	vst v1;
	s28 =	sshra.s32 s29, $0x2;
	s29 =	sadd.s32 $0x200, s29  }
0x4e: {  	[tilespmem:s28+$0x12870] =	vst v1  }
0x4f: {  	[tilespmem:s28+$0x12800] =	vst v1  }
0x50: {  	[tilespmem:s28+$0x12810] =	vst v1  }
0x51: {  	[tilespmem:s28+$0x12820] =	vst v1  }
0x52: {  	[tilespmem:s28+$0x12830] =	vst v1  }
0x53: {  	[tilespmem:s28+$0x12840] =	vst v1  }
0x54: {  	[tilespmem:s28+$0x12850] =	vst v1  }
0x55: {  	[tilespmem:s28+$0x12860] =	vst v1;
	s28 =	simm.s32 $0x20;
	s29 =	simm.s32 $0x180  }
.LBB2_4:
0x56: {  	p1 =	sne.s32 s29, $0x1F80;
	[tilespmem:s28+$0x1B010] =	vst v1  }
0x57: {  	[tilespmem:s28+$0x1A7E0] =	vst v1  }
0x58: {  	[tilespmem:s28+$0x1AFE0] =	vst v1  }
.Ltmp3:
0x59: {  	[tilespmem:s28+$0x1A7F0] =	vst v1;
	(pc) =	sbr.rel @p1 .LBB2_4-.Ltmp3, $4  }
0x5a: {  	[tilespmem:s28+$0x1AFF0] =	vst v1  }
0x5b: {  	[tilespmem:s28+$0x1A800] =	vst v1  }
0x5c: {  	[tilespmem:s28+$0x1B000] =	vst v1  }
0x5d: {  	[tilespmem:s28+$0x1A810] =	vst v1;
	s28 =	sshra.s32 s29, $0x2;
	s29 =	sadd.s32 $0x100, s29  }
0x5e: {  	[tilespmem:s28+$0x1B010] =	vst v1  }
0x5f: {  	[tilespmem:s28+$0x1A7E0] =	vst v1  }
0x60: {  	[tilespmem:s28+$0x1AFE0] =	vst v1  }
0x61: {  	[tilespmem:s28+$0x1A7F0] =	vst v1  }
0x62: {  	[tilespmem:s28+$0x1AFF0] =	vst v1  }
0x63: {  	[tilespmem:s28+$0x1A800] =	vst v1  }
0x64: {  	[tilespmem:s28+$0x1B000] =	vst v1  }
0x65: {  	[smem:$0x7EA] =	sst s2;
	[tilespmem:s28+$0x1A810] =	vst v1;
	s28 =	simm.s32 $0x40;
	s29 =	simm.s32 $0x0  }
.LBB2_6:
0x66: {  	p1 =	sne.s32 s28, $0x1FC0;
	[tilespmem:s29+$0x1B980] =	vst v1;
	s29 =	smov.u32 s28;
	s28 =	sadd.s32 $0x40, s28  }
.Ltmp4:
0x67: {  	(pc) =	sbr.rel @p1 .LBB2_6-.Ltmp4, $2  }
0x68: {  	_ =	sdelay $0x2  }
0x69: {  	s29 =	sshra.s32 s29, $0x2  }
0x6a: {  	[tilespmem:s29+$0x1B980] =	vst v1;
	s2 =	rddreg [dreg:$0x1d]  }
0x6b: {  	[spmem:s2] =	stream.linear.scatter [tilespmem:s20], [sflag:$0x5], $0x4000, $0x38;
	[tilespmem:$0x1CA00] =	vst v63  }
0x6c: {  	_ =	swait.ge [sflag:s23], $0x4000  }
0x6d: {  	s10 =	sld [smem:$0x7F3]  }
0x6e: {  	[sflag:s23] =	ssyncset.done $0x0  }
0x6f: {  	[sflag:s23] =	ssyncadd.s32 $0xFFFFC000  }
0x70: {  	[spmem:s10] =	stream.linear.scatter [tilespmem:s20], [sflag:$0x5], $0x4000, $0x38;
	[tilespmem:$0x1CA00] =	vst v63  }
0x71: {  	_ =	swait.ge [sflag:s23], $0x4000  }
0x72: {  	s8 =	sld [smem:$0x7F4]  }
0x73: {  	[sflag:s23] =	ssyncset.done $0x0  }
0x74: {  	[sflag:s23] =	ssyncadd.s32 $0xFFFFC000  }
0x75: {  	[spmem:s8] =	stream.linear.scatter [tilespmem:s20], [sflag:$0x5], $0x4000, $0x38;
	[tilespmem:$0x1CA00] =	vst v63  }
0x76: {  	_ =	swait.ge [sflag:s23], $0x4000  }
0x77: {  	s10 =	sld [smem:$0x7F5]  }
0x78: {  	[sflag:s23] =	ssyncset.done $0x0  }
0x79: {  	[sflag:s23] =	ssyncadd.s32 $0xFFFFC000  }
0x7a: {  	[spmem:s10] =	stream.linear.scatter [tilespmem:s20], [sflag:$0x5], $0x4000, $0x38;
	[tilespmem:$0x1CA00] =	vst v63  }
0x7b: {  	_ =	swait.ge [sflag:s23], $0x4000  }
0x7c: {  	[sflag:s23] =	ssyncset.done $0x0  }
0x7d: {  	[sflag:s23] =	ssyncadd.s32 $0xFFFFC000  }
0x7e: {  	[spmem:s18] =	stream.linear.scatter [tilespmem:s24], [sflag:$0x5], $0x800, $0x38;
	[tilespmem:$0x1CA00] =	vst v63  }
0x7f: {  	_ =	swait.ge [sflag:s23], $0x800  }
0x80: {  	[sflag:s23] =	ssyncset.done $0x0  }
0x81: {  	[sflag:s23] =	ssyncadd.s32 $0xFFFFF800  }
0x82: {  	[spmem:s30] =	stream.linear.scatter [tilespmem:s21], [sflag:$0x5], $0x800, $0x38;
	[tilespmem:$0x1CA00] =	vst v63  }
0x83: {  	_ =	swait.ge [sflag:s23], $0x800  }
0x84: {  	[sflag:s23] =	ssyncset.done $0x0  }
0x85: {  	[sflag:s23] =	ssyncadd.s32 $0xFFFFF800  }
0x86: {  	[spmem:s31] =	stream.linear.scatter [tilespmem:s24], [sflag:$0x5], $0x800, $0x38;
	[tilespmem:$0x1CA00] =	vst v63  }
0x87: {  	_ =	swait.ge [sflag:s23], $0x800  }
0x88: {  	s8 =	sld [smem:$0x7EB]  }
0x89: {  	[sflag:s23] =	ssyncset.done $0x0  }
0x8a: {  	[sflag:s23] =	ssyncadd.s32 $0xFFFFF800  }
0x8b: {  	[spmem:s8] =	stream.linear.scatter [tilespmem:s21], [sflag:$0x5], $0x800, $0x38;
	[tilespmem:$0x1CA00] =	vst v63  }
0x8c: {  	_ =	swait.ge [sflag:s23], $0x800  }
0x8d: {  	[sflag:s23] =	ssyncset.done $0x0  }
0x8e: {  	[sflag:s23] =	ssyncadd.s32 $0xFFFFF800  }
0x8f: {  	[bflag:$0x0] =	sbarrier.arrive $0xFFFF  }
0x90: {  	s10 =	rddreg [dreg:$0x19]  }
0x91: {  	s18 =	rddreg [dreg:$0x1a]  }
0x92: {  	s30 =	simm.s32 $0x0;
	s31 =	sld [smem:$0x7F2]  }
0x93: {  	[tilespmem:s0], [sflag:$0x1] =	stream.linear.gather [hbm4b:s10+s30], $0x20, $0x38;
	[tilespmem:$0x1CA00] =	vst v63  }
0x94: {  	s8 =	simm.s32 $0x1B800;
	s10 =	rddreg [dreg:$0xa]  }
0x95: {  	[tilespmem:s8], [sflag:$0x1] =	stream.linear.gather [hbm4b:s18+s30], $0x20, $0x38;
	[tilespmem:$0x1CA00] =	vst v63  }
0x96: {  	s8 =	rddreg [dreg:$0x15]  }
0x97: {  	[tilespmem:s20], [sflag:$0x1] =	stream.linear.gather [hbm4b:s8+s30], $0x1000, $0x38;
	[tilespmem:$0x1CA00] =	vst v63  }
0x98: {  	s18 =	simm.s32 $0x13800;
	s8 =	rddreg [dreg:$0x14]  }
0x99: {  	[tilespmem:s18], [sflag:$0x1] =	stream.linear.gather [hbm4b:s10+s30], $0x1000, $0x38;
	[tilespmem:$0x1CA00] =	vst v63  }
0x9a: {  	s10 =	rddreg [dreg:$0xb];
	s18 =	simm.s32 $0x14800  }
0x9b: {  	[tilespmem:s18], [sflag:$0x1] =	stream.linear.gather [hbm4b:s10+s30], $0x1000, $0x38;
	[tilespmem:$0x1CA00] =	vst v63  }
0x9c: {  	s10 =	simm.s32 $0x15800;
	s18 =	sld [smem:$0x7EC]  }
0x9d: {  	[tilespmem:s10], [sflag:$0x1] =	stream.linear.gather [hbm4b:s8+s30], $0x1000, $0x38;
	[tilespmem:$0x1CA00] =	vst v63  }
0x9e: {  	s28 =	sld [smem:$0x7F1]  }
0x9f: {  	[tilespmem:s24], [sflag:$0x1] =	stream.strided.gather [hbm4b:s18+s1], $0x800, s3, s1, $0x38;
	[tilespmem:$0x1CA00] =	vst v63  }
0xa0: {  	s8 =	rddreg [dreg:$0x1b]  }
0xa1: {  	[tilespmem:s7], [sflag:$0x2] =	stream.linear.gather [hbm4b:s8+s30], $0x20, $0x38;
	[tilespmem:$0x1CA00] =	vst v63  }
0xa2: {  	s10 =	rddreg [dreg:$0x1c];
	s18 =	simm.s32 $0x1B820  }
0xa3: {  	[tilespmem:s18], [sflag:$0x2] =	stream.linear.gather [hbm4b:s10+s30], $0x20, $0x38;
	[tilespmem:$0x1CA00] =	vst v63  }
0xa4: {  	s8 =	rddreg [dreg:$0x16]  }
0xa5: {  	[tilespmem:s9], [sflag:$0x2] =	stream.linear.gather [hbm4b:s8+s30], $0x1000, $0x38;
	[tilespmem:$0x1CA00] =	vst v63  }
0xa6: {  	s10 =	rddreg [dreg:$0x11];
	s18 =	simm.s32 $0x17800  }
0xa7: {  	[tilespmem:s18], [sflag:$0x2] =	stream.linear.gather [hbm4b:s10+s30], $0x1000, $0x38;
	[tilespmem:$0x1CA00] =	vst v63  }
0xa8: {  	s10 =	rddreg [dreg:$0x12];
	s18 =	simm.s32 $0x18800  }
0xa9: {  	[tilespmem:s18], [sflag:$0x2] =	stream.linear.gather [hbm4b:s10+s30], $0x1000, $0x38;
	[tilespmem:$0x1CA00] =	vst v63  }
0xaa: {  	s10 =	rddreg [dreg:$0x13]  }
0xab: {  	s18 =	sld [smem:$0x7ED]  }
0xac: {  	[tilespmem:s11], [sflag:$0x2] =	stream.linear.gather [hbm4b:s10+s30], $0x1000, $0x38;
	[tilespmem:$0x1CA00] =	vst v63  }
0xad: {  	s29 =	sld [smem:$0x7F0]  }
0xae: {  	[tilespmem:s21], [sflag:$0x2] =	stream.strided.gather [hbm4b:s18+s1], $0x800, s3, s1, $0x38;
	[tilespmem:$0x1CA00] =	vst v63  }
.LBB2_8:
0xaf: {  	_ =	swait.ge [sflag:s4], $0x20  }
0xb0: {  	[sflag:s4] =	ssyncset.done $0x0  }
0xb1: {  	[sflag:s4] =	ssyncadd.s32 $0xFFFFFFE0  }
0xb2: {  	_ =	swait.ge [sflag:s4], $0x20  }
0xb3: {  	[sflag:s4] =	ssyncset.done $0x0  }
0xb4: {  	[sflag:s4] =	ssyncadd.s32 $0xFFFFFFE0  }
0xb5: {  	_ =	swait.ge [sflag:s4], $0x1000  }
0xb6: {  	[sflag:s4] =	ssyncset.done $0x0  }
0xb7: {  	[sflag:s4] =	ssyncadd.s32 $0xFFFFF000  }
0xb8: {  	_ =	swait.ge [sflag:s4], $0x1000  }
0xb9: {  	[sflag:s4] =	ssyncset.done $0x0  }
0xba: {  	[sflag:s4] =	ssyncadd.s32 $0xFFFFF000  }
0xbb: {  	_ =	swait.ge [sflag:s4], $0x1000  }
0xbc: {  	[sflag:s4] =	ssyncset.done $0x0  }
0xbd: {  	[sflag:s4] =	ssyncadd.s32 $0xFFFFF000  }
0xbe: {  	_ =	swait.ge [sflag:s4], $0x1000  }
0xbf: {  	[sflag:s4] =	ssyncset.done $0x0  }
0xc0: {  	[sflag:s4] =	ssyncadd.s32 $0xFFFFF000  }
0xc1: {  	_ =	swait.ge [sflag:s4], $0x800  }
0xc2: {  	[sflag:s4] =	ssyncset.done $0x0  }
0xc3: {  	[sflag:s4] =	ssyncadd.s32 $0xFFFFF800  }
0xc4: {  	v7 =	vld.idx.msk [tilespmem:v2+s0+$0x0], $0xffff;
	_ =	sdelay $0x4  }
0xc5: {  	v7 =	vadd.s32 v0, v7  }
0xc6: {  	[tilespmem:$0x1B880] =	vst v7  }
0xc7: {  	v7 =	vld.idx.msk [tilespmem:v2+s0+$0x0], $0xffff;
	_ =	sdelay $0x4  }
0xc8: {  	v7 =	vadd.s32 v3, v7  }
0xc9: {  	[tilespmem:$0x1B890] =	vst v7  }
0xca: {  	v7 =	vld.idx.msk [tilespmem:v4+s0+$0x0], $0xffff;
	_ =	sdelay $0x4  }
0xcb: {  	v7 =	vadd.s32 v0, v7  }
0xcc: {  	[tilespmem:$0x1B8A0] =	vst v7  }
0xcd: {  	v7 =	vld.idx.msk [tilespmem:v4+s0+$0x0], $0xffff;
	_ =	sdelay $0x4  }
0xce: {  	v7 =	vadd.s32 v3, v7  }
0xcf: {  	[tilespmem:$0x1B8B0] =	vst v7  }
0xd0: {  	v7 =	vld.idx.msk [tilespmem:v5+s0+$0x0], $0xffff;
	_ =	sdelay $0x4  }
0xd1: {  	v7 =	vadd.s32 v0, v7  }
0xd2: {  	[tilespmem:$0x1B8C0] =	vst v7  }
0xd3: {  	v7 =	vld.idx.msk [tilespmem:v5+s0+$0x0], $0xffff;
	_ =	sdelay $0x4  }
0xd4: {  	v7 =	vadd.s32 v3, v7  }
0xd5: {  	[tilespmem:$0x1B8D0] =	vst v7  }
0xd6: {  	v7 =	vld.idx.msk [tilespmem:v6+s0+$0x0], $0xffff;
	_ =	sdelay $0x4  }
0xd7: {  	v7 =	vadd.s32 v0, v7  }
0xd8: {  	[tilespmem:$0x1B8E0] =	vst v7;
	v7 =	vld [tilespmem:$0x1B840]  }
0xd9: {  	v8 =	vld.idx.msk [tilespmem:v6+s0+$0x0], $0xffff;
	_ =	sdelay $0x1  }
0xda: {  	v9 =	vld [tilespmem:$0x1B800];
	_ =	sdelay $0x2  }
0xdb: {  	v8 =	vadd.s32 v3, v8  }
0xdc: {  	[tilespmem:$0x1B8F0] =	vst v8  }
0xdd: {  	[tilespmem:v7+s12+$0x0] =	vst.idx.add.f32.msk $0xffff, v9  }
0xde: {  	v7 =	vld [tilespmem:$0x1B850];
	_ =	sdelay $0x2  }
0xdf: {  	v8 =	vld [tilespmem:$0x1B810];
	_ =	sdelay $0x4  }
0xe0: {  	[tilespmem:v7+s12+$0x0] =	vst.idx.add.f32.msk $0xffff, v8  }
0xe1: {  	[spmem:s22] =	stream.indirect.scatter.add.f32 [tilespmem:s20], [sflag:$0x3], $0x80, s5, s3, $0xb8;
	[tilespmem:$0x1CA00] =	vst v63  }
0xe2: {  	_ = 	snop  }
0xe3: {  	[spmem:s25] =	stream.indirect.scatter.add.f32 [tilespmem:s24], [sflag:$0x3], $0x40, s0, s13, $0xb8;
	[tilespmem:$0x1CA00] =	vst v63  }
0xe4: {  	_ =	swait.ge [sflag:s15], $0x4000  }
0xe5: {  	[sflag:s15] =	ssyncset.done $0x0  }
0xe6: {  	[sflag:s15] =	ssyncadd.s32 $0xFFFFC000  }
0xe7: {  	p1 =	seq.s32 s30, $0x62000;
	_ =	swait.ge [sflag:s15], $0x800  }
0xe8: {  	s18 =	sadd.s32 @!p1 $0xFFFFFFFC, s31;
	[sflag:s15] =	ssyncset.done $0x0  }
0xe9: {  	s8 =	simm.s32 @!p1 $0x0;
	s10 =	simm.s32 @!p1 $0x1B840;
	[sflag:s15] =	ssyncadd.s32 $0xFFFFF800  }
0xea: {  	[tilespmem:s10], [sflag:$0x1] =	stream.linear.gather @!p1 [hbm4b:s18+s8], $0x20, $0x38;
	[tilespmem:$0x1CA00] =	vst v63  }
0xeb: {  	s10 =	sadd.s32 @!p1 $0xFFFFFFFC, s28;
	s18 =	simm.s32 @!p1 $0x1B800  }
0xec: {  	[tilespmem:s18], [sflag:$0x1] =	stream.linear.gather @!p1 [hbm4b:s10+s8], $0x20, $0x38;
	[tilespmem:$0x1CA00] =	vst v63  }
0xed: {  	s10 =	sadd.s32 @!p1 s30, s17  }
0xee: {  	s2 =	simm.s32 @!p1 $0x12800;
	s18 =	sadd.s32 @!p1 $0x2000, s10  }
0xef: {  	[tilespmem:s2], [sflag:$0x1] =	stream.linear.gather @!p1 [hbm4b:s18+s8], $0x1000, $0x38;
	[tilespmem:$0x1CA00] =	vst v63  }
0xf0: {  	s2 =	sadd.s32 @!p1 $0x2400, s10;
	s18 =	simm.s32 @!p1 $0x13800  }
0xf1: {  	[tilespmem:s18], [sflag:$0x1] =	stream.linear.gather @!p1 [hbm4b:s2+s8], $0x1000, $0x38;
	[tilespmem:$0x1CA00] =	vst v63  }
0xf2: {  	s2 =	sadd.s32 @!p1 $0x2800, s10;
	s18 =	simm.s32 @!p1 $0x14800  }
0xf3: {  	[tilespmem:s18], [sflag:$0x1] =	stream.linear.gather @!p1 [hbm4b:s2+s8], $0x1000, $0x38;
	[tilespmem:$0x1CA00] =	vst v63  }
0xf4: {  	s2 =	sadd.s32 @!p1 $0x2C00, s10;
	s10 =	simm.s32 @!p1 $0x15800  }
0xf5: {  	[tilespmem:s10], [sflag:$0x1] =	stream.linear.gather @!p1 [hbm4b:s2+s8], $0x1000, $0x38;
	[tilespmem:$0x1CA00] =	vst v63  }
0xf6: {  	s2 =	sadd.s32 @!p1 s30, s6  }
0xf7: {  	s18 =	simm.s32 @!p1 $0x1A800;
	s8 =	rddreg [dreg:$0x1];
	s2 =	sshrl.u32 @!p1 s2, $0x3  }
0xf8: {  	s10 =	simm.s32 @!p1 $0x80;
	s2 =	sadd.s32 @!p1 s8, s2;
	s8 =	simm.s32 @!p1 $0x40  }
0xf9: {  	[tilespmem:s18], [sflag:$0x1] =	stream.strided.gather @!p1 [hbm4b:s2+s8], $0x800, s10, s8, $0x38;
	[tilespmem:$0x1CA00] =	vst v63  }
0xfa: {  	_ =	swait.ge [sflag:s19], $0x20  }
0xfb: {  	[sflag:s19] =	ssyncset.done $0x0  }
0xfc: {  	[sflag:s19] =	ssyncadd.s32 $0xFFFFFFE0  }
0xfd: {  	_ =	swait.ge [sflag:s19], $0x20  }
0xfe: {  	[sflag:s19] =	ssyncset.done $0x0  }
0xff: {  	[sflag:s19] =	ssyncadd.s32 $0xFFFFFFE0  }
0x100: {  	_ =	swait.ge [sflag:s19], $0x1000  }
0x101: {  	[sflag:s19] =	ssyncset.done $0x0  }
0x102: {  	[sflag:s19] =	ssyncadd.s32 $0xFFFFF000  }
0x103: {  	_ =	swait.ge [sflag:s19], $0x1000  }
0x104: {  	[sflag:s19] =	ssyncset.done $0x0  }
0x105: {  	[sflag:s19] =	ssyncadd.s32 $0xFFFFF000  }
0x106: {  	_ =	swait.ge [sflag:s19], $0x1000  }
0x107: {  	[sflag:s19] =	ssyncset.done $0x0  }
0x108: {  	[sflag:s19] =	ssyncadd.s32 $0xFFFFF000  }
0x109: {  	_ =	swait.ge [sflag:s19], $0x1000  }
0x10a: {  	[sflag:s19] =	ssyncset.done $0x0  }
0x10b: {  	[sflag:s19] =	ssyncadd.s32 $0xFFFFF000  }
0x10c: {  	_ =	swait.ge [sflag:s19], $0x800  }
0x10d: {  	[sflag:s19] =	ssyncset.done $0x0  }
0x10e: {  	[sflag:s19] =	ssyncadd.s32 $0xFFFFF800  }
0x10f: {  	v7 =	vld.idx.msk [tilespmem:v2+s7+$0x0], $0xffff;
	_ =	sdelay $0x4  }
0x110: {  	v7 =	vadd.s32 v0, v7  }
0x111: {  	[tilespmem:$0x1B900] =	vst v7  }
0x112: {  	v7 =	vld.idx.msk [tilespmem:v2+s7+$0x0], $0xffff;
	_ =	sdelay $0x4  }
0x113: {  	v7 =	vadd.s32 v3, v7  }
0x114: {  	[tilespmem:$0x1B910] =	vst v7  }
0x115: {  	v7 =	vld.idx.msk [tilespmem:v4+s7+$0x0], $0xffff;
	_ =	sdelay $0x4  }
0x116: {  	v7 =	vadd.s32 v0, v7  }
0x117: {  	[tilespmem:$0x1B920] =	vst v7  }
0x118: {  	v7 =	vld.idx.msk [tilespmem:v4+s7+$0x0], $0xffff;
	_ =	sdelay $0x4  }
0x119: {  	v7 =	vadd.s32 v3, v7  }
0x11a: {  	[tilespmem:$0x1B930] =	vst v7  }
0x11b: {  	v7 =	vld.idx.msk [tilespmem:v5+s7+$0x0], $0xffff;
	_ =	sdelay $0x4  }
0x11c: {  	v7 =	vadd.s32 v0, v7  }
0x11d: {  	[tilespmem:$0x1B940] =	vst v7  }
0x11e: {  	v7 =	vld.idx.msk [tilespmem:v5+s7+$0x0], $0xffff;
	_ =	sdelay $0x4  }
0x11f: {  	v7 =	vadd.s32 v3, v7  }
0x120: {  	[tilespmem:$0x1B950] =	vst v7  }
0x121: {  	v7 =	vld.idx.msk [tilespmem:v6+s7+$0x0], $0xffff;
	_ =	sdelay $0x4  }
0x122: {  	v7 =	vadd.s32 v0, v7  }
0x123: {  	[tilespmem:$0x1B960] =	vst v7;
	v7 =	vld [tilespmem:$0x1B860]  }
0x124: {  	v8 =	vld.idx.msk [tilespmem:v6+s7+$0x0], $0xffff;
	_ =	sdelay $0x1  }
0x125: {  	v63 =	vld [tilespmem:$0x1B820];
	_ =	sdelay $0x2  }
0x126: {  	v8 =	vadd.s32 v3, v8  }
0x127: {  	[tilespmem:$0x1B970] =	vst v8  }
0x128: {  	[tilespmem:v7+s12+$0x0] =	vst.idx.add.f32.msk $0xffff, v63  }
0x129: {  	v7 =	vld [tilespmem:$0x1B870];
	_ =	sdelay $0x2  }
0x12a: {  	v8 =	vld [tilespmem:$0x1B830];
	_ =	sdelay $0x4  }
0x12b: {  	[tilespmem:v7+s12+$0x0] =	vst.idx.add.f32.msk $0xffff, v8  }
0x12c: {  	[spmem:s22] =	stream.indirect.scatter.add.f32 [tilespmem:s9], [sflag:$0x4], $0x80, s26, s3, $0xb8;
	[tilespmem:$0x1CA00] =	vst v63  }
0x12d: {  	_ = 	snop  }
0x12e: {  	[spmem:s25] =	stream.indirect.scatter.add.f32 [tilespmem:s21], [sflag:$0x4], $0x40, s7, s13, $0xb8;
	[tilespmem:$0x1CA00] =	vst v63  }
0x12f: {  	_ =	swait.ge [sflag:s16], $0x4000  }
.Ltmp5:
0x130: {  	[sflag:s16] =	ssyncset.done $0x0;
	(pc) =	sbr.rel @p1 .LBB2_10-.Ltmp5, $4  }
0x131: {  	[sflag:s16] =	ssyncadd.s32 $0xFFFFC000  }
0x132: {  	_ =	swait.ge [sflag:s16], $0x800  }
0x133: {  	[sflag:s16] =	ssyncset.done $0x0  }
0x134: {  	[sflag:s16] =	ssyncadd.s32 $0xFFFFF800  }
0x135: {  	[tilespmem:s7], [sflag:$0x2] =	stream.linear.gather [hbm4b:s31+s14], $0x20, $0x38;
	[tilespmem:$0x1CA00] =	vst v63  }
0x136: {  	s2 =	simm.s32 $0x1B820  }
0x137: {  	[tilespmem:s2], [sflag:$0x2] =	stream.linear.gather [hbm4b:s28+s14], $0x20, $0x38;
	[tilespmem:$0x1CA00] =	vst v63  }
0x138: {  	s2 =	sadd.s32 s30, s17  }
0x139: {  	s8 =	sadd.s32 $0x3000, s2  }
0x13a: {  	[tilespmem:s9], [sflag:$0x2] =	stream.linear.gather [hbm4b:s8+s14], $0x1000, $0x38;
	[tilespmem:$0x1CA00] =	vst v63  }
0x13b: {  	s10 =	simm.s32 $0x17800;
	s18 =	sadd.s32 $0x3400, s2  }
0x13c: {  	[tilespmem:s10], [sflag:$0x2] =	stream.linear.gather [hbm4b:s18+s14], $0x1000, $0x38;
	[tilespmem:$0x1CA00] =	vst v63  }
0x13d: {  	s10 =	sadd.s32 $0x3800, s2;
	s18 =	simm.s32 $0x18800  }
0x13e: {  	[tilespmem:s18], [sflag:$0x2] =	stream.linear.gather [hbm4b:s10+s14], $0x1000, $0x38;
	[tilespmem:$0x1CA00] =	vst v63  }
.Ltmp6:
0x13f: {  	s2 =	sadd.s32 $0x3C00, s2;
	(pc) =	sbr.rel .LBB2_8-.Ltmp6, $4  }
0x140: {  	[tilespmem:s11], [sflag:$0x2] =	stream.linear.gather [hbm4b:s2+s14], $0x1000, $0x38;
	[tilespmem:$0x1CA00] =	vst v63  }
0x141: {  	s31 =	sadd.s32 $0x8, s31  }
0x142: {  	[tilespmem:s21], [sflag:$0x2] =	stream.strided.gather [hbm4b:s29+s1], $0x800, s3, s1, $0x38;
	[tilespmem:$0x1CA00] =	vst v63  }
0x143: {  	s30 =	sadd.s32 $0x2000, s30;
	s28 =	sadd.s32 $0x8, s28;
	s29 =	sadd.s32 $0x400, s29  }
.LBB2_10:
0x144: {  	s2 =	rddreg [dreg:$0x17]  }
0x145: {  	[spmem:s2] =	stream.linear.scatter [tilespmem:s12], [sflag:$0x5], $0x800, $0x38;
	[tilespmem:$0x1CA00] =	vst v63  }
0x146: {  	_ =	swait.ge [sflag:s23], $0x800  }
0x147: {  	[sflag:s23] =	ssyncset.done $0x0  }
0x148: {  	[sflag:s23] =	ssyncadd.s32 $0xFFFFF800  }
0x149: {  	[bflag:$0x0] =	sbarrier.arrive $0xFFFF  }
0x14a: {  	s18 =	sld [smem:$0x7FA];
	_ =	sdelay $0x2  }
0x14b: {  	[tilespmem:s20], [sflag:$0x5] =	stream.linear.gather [spmem:s18], $0x4000, $0x38;
	[tilespmem:$0x1CA00] =	vst v63  }
0x14c: {  	_ =	swait.ge [sflag:s23], $0x4000  }
0x14d: {  	[sflag:s23] =	ssyncset.done $0x0  }
0x14e: {  	s8 =	simm.s32 $0x400;
	s29 =	rddreg [dreg:$0xc];
	[sflag:s23] =	ssyncadd.s32 $0xFFFFC000  }
0x14f: {  	[hbm4b:s29+s3] =	stream.strided.scatter [tilespmem:s20], [sflag:$0x5], $0x4000, s8, s3, $0x38;
	[tilespmem:$0x1CA00] =	vst v63  }
0x150: {  	_ =	swait.ge [sflag:s23], $0x4000  }
0x151: {  	s10 =	sld [smem:$0x7F6]  }
0x152: {  	[sflag:s23] =	ssyncset.done $0x0  }
0x153: {  	[sflag:s23] =	ssyncadd.s32 $0xFFFFC000  }
0x154: {  	[tilespmem:s20], [sflag:$0x5] =	stream.linear.gather [spmem:s10], $0x4000, $0x38;
	[tilespmem:$0x1CA00] =	vst v63  }
0x155: {  	_ =	swait.ge [sflag:s23], $0x4000  }
0x156: {  	s18 =	sld [smem:$0x7F7]  }
0x157: {  	[sflag:s23] =	ssyncset.done $0x0  }
0x158: {  	[sflag:s23] =	ssyncadd.s32 $0xFFFFC000  }
0x159: {  	[hbm4b:s18+s3] =	stream.strided.scatter [tilespmem:s20], [sflag:$0x5], $0x4000, s8, s3, $0x38;
	[tilespmem:$0x1CA00] =	vst v63  }
0x15a: {  	_ =	swait.ge [sflag:s23], $0x4000  }
0x15b: {  	s29 =	sld [smem:$0x7F8]  }
0x15c: {  	[sflag:s23] =	ssyncset.done $0x0  }
0x15d: {  	[sflag:s23] =	ssyncadd.s32 $0xFFFFC000  }
0x15e: {  	[tilespmem:s20], [sflag:$0x5] =	stream.linear.gather [spmem:s29], $0x4000, $0x38;
	[tilespmem:$0x1CA00] =	vst v63  }
0x15f: {  	_ =	swait.ge [sflag:s23], $0x4000  }
0x160: {  	s10 =	sld [smem:$0x7F9]  }
0x161: {  	[sflag:s23] =	ssyncset.done $0x0  }
0x162: {  	[sflag:s23] =	ssyncadd.s32 $0xFFFFC000  }
0x163: {  	[hbm4b:s10+s3] =	stream.strided.scatter [tilespmem:s20], [sflag:$0x5], $0x4000, s8, s3, $0x38;
	[tilespmem:$0x1CA00] =	vst v63  }
0x164: {  	_ =	swait.ge [sflag:s23], $0x4000  }
0x165: {  	s18 =	sld [smem:$0x7FB]  }
0x166: {  	[sflag:s23] =	ssyncset.done $0x0  }
0x167: {  	[sflag:s23] =	ssyncadd.s32 $0xFFFFC000  }
0x168: {  	[tilespmem:s20], [sflag:$0x5] =	stream.linear.gather [spmem:s18], $0x4000, $0x38;
	[tilespmem:$0x1CA00] =	vst v63  }
0x169: {  	_ =	swait.ge [sflag:s23], $0x4000  }
0x16a: {  	s29 =	sld [smem:$0x7FC]  }
0x16b: {  	[sflag:s23] =	ssyncset.done $0x0  }
0x16c: {  	[sflag:s23] =	ssyncadd.s32 $0xFFFFC000  }
0x16d: {  	[hbm4b:s29+s3] =	stream.strided.scatter [tilespmem:s20], [sflag:$0x5], $0x4000, s8, s3, $0x38;
	[tilespmem:$0x1CA00] =	vst v63  }
0x16e: {  	_ =	swait.ge [sflag:s23], $0x4000  }
0x16f: {  	[sflag:s23] =	ssyncset.done $0x0  }
0x170: {  	s18 =	rddreg [dreg:$0x1e];
	[sflag:s23] =	ssyncadd.s32 $0xFFFFC000  }
0x171: {  	[tilespmem:s24], [sflag:$0x5] =	stream.linear.gather [spmem:s18], $0x800, $0x38;
	[tilespmem:$0x1CA00] =	vst v63  }
0x172: {  	_ =	swait.ge [sflag:s23], $0x800  }
0x173: {  	[sflag:s23] =	ssyncset.done $0x0  }
0x174: {  	s10 =	rddreg [dreg:$0xd];
	[sflag:s23] =	ssyncadd.s32 $0xFFFFF800  }
0x175: {  	[hbm4b:s10+s14] =	stream.linear.scatter [tilespmem:s24], [sflag:$0x5], $0x800, $0x38;
	[tilespmem:$0x1CA00] =	vst v63  }
0x176: {  	_ =	swait.ge [sflag:s23], $0x800  }
0x177: {  	[sflag:s23] =	ssyncset.done $0x0  }
0x178: {  	s30 =	rddreg [dreg:$0x1f];
	[sflag:s23] =	ssyncadd.s32 $0xFFFFF800  }
0x179: {  	[tilespmem:s21], [sflag:$0x5] =	stream.linear.gather [spmem:s30], $0x800, $0x38;
	[tilespmem:$0x1CA00] =	vst v63  }
0x17a: {  	_ =	swait.ge [sflag:s23], $0x800  }
0x17b: {  	[sflag:s23] =	ssyncset.done $0x0  }
0x17c: {  	s29 =	rddreg [dreg:$0xe];
	[sflag:s23] =	ssyncadd.s32 $0xFFFFF800  }
0x17d: {  	[hbm4b:s29+s14] =	stream.linear.scatter [tilespmem:s21], [sflag:$0x5], $0x800, $0x38;
	[tilespmem:$0x1CA00] =	vst v63  }
0x17e: {  	_ =	swait.ge [sflag:s23], $0x800  }
0x17f: {  	s31 =	sld [smem:$0x7FD]  }
0x180: {  	[sflag:s23] =	ssyncset.done $0x0  }
0x181: {  	[sflag:s23] =	ssyncadd.s32 $0xFFFFF800  }
0x182: {  	[tilespmem:s24], [sflag:$0x5] =	stream.linear.gather [spmem:s31], $0x800, $0x38;
	[tilespmem:$0x1CA00] =	vst v63  }
0x183: {  	_ =	swait.ge [sflag:s23], $0x800  }
0x184: {  	[sflag:s23] =	ssyncset.done $0x0  }
0x185: {  	s8 =	rddreg [dreg:$0xf];
	[sflag:s23] =	ssyncadd.s32 $0xFFFFF800  }
0x186: {  	[hbm4b:s8+s14] =	stream.linear.scatter [tilespmem:s24], [sflag:$0x5], $0x800, $0x38;
	[tilespmem:$0x1CA00] =	vst v63  }
0x187: {  	_ =	swait.ge [sflag:s23], $0x800  }
0x188: {  	s10 =	sld [smem:$0x7EB]  }
0x189: {  	[sflag:s23] =	ssyncset.done $0x0  }
0x18a: {  	[sflag:s23] =	ssyncadd.s32 $0xFFFFF800  }
0x18b: {  	[tilespmem:s21], [sflag:$0x5] =	stream.linear.gather [spmem:s10], $0x800, $0x38;
	[tilespmem:$0x1CA00] =	vst v63  }
0x18c: {  	_ =	swait.ge [sflag:s23], $0x800  }
0x18d: {  	[sflag:s23] =	ssyncset.done $0x0  }
.Ltmp7:
0x18e: {  	s29 =	rddreg [dreg:$0x10];
	[sflag:s23] =	ssyncadd.s32 $0xFFFFF800;
	(pc) =	sbr.rel @p0 .LBB2_12-.Ltmp7, $4  }
0x18f: {  	[hbm4b:s29+s14] =	stream.linear.scatter [tilespmem:s21], [sflag:$0x5], $0x800, $0x38;
	[tilespmem:$0x1CA00] =	vst v63  }
0x190: {  	_ =	swait.ge [sflag:s23], $0x800  }
0x191: {  	[sflag:s23] =	ssyncset.done $0x0  }
0x192: {  	s28 =	sld [smem:$0x7EA];
	[sflag:s23] =	ssyncadd.s32 $0xFFFFF800  }
0x193: {  	s2 =	rddreg [dreg:$0x18];
	s8 =	simm.s32 $0x800;
	s10 =	simm.s32 $0x1C180  }
0x194: {  	[tilespmem:s10], [sflag:$0x5] =	stream.strided.gather [spmem:s2], $0x800, s8, s3, $0x38;
	[tilespmem:$0x1CA00] =	vst v63  }
0x195: {  	_ =	swait.ge [sflag:s23], $0x800  }
0x196: {  	[sflag:s23] =	ssyncset.done $0x0  }
0x197: {  	[sflag:s23] =	ssyncadd.s32 $0xFFFFF800  }
0x198: {  	v7 =	vld [tilespmem:$0x1C180]  }
0x199: {  	v8 =	vld [tilespmem:$0x1C200]  }
0x19a: {  	v10 =	vld [tilespmem:$0x1C280]  }
0x19b: {  	v12 =	vld [tilespmem:$0x1C300]  }
0x19c: {  	v15 =	vld [tilespmem:$0x1C380]  }
0x19d: {  	v18 =	vld [tilespmem:$0x1C400]  }
0x19e: {  	v20 =	vld [tilespmem:$0x1C480]  }
0x19f: {  	v23 =	vld [tilespmem:$0x1C500]  }
0x1a0: {  	v35 =	vld [tilespmem:$0x1C580]  }
0x1a1: {  	v38 =	vld [tilespmem:$0x1C600]  }
0x1a2: {  	v9 =	vld [tilespmem:$0x1C680]  }
0x1a3: {  	v13 =	vld [tilespmem:$0x1C700]  }
0x1a4: {  	v14 =	vld [tilespmem:$0x1C780]  }
0x1a5: {  	v16 =	vld [tilespmem:$0x1C800]  }
0x1a6: {  	v17 =	vld [tilespmem:$0x1C880]  }
0x1a7: {  	v19 =	vld [tilespmem:$0x1C900]  }
0x1a8: {  	v25 =	vld [tilespmem:$0x1C290]  }
0x1a9: {  	v26 =	vld [tilespmem:$0x1C310]  }
0x1aa: {  	v27 =	vld [tilespmem:$0x1C390]  }
0x1ab: {  	v28 =	vld [tilespmem:$0x1C410]  }
0x1ac: {  	v29 =	vld [tilespmem:$0x1C490]  }
0x1ad: {  	v30 =	vld [tilespmem:$0x1C510]  }
0x1ae: {  	v31 =	vld [tilespmem:$0x1C590]  }
0x1af: {  	v32 =	vld [tilespmem:$0x1C610]  }
0x1b0: {  	v33 =	vld [tilespmem:$0x1C690]  }
0x1b1: {  	v36 =	vld [tilespmem:$0x1C710]  }
0x1b2: {  	v21 =	vld [tilespmem:$0x1C790]  }
0x1b3: {  	v22 =	vld [tilespmem:$0x1C810]  }
0x1b4: {  	v24 =	vld [tilespmem:$0x1C890]  }
0x1b5: {  	v34 =	vld [tilespmem:$0x1C910]  }
0x1b6: {  	v39 =	vld [tilespmem:$0x1C1A0]  }
0x1b7: {  	v40 =	vld [tilespmem:$0x1C220]  }
0x1b8: {  	v41 =	vld [tilespmem:$0x1C2A0]  }
0x1b9: {  	v42 =	vld [tilespmem:$0x1C320]  }
0x1ba: {  	v43 =	vld [tilespmem:$0x1C3A0]  }
0x1bb: {  	v44 =	vld [tilespmem:$0x1C420]  }
0x1bc: {  	v45 =	vld [tilespmem:$0x1C4A0]  }
0x1bd: {  	v46 =	vld [tilespmem:$0x1C520]  }
0x1be: {  	v47 =	vld [tilespmem:$0x1C5A0]  }
0x1bf: {  	v48 =	vld [tilespmem:$0x1C620]  }
0x1c0: {  	v49 =	vld [tilespmem:$0x1C6A0]  }
0x1c1: {  	v50 =	vld [tilespmem:$0x1C720]  }
0x1c2: {  	v51 =	vld [tilespmem:$0x1C7A0]  }
0x1c3: {  	v52 =	vld [tilespmem:$0x1C820]  }
0x1c4: {  	v53 =	vld [tilespmem:$0x1C8A0]  }
0x1c5: {  	v37 =	vld [tilespmem:$0x1C920]  }
0x1c6: {  	v55 =	vld [tilespmem:$0x1C1B0]  }
0x1c7: {  	v56 =	vld [tilespmem:$0x1C230]  }
0x1c8: {  	v57 =	vld [tilespmem:$0x1C2B0]  }
0x1c9: {  	v58 =	vld [tilespmem:$0x1C330]  }
0x1ca: {  	v59 =	vld [tilespmem:$0x1C3B0]  }
0x1cb: {  	v60 =	vld [tilespmem:$0x1C430]  }
0x1cc: {  	v61 =	vld [tilespmem:$0x1C4B0]  }
0x1cd: {  	v62 =	vld [tilespmem:$0x1C530]  }
0x1ce: {  	v63 =	vld [tilespmem:$0x1C5B0]  }
0x1cf: {  	v11 =	vld [tilespmem:$0x1C6B0]  }
0x1d0: {  	v54 =	vld [tilespmem:$0x1C340]  }
0x1d1: {  	[tilespmem:$0x1FF50] =	vst v14;
	v14 =	vld [tilespmem:$0x1C190]  }
0x1d2: {  	[tilespmem:$0x1FF70] =	vst v16;
	v16 =	vld [tilespmem:$0x1C210]  }
0x1d3: {  	[tilespmem:$0x1FF30] =	vst v9;
	v9 =	vld [tilespmem:$0x1C630]  }
0x1d4: {  	[tilespmem:$0x1FF40] =	vst v13;
	v13 =	vld [tilespmem:$0x1C730]  }
0x1d5: {  	[tilespmem:$0x1FF90] =	vst v17;
	v17 =	vld [tilespmem:$0x1C7B0]  }
0x1d6: {  	[tilespmem:$0x1FFB0] =	vst v19;
	v19 =	vld [tilespmem:$0x1C830]  }
0x1d7: {  	[tilespmem:$0x1FF60] =	vst v21;
	v21 =	vld [tilespmem:$0x1C8B0]  }
0x1d8: {  	[tilespmem:$0x1FFA0] =	vst v24;
	v24 =	vld [tilespmem:$0x1C930]  }
0x1d9: {  	[tilespmem:$0x1FF80] =	vst v22;
	v22 =	vld [tilespmem:$0x1C1C0];
	v7 =	vadd.f32 $0.0e+00, v7  }
0x1da: {  	[tilespmem:$0x1FFC0] =	vst v34;
	v34 =	vld [tilespmem:$0x1C240]  }
0x1db: {  	[tilespmem:$0x1FFD0] =	vst v37;
	v37 =	vld [tilespmem:$0x1C2C0];
	v7 =	vadd.f32 v8, v7  }
0x1dc: {  	[tilespmem:$0x1FFE0] =	vst v54;
	v54 =	vld [tilespmem:$0x1C3C0];
	v8 =	vadd.f32 $0.0e+00, v39  }
0x1dd: {  	v39 =	vld [tilespmem:$0x1C440];
	v7 =	vadd.f32 v10, v7  }
0x1de: {  	v8 =	vadd.f32 v40, v8;
	v40 =	vld [tilespmem:$0x1C540];
	v14 =	vadd.f32 $0.0e+00, v14  }
0x1df: {  	v22 =	vadd.f32 $0.0e+00, v22;
	v7 =	vadd.f32 v12, v7;
	v12 =	vld [tilespmem:$0x1C740]  }
0x1e0: {  	v14 =	vadd.f32 v16, v14;
	v16 =	vadd.f32 $0.0e+00, v55;
	v55 =	vld [tilespmem:$0x1C4C0]  }
0x1e1: {  	v8 =	vadd.f32 v41, v8;
	v22 =	vadd.f32 v34, v22;
	v34 =	vld [tilespmem:$0x1C4F0]  }
0x1e2: {  	v7 =	vadd.f32 v15, v7;
	v15 =	vld [tilespmem:$0x1C840]  }
0x1e3: {  	v8 =	vadd.f32 v42, v8;
	v42 =	vld [tilespmem:$0x1C950]  }
0x1e4: {  	[tilespmem:$0x1FFF0] =	vst v54;
	v54 =	vadd.f32 v25, v14;
	v25 =	vld [tilespmem:$0x1C5C0]  }
0x1e5: {  	v56 =	vadd.f32 v56, v16;
	v16 =	vld [tilespmem:$0x1C640]  }
0x1e6: {  	v14 =	vld [tilespmem:$0x1C6C0]  }
0x1e7: {  	v22 =	vadd.f32 v37, v22;
	v37 =	vld [tilespmem:$0x1C570]  }
0x1e8: {  	v43 =	vadd.f32 v43, v8;
	v8 =	vld [tilespmem:$0x1C8C0]  }
0x1e9: {  	v10 =	vadd.f32 v26, v54;
	v54 =	vld [tilespmem:$0x1FF70]  }
0x1ea: {  	v7 =	vadd.f32 v18, v7;
	v41 =	vadd.f32 v57, v56;
	v56 =	vld [tilespmem:$0x1FF80]  }
0x1eb: {  	v57 =	vld [tilespmem:$0x1FF90]  }
0x1ec: {  	v20 =	vadd.f32 v20, v7;
	v7 =	vld [tilespmem:$0x1C940]  }
0x1ed: {  	v18 =	vadd.f32 v44, v43;
	v44 =	vld [tilespmem:$0x1C670]  }
0x1ee: {  	v27 =	vadd.f32 v27, v10;
	v10 =	vld [tilespmem:$0x1C7C0]  }
0x1ef: {  	v26 =	vadd.f32 v58, v41;
	v41 =	vld [tilespmem:$0x1C850]  }
0x1f0: {  	v58 =	vld [tilespmem:$0x1FFA0]  }
0x1f1: {  	v20 =	vadd.f32 v23, v20;
	v23 =	vld [tilespmem:$0x1C250]  }
0x1f2: {  	v18 =	vadd.f32 v45, v18;
	v45 =	vld [tilespmem:$0x1C6E0]  }
0x1f3: {  	v27 =	vadd.f32 v28, v27;
	v28 =	vld [tilespmem:$0x1C1D0]  }
0x1f4: {  	v26 =	vadd.f32 v59, v26;
	v59 =	vld [tilespmem:$0x1C1E0]  }
0x1f5: {  	v20 =	vadd.f32 v35, v20;
	v35 =	vld [tilespmem:$0x1C450]  }
0x1f6: {  	v18 =	vadd.f32 v46, v18;
	v46 =	vld [tilespmem:$0x1C6F0]  }
0x1f7: {  	v27 =	vadd.f32 v29, v27;
	v29 =	vld [tilespmem:$0x1C2D0]  }
0x1f8: {  	v26 =	vadd.f32 v60, v26;
	v60 =	vld [tilespmem:$0x1FFB0]  }
0x1f9: {  	v18 =	vadd.f32 v47, v18;
	v47 =	vld [tilespmem:$0x1FF30];
	v27 =	vadd.f32 v30, v27  }
0x1fa: {  	v20 =	vadd.f32 v38, v20;
	v26 =	vadd.f32 v61, v26;
	v61 =	vld [tilespmem:$0x1C1F0]  }
0x1fb: {  	v38 =	vld [tilespmem:$0x1C550];
	v18 =	vadd.f32 v48, v18;
	v27 =	vadd.f32 v31, v27  }
0x1fc: {  	v48 =	vld [tilespmem:$0x1FF40];
	v26 =	vadd.f32 v62, v26  }
0x1fd: {  	v30 =	vld [tilespmem:$0x1C350];
	v18 =	vadd.f32 v49, v18;
	v27 =	vadd.f32 v32, v27  }
0x1fe: {  	v49 =	vld [tilespmem:$0x1FF50];
	v26 =	vadd.f32 v63, v26;
	v20 =	vadd.f32 v47, v20  }
0x1ff: {  	v18 =	vadd.f32 v50, v18;
	v50 =	vld [tilespmem:$0x1FF60];
	v43 =	vadd.f32 $0.0e+00, v61  }
0x200: {  	v31 =	vld [tilespmem:$0x1C3D0];
	v27 =	vadd.f32 v33, v27;
	v9 =	vadd.f32 v9, v26  }
0x201: {  	v62 =	vld [tilespmem:$0x1FFC0];
	v20 =	vadd.f32 v48, v20;
	v18 =	vadd.f32 v51, v18  }
0x202: {  	v32 =	vld [tilespmem:$0x1C4D0];
	v27 =	vadd.f32 v36, v27;
	v9 =	vadd.f32 v11, v9  }
0x203: {  	v48 =	vld [tilespmem:$0x1FFD0];
	v20 =	vadd.f32 v49, v20;
	v18 =	vadd.f32 v52, v18  }
0x204: {  	v49 =	vld [tilespmem:$0x1C270];
	v27 =	vadd.f32 v50, v27;
	v9 =	vadd.f32 v13, v9  }
0x205: {  	v63 =	vld [tilespmem:$0x1C260];
	v20 =	vadd.f32 v54, v20;
	v50 =	vadd.f32 $0.0e+00, v28  }
0x206: {  	v61 =	vld [tilespmem:$0x1FFF0];
	v18 =	vadd.f32 v53, v18;
	v27 =	vadd.f32 v56, v27  }
0x207: {  	v52 =	vld [tilespmem:$0x1C2F0];
	v9 =	vadd.f32 v17, v9;
	v20 =	vadd.f32 v57, v20  }
0x208: {  	v51 =	vld [tilespmem:$0x1C2E0];
	v23 =	vadd.f32 v23, v50;
	v18 =	vadd.f32 v48, v18  }
0x209: {  	v56 =	vadd.f32 v49, v43;
	v27 =	vadd.f32 v58, v27;
	v58 =	vld [tilespmem:$0x1FFE0]  }
0x20a: {  	v54 =	vld [tilespmem:$0x1C370];
	v9 =	vadd.f32 v19, v9;
	v19 =	vadd.f32 $0.0e+00, v59  }
0x20b: {  	v53 =	vld [tilespmem:$0x1C360];
	v20 =	vadd.f32 v60, v20;
	v23 =	vadd.f32 v29, v23  }
0x20c: {  	v47 =	vld [tilespmem:$0x1C760];
	v29 =	vadd.f32 v52, v56;
	v19 =	vadd.f32 v63, v19  }
0x20d: {  	v57 =	vld [tilespmem:$0x1C3E0];
	v27 =	vadd.f32 v62, v27;
	v9 =	vadd.f32 v21, v9  }
0x20e: {  	v59 =	vld [tilespmem:$0x1C3F0];
	v19 =	vadd.f32 v51, v19;
	v22 =	vadd.f32 v58, v22  }
0x20f: {  	v60 =	vld [tilespmem:$0x1C460];
	v23 =	vadd.f32 v30, v23;
	v21 =	vadd.f32 v54, v29  }
0x210: {  	v62 =	vld [tilespmem:$0x1C470];
	v19 =	vadd.f32 v53, v19;
	v22 =	vadd.f32 v61, v22  }
0x211: {  	v63 =	vld [tilespmem:$0x1C4E0];
	v9 =	vadd.f32 v24, v9;
	v23 =	vadd.f32 v31, v23  }
0x212: {  	v26 =	vld [tilespmem:$0x1C5D0];
	v19 =	vadd.f32 v57, v19;
	v22 =	vadd.f32 v39, v22  }
0x213: {  	v21 =	vadd.f32 v59, v21;
	v23 =	vadd.f32 v35, v23;
	v35 =	vld [tilespmem:$0x1C560]  }
0x214: {  	v33 =	vld [tilespmem:$0x1C650];
	v19 =	vadd.f32 v60, v19;
	v22 =	vadd.f32 v55, v22  }
0x215: {  	v21 =	vadd.f32 v62, v21;
	v23 =	vadd.f32 v32, v23;
	v39 =	vld [tilespmem:$0x1C5E0]  }
0x216: {  	v19 =	vadd.f32 v63, v19;
	v22 =	vadd.f32 v40, v22;
	v40 =	vld [tilespmem:$0x1C5F0]  }
0x217: {  	v43 =	vld [tilespmem:$0x1C660];
	v21 =	vadd.f32 v34, v21;
	v23 =	vadd.f32 v38, v23  }
0x218: {  	v11 =	vld [tilespmem:$0x1C6D0];
	v19 =	vadd.f32 v35, v19;
	v22 =	vadd.f32 v25, v22  }
0x219: {  	v36 =	vld [tilespmem:$0x1C750];
	v21 =	vadd.f32 v37, v21;
	v23 =	vadd.f32 v26, v23  }
0x21a: {  	v13 =	vld [tilespmem:$0x1C7D0];
	v19 =	vadd.f32 v39, v19;
	v16 =	vadd.f32 v16, v22  }
0x21b: {  	v17 =	vld [tilespmem:$0x1C8D0];
	v23 =	vadd.f32 v33, v23;
	v21 =	vadd.f32 v40, v21  }
0x21c: {  	v49 =	vld [tilespmem:$0x1C770];
	v48 =	vadd.f32 v43, v19;
	v14 =	vadd.f32 v14, v16  }
0x21d: {  	v50 =	vld [tilespmem:$0x1C7E0];
	v11 =	vadd.f32 v11, v23;
	v21 =	vadd.f32 v44, v21  }
0x21e: {  	v52 =	vld [tilespmem:$0x1C7F0];
	v51 =	vadd.f32 v45, v48;
	v12 =	vadd.f32 v12, v14  }
0x21f: {  	v53 =	vld [tilespmem:$0x1C860];
	v11 =	vadd.f32 v36, v11;
	v21 =	vadd.f32 v46, v21  }
0x220: {  	v55 =	vld [tilespmem:$0x1C870];
	v54 =	vadd.f32 v47, v51;
	v10 =	vadd.f32 v10, v12  }
0x221: {  	v57 =	vld [tilespmem:$0x1C8E0];
	v11 =	vadd.f32 v13, v11;
	v56 =	vadd.f32 v49, v21  }
0x222: {  	v58 =	vld [tilespmem:$0x1C8F0];
	v12 =	vadd.f32 v50, v54;
	v10 =	vadd.f32 v15, v10  }
0x223: {  	v59 =	vld [tilespmem:$0x1C960];
	v11 =	vadd.f32 v41, v11;
	v13 =	vadd.f32 v52, v56  }
0x224: {  	[tilespmem:$0x1C9A0] =	vst v18;
	v61 =	vld [tilespmem:$0x1C970];
	v60 =	vadd.f32 v53, v12;
	v8 =	vadd.f32 v8, v10  }
0x225: {  	[tilespmem:$0x1C980] =	vst v20;
	v11 =	vadd.f32 v17, v11;
	v13 =	vadd.f32 v55, v13  }
0x226: {  	[tilespmem:$0x1C990] =	vst v27;
	v7 =	vadd.f32 v7, v8;
	v8 =	vadd.f32 v57, v60  }
0x227: {  	[tilespmem:$0x1C9B0] =	vst v9;
	v62 =	vadd.f32 v42, v11;
	v63 =	vadd.f32 v58, v13  }
0x228: {  	[tilespmem:$0x1C9C0] =	vst v7;
	v7 =	vadd.f32 v59, v8  }
0x229: {  	s10 =	sld [smem:$0x7EE];
	[tilespmem:$0x1C9D0] =	vst v62;
	v8 =	vadd.f32 v61, v63  }
0x22a: {  	[tilespmem:$0x1C9E0] =	vst v7  }
.Ltmp8:
0x22b: {  	s29 =	simm.s32 $0x1C980;
	[tilespmem:$0x1C9F0] =	vst v8;
	(pc) =	sbr.rel .LBB2_12-.Ltmp8, $4  }
0x22c: {  	[hbm4b:s10+s14] =	stream.linear.scatter [tilespmem:s29], [sflag:$0x5], $0x80, $0x38;
	[tilespmem:$0x1CA00] =	vst v63  }
0x22d: {  	_ =	swait.ge [sflag:s23], $0x80  }
0x22e: {  	[sflag:s23] =	ssyncset.done $0x0  }
0x22f: {  	[sflag:s23] =	ssyncadd.s32 $0xFFFFFF80  }
.LBB2_13:
0x230: {  	_ =	sfence.sel $0x180000  }
0x231: {  	[bflag:$0x0] =	sbarrier.arrive $0xFFFF  }
0x232: {  	_ =	strace $0x90000047  }
0x233: {  	s0 =	stileid.u32;
	[bflag:$0x2] =	sbarrier.arrive $0xFFFF  }
0x234: {  	p0 =	sne.s32 s0, $0x0;
	s0 =	rddreg [dreg:$0x9]  }
0x235: {  	s0 =	sadd.s32 @!p0 $0x100000, s0  }
0x236: {  	[sflag:s0] =	ssyncadd.tile.s32 @!p0 $0x1;
	_ =	shalt  }
.Lfunc_end2:
_tile_overlayer_lowered:
.L_overlay_start_2:
0x237: {  	(tag) =	ssettag $0x2  }
0x238: {  	s0 =	rddreg [dreg:$0x0];
	s2 =	stileid.u32  }
0x239: {  	s1 =	rddreg [dreg:$0x1];
	p0 =	sne.s32 s2, $0x0  }
0x23a: {  	s3 =	rddreg [dreg:$0x2];
	[bflag:$0x3] =	sbarrier.arrive $0xFFFF;
	s2 =	simm.s32 @!p0 $0x1C05  }
0x23b: {  	[timem:s3], [sflag:s2] =	dma.local @!p0 [hbm:s0], s1  }
0x23c: {  	s0 =	simm.s32 @!p0 $0x5  }
0x23d: {  	_ =	swait.ge @!p0 [sflag:s0], s1  }
0x23e: {  	s1 =	ssub.s32 @!p0 $0x0, s1;
	[sflag:s0] =	ssyncset.done @!p0 $0x0  }
0x23f: {  	[sflag:s0] =	ssyncadd.s32 @!p0 s1  }
0x240: {  	[bflag:$0x3] =	sbarrier.arrive $0xFFFF  }
0x241: {  	_ =	shalt  }

</sc_bundles>
